<compile_context>
chip_gen: v7x
topology: tpu7x:2x2x1
jax: 0.10.2.dev20260603
libtpu: 0.0.44.dev20260713+nightly
codegen_flags: <defaults>
</compile_context>

<pallas_src>
import jax
import jax.numpy as jnp
from jax import lax
from jax.experimental import pallas as pl
from jax.experimental.pallas import tpu as pltpu
from jax.experimental.pallas import tpu_sc as plsc

B = 1024
E = 1024
KD = 256
M = 8192
PL = 8
K = 8
KH = K // 2

NW = 32
BLOCKS = (512, 512)



def _topk_body(x_ref, w_ref, keys_ref, idx_ref, wts_ref):
    x = x_ref[...]
    Wm = w_ref[...]
    proj = lax.dot_general(x, Wm, (((1,), (1,)), ((), ())),
                           preferred_element_type=jnp.float32)
    pn = jnp.sqrt(jnp.sum(proj * proj, axis=1, keepdims=True))
    proj = proj / jnp.maximum(pn, 1e-12)
    keys = keys_ref[...]
    kn = jnp.sqrt(jnp.sum(keys * keys, axis=1, keepdims=True))
    keys = keys / jnp.maximum(kn, 1e-12)
    sim = lax.dot_general(proj, keys, (((1,), (1,)), ((), ())),
                          preferred_element_type=jnp.float32)

    col = lax.broadcasted_iota(jnp.int32, sim.shape, 1)
    scores, idxs = [], []
    for _ in range(K):
        m = jnp.max(sim, axis=1, keepdims=True)
        am = jnp.min(jnp.where(sim == m, col, jnp.int32(M)), axis=1,
                     keepdims=True)
        scores.append(m)
        idxs.append(am)
        sim = jnp.where(col == am, jnp.float32(-jnp.inf), sim)
    s = jnp.concatenate(scores, axis=1)
    ii = jnp.concatenate(idxs, axis=1)
    w = jnp.exp(s - s[:, 0:1])
    w = w / jnp.sum(w, axis=1, keepdims=True)
    z = jnp.zeros_like(ii[:, :4])
    idx_ref[...] = jnp.concatenate([ii[:, :4], z, ii[:, 4:], z], axis=1)
    wts_ref[...] = jnp.pad(w, ((0, 0), (0, 8)))


def _topk_call(x_block, W, prompt_keys):
    bb = x_block.shape[0]
    return pl.pallas_call(
        _topk_body,
        grid=(1,),
        in_specs=[
            pl.BlockSpec((bb, E), lambda i: (0, 0)),
            pl.BlockSpec((KD, E), lambda i: (0, 0)),
            pl.BlockSpec((M, KD), lambda i: (0, 0)),
        ],
        out_specs=[
            pl.BlockSpec((bb, 16), lambda i: (0, 0)),
            pl.BlockSpec((bb, 16), lambda i: (0, 0)),
        ],
        out_shape=[
            jax.ShapeDtypeStruct((bb, 16), jnp.int32),
            jax.ShapeDtypeStruct((bb, 16), jnp.float32),
        ],
    )(x_block, W, prompt_keys)



def _make_combine_body(rpw):
    def _combine_body(pm_hbm, idx_hbm, wts_hbm, out_hbm,
                      idx_v, wts_v, qa, qb, o0, o1, ga, gb, so0, so1):
        wid = lax.axis_index("s") * 2 + lax.axis_index("c")
        rowbase = wid * rpw
        pltpu.sync_copy(idx_hbm.at[pl.ds(rowbase, rpw)], idx_v)
        pltpu.sync_copy(wts_hbm.at[pl.ds(rowbase, rpw)], wts_v)

        pltpu.async_copy(out_hbm.at[rowbase], o0, so0)
        pltpu.async_copy(out_hbm.at[rowbase], o1, so1)
        pltpu.async_copy(pm_hbm.at[idx_v.at[0, pl.ds(0, KH)]], qa, ga)
        pltpu.async_copy(pm_hbm.at[idx_v.at[0, pl.ds(8, KH)]], qb, gb)

        def pair(t, carry):
            r0 = 2 * t
            r1 = r0 + 1
            rn = jnp.minimum(r0 + 2, rpw - 1)
            for r, rnext, o, so in ((r0, r1, o0, so0), (r1, rn, o1, so1)):
                wv = wts_v[r]
                wb = [wv[jnp.full((16,), k, jnp.int32)] for k in range(K)]
                pltpu.make_async_copy(out_hbm.at[rowbase], o, so).wait()

                pltpu.make_async_copy(
                    pm_hbm.at[idx_v.at[r, pl.ds(0, KH)]], qa, ga).wait()

                def chunk_a(cj, c, o=o, wb=wb):
                    for pp in range(PL):
                        acc = qa[0, pp, pl.ds(cj * 16, 16)] * wb[0]
                        for k in range(1, KH):
                            acc = acc + qa[k, pp, pl.ds(cj * 16, 16)] * wb[k]
                        o[pp, pl.ds(cj * 16, 16)] = acc
                    return c

                lax.fori_loop(0, E // 16, chunk_a, 0)
                pltpu.async_copy(
                    pm_hbm.at[idx_v.at[rnext, pl.ds(0, KH)]], qa, ga)

                pltpu.make_async_copy(
                    pm_hbm.at[idx_v.at[r, pl.ds(8, KH)]], qb, gb).wait()

                def chunk_b(cj, c, o=o, wb=wb):
                    for pp in range(PL):
                        acc = o[pp, pl.ds(cj * 16, 16)]
                        for k in range(KH):
                            acc = acc + (qb[k, pp, pl.ds(cj * 16, 16)]
                                         * wb[KH + k])
                        o[pp, pl.ds(cj * 16, 16)] = acc
                    return c

                lax.fori_loop(0, E // 16, chunk_b, 0)
                pltpu.async_copy(
                    pm_hbm.at[idx_v.at[rnext, pl.ds(8, KH)]], qb, gb)

                pltpu.async_copy(o, out_hbm.at[rowbase + r], so)
            return carry

        lax.fori_loop(0, rpw // 2, pair, 0)
        pltpu.make_async_copy(
            pm_hbm.at[idx_v.at[0, pl.ds(0, KH)]], qa, ga).wait()
        pltpu.make_async_copy(
            pm_hbm.at[idx_v.at[0, pl.ds(8, KH)]], qb, gb).wait()
        pltpu.make_async_copy(out_hbm.at[rowbase], o0, so0).wait()
        pltpu.make_async_copy(out_hbm.at[rowbase], o1, so1).wait()

    return _combine_body


def _combine_call(pm, idx, wts):
    bb = idx.shape[0]
    rpw = bb // NW
    mesh = plsc.VectorSubcoreMesh(core_axis_name="c", subcore_axis_name="s")
    f = pl.kernel(
        _make_combine_body(rpw),
        out_type=jax.ShapeDtypeStruct((bb, PL, E), jnp.float32),
        mesh=mesh,
        scratch_types=[
            pltpu.VMEM((rpw, 16), jnp.int32),
            pltpu.VMEM((rpw, 16), jnp.float32),
            pltpu.VMEM((KH, PL, E), jnp.float32),
            pltpu.VMEM((KH, PL, E), jnp.float32),
            pltpu.VMEM((PL, E), jnp.float32),
            pltpu.VMEM((PL, E), jnp.float32),
            pltpu.SemaphoreType.DMA,
            pltpu.SemaphoreType.DMA,
            pltpu.SemaphoreType.DMA,
            pltpu.SemaphoreType.DMA,
        ],
    )
    return f(pm, idx, wts)



def kernel(x_query, W, prompt_memory, prompt_keys):
    out = jnp.zeros((B, PL, E), jnp.float32)
    base = 0
    for bb in BLOCKS:
        xb = lax.slice_in_dim(x_query, base, base + bb, axis=0)
        idx16, wts = _topk_call(xb, W, prompt_keys)
        ob = _combine_call(prompt_memory, idx16, wts)
        out = lax.dynamic_update_slice(out, ob, (base, 0, 0))
        base += bb
    return out

# --- scband reference (transcript-rebuilt; emitter-appended) ---
"""Pipeline reference for scband-prompt-memory-11802570130390 (READ-ONLY COPY).

The authoritative reference and input builder live on the scoring server;
editing this copy changes nothing except your own understanding.
"""

import jax, jax.numpy as jnp
import numpy as np

EMB_DIM = 1024
KEY_DIM = 256
MEM_SIZE = 8192
PROMPT_LEN = 8
TOP_K = 8
BATCH = 1024


def _normalize(v, axis=-1, eps=1e-12):
    n = jnp.linalg.norm(v, ord=2, axis=axis, keepdims=True)
    return v / jnp.maximum(n, eps)


def setup_inputs(seed: int = 0) -> dict:
    key = jax.random.key(seed)
    k1, k2, k3, k4 = jax.random.split(key, 4)
    x_query = jax.random.normal(k1, (BATCH, EMB_DIM), dtype=jnp.float32)
    # nn.Linear(emb_dim, key_dim, bias=False) weight: [key_dim, emb_dim]
    W = jax.random.normal(k2, (KEY_DIM, EMB_DIM), dtype=jnp.float32) * (1.0 / np.sqrt(EMB_DIM))
    prompt_memory = jax.random.normal(k3, (MEM_SIZE, PROMPT_LEN, EMB_DIM), dtype=jnp.float32) * 0.02
    prompt_keys = jax.random.normal(k4, (MEM_SIZE, KEY_DIM), dtype=jnp.float32) * 0.02
    return {"x_query": x_query, "W": W, "prompt_memory": prompt_memory, "prompt_keys": prompt_keys}


def reference(x_query, W, prompt_memory, prompt_keys):
    # key_dim != emb_dim -> projection
    x_proj = x_query @ W.T
    x_proj_norm = _normalize(x_proj, axis=-1)
    key_norm = _normalize(prompt_keys, axis=-1)
    similarity_scores = x_proj_norm @ key_norm.T  # [B, M]
    top_k = min(TOP_K, MEM_SIZE)
    top_k_scores, top_k_indices = jax.lax.top_k(similarity_scores, top_k)  # [B, k]
    selected_prompts = prompt_memory[top_k_indices]  # [B, k, L, D]
    selected_keys = prompt_keys[top_k_indices]  # [B, k, Kd]
    xq = x_proj_norm[:, None, :]  # [B, 1, Kd]
    selected_keys_norm = _normalize(selected_keys, axis=2)
    refined_scores = jnp.sum(xq * selected_keys_norm, axis=2)  # [B, k]
    weights = jax.nn.softmax(refined_scores, axis=1)
    weights = weights[:, :, None, None]
    prompt_output = jnp.sum(selected_prompts * weights, axis=1)  # [B, L, D]
    return prompt_output

if __name__ == "__main__":
    import jax
    _d = setup_inputs()
    print(jax.jit(kernel)(*tuple(_d.values())))

</pallas_src>

<mosaic_0001>
#map = affine_map<(d0, d1) -> (0, 0, 0)>
#map1 = affine_map<(d0, d1) -> (0, 0)>
module attributes {stable_mosaic.version = 14 : i64} {
  func.func @_combine_body(%arg0: i32, %arg1: i32, %arg2: memref<8192x8x1024xf32, #tpu.memory_space<hbm>>, %arg3: memref<512x16xi32, #tpu.memory_space<hbm>>, %arg4: memref<512x16xf32, #tpu.memory_space<hbm>>, %arg5: memref<512x8x1024xf32, #tpu.memory_space<hbm>>, %arg6: memref<16x16xi32, #tpu.memory_space<vmem>>, %arg7: memref<16x16xf32, #tpu.memory_space<vmem>>, %arg8: memref<4x8x1024xf32, #tpu.memory_space<vmem>>, %arg9: memref<4x8x1024xf32, #tpu.memory_space<vmem>>, %arg10: memref<8x1024xf32, #tpu.memory_space<vmem>>, %arg11: memref<8x1024xf32, #tpu.memory_space<vmem>>, %arg12: memref<!tpu.dma_semaphore, #tpu.memory_space<semaphore_mem>>, %arg13: memref<!tpu.dma_semaphore, #tpu.memory_space<semaphore_mem>>, %arg14: memref<!tpu.dma_semaphore, #tpu.memory_space<semaphore_mem>>, %arg15: memref<!tpu.dma_semaphore, #tpu.memory_space<semaphore_mem>>) attributes {dimension_semantics = [#tpu.dimension_semantics<core_parallel>, #tpu.dimension_semantics<subcore_parallel>], iteration_bounds = array<i64: 2, 16>, scalar_prefetch = 0 : i64, scratch_operands = 10 : i64, tpu.core_type = #tpu.core_type<sc_vector_subcore>, window_params = [{transform_indices = #map}, {transform_indices = #map1}, {transform_indices = #map1}, {transform_indices = #map}]} {
    %mul3A = arith.constant 2 : i32
    %mul3A_0 = arith.muli %arg1, %mul3A : i32
    %add3A = arith.addi %mul3A_0, %arg0 : i32
    %mul3A_1 = arith.constant 16 : i32
    %mul3A_2 = arith.muli %add3A, %mul3A_1 : i32
    "tpu.region"() ({
      %run_scoped3A = tpu.sem_alloc : memref<!tpu.dma_semaphore, #tpu.memory_space<semaphore_mem>>
      %dma_start3A_70 = arith.constant 0 : i32
      %dma_start3A_71 = tpu.memref_slice %arg3[%mul3A_2, %dma_start3A_70] : memref<512x16xi32, #tpu.memory_space<hbm>> -> memref<16x16xi32, #tpu.memory_space<hbm>>
      %dma_start3A_72 = arith.constant 0 : i32
      %dma_start3A_73 = tpu.memref_slice %arg3[%mul3A_2, %dma_start3A_72] : memref<512x16xi32, #tpu.memory_space<hbm>> -> memref<16x16xi32, #tpu.memory_space<hbm>>
      tpu.enqueue_dma source(%dma_start3A_73 : memref<16x16xi32, #tpu.memory_space<hbm>>) target(%arg6 : memref<16x16xi32, #tpu.memory_space<vmem>>) target_semaphore(%run_scoped3A : memref<!tpu.dma_semaphore, #tpu.memory_space<semaphore_mem>>)
      %dma_wait3A_74 = arith.constant 0 : i32
      %dma_wait3A_75 = tpu.memref_slice %arg3[%mul3A_2, %dma_wait3A_74] : memref<512x16xi32, #tpu.memory_space<hbm>> -> memref<16x16xi32, #tpu.memory_space<hbm>>
      %dma_wait3A_76 = arith.constant 0 : i32
      %dma_wait3A_77 = tpu.memref_slice %arg3[%mul3A_2, %dma_wait3A_76] : memref<512x16xi32, #tpu.memory_space<hbm>> -> memref<16x16xi32, #tpu.memory_space<hbm>>
      tpu.wait_dma2 semaphore(%run_scoped3A : memref<!tpu.dma_semaphore, #tpu.memory_space<semaphore_mem>>) src(%dma_wait3A_77 : memref<16x16xi32, #tpu.memory_space<hbm>>) dst(%arg6 : memref<16x16xi32, #tpu.memory_space<vmem>>)
      tpu.yield
    }) : () -> ()
    "tpu.region"() ({
      %run_scoped3A = tpu.sem_alloc : memref<!tpu.dma_semaphore, #tpu.memory_space<semaphore_mem>>
      %dma_start3A_70 = arith.constant 0 : i32
      %dma_start3A_71 = tpu.memref_slice %arg4[%mul3A_2, %dma_start3A_70] : memref<512x16xf32, #tpu.memory_space<hbm>> -> memref<16x16xf32, #tpu.memory_space<hbm>>
      %dma_start3A_72 = arith.constant 0 : i32
      %dma_start3A_73 = tpu.memref_slice %arg4[%mul3A_2, %dma_start3A_72] : memref<512x16xf32, #tpu.memory_space<hbm>> -> memref<16x16xf32, #tpu.memory_space<hbm>>
      tpu.enqueue_dma source(%dma_start3A_73 : memref<16x16xf32, #tpu.memory_space<hbm>>) target(%arg7 : memref<16x16xf32, #tpu.memory_space<vmem>>) target_semaphore(%run_scoped3A : memref<!tpu.dma_semaphore, #tpu.memory_space<semaphore_mem>>)
      %dma_wait3A_74 = arith.constant 0 : i32
      %dma_wait3A_75 = tpu.memref_slice %arg4[%mul3A_2, %dma_wait3A_74] : memref<512x16xf32, #tpu.memory_space<hbm>> -> memref<16x16xf32, #tpu.memory_space<hbm>>
      %dma_wait3A_76 = arith.constant 0 : i32
      %dma_wait3A_77 = tpu.memref_slice %arg4[%mul3A_2, %dma_wait3A_76] : memref<512x16xf32, #tpu.memory_space<hbm>> -> memref<16x16xf32, #tpu.memory_space<hbm>>
      tpu.wait_dma2 semaphore(%run_scoped3A : memref<!tpu.dma_semaphore, #tpu.memory_space<semaphore_mem>>) src(%dma_wait3A_77 : memref<16x16xf32, #tpu.memory_space<hbm>>) dst(%arg7 : memref<16x16xf32, #tpu.memory_space<vmem>>)
      tpu.yield
    }) : () -> ()
    %dma_start3A = arith.constant 0 : i32
    %dma_start3A_3 = arith.constant 0 : i32
    %dma_start3A_4 = tpu.memref_slice %arg5[%mul3A_2, %dma_start3A, %dma_start3A_3] : memref<512x8x1024xf32, #tpu.memory_space<hbm>> -> memref<1x8x1024xf32, #tpu.memory_space<hbm>>
    %dma_start3A_5 = tpu.memref_squeeze %dma_start3A_4 : memref<1x8x1024xf32, #tpu.memory_space<hbm>> -> memref<8x1024xf32, #tpu.memory_space<hbm>>
    %dma_start3A_6 = arith.constant 0 : i32
    %dma_start3A_7 = arith.constant 0 : i32
    %dma_start3A_8 = tpu.memref_slice %arg5[%mul3A_2, %dma_start3A_6, %dma_start3A_7] : memref<512x8x1024xf32, #tpu.memory_space<hbm>> -> memref<1x8x1024xf32, #tpu.memory_space<hbm>>
    %dma_start3A_9 = tpu.memref_squeeze %dma_start3A_8 : memref<1x8x1024xf32, #tpu.memory_space<hbm>> -> memref<8x1024xf32, #tpu.memory_space<hbm>>
    tpu.enqueue_dma source(%dma_start3A_9 : memref<8x1024xf32, #tpu.memory_space<hbm>>) target(%arg10 : memref<8x1024xf32, #tpu.memory_space<vmem>>) target_semaphore(%arg14 : memref<!tpu.dma_semaphore, #tpu.memory_space<semaphore_mem>>)
    %dma_start3A_10 = arith.constant 0 : i32
    %dma_start3A_11 = arith.constant 0 : i32
    %dma_start3A_12 = tpu.memref_slice %arg5[%mul3A_2, %dma_start3A_10, %dma_start3A_11] : memref<512x8x1024xf32, #tpu.memory_space<hbm>> -> memref<1x8x1024xf32, #tpu.memory_space<hbm>>
    %dma_start3A_13 = tpu.memref_squeeze %dma_start3A_12 : memref<1x8x1024xf32, #tpu.memory_space<hbm>> -> memref<8x1024xf32, #tpu.memory_space<hbm>>
    %dma_start3A_14 = arith.constant 0 : i32
    %dma_start3A_15 = arith.constant 0 : i32
    %dma_start3A_16 = tpu.memref_slice %arg5[%mul3A_2, %dma_start3A_14, %dma_start3A_15] : memref<512x8x1024xf32, #tpu.memory_space<hbm>> -> memref<1x8x1024xf32, #tpu.memory_space<hbm>>
    %dma_start3A_17 = tpu.memref_squeeze %dma_start3A_16 : memref<1x8x1024xf32, #tpu.memory_space<hbm>> -> memref<8x1024xf32, #tpu.memory_space<hbm>>
    tpu.enqueue_dma source(%dma_start3A_17 : memref<8x1024xf32, #tpu.memory_space<hbm>>) target(%arg11 : memref<8x1024xf32, #tpu.memory_space<vmem>>) target_semaphore(%arg15 : memref<!tpu.dma_semaphore, #tpu.memory_space<semaphore_mem>>)
    %dma_start3A_18 = arith.constant 0 : i32
    %dma_start3A_19 = arith.constant 0 : i32
    %dma_start3A_20 = tpu.memref_slice %arg6[%dma_start3A_18, %dma_start3A_19] : memref<16x16xi32, #tpu.memory_space<vmem>> -> memref<1x4xi32, #tpu.memory_space<vmem>>
    %dma_start3A_21 = tpu.memref_squeeze %dma_start3A_20 : memref<1x4xi32, #tpu.memory_space<vmem>> -> memref<4xi32, #tpu.memory_space<vmem>>
    %dma_start3A_22 = arith.constant 0 : i32
    %dma_start3A_23 = arith.constant 0 : i32
    %dma_start3A_24 = arith.constant 0 : i32
    %dma_start3A_25 = tpu.memref_slice %arg2[%dma_start3A_22, %dma_start3A_23, %dma_start3A_24] : memref<8192x8x1024xf32, #tpu.memory_space<hbm>> -> memref<8192x8x1024xf32, #tpu.memory_space<hbm>>
    tpu.enqueue_indirect_dma source(%dma_start3A_25 : memref<8192x8x1024xf32, #tpu.memory_space<hbm>>) target(%arg8 : memref<4x8x1024xf32, #tpu.memory_space<vmem>>) offsets(%dma_start3A_21 : memref<4xi32, #tpu.memory_space<vmem>>) semaphore(%arg12 : memref<!tpu.dma_semaphore, #tpu.memory_space<semaphore_mem>>)
    %dma_start3A_26 = arith.constant 0 : i32
    %dma_start3A_27 = arith.constant 8 : i32
    %dma_start3A_28 = tpu.memref_slice %arg6[%dma_start3A_26, %dma_start3A_27] : memref<16x16xi32, #tpu.memory_space<vmem>> -> memref<1x4xi32, #tpu.memory_space<vmem>>
    %dma_start3A_29 = tpu.memref_squeeze %dma_start3A_28 : memref<1x4xi32, #tpu.memory_space<vmem>> -> memref<4xi32, #tpu.memory_space<vmem>>
    %dma_start3A_30 = arith.constant 0 : i32
    %dma_start3A_31 = arith.constant 0 : i32
    %dma_start3A_32 = arith.constant 0 : i32
    %dma_start3A_33 = tpu.memref_slice %arg2[%dma_start3A_30, %dma_start3A_31, %dma_start3A_32] : memref<8192x8x1024xf32, #tpu.memory_space<hbm>> -> memref<8192x8x1024xf32, #tpu.memory_space<hbm>>
    tpu.enqueue_indirect_dma source(%dma_start3A_33 : memref<8192x8x1024xf32, #tpu.memory_space<hbm>>) target(%arg9 : memref<4x8x1024xf32, #tpu.memory_space<vmem>>) offsets(%dma_start3A_29 : memref<4xi32, #tpu.memory_space<vmem>>) semaphore(%arg13 : memref<!tpu.dma_semaphore, #tpu.memory_space<semaphore_mem>>)
    %scan3A = arith.constant 0 : i32
    %scan3A_34 = arith.constant 0 : i32
    %scan3A_35 = arith.constant 8 : i32
    %scan3A_36 = arith.addi %scan3A_34, %scan3A_35 : i32
    %scan3A_37 = arith.constant 1 : i32
    scf.for %scan3A_70 = %scan3A_34 to %scan3A_36 step %scan3A_37  : i32 {
      %mul3A_71 = arith.constant 2 : i32
      %mul3A_72 = arith.muli %mul3A_71, %scan3A_70 : i32
      %add3A_73 = arith.constant 1 : i32
      %add3A_74 = arith.addi %mul3A_72, %add3A_73 : i32
      %add3A_75 = arith.constant 2 : i32
      %add3A_76 = arith.addi %mul3A_72, %add3A_75 : i32
      %min3A = arith.constant 15 : i32
      %min3A_77 = arith.minsi %add3A_76, %min3A : i32
      %get3A = arith.index_cast %mul3A_72 : i32 to index
      %get3A_78 = arith.constant 0 : index
      %get3A_79 = tpu.vector_load %arg7[%get3A, %get3A_78] {strides = array<i32>} : memref<16x16xf32, #tpu.memory_space<vmem>>, vector<1x16xf32>,
      %get3A_80 = vector.shape_cast %get3A_79 : vector<1x16xf32> to vector<16xf32>
      %broadcast_in_dim3A = arith.constant 0 : i32
      %broadcast_in_dim3A_81 = vector.broadcast %broadcast_in_dim3A : i32 to vector<16xi32>
      %lt3A = arith.constant 0 : i32
      %lt3A_82 = vector.broadcast %lt3A : i32 to vector<16xi32>
      %lt3A_83 = arith.cmpi slt, %broadcast_in_dim3A_81, %lt3A_82 : vector<16xi32>
      %add3A_84 = arith.constant 16 : i32
      %add3A_85 = vector.broadcast %add3A_84 : i32 to vector<16xi32>
      %add3A_86 = arith.addi %broadcast_in_dim3A_81, %add3A_85 : vector<16xi32>
      %select_n3A = arith.select %lt3A_83, %add3A_86, %broadcast_in_dim3A_81 : vector<16xi1>, vector<16xi32>
      %broadcast_in_dim3A_87 = vector.shape_cast %select_n3A : vector<16xi32> to vector<16x1xi32>
      %gather3A = vector.shape_cast %broadcast_in_dim3A_87 : vector<16x1xi32> to vector<16xi32>
      %gather3A_88 = tpu.dynamic_gather %get3A_80[%gather3A] in [0] : vector<16xf32>, vector<16xi32> -> vector<16xf32>
      %broadcast_in_dim3A_89 = arith.constant 1 : i32
      %broadcast_in_dim3A_90 = vector.broadcast %broadcast_in_dim3A_89 : i32 to vector<16xi32>
      %lt3A_91 = arith.constant 0 : i32
      %lt3A_92 = vector.broadcast %lt3A_91 : i32 to vector<16xi32>
      %lt3A_93 = arith.cmpi slt, %broadcast_in_dim3A_90, %lt3A_92 : vector<16xi32>
      %add3A_94 = arith.constant 16 : i32
      %add3A_95 = vector.broadcast %add3A_94 : i32 to vector<16xi32>
      %add3A_96 = arith.addi %broadcast_in_dim3A_90, %add3A_95 : vector<16xi32>
      %select_n3A_97 = arith.select %lt3A_93, %add3A_96, %broadcast_in_dim3A_90 : vector<16xi1>, vector<16xi32>
      %broadcast_in_dim3A_98 = vector.shape_cast %select_n3A_97 : vector<16xi32> to vector<16x1xi32>
      %gather3A_99 = vector.shape_cast %broadcast_in_dim3A_98 : vector<16x1xi32> to vector<16xi32>
      %gather3A_100 = tpu.dynamic_gather %get3A_80[%gather3A_99] in [0] : vector<16xf32>, vector<16xi32> -> vector<16xf32>
      %broadcast_in_dim3A_101 = arith.constant 2 : i32
      %broadcast_in_dim3A_102 = vector.broadcast %broadcast_in_dim3A_101 : i32 to vector<16xi32>
      %lt3A_103 = arith.constant 0 : i32
      %lt3A_104 = vector.broadcast %lt3A_103 : i32 to vector<16xi32>
      %lt3A_105 = arith.cmpi slt, %broadcast_in_dim3A_102, %lt3A_104 : vector<16xi32>
      %add3A_106 = arith.constant 16 : i32
      %add3A_107 = vector.broadcast %add3A_106 : i32 to vector<16xi32>
      %add3A_108 = arith.addi %broadcast_in_dim3A_102, %add3A_107 : vector<16xi32>
      %select_n3A_109 = arith.select %lt3A_105, %add3A_108, %broadcast_in_dim3A_102 : vector<16xi1>, vector<16xi32>
      %broadcast_in_dim3A_110 = vector.shape_cast %select_n3A_109 : vector<16xi32> to vector<16x1xi32>
      %gather3A_111 = vector.shape_cast %broadcast_in_dim3A_110 : vector<16x1xi32> to vector<16xi32>
      %gather3A_112 = tpu.dynamic_gather %get3A_80[%gather3A_111] in [0] : vector<16xf32>, vector<16xi32> -> vector<16xf32>
      %broadcast_in_dim3A_113 = arith.constant 3 : i32
      %broadcast_in_dim3A_114 = vector.broadcast %broadcast_in_dim3A_113 : i32 to vector<16xi32>
      %lt3A_115 = arith.constant 0 : i32
      %lt3A_116 = vector.broadcast %lt3A_115 : i32 to vector<16xi32>
      %lt3A_117 = arith.cmpi slt, %broadcast_in_dim3A_114, %lt3A_116 : vector<16xi32>
      %add3A_118 = arith.constant 16 : i32
      %add3A_119 = vector.broadcast %add3A_118 : i32 to vector<16xi32>
      %add3A_120 = arith.addi %broadcast_in_dim3A_114, %add3A_119 : vector<16xi32>
      %select_n3A_121 = arith.select %lt3A_117, %add3A_120, %broadcast_in_dim3A_114 : vector<16xi1>, vector<16xi32>
      %broadcast_in_dim3A_122 = vector.shape_cast %select_n3A_121 : vector<16xi32> to vector<16x1xi32>
      %gather3A_123 = vector.shape_cast %broadcast_in_dim3A_122 : vector<16x1xi32> to vector<16xi32>
      %gather3A_124 = tpu.dynamic_gather %get3A_80[%gather3A_123] in [0] : vector<16xf32>, vector<16xi32> -> vector<16xf32>
      %broadcast_in_dim3A_125 = arith.constant 4 : i32
      %broadcast_in_dim3A_126 = vector.broadcast %broadcast_in_dim3A_125 : i32 to vector<16xi32>
      %lt3A_127 = arith.constant 0 : i32
      %lt3A_128 = vector.broadcast %lt3A_127 : i32 to vector<16xi32>
      %lt3A_129 = arith.cmpi slt, %broadcast_in_dim3A_126, %lt3A_128 : vector<16xi32>
      %add3A_130 = arith.constant 16 : i32
      %add3A_131 = vector.broadcast %add3A_130 : i32 to vector<16xi32>
      %add3A_132 = arith.addi %broadcast_in_dim3A_126, %add3A_131 : vector<16xi32>
      %select_n3A_133 = arith.select %lt3A_129, %add3A_132, %broadcast_in_dim3A_126 : vector<16xi1>, vector<16xi32>
      %broadcast_in_dim3A_134 = vector.shape_cast %select_n3A_133 : vector<16xi32> to vector<16x1xi32>
      %gather3A_135 = vector.shape_cast %broadcast_in_dim3A_134 : vector<16x1xi32> to vector<16xi32>
      %gather3A_136 = tpu.dynamic_gather %get3A_80[%gather3A_135] in [0] : vector<16xf32>, vector<16xi32> -> vector<16xf32>
      %broadcast_in_dim3A_137 = arith.constant 5 : i32
      %broadcast_in_dim3A_138 = vector.broadcast %broadcast_in_dim3A_137 : i32 to vector<16xi32>
      %lt3A_139 = arith.constant 0 : i32
      %lt3A_140 = vector.broadcast %lt3A_139 : i32 to vector<16xi32>
      %lt3A_141 = arith.cmpi slt, %broadcast_in_dim3A_138, %lt3A_140 : vector<16xi32>
      %add3A_142 = arith.constant 16 : i32
      %add3A_143 = vector.broadcast %add3A_142 : i32 to vector<16xi32>
      %add3A_144 = arith.addi %broadcast_in_dim3A_138, %add3A_143 : vector<16xi32>
      %select_n3A_145 = arith.select %lt3A_141, %add3A_144, %broadcast_in_dim3A_138 : vector<16xi1>, vector<16xi32>
      %broadcast_in_dim3A_146 = vector.shape_cast %select_n3A_145 : vector<16xi32> to vector<16x1xi32>
      %gather3A_147 = vector.shape_cast %broadcast_in_dim3A_146 : vector<16x1xi32> to vector<16xi32>
      %gather3A_148 = tpu.dynamic_gather %get3A_80[%gather3A_147] in [0] : vector<16xf32>, vector<16xi32> -> vector<16xf32>
      %broadcast_in_dim3A_149 = arith.constant 6 : i32
      %broadcast_in_dim3A_150 = vector.broadcast %broadcast_in_dim3A_149 : i32 to vector<16xi32>
      %lt3A_151 = arith.constant 0 : i32
      %lt3A_152 = vector.broadcast %lt3A_151 : i32 to vector<16xi32>
      %lt3A_153 = arith.cmpi slt, %broadcast_in_dim3A_150, %lt3A_152 : vector<16xi32>
      %add3A_154 = arith.constant 16 : i32
      %add3A_155 = vector.broadcast %add3A_154 : i32 to vector<16xi32>
      %add3A_156 = arith.addi %broadcast_in_dim3A_150, %add3A_155 : vector<16xi32>
      %select_n3A_157 = arith.select %lt3A_153, %add3A_156, %broadcast_in_dim3A_150 : vector<16xi1>, vector<16xi32>
      %broadcast_in_dim3A_158 = vector.shape_cast %select_n3A_157 : vector<16xi32> to vector<16x1xi32>
      %gather3A_159 = vector.shape_cast %broadcast_in_dim3A_158 : vector<16x1xi32> to vector<16xi32>
      %gather3A_160 = tpu.dynamic_gather %get3A_80[%gather3A_159] in [0] : vector<16xf32>, vector<16xi32> -> vector<16xf32>
      %broadcast_in_dim3A_161 = arith.constant 7 : i32
      %broadcast_in_dim3A_162 = vector.broadcast %broadcast_in_dim3A_161 : i32 to vector<16xi32>
      %lt3A_163 = arith.constant 0 : i32
      %lt3A_164 = vector.broadcast %lt3A_163 : i32 to vector<16xi32>
      %lt3A_165 = arith.cmpi slt, %broadcast_in_dim3A_162, %lt3A_164 : vector<16xi32>
      %add3A_166 = arith.constant 16 : i32
      %add3A_167 = vector.broadcast %add3A_166 : i32 to vector<16xi32>
      %add3A_168 = arith.addi %broadcast_in_dim3A_162, %add3A_167 : vector<16xi32>
      %select_n3A_169 = arith.select %lt3A_165, %add3A_168, %broadcast_in_dim3A_162 : vector<16xi1>, vector<16xi32>
      %broadcast_in_dim3A_170 = vector.shape_cast %select_n3A_169 : vector<16xi32> to vector<16x1xi32>
      %gather3A_171 = vector.shape_cast %broadcast_in_dim3A_170 : vector<16x1xi32> to vector<16xi32>
      %gather3A_172 = tpu.dynamic_gather %get3A_80[%gather3A_171] in [0] : vector<16xf32>, vector<16xi32> -> vector<16xf32>
      %dma_wait3A_173 = arith.constant 0 : i32
      %dma_wait3A_174 = arith.constant 0 : i32
      %dma_wait3A_175 = tpu.memref_slice %arg5[%mul3A_2, %dma_wait3A_173, %dma_wait3A_174] : memref<512x8x1024xf32, #tpu.memory_space<hbm>> -> memref<1x8x1024xf32, #tpu.memory_space<hbm>>
      %dma_wait3A_176 = tpu.memref_squeeze %dma_wait3A_175 : memref<1x8x1024xf32, #tpu.memory_space<hbm>> -> memref<8x1024xf32, #tpu.memory_space<hbm>>
      %dma_wait3A_177 = arith.constant 0 : i32
      %dma_wait3A_178 = arith.constant 0 : i32
      %dma_wait3A_179 = tpu.memref_slice %arg5[%mul3A_2, %dma_wait3A_177, %dma_wait3A_178] : memref<512x8x1024xf32, #tpu.memory_space<hbm>> -> memref<1x8x1024xf32, #tpu.memory_space<hbm>>
      %dma_wait3A_180 = tpu.memref_squeeze %dma_wait3A_179 : memref<1x8x1024xf32, #tpu.memory_space<hbm>> -> memref<8x1024xf32, #tpu.memory_space<hbm>>
      tpu.wait_dma2 semaphore(%arg14 : memref<!tpu.dma_semaphore, #tpu.memory_space<semaphore_mem>>) src(%dma_wait3A_180 : memref<8x1024xf32, #tpu.memory_space<hbm>>) dst(%arg10 : memref<8x1024xf32, #tpu.memory_space<vmem>>)
      %dma_wait3A_181 = arith.constant 0 : i32
      %dma_wait3A_182 = tpu.memref_slice %arg6[%mul3A_72, %dma_wait3A_181] : memref<16x16xi32, #tpu.memory_space<vmem>> -> memref<1x4xi32, #tpu.memory_space<vmem>>
      %dma_wait3A_183 = tpu.memref_squeeze %dma_wait3A_182 : memref<1x4xi32, #tpu.memory_space<vmem>> -> memref<4xi32, #tpu.memory_space<vmem>>
      %dma_wait3A_184 = arith.constant 0 : i32
      %dma_wait3A_185 = arith.constant 0 : i32
      %dma_wait3A_186 = arith.constant 0 : i32
      %dma_wait3A_187 = tpu.memref_slice %arg2[%dma_wait3A_184, %dma_wait3A_185, %dma_wait3A_186] : memref<8192x8x1024xf32, #tpu.memory_space<hbm>> -> memref<8192x8x1024xf32, #tpu.memory_space<hbm>>
      tpu.wait_indirect_dma semaphore(%arg12 : memref<!tpu.dma_semaphore, #tpu.memory_space<semaphore_mem>>) src(%dma_wait3A_187 : memref<8192x8x1024xf32, #tpu.memory_space<hbm>>) dst(%arg8 : memref<4x8x1024xf32, #tpu.memory_space<vmem>>)
      %scan3A_188 = arith.constant 0 : i32
      %scan3A_189 = arith.constant 0 : i32
      %scan3A_190 = arith.constant 64 : i32
      %scan3A_191 = arith.addi %scan3A_189, %scan3A_190 : i32
      %scan3A_192 = arith.constant 1 : i32
      scf.for %scan3A_387 = %scan3A_189 to %scan3A_191 step %scan3A_192  : i32 {
        %mul3A_388 = arith.constant 16 : i32
        %mul3A_389 = arith.muli %scan3A_387, %mul3A_388 : i32
        %get3A_390 = arith.constant 0 : i32
        %get3A_391 = arith.constant 0 : i32
        %get3A_392 = arith.index_cast %get3A_390 : i32 to index
        %get3A_393 = arith.index_cast %get3A_391 : i32 to index
        %get3A_394 = arith.index_cast %mul3A_389 : i32 to index
        %get3A_395 = tpu.vector_load %arg8[%get3A_392, %get3A_393, %get3A_394] {strides = array<i32>} : memref<4x8x1024xf32, #tpu.memory_space<vmem>>, vector<1x1x16xf32>,
        %get3A_396 = vector.shape_cast %get3A_395 : vector<1x1x16xf32> to vector<16xf32>
        %mul3A_397 = arith.mulf %get3A_396, %gather3A_88 : vector<16xf32>
        %mul3A_398 = arith.constant 16 : i32
        %mul3A_399 = arith.muli %scan3A_387, %mul3A_398 : i32
        %get3A_400 = arith.constant 1 : i32
        %get3A_401 = arith.constant 0 : i32
        %get3A_402 = arith.index_cast %get3A_400 : i32 to index
        %get3A_403 = arith.index_cast %get3A_401 : i32 to index
        %get3A_404 = arith.index_cast %mul3A_399 : i32 to index
        %get3A_405 = tpu.vector_load %arg8[%get3A_402, %get3A_403, %get3A_404] {strides = array<i32>} : memref<4x8x1024xf32, #tpu.memory_space<vmem>>, vector<1x1x16xf32>,
        %get3A_406 = vector.shape_cast %get3A_405 : vector<1x1x16xf32> to vector<16xf32>
        %mul3A_407 = arith.mulf %get3A_406, %gather3A_100 : vector<16xf32>
        %add3A_408 = arith.addf %mul3A_397, %mul3A_407 : vector<16xf32>
        %mul3A_409 = arith.constant 16 : i32
        %mul3A_410 = arith.muli %scan3A_387, %mul3A_409 : i32
        %get3A_411 = arith.constant 2 : i32
        %get3A_412 = arith.constant 0 : i32
        %get3A_413 = arith.index_cast %get3A_411 : i32 to index
        %get3A_414 = arith.index_cast %get3A_412 : i32 to index
        %get3A_415 = arith.index_cast %mul3A_410 : i32 to index
        %get3A_416 = tpu.vector_load %arg8[%get3A_413, %get3A_414, %get3A_415] {strides = array<i32>} : memref<4x8x1024xf32, #tpu.memory_space<vmem>>, vector<1x1x16xf32>,
        %get3A_417 = vector.shape_cast %get3A_416 : vector<1x1x16xf32> to vector<16xf32>
        %mul3A_418 = arith.mulf %get3A_417, %gather3A_112 : vector<16xf32>
        %add3A_419 = arith.addf %add3A_408, %mul3A_418 : vector<16xf32>
        %mul3A_420 = arith.constant 16 : i32
        %mul3A_421 = arith.muli %scan3A_387, %mul3A_420 : i32
        %get3A_422 = arith.constant 3 : i32
        %get3A_423 = arith.constant 0 : i32
        %get3A_424 = arith.index_cast %get3A_422 : i32 to index
        %get3A_425 = arith.index_cast %get3A_423 : i32 to index
        %get3A_426 = arith.index_cast %mul3A_421 : i32 to index
        %get3A_427 = tpu.vector_load %arg8[%get3A_424, %get3A_425, %get3A_426] {strides = array<i32>} : memref<4x8x1024xf32, #tpu.memory_space<vmem>>, vector<1x1x16xf32>,
        %get3A_428 = vector.shape_cast %get3A_427 : vector<1x1x16xf32> to vector<16xf32>
        %mul3A_429 = arith.mulf %get3A_428, %gather3A_124 : vector<16xf32>
        %add3A_430 = arith.addf %add3A_419, %mul3A_429 : vector<16xf32>
        %mul3A_431 = arith.constant 16 : i32
        %mul3A_432 = arith.muli %scan3A_387, %mul3A_431 : i32
        %swap3A = arith.constant 0 : i32
        %swap3A_433 = arith.index_cast %swap3A : i32 to index
        %swap3A_434 = arith.index_cast %mul3A_432 : i32 to index
        %swap3A_435 = tpu.vector_load %arg10[%swap3A_433, %swap3A_434] {strides = array<i32>} : memref<8x1024xf32, #tpu.memory_space<vmem>>, vector<1x16xf32>,
        %swap3A_436 = vector.shape_cast %swap3A_435 : vector<1x16xf32> to vector<16xf32>
        %swap3A_437 = vector.shape_cast %add3A_430 : vector<16xf32> to vector<1x16xf32>
        tpu.vector_store %arg10[%swap3A_433, %swap3A_434], %swap3A_437 {strides = array<i32>} : memref<8x1024xf32, #tpu.memory_space<vmem>>, vector<1x16xf32>,
        %mul3A_438 = arith.constant 16 : i32
        %mul3A_439 = arith.muli %scan3A_387, %mul3A_438 : i32
        %get3A_440 = arith.constant 0 : i32
        %get3A_441 = arith.constant 1 : i32
        %get3A_442 = arith.index_cast %get3A_440 : i32 to index
        %get3A_443 = arith.index_cast %get3A_441 : i32 to index
        %get3A_444 = arith.index_cast %mul3A_439 : i32 to index
        %get3A_445 = tpu.vector_load %arg8[%get3A_442, %get3A_443, %get3A_444] {strides = array<i32>} : memref<4x8x1024xf32, #tpu.memory_space<vmem>>, vector<1x1x16xf32>,
        %get3A_446 = vector.shape_cast %get3A_445 : vector<1x1x16xf32> to vector<16xf32>
        %mul3A_447 = arith.mulf %get3A_446, %gather3A_88 : vector<16xf32>
        %mul3A_448 = arith.constant 16 : i32
        %mul3A_449 = arith.muli %scan3A_387, %mul3A_448 : i32
        %get3A_450 = arith.constant 1 : i32
        %get3A_451 = arith.constant 1 : i32
        %get3A_452 = arith.index_cast %get3A_450 : i32 to index
        %get3A_453 = arith.index_cast %get3A_451 : i32 to index
        %get3A_454 = arith.index_cast %mul3A_449 : i32 to index
        %get3A_455 = tpu.vector_load %arg8[%get3A_452, %get3A_453, %get3A_454] {strides = array<i32>} : memref<4x8x1024xf32, #tpu.memory_space<vmem>>, vector<1x1x16xf32>,
        %get3A_456 = vector.shape_cast %get3A_455 : vector<1x1x16xf32> to vector<16xf32>
        %mul3A_457 = arith.mulf %get3A_456, %gather3A_100 : vector<16xf32>
        %add3A_458 = arith.addf %mul3A_447, %mul3A_457 : vector<16xf32>
        %mul3A_459 = arith.constant 16 : i32
        %mul3A_460 = arith.muli %scan3A_387, %mul3A_459 : i32
        %get3A_461 = arith.constant 2 : i32
        %get3A_462 = arith.constant 1 : i32
        %get3A_463 = arith.index_cast %get3A_461 : i32 to index
        %get3A_464 = arith.index_cast %get3A_462 : i32 to index
        %get3A_465 = arith.index_cast %mul3A_460 : i32 to index
        %get3A_466 = tpu.vector_load %arg8[%get3A_463, %get3A_464, %get3A_465] {strides = array<i32>} : memref<4x8x1024xf32, #tpu.memory_space<vmem>>, vector<1x1x16xf32>,
        %get3A_467 = vector.shape_cast %get3A_466 : vector<1x1x16xf32> to vector<16xf32>
        %mul3A_468 = arith.mulf %get3A_467, %gather3A_112 : vector<16xf32>
        %add3A_469 = arith.addf %add3A_458, %mul3A_468 : vector<16xf32>
        %mul3A_470 = arith.constant 16 : i32
        %mul3A_471 = arith.muli %scan3A_387, %mul3A_470 : i32
        %get3A_472 = arith.constant 3 : i32
        %get3A_473 = arith.constant 1 : i32
        %get3A_474 = arith.index_cast %get3A_472 : i32 to index
        %get3A_475 = arith.index_cast %get3A_473 : i32 to index
        %get3A_476 = arith.index_cast %mul3A_471 : i32 to index
        %get3A_477 = tpu.vector_load %arg8[%get3A_474, %get3A_475, %get3A_476] {strides = array<i32>} : memref<4x8x1024xf32, #tpu.memory_space<vmem>>, vector<1x1x16xf32>,
        %get3A_478 = vector.shape_cast %get3A_477 : vector<1x1x16xf32> to vector<16xf32>
        %mul3A_479 = arith.mulf %get3A_478, %gather3A_124 : vector<16xf32>
        %add3A_480 = arith.addf %add3A_469, %mul3A_479 : vector<16xf32>
        %mul3A_481 = arith.constant 16 : i32
        %mul3A_482 = arith.muli %scan3A_387, %mul3A_481 : i32
        %swap3A_483 = arith.constant 1 : i32
        %swap3A_484 = arith.index_cast %swap3A_483 : i32 to index
        %swap3A_485 = arith.index_cast %mul3A_482 : i32 to index
        %swap3A_486 = tpu.vector_load %arg10[%swap3A_484, %swap3A_485] {strides = array<i32>} : memref<8x1024xf32, #tpu.memory_space<vmem>>, vector<1x16xf32>,
        %swap3A_487 = vector.shape_cast %swap3A_486 : vector<1x16xf32> to vector<16xf32>
        %swap3A_488 = vector.shape_cast %add3A_480 : vector<16xf32> to vector<1x16xf32>
        tpu.vector_store %arg10[%swap3A_484, %swap3A_485], %swap3A_488 {strides = array<i32>} : memref<8x1024xf32, #tpu.memory_space<vmem>>, vector<1x16xf32>,
        %mul3A_489 = arith.constant 16 : i32
        %mul3A_490 = arith.muli %scan3A_387, %mul3A_489 : i32
        %get3A_491 = arith.constant 0 : i32
        %get3A_492 = arith.constant 2 : i32
        %get3A_493 = arith.index_cast %get3A_491 : i32 to index
        %get3A_494 = arith.index_cast %get3A_492 : i32 to index
        %get3A_495 = arith.index_cast %mul3A_490 : i32 to index
        %get3A_496 = tpu.vector_load %arg8[%get3A_493, %get3A_494, %get3A_495] {strides = array<i32>} : memref<4x8x1024xf32, #tpu.memory_space<vmem>>, vector<1x1x16xf32>,
        %get3A_497 = vector.shape_cast %get3A_496 : vector<1x1x16xf32> to vector<16xf32>
        %mul3A_498 = arith.mulf %get3A_497, %gather3A_88 : vector<16xf32>
        %mul3A_499 = arith.constant 16 : i32
        %mul3A_500 = arith.muli %scan3A_387, %mul3A_499 : i32
        %get3A_501 = arith.constant 1 : i32
        %get3A_502 = arith.constant 2 : i32
        %get3A_503 = arith.index_cast %get3A_501 : i32 to index
        %get3A_504 = arith.index_cast %get3A_502 : i32 to index
        %get3A_505 = arith.index_cast %mul3A_500 : i32 to index
        %get3A_506 = tpu.vector_load %arg8[%get3A_503, %get3A_504, %get3A_505] {strides = array<i32>} : memref<4x8x1024xf32, #tpu.memory_space<vmem>>, vector<1x1x16xf32>,
        %get3A_507 = vector.shape_cast %get3A_506 : vector<1x1x16xf32> to vector<16xf32>
        %mul3A_508 = arith.mulf %get3A_507, %gather3A_100 : vector<16xf32>
        %add3A_509 = arith.addf %mul3A_498, %mul3A_508 : vector<16xf32>
        %mul3A_510 = arith.constant 16 : i32
        %mul3A_511 = arith.muli %scan3A_387, %mul3A_510 : i32
        %get3A_512 = arith.constant 2 : i32
        %get3A_513 = arith.constant 2 : i32
        %get3A_514 = arith.index_cast %get3A_512 : i32 to index
        %get3A_515 = arith.index_cast %get3A_513 : i32 to index
        %get3A_516 = arith.index_cast %mul3A_511 : i32 to index
        %get3A_517 = tpu.vector_load %arg8[%get3A_514, %get3A_515, %get3A_516] {strides = array<i32>} : memref<4x8x1024xf32, #tpu.memory_space<vmem>>, vector<1x1x16xf32>,
        %get3A_518 = vector.shape_cast %get3A_517 : vector<1x1x16xf32> to vector<16xf32>
        %mul3A_519 = arith.mulf %get3A_518, %gather3A_112 : vector<16xf32>
        %add3A_520 = arith.addf %add3A_509, %mul3A_519 : vector<16xf32>
        %mul3A_521 = arith.constant 16 : i32
        %mul3A_522 = arith.muli %scan3A_387, %mul3A_521 : i32
        %get3A_523 = arith.constant 3 : i32
        %get3A_524 = arith.constant 2 : i32
        %get3A_525 = arith.index_cast %get3A_523 : i32 to index
        %get3A_526 = arith.index_cast %get3A_524 : i32 to index
        %get3A_527 = arith.index_cast %mul3A_522 : i32 to index
        %get3A_528 = tpu.vector_load %arg8[%get3A_525, %get3A_526, %get3A_527] {strides = array<i32>} : memref<4x8x1024xf32, #tpu.memory_space<vmem>>, vector<1x1x16xf32>,
        %get3A_529 = vector.shape_cast %get3A_528 : vector<1x1x16xf32> to vector<16xf32>
        %mul3A_530 = arith.mulf %get3A_529, %gather3A_124 : vector<16xf32>
        %add3A_531 = arith.addf %add3A_520, %mul3A_530 : vector<16xf32>
        %mul3A_532 = arith.constant 16 : i32
        %mul3A_533 = arith.muli %scan3A_387, %mul3A_532 : i32
        %swap3A_534 = arith.constant 2 : i32
        %swap3A_535 = arith.index_cast %swap3A_534 : i32 to index
        %swap3A_536 = arith.index_cast %mul3A_533 : i32 to index
        %swap3A_537 = tpu.vector_load %arg10[%swap3A_535, %swap3A_536] {strides = array<i32>} : memref<8x1024xf32, #tpu.memory_space<vmem>>, vector<1x16xf32>,
        %swap3A_538 = vector.shape_cast %swap3A_537 : vector<1x16xf32> to vector<16xf32>
        %swap3A_539 = vector.shape_cast %add3A_531 : vector<16xf32> to vector<1x16xf32>
        tpu.vector_store %arg10[%swap3A_535, %swap3A_536], %swap3A_539 {strides = array<i32>} : memref<8x1024xf32, #tpu.memory_space<vmem>>, vector<1x16xf32>,
        %mul3A_540 = arith.constant 16 : i32
        %mul3A_541 = arith.muli %scan3A_387, %mul3A_540 : i32
        %get3A_542 = arith.constant 0 : i32
        %get3A_543 = arith.constant 3 : i32
        %get3A_544 = arith.index_cast %get3A_542 : i32 to index
        %get3A_545 = arith.index_cast %get3A_543 : i32 to index
        %get3A_546 = arith.index_cast %mul3A_541 : i32 to index
        %get3A_547 = tpu.vector_load %arg8[%get3A_544, %get3A_545, %get3A_546] {strides = array<i32>} : memref<4x8x1024xf32, #tpu.memory_space<vmem>>, vector<1x1x16xf32>,
        %get3A_548 = vector.shape_cast %get3A_547 : vector<1x1x16xf32> to vector<16xf32>
        %mul3A_549 = arith.mulf %get3A_548, %gather3A_88 : vector<16xf32>
        %mul3A_550 = arith.constant 16 : i32
        %mul3A_551 = arith.muli %scan3A_387, %mul3A_550 : i32
        %get3A_552 = arith.constant 1 : i32
        %get3A_553 = arith.constant 3 : i32
        %get3A_554 = arith.index_cast %get3A_552 : i32 to index
        %get3A_555 = arith.index_cast %get3A_553 : i32 to index
        %get3A_556 = arith.index_cast %mul3A_551 : i32 to index
        %get3A_557 = tpu.vector_load %arg8[%get3A_554, %get3A_555, %get3A_556] {strides = array<i32>} : memref<4x8x1024xf32, #tpu.memory_space<vmem>>, vector<1x1x16xf32>,
        %get3A_558 = vector.shape_cast %get3A_557 : vector<1x1x16xf32> to vector<16xf32>
        %mul3A_559 = arith.mulf %get3A_558, %gather3A_100 : vector<16xf32>
        %add3A_560 = arith.addf %mul3A_549, %mul3A_559 : vector<16xf32>
        %mul3A_561 = arith.constant 16 : i32
        %mul3A_562 = arith.muli %scan3A_387, %mul3A_561 : i32
        %get3A_563 = arith.constant 2 : i32
        %get3A_564 = arith.constant 3 : i32
        %get3A_565 = arith.index_cast %get3A_563 : i32 to index
        %get3A_566 = arith.index_cast %get3A_564 : i32 to index
        %get3A_567 = arith.index_cast %mul3A_562 : i32 to index
        %get3A_568 = tpu.vector_load %arg8[%get3A_565, %get3A_566, %get3A_567] {strides = array<i32>} : memref<4x8x1024xf32, #tpu.memory_space<vmem>>, vector<1x1x16xf32>,
        %get3A_569 = vector.shape_cast %get3A_568 : vector<1x1x16xf32> to vector<16xf32>
        %mul3A_570 = arith.mulf %get3A_569, %gather3A_112 : vector<16xf32>
        %add3A_571 = arith.addf %add3A_560, %mul3A_570 : vector<16xf32>
        %mul3A_572 = arith.constant 16 : i32
        %mul3A_573 = arith.muli %scan3A_387, %mul3A_572 : i32
        %get3A_574 = arith.constant 3 : i32
        %get3A_575 = arith.constant 3 : i32
        %get3A_576 = arith.index_cast %get3A_574 : i32 to index
        %get3A_577 = arith.index_cast %get3A_575 : i32 to index
        %get3A_578 = arith.index_cast %mul3A_573 : i32 to index
        %get3A_579 = tpu.vector_load %arg8[%get3A_576, %get3A_577, %get3A_578] {strides = array<i32>} : memref<4x8x1024xf32, #tpu.memory_space<vmem>>, vector<1x1x16xf32>,
        %get3A_580 = vector.shape_cast %get3A_579 : vector<1x1x16xf32> to vector<16xf32>
        %mul3A_581 = arith.mulf %get3A_580, %gather3A_124 : vector<16xf32>
        %add3A_582 = arith.addf %add3A_571, %mul3A_581 : vector<16xf32>
        %mul3A_583 = arith.constant 16 : i32
        %mul3A_584 = arith.muli %scan3A_387, %mul3A_583 : i32
        %swap3A_585 = arith.constant 3 : i32
        %swap3A_586 = arith.index_cast %swap3A_585 : i32 to index
        %swap3A_587 = arith.index_cast %mul3A_584 : i32 to index
        %swap3A_588 = tpu.vector_load %arg10[%swap3A_586, %swap3A_587] {strides = array<i32>} : memref<8x1024xf32, #tpu.memory_space<vmem>>, vector<1x16xf32>,
        %swap3A_589 = vector.shape_cast %swap3A_588 : vector<1x16xf32> to vector<16xf32>
        %swap3A_590 = vector.shape_cast %add3A_582 : vector<16xf32> to vector<1x16xf32>
        tpu.vector_store %arg10[%swap3A_586, %swap3A_587], %swap3A_590 {strides = array<i32>} : memref<8x1024xf32, #tpu.memory_space<vmem>>, vector<1x16xf32>,
        %mul3A_591 = arith.constant 16 : i32
        %mul3A_592 = arith.muli %scan3A_387, %mul3A_591 : i32
        %get3A_593 = arith.constant 0 : i32
        %get3A_594 = arith.constant 4 : i32
        %get3A_595 = arith.index_cast %get3A_593 : i32 to index
        %get3A_596 = arith.index_cast %get3A_594 : i32 to index
        %get3A_597 = arith.index_cast %mul3A_592 : i32 to index
        %get3A_598 = tpu.vector_load %arg8[%get3A_595, %get3A_596, %get3A_597] {strides = array<i32>} : memref<4x8x1024xf32, #tpu.memory_space<vmem>>, vector<1x1x16xf32>,
        %get3A_599 = vector.shape_cast %get3A_598 : vector<1x1x16xf32> to vector<16xf32>
        %mul3A_600 = arith.mulf %get3A_599, %gather3A_88 : vector<16xf32>
        %mul3A_601 = arith.constant 16 : i32
        %mul3A_602 = arith.muli %scan3A_387, %mul3A_601 : i32
        %get3A_603 = arith.constant 1 : i32
        %get3A_604 = arith.constant 4 : i32
        %get3A_605 = arith.index_cast %get3A_603 : i32 to index
        %get3A_606 = arith.index_cast %get3A_604 : i32 to index
        %get3A_607 = arith.index_cast %mul3A_602 : i32 to index
        %get3A_608 = tpu.vector_load %arg8[%get3A_605, %get3A_606, %get3A_607] {strides = array<i32>} : memref<4x8x1024xf32, #tpu.memory_space<vmem>>, vector<1x1x16xf32>,
        %get3A_609 = vector.shape_cast %get3A_608 : vector<1x1x16xf32> to vector<16xf32>
        %mul3A_610 = arith.mulf %get3A_609, %gather3A_100 : vector<16xf32>
        %add3A_611 = arith.addf %mul3A_600, %mul3A_610 : vector<16xf32>
        %mul3A_612 = arith.constant 16 : i32
        %mul3A_613 = arith.muli %scan3A_387, %mul3A_612 : i32
        %get3A_614 = arith.constant 2 : i32
        %get3A_615 = arith.constant 4 : i32
        %get3A_616 = arith.index_cast %get3A_614 : i32 to index
        %get3A_617 = arith.index_cast %get3A_615 : i32 to index
        %get3A_618 = arith.index_cast %mul3A_613 : i32 to index
        %get3A_619 = tpu.vector_load %arg8[%get3A_616, %get3A_617, %get3A_618] {strides = array<i32>} : memref<4x8x1024xf32, #tpu.memory_space<vmem>>, vector<1x1x16xf32>,
        %get3A_620 = vector.shape_cast %get3A_619 : vector<1x1x16xf32> to vector<16xf32>
        %mul3A_621 = arith.mulf %get3A_620, %gather3A_112 : vector<16xf32>
        %add3A_622 = arith.addf %add3A_611, %mul3A_621 : vector<16xf32>
        %mul3A_623 = arith.constant 16 : i32
        %mul3A_624 = arith.muli %scan3A_387, %mul3A_623 : i32
        %get3A_625 = arith.constant 3 : i32
        %get3A_626 = arith.constant 4 : i32
        %get3A_627 = arith.index_cast %get3A_625 : i32 to index
        %get3A_628 = arith.index_cast %get3A_626 : i32 to index
        %get3A_629 = arith.index_cast %mul3A_624 : i32 to index
        %get3A_630 = tpu.vector_load %arg8[%get3A_627, %get3A_628, %get3A_629] {strides = array<i32>} : memref<4x8x1024xf32, #tpu.memory_space<vmem>>, vector<1x1x16xf32>,
        %get3A_631 = vector.shape_cast %get3A_630 : vector<1x1x16xf32> to vector<16xf32>
        %mul3A_632 = arith.mulf %get3A_631, %gather3A_124 : vector<16xf32>
        %add3A_633 = arith.addf %add3A_622, %mul3A_632 : vector<16xf32>
        %mul3A_634 = arith.constant 16 : i32
        %mul3A_635 = arith.muli %scan3A_387, %mul3A_634 : i32
        %swap3A_636 = arith.constant 4 : i32
        %swap3A_637 = arith.index_cast %swap3A_636 : i32 to index
        %swap3A_638 = arith.index_cast %mul3A_635 : i32 to index
        %swap3A_639 = tpu.vector_load %arg10[%swap3A_637, %swap3A_638] {strides = array<i32>} : memref<8x1024xf32, #tpu.memory_space<vmem>>, vector<1x16xf32>,
        %swap3A_640 = vector.shape_cast %swap3A_639 : vector<1x16xf32> to vector<16xf32>
        %swap3A_641 = vector.shape_cast %add3A_633 : vector<16xf32> to vector<1x16xf32>
        tpu.vector_store %arg10[%swap3A_637, %swap3A_638], %swap3A_641 {strides = array<i32>} : memref<8x1024xf32, #tpu.memory_space<vmem>>, vector<1x16xf32>,
        %mul3A_642 = arith.constant 16 : i32
        %mul3A_643 = arith.muli %scan3A_387, %mul3A_642 : i32
        %get3A_644 = arith.constant 0 : i32
        %get3A_645 = arith.constant 5 : i32
        %get3A_646 = arith.index_cast %get3A_644 : i32 to index
        %get3A_647 = arith.index_cast %get3A_645 : i32 to index
        %get3A_648 = arith.index_cast %mul3A_643 : i32 to index
        %get3A_649 = tpu.vector_load %arg8[%get3A_646, %get3A_647, %get3A_648] {strides = array<i32>} : memref<4x8x1024xf32, #tpu.memory_space<vmem>>, vector<1x1x16xf32>,
        %get3A_650 = vector.shape_cast %get3A_649 : vector<1x1x16xf32> to vector<16xf32>
        %mul3A_651 = arith.mulf %get3A_650, %gather3A_88 : vector<16xf32>
        %mul3A_652 = arith.constant 16 : i32
        %mul3A_653 = arith.muli %scan3A_387, %mul3A_652 : i32
        %get3A_654 = arith.constant 1 : i32
        %get3A_655 = arith.constant 5 : i32
        %get3A_656 = arith.index_cast %get3A_654 : i32 to index
        %get3A_657 = arith.index_cast %get3A_655 : i32 to index
        %get3A_658 = arith.index_cast %mul3A_653 : i32 to index
        %get3A_659 = tpu.vector_load %arg8[%get3A_656, %get3A_657, %get3A_658] {strides = array<i32>} : memref<4x8x1024xf32, #tpu.memory_space<vmem>>, vector<1x1x16xf32>,
        %get3A_660 = vector.shape_cast %get3A_659 : vector<1x1x16xf32> to vector<16xf32>
        %mul3A_661 = arith.mulf %get3A_660, %gather3A_100 : vector<16xf32>
        %add3A_662 = arith.addf %mul3A_651, %mul3A_661 : vector<16xf32>
        %mul3A_663 = arith.constant 16 : i32
        %mul3A_664 = arith.muli %scan3A_387, %mul3A_663 : i32
        %get3A_665 = arith.constant 2 : i32
        %get3A_666 = arith.constant 5 : i32
        %get3A_667 = arith.index_cast %get3A_665 : i32 to index
        %get3A_668 = arith.index_cast %get3A_666 : i32 to index
        %get3A_669 = arith.index_cast %mul3A_664 : i32 to index
        %get3A_670 = tpu.vector_load %arg8[%get3A_667, %get3A_668, %get3A_669] {strides = array<i32>} : memref<4x8x1024xf32, #tpu.memory_space<vmem>>, vector<1x1x16xf32>,
        %get3A_671 = vector.shape_cast %get3A_670 : vector<1x1x16xf32> to vector<16xf32>
        %mul3A_672 = arith.mulf %get3A_671, %gather3A_112 : vector<16xf32>
        %add3A_673 = arith.addf %add3A_662, %mul3A_672 : vector<16xf32>
        %mul3A_674 = arith.constant 16 : i32
        %mul3A_675 = arith.muli %scan3A_387, %mul3A_674 : i32
        %get3A_676 = arith.constant 3 : i32
        %get3A_677 = arith.constant 5 : i32
        %get3A_678 = arith.index_cast %get3A_676 : i32 to index
        %get3A_679 = arith.index_cast %get3A_677 : i32 to index
        %get3A_680 = arith.index_cast %mul3A_675 : i32 to index
        %get3A_681 = tpu.vector_load %arg8[%get3A_678, %get3A_679, %get3A_680] {strides = array<i32>} : memref<4x8x1024xf32, #tpu.memory_space<vmem>>, vector<1x1x16xf32>,
        %get3A_682 = vector.shape_cast %get3A_681 : vector<1x1x16xf32> to vector<16xf32>
        %mul3A_683 = arith.mulf %get3A_682, %gather3A_124 : vector<16xf32>
        %add3A_684 = arith.addf %add3A_673, %mul3A_683 : vector<16xf32>
        %mul3A_685 = arith.constant 16 : i32
        %mul3A_686 = arith.muli %scan3A_387, %mul3A_685 : i32
        %swap3A_687 = arith.constant 5 : i32
        %swap3A_688 = arith.index_cast %swap3A_687 : i32 to index
        %swap3A_689 = arith.index_cast %mul3A_686 : i32 to index
        %swap3A_690 = tpu.vector_load %arg10[%swap3A_688, %swap3A_689] {strides = array<i32>} : memref<8x1024xf32, #tpu.memory_space<vmem>>, vector<1x16xf32>,
        %swap3A_691 = vector.shape_cast %swap3A_690 : vector<1x16xf32> to vector<16xf32>
        %swap3A_692 = vector.shape_cast %add3A_684 : vector<16xf32> to vector<1x16xf32>
        tpu.vector_store %arg10[%swap3A_688, %swap3A_689], %swap3A_692 {strides = array<i32>} : memref<8x1024xf32, #tpu.memory_space<vmem>>, vector<1x16xf32>,
        %mul3A_693 = arith.constant 16 : i32
        %mul3A_694 = arith.muli %scan3A_387, %mul3A_693 : i32
        %get3A_695 = arith.constant 0 : i32
        %get3A_696 = arith.constant 6 : i32
        %get3A_697 = arith.index_cast %get3A_695 : i32 to index
        %get3A_698 = arith.index_cast %get3A_696 : i32 to index
        %get3A_699 = arith.index_cast %mul3A_694 : i32 to index
        %get3A_700 = tpu.vector_load %arg8[%get3A_697, %get3A_698, %get3A_699] {strides = array<i32>} : memref<4x8x1024xf32, #tpu.memory_space<vmem>>, vector<1x1x16xf32>,
        %get3A_701 = vector.shape_cast %get3A_700 : vector<1x1x16xf32> to vector<16xf32>
        %mul3A_702 = arith.mulf %get3A_701, %gather3A_88 : vector<16xf32>
        %mul3A_703 = arith.constant 16 : i32
        %mul3A_704 = arith.muli %scan3A_387, %mul3A_703 : i32
        %get3A_705 = arith.constant 1 : i32
        %get3A_706 = arith.constant 6 : i32
        %get3A_707 = arith.index_cast %get3A_705 : i32 to index
        %get3A_708 = arith.index_cast %get3A_706 : i32 to index
        %get3A_709 = arith.index_cast %mul3A_704 : i32 to index
        %get3A_710 = tpu.vector_load %arg8[%get3A_707, %get3A_708, %get3A_709] {strides = array<i32>} : memref<4x8x1024xf32, #tpu.memory_space<vmem>>, vector<1x1x16xf32>,
        %get3A_711 = vector.shape_cast %get3A_710 : vector<1x1x16xf32> to vector<16xf32>
        %mul3A_712 = arith.mulf %get3A_711, %gather3A_100 : vector<16xf32>
        %add3A_713 = arith.addf %mul3A_702, %mul3A_712 : vector<16xf32>
        %mul3A_714 = arith.constant 16 : i32
        %mul3A_715 = arith.muli %scan3A_387, %mul3A_714 : i32
        %get3A_716 = arith.constant 2 : i32
        %get3A_717 = arith.constant 6 : i32
        %get3A_718 = arith.index_cast %get3A_716 : i32 to index
        %get3A_719 = arith.index_cast %get3A_717 : i32 to index
        %get3A_720 = arith.index_cast %mul3A_715 : i32 to index
        %get3A_721 = tpu.vector_load %arg8[%get3A_718, %get3A_719, %get3A_720] {strides = array<i32>} : memref<4x8x1024xf32, #tpu.memory_space<vmem>>, vector<1x1x16xf32>,
        %get3A_722 = vector.shape_cast %get3A_721 : vector<1x1x16xf32> to vector<16xf32>
        %mul3A_723 = arith.mulf %get3A_722, %gather3A_112 : vector<16xf32>
        %add3A_724 = arith.addf %add3A_713, %mul3A_723 : vector<16xf32>
        %mul3A_725 = arith.constant 16 : i32
        %mul3A_726 = arith.muli %scan3A_387, %mul3A_725 : i32
        %get3A_727 = arith.constant 3 : i32
        %get3A_728 = arith.constant 6 : i32
        %get3A_729 = arith.index_cast %get3A_727 : i32 to index
        %get3A_730 = arith.index_cast %get3A_728 : i32 to index
        %get3A_731 = arith.index_cast %mul3A_726 : i32 to index
        %get3A_732 = tpu.vector_load %arg8[%get3A_729, %get3A_730, %get3A_731] {strides = array<i32>} : memref<4x8x1024xf32, #tpu.memory_space<vmem>>, vector<1x1x16xf32>,
        %get3A_733 = vector.shape_cast %get3A_732 : vector<1x1x16xf32> to vector<16xf32>
        %mul3A_734 = arith.mulf %get3A_733, %gather3A_124 : vector<16xf32>
        %add3A_735 = arith.addf %add3A_724, %mul3A_734 : vector<16xf32>
        %mul3A_736 = arith.constant 16 : i32
        %mul3A_737 = arith.muli %scan3A_387, %mul3A_736 : i32
        %swap3A_738 = arith.constant 6 : i32
        %swap3A_739 = arith.index_cast %swap3A_738 : i32 to index
        %swap3A_740 = arith.index_cast %mul3A_737 : i32 to index
        %swap3A_741 = tpu.vector_load %arg10[%swap3A_739, %swap3A_740] {strides = array<i32>} : memref<8x1024xf32, #tpu.memory_space<vmem>>, vector<1x16xf32>,
        %swap3A_742 = vector.shape_cast %swap3A_741 : vector<1x16xf32> to vector<16xf32>
        %swap3A_743 = vector.shape_cast %add3A_735 : vector<16xf32> to vector<1x16xf32>
        tpu.vector_store %arg10[%swap3A_739, %swap3A_740], %swap3A_743 {strides = array<i32>} : memref<8x1024xf32, #tpu.memory_space<vmem>>, vector<1x16xf32>,
        %mul3A_744 = arith.constant 16 : i32
        %mul3A_745 = arith.muli %scan3A_387, %mul3A_744 : i32
        %get3A_746 = arith.constant 0 : i32
        %get3A_747 = arith.constant 7 : i32
        %get3A_748 = arith.index_cast %get3A_746 : i32 to index
        %get3A_749 = arith.index_cast %get3A_747 : i32 to index
        %get3A_750 = arith.index_cast %mul3A_745 : i32 to index
        %get3A_751 = tpu.vector_load %arg8[%get3A_748, %get3A_749, %get3A_750] {strides = array<i32>} : memref<4x8x1024xf32, #tpu.memory_space<vmem>>, vector<1x1x16xf32>,
        %get3A_752 = vector.shape_cast %get3A_751 : vector<1x1x16xf32> to vector<16xf32>
        %mul3A_753 = arith.mulf %get3A_752, %gather3A_88 : vector<16xf32>
        %mul3A_754 = arith.constant 16 : i32
        %mul3A_755 = arith.muli %scan3A_387, %mul3A_754 : i32
        %get3A_756 = arith.constant 1 : i32
        %get3A_757 = arith.constant 7 : i32
        %get3A_758 = arith.index_cast %get3A_756 : i32 to index
        %get3A_759 = arith.index_cast %get3A_757 : i32 to index
        %get3A_760 = arith.index_cast %mul3A_755 : i32 to index
        %get3A_761 = tpu.vector_load %arg8[%get3A_758, %get3A_759, %get3A_760] {strides = array<i32>} : memref<4x8x1024xf32, #tpu.memory_space<vmem>>, vector<1x1x16xf32>,
        %get3A_762 = vector.shape_cast %get3A_761 : vector<1x1x16xf32> to vector<16xf32>
        %mul3A_763 = arith.mulf %get3A_762, %gather3A_100 : vector<16xf32>
        %add3A_764 = arith.addf %mul3A_753, %mul3A_763 : vector<16xf32>
        %mul3A_765 = arith.constant 16 : i32
        %mul3A_766 = arith.muli %scan3A_387, %mul3A_765 : i32
        %get3A_767 = arith.constant 2 : i32
        %get3A_768 = arith.constant 7 : i32
        %get3A_769 = arith.index_cast %get3A_767 : i32 to index
        %get3A_770 = arith.index_cast %get3A_768 : i32 to index
        %get3A_771 = arith.index_cast %mul3A_766 : i32 to index
        %get3A_772 = tpu.vector_load %arg8[%get3A_769, %get3A_770, %get3A_771] {strides = array<i32>} : memref<4x8x1024xf32, #tpu.memory_space<vmem>>, vector<1x1x16xf32>,
        %get3A_773 = vector.shape_cast %get3A_772 : vector<1x1x16xf32> to vector<16xf32>
        %mul3A_774 = arith.mulf %get3A_773, %gather3A_112 : vector<16xf32>
        %add3A_775 = arith.addf %add3A_764, %mul3A_774 : vector<16xf32>
        %mul3A_776 = arith.constant 16 : i32
        %mul3A_777 = arith.muli %scan3A_387, %mul3A_776 : i32
        %get3A_778 = arith.constant 3 : i32
        %get3A_779 = arith.constant 7 : i32
        %get3A_780 = arith.index_cast %get3A_778 : i32 to index
        %get3A_781 = arith.index_cast %get3A_779 : i32 to index
        %get3A_782 = arith.index_cast %mul3A_777 : i32 to index
        %get3A_783 = tpu.vector_load %arg8[%get3A_780, %get3A_781, %get3A_782] {strides = array<i32>} : memref<4x8x1024xf32, #tpu.memory_space<vmem>>, vector<1x1x16xf32>,
        %get3A_784 = vector.shape_cast %get3A_783 : vector<1x1x16xf32> to vector<16xf32>
        %mul3A_785 = arith.mulf %get3A_784, %gather3A_124 : vector<16xf32>
        %add3A_786 = arith.addf %add3A_775, %mul3A_785 : vector<16xf32>
        %mul3A_787 = arith.constant 16 : i32
        %mul3A_788 = arith.muli %scan3A_387, %mul3A_787 : i32
        %swap3A_789 = arith.constant 7 : i32
        %swap3A_790 = arith.index_cast %swap3A_789 : i32 to index
        %swap3A_791 = arith.index_cast %mul3A_788 : i32 to index
        %swap3A_792 = tpu.vector_load %arg10[%swap3A_790, %swap3A_791] {strides = array<i32>} : memref<8x1024xf32, #tpu.memory_space<vmem>>, vector<1x16xf32>,
        %swap3A_793 = vector.shape_cast %swap3A_792 : vector<1x16xf32> to vector<16xf32>
        %swap3A_794 = vector.shape_cast %add3A_786 : vector<16xf32> to vector<1x16xf32>
        tpu.vector_store %arg10[%swap3A_790, %swap3A_791], %swap3A_794 {strides = array<i32>} : memref<8x1024xf32, #tpu.memory_space<vmem>>, vector<1x16xf32>,
      }
      %scan3A_193 = arith.constant 64 : i32
      %dma_start3A_194 = arith.constant 0 : i32
      %dma_start3A_195 = tpu.memref_slice %arg6[%add3A_74, %dma_start3A_194] : memref<16x16xi32, #tpu.memory_space<vmem>> -> memref<1x4xi32, #tpu.memory_space<vmem>>
      %dma_start3A_196 = tpu.memref_squeeze %dma_start3A_195 : memref<1x4xi32, #tpu.memory_space<vmem>> -> memref<4xi32, #tpu.memory_space<vmem>>
      %dma_start3A_197 = arith.constant 0 : i32
      %dma_start3A_198 = arith.constant 0 : i32
      %dma_start3A_199 = arith.constant 0 : i32
      %dma_start3A_200 = tpu.memref_slice %arg2[%dma_start3A_197, %dma_start3A_198, %dma_start3A_199] : memref<8192x8x1024xf32, #tpu.memory_space<hbm>> -> memref<8192x8x1024xf32, #tpu.memory_space<hbm>>
      tpu.enqueue_indirect_dma source(%dma_start3A_200 : memref<8192x8x1024xf32, #tpu.memory_space<hbm>>) target(%arg8 : memref<4x8x1024xf32, #tpu.memory_space<vmem>>) offsets(%dma_start3A_196 : memref<4xi32, #tpu.memory_space<vmem>>) semaphore(%arg12 : memref<!tpu.dma_semaphore, #tpu.memory_space<semaphore_mem>>)
      %dma_wait3A_201 = arith.constant 8 : i32
      %dma_wait3A_202 = tpu.memref_slice %arg6[%mul3A_72, %dma_wait3A_201] : memref<16x16xi32, #tpu.memory_space<vmem>> -> memref<1x4xi32, #tpu.memory_space<vmem>>
      %dma_wait3A_203 = tpu.memref_squeeze %dma_wait3A_202 : memref<1x4xi32, #tpu.memory_space<vmem>> -> memref<4xi32, #tpu.memory_space<vmem>>
      %dma_wait3A_204 = arith.constant 0 : i32
      %dma_wait3A_205 = arith.constant 0 : i32
      %dma_wait3A_206 = arith.constant 0 : i32
      %dma_wait3A_207 = tpu.memref_slice %arg2[%dma_wait3A_204, %dma_wait3A_205, %dma_wait3A_206] : memref<8192x8x1024xf32, #tpu.memory_space<hbm>> -> memref<8192x8x1024xf32, #tpu.memory_space<hbm>>
      tpu.wait_indirect_dma semaphore(%arg13 : memref<!tpu.dma_semaphore, #tpu.memory_space<semaphore_mem>>) src(%dma_wait3A_207 : memref<8192x8x1024xf32, #tpu.memory_space<hbm>>) dst(%arg9 : memref<4x8x1024xf32, #tpu.memory_space<vmem>>)
      %scan3A_208 = arith.constant 0 : i32
      %scan3A_209 = arith.constant 0 : i32
      %scan3A_210 = arith.constant 64 : i32
      %scan3A_211 = arith.addi %scan3A_209, %scan3A_210 : i32
      %scan3A_212 = arith.constant 1 : i32
      scf.for %scan3A_387 = %scan3A_209 to %scan3A_211 step %scan3A_212  : i32 {
        %mul3A_388 = arith.constant 16 : i32
        %mul3A_389 = arith.muli %scan3A_387, %mul3A_388 : i32
        %get3A_390 = arith.constant 0 : i32
        %get3A_391 = arith.index_cast %get3A_390 : i32 to index
        %get3A_392 = arith.index_cast %mul3A_389 : i32 to index
        %get3A_393 = tpu.vector_load %arg10[%get3A_391, %get3A_392] {strides = array<i32>} : memref<8x1024xf32, #tpu.memory_space<vmem>>, vector<1x16xf32>,
        %get3A_394 = vector.shape_cast %get3A_393 : vector<1x16xf32> to vector<16xf32>
        %mul3A_395 = arith.constant 16 : i32
        %mul3A_396 = arith.muli %scan3A_387, %mul3A_395 : i32
        %get3A_397 = arith.constant 0 : i32
        %get3A_398 = arith.constant 0 : i32
        %get3A_399 = arith.index_cast %get3A_397 : i32 to index
        %get3A_400 = arith.index_cast %get3A_398 : i32 to index
        %get3A_401 = arith.index_cast %mul3A_396 : i32 to index
        %get3A_402 = tpu.vector_load %arg9[%get3A_399, %get3A_400, %get3A_401] {strides = array<i32>} : memref<4x8x1024xf32, #tpu.memory_space<vmem>>, vector<1x1x16xf32>,
        %get3A_403 = vector.shape_cast %get3A_402 : vector<1x1x16xf32> to vector<16xf32>
        %mul3A_404 = arith.mulf %get3A_403, %gather3A_136 : vector<16xf32>
        %add3A_405 = arith.addf %get3A_394, %mul3A_404 : vector<16xf32>
        %mul3A_406 = arith.constant 16 : i32
        %mul3A_407 = arith.muli %scan3A_387, %mul3A_406 : i32
        %get3A_408 = arith.constant 1 : i32
        %get3A_409 = arith.constant 0 : i32
        %get3A_410 = arith.index_cast %get3A_408 : i32 to index
        %get3A_411 = arith.index_cast %get3A_409 : i32 to index
        %get3A_412 = arith.index_cast %mul3A_407 : i32 to index
        %get3A_413 = tpu.vector_load %arg9[%get3A_410, %get3A_411, %get3A_412] {strides = array<i32>} : memref<4x8x1024xf32, #tpu.memory_space<vmem>>, vector<1x1x16xf32>,
        %get3A_414 = vector.shape_cast %get3A_413 : vector<1x1x16xf32> to vector<16xf32>
        %mul3A_415 = arith.mulf %get3A_414, %gather3A_148 : vector<16xf32>
        %add3A_416 = arith.addf %add3A_405, %mul3A_415 : vector<16xf32>
        %mul3A_417 = arith.constant 16 : i32
        %mul3A_418 = arith.muli %scan3A_387, %mul3A_417 : i32
        %get3A_419 = arith.constant 2 : i32
        %get3A_420 = arith.constant 0 : i32
        %get3A_421 = arith.index_cast %get3A_419 : i32 to index
        %get3A_422 = arith.index_cast %get3A_420 : i32 to index
        %get3A_423 = arith.index_cast %mul3A_418 : i32 to index
        %get3A_424 = tpu.vector_load %arg9[%get3A_421, %get3A_422, %get3A_423] {strides = array<i32>} : memref<4x8x1024xf32, #tpu.memory_space<vmem>>, vector<1x1x16xf32>,
        %get3A_425 = vector.shape_cast %get3A_424 : vector<1x1x16xf32> to vector<16xf32>
        %mul3A_426 = arith.mulf %get3A_425, %gather3A_160 : vector<16xf32>
        %add3A_427 = arith.addf %add3A_416, %mul3A_426 : vector<16xf32>
        %mul3A_428 = arith.constant 16 : i32
        %mul3A_429 = arith.muli %scan3A_387, %mul3A_428 : i32
        %get3A_430 = arith.constant 3 : i32
        %get3A_431 = arith.constant 0 : i32
        %get3A_432 = arith.index_cast %get3A_430 : i32 to index
        %get3A_433 = arith.index_cast %get3A_431 : i32 to index
        %get3A_434 = arith.index_cast %mul3A_429 : i32 to index
        %get3A_435 = tpu.vector_load %arg9[%get3A_432, %get3A_433, %get3A_434] {strides = array<i32>} : memref<4x8x1024xf32, #tpu.memory_space<vmem>>, vector<1x1x16xf32>,
        %get3A_436 = vector.shape_cast %get3A_435 : vector<1x1x16xf32> to vector<16xf32>
        %mul3A_437 = arith.mulf %get3A_436, %gather3A_172 : vector<16xf32>
        %add3A_438 = arith.addf %add3A_427, %mul3A_437 : vector<16xf32>
        %mul3A_439 = arith.constant 16 : i32
        %mul3A_440 = arith.muli %scan3A_387, %mul3A_439 : i32
        %swap3A = arith.constant 0 : i32
        %swap3A_441 = arith.index_cast %swap3A : i32 to index
        %swap3A_442 = arith.index_cast %mul3A_440 : i32 to index
        %swap3A_443 = tpu.vector_load %arg10[%swap3A_441, %swap3A_442] {strides = array<i32>} : memref<8x1024xf32, #tpu.memory_space<vmem>>, vector<1x16xf32>,
        %swap3A_444 = vector.shape_cast %swap3A_443 : vector<1x16xf32> to vector<16xf32>
        %swap3A_445 = vector.shape_cast %add3A_438 : vector<16xf32> to vector<1x16xf32>
        tpu.vector_store %arg10[%swap3A_441, %swap3A_442], %swap3A_445 {strides = array<i32>} : memref<8x1024xf32, #tpu.memory_space<vmem>>, vector<1x16xf32>,
        %mul3A_446 = arith.constant 16 : i32
        %mul3A_447 = arith.muli %scan3A_387, %mul3A_446 : i32
        %get3A_448 = arith.constant 1 : i32
        %get3A_449 = arith.index_cast %get3A_448 : i32 to index
        %get3A_450 = arith.index_cast %mul3A_447 : i32 to index
        %get3A_451 = tpu.vector_load %arg10[%get3A_449, %get3A_450] {strides = array<i32>} : memref<8x1024xf32, #tpu.memory_space<vmem>>, vector<1x16xf32>,
        %get3A_452 = vector.shape_cast %get3A_451 : vector<1x16xf32> to vector<16xf32>
        %mul3A_453 = arith.constant 16 : i32
        %mul3A_454 = arith.muli %scan3A_387, %mul3A_453 : i32
        %get3A_455 = arith.constant 0 : i32
        %get3A_456 = arith.constant 1 : i32
        %get3A_457 = arith.index_cast %get3A_455 : i32 to index
        %get3A_458 = arith.index_cast %get3A_456 : i32 to index
        %get3A_459 = arith.index_cast %mul3A_454 : i32 to index
        %get3A_460 = tpu.vector_load %arg9[%get3A_457, %get3A_458, %get3A_459] {strides = array<i32>} : memref<4x8x1024xf32, #tpu.memory_space<vmem>>, vector<1x1x16xf32>,
        %get3A_461 = vector.shape_cast %get3A_460 : vector<1x1x16xf32> to vector<16xf32>
        %mul3A_462 = arith.mulf %get3A_461, %gather3A_136 : vector<16xf32>
        %add3A_463 = arith.addf %get3A_452, %mul3A_462 : vector<16xf32>
        %mul3A_464 = arith.constant 16 : i32
        %mul3A_465 = arith.muli %scan3A_387, %mul3A_464 : i32
        %get3A_466 = arith.constant 1 : i32
        %get3A_467 = arith.constant 1 : i32
        %get3A_468 = arith.index_cast %get3A_466 : i32 to index
        %get3A_469 = arith.index_cast %get3A_467 : i32 to index
        %get3A_470 = arith.index_cast %mul3A_465 : i32 to index
        %get3A_471 = tpu.vector_load %arg9[%get3A_468, %get3A_469, %get3A_470] {strides = array<i32>} : memref<4x8x1024xf32, #tpu.memory_space<vmem>>, vector<1x1x16xf32>,
        %get3A_472 = vector.shape_cast %get3A_471 : vector<1x1x16xf32> to vector<16xf32>
        %mul3A_473 = arith.mulf %get3A_472, %gather3A_148 : vector<16xf32>
        %add3A_474 = arith.addf %add3A_463, %mul3A_473 : vector<16xf32>
        %mul3A_475 = arith.constant 16 : i32
        %mul3A_476 = arith.muli %scan3A_387, %mul3A_475 : i32
        %get3A_477 = arith.constant 2 : i32
        %get3A_478 = arith.constant 1 : i32
        %get3A_479 = arith.index_cast %get3A_477 : i32 to index
        %get3A_480 = arith.index_cast %get3A_478 : i32 to index
        %get3A_481 = arith.index_cast %mul3A_476 : i32 to index
        %get3A_482 = tpu.vector_load %arg9[%get3A_479, %get3A_480, %get3A_481] {strides = array<i32>} : memref<4x8x1024xf32, #tpu.memory_space<vmem>>, vector<1x1x16xf32>,
        %get3A_483 = vector.shape_cast %get3A_482 : vector<1x1x16xf32> to vector<16xf32>
        %mul3A_484 = arith.mulf %get3A_483, %gather3A_160 : vector<16xf32>
        %add3A_485 = arith.addf %add3A_474, %mul3A_484 : vector<16xf32>
        %mul3A_486 = arith.constant 16 : i32
        %mul3A_487 = arith.muli %scan3A_387, %mul3A_486 : i32
        %get3A_488 = arith.constant 3 : i32
        %get3A_489 = arith.constant 1 : i32
        %get3A_490 = arith.index_cast %get3A_488 : i32 to index
        %get3A_491 = arith.index_cast %get3A_489 : i32 to index
        %get3A_492 = arith.index_cast %mul3A_487 : i32 to index
        %get3A_493 = tpu.vector_load %arg9[%get3A_490, %get3A_491, %get3A_492] {strides = array<i32>} : memref<4x8x1024xf32, #tpu.memory_space<vmem>>, vector<1x1x16xf32>,
        %get3A_494 = vector.shape_cast %get3A_493 : vector<1x1x16xf32> to vector<16xf32>
        %mul3A_495 = arith.mulf %get3A_494, %gather3A_172 : vector<16xf32>
        %add3A_496 = arith.addf %add3A_485, %mul3A_495 : vector<16xf32>
        %mul3A_497 = arith.constant 16 : i32
        %mul3A_498 = arith.muli %scan3A_387, %mul3A_497 : i32
        %swap3A_499 = arith.constant 1 : i32
        %swap3A_500 = arith.index_cast %swap3A_499 : i32 to index
        %swap3A_501 = arith.index_cast %mul3A_498 : i32 to index
        %swap3A_502 = tpu.vector_load %arg10[%swap3A_500, %swap3A_501] {strides = array<i32>} : memref<8x1024xf32, #tpu.memory_space<vmem>>, vector<1x16xf32>,
        %swap3A_503 = vector.shape_cast %swap3A_502 : vector<1x16xf32> to vector<16xf32>
        %swap3A_504 = vector.shape_cast %add3A_496 : vector<16xf32> to vector<1x16xf32>
        tpu.vector_store %arg10[%swap3A_500, %swap3A_501], %swap3A_504 {strides = array<i32>} : memref<8x1024xf32, #tpu.memory_space<vmem>>, vector<1x16xf32>,
        %mul3A_505 = arith.constant 16 : i32
        %mul3A_506 = arith.muli %scan3A_387, %mul3A_505 : i32
        %get3A_507 = arith.constant 2 : i32
        %get3A_508 = arith.index_cast %get3A_507 : i32 to index
        %get3A_509 = arith.index_cast %mul3A_506 : i32 to index
        %get3A_510 = tpu.vector_load %arg10[%get3A_508, %get3A_509] {strides = array<i32>} : memref<8x1024xf32, #tpu.memory_space<vmem>>, vector<1x16xf32>,
        %get3A_511 = vector.shape_cast %get3A_510 : vector<1x16xf32> to vector<16xf32>
        %mul3A_512 = arith.constant 16 : i32
        %mul3A_513 = arith.muli %scan3A_387, %mul3A_512 : i32
        %get3A_514 = arith.constant 0 : i32
        %get3A_515 = arith.constant 2 : i32
        %get3A_516 = arith.index_cast %get3A_514 : i32 to index
        %get3A_517 = arith.index_cast %get3A_515 : i32 to index
        %get3A_518 = arith.index_cast %mul3A_513 : i32 to index
        %get3A_519 = tpu.vector_load %arg9[%get3A_516, %get3A_517, %get3A_518] {strides = array<i32>} : memref<4x8x1024xf32, #tpu.memory_space<vmem>>, vector<1x1x16xf32>,
        %get3A_520 = vector.shape_cast %get3A_519 : vector<1x1x16xf32> to vector<16xf32>
        %mul3A_521 = arith.mulf %get3A_520, %gather3A_136 : vector<16xf32>
        %add3A_522 = arith.addf %get3A_511, %mul3A_521 : vector<16xf32>
        %mul3A_523 = arith.constant 16 : i32
        %mul3A_524 = arith.muli %scan3A_387, %mul3A_523 : i32
        %get3A_525 = arith.constant 1 : i32
        %get3A_526 = arith.constant 2 : i32
        %get3A_527 = arith.index_cast %get3A_525 : i32 to index
        %get3A_528 = arith.index_cast %get3A_526 : i32 to index
        %get3A_529 = arith.index_cast %mul3A_524 : i32 to index
        %get3A_530 = tpu.vector_load %arg9[%get3A_527, %get3A_528, %get3A_529] {strides = array<i32>} : memref<4x8x1024xf32, #tpu.memory_space<vmem>>, vector<1x1x16xf32>,
        %get3A_531 = vector.shape_cast %get3A_530 : vector<1x1x16xf32> to vector<16xf32>
        %mul3A_532 = arith.mulf %get3A_531, %gather3A_148 : vector<16xf32>
        %add3A_533 = arith.addf %add3A_522, %mul3A_532 : vector<16xf32>
        %mul3A_534 = arith.constant 16 : i32
        %mul3A_535 = arith.muli %scan3A_387, %mul3A_534 : i32
        %get3A_536 = arith.constant 2 : i32
        %get3A_537 = arith.constant 2 : i32
        %get3A_538 = arith.index_cast %get3A_536 : i32 to index
        %get3A_539 = arith.index_cast %get3A_537 : i32 to index
        %get3A_540 = arith.index_cast %mul3A_535 : i32 to index
        %get3A_541 = tpu.vector_load %arg9[%get3A_538, %get3A_539, %get3A_540] {strides = array<i32>} : memref<4x8x1024xf32, #tpu.memory_space<vmem>>, vector<1x1x16xf32>,
        %get3A_542 = vector.shape_cast %get3A_541 : vector<1x1x16xf32> to vector<16xf32>
        %mul3A_543 = arith.mulf %get3A_542, %gather3A_160 : vector<16xf32>
        %add3A_544 = arith.addf %add3A_533, %mul3A_543 : vector<16xf32>
        %mul3A_545 = arith.constant 16 : i32
        %mul3A_546 = arith.muli %scan3A_387, %mul3A_545 : i32
        %get3A_547 = arith.constant 3 : i32
        %get3A_548 = arith.constant 2 : i32
        %get3A_549 = arith.index_cast %get3A_547 : i32 to index
        %get3A_550 = arith.index_cast %get3A_548 : i32 to index
        %get3A_551 = arith.index_cast %mul3A_546 : i32 to index
        %get3A_552 = tpu.vector_load %arg9[%get3A_549, %get3A_550, %get3A_551] {strides = array<i32>} : memref<4x8x1024xf32, #tpu.memory_space<vmem>>, vector<1x1x16xf32>,
        %get3A_553 = vector.shape_cast %get3A_552 : vector<1x1x16xf32> to vector<16xf32>
        %mul3A_554 = arith.mulf %get3A_553, %gather3A_172 : vector<16xf32>
        %add3A_555 = arith.addf %add3A_544, %mul3A_554 : vector<16xf32>
        %mul3A_556 = arith.constant 16 : i32
        %mul3A_557 = arith.muli %scan3A_387, %mul3A_556 : i32
        %swap3A_558 = arith.constant 2 : i32
        %swap3A_559 = arith.index_cast %swap3A_558 : i32 to index
        %swap3A_560 = arith.index_cast %mul3A_557 : i32 to index
        %swap3A_561 = tpu.vector_load %arg10[%swap3A_559, %swap3A_560] {strides = array<i32>} : memref<8x1024xf32, #tpu.memory_space<vmem>>, vector<1x16xf32>,
        %swap3A_562 = vector.shape_cast %swap3A_561 : vector<1x16xf32> to vector<16xf32>
        %swap3A_563 = vector.shape_cast %add3A_555 : vector<16xf32> to vector<1x16xf32>
        tpu.vector_store %arg10[%swap3A_559, %swap3A_560], %swap3A_563 {strides = array<i32>} : memref<8x1024xf32, #tpu.memory_space<vmem>>, vector<1x16xf32>,
        %mul3A_564 = arith.constant 16 : i32
        %mul3A_565 = arith.muli %scan3A_387, %mul3A_564 : i32
        %get3A_566 = arith.constant 3 : i32
        %get3A_567 = arith.index_cast %get3A_566 : i32 to index
        %get3A_568 = arith.index_cast %mul3A_565 : i32 to index
        %get3A_569 = tpu.vector_load %arg10[%get3A_567, %get3A_568] {strides = array<i32>} : memref<8x1024xf32, #tpu.memory_space<vmem>>, vector<1x16xf32>,
        %get3A_570 = vector.shape_cast %get3A_569 : vector<1x16xf32> to vector<16xf32>
        %mul3A_571 = arith.constant 16 : i32
        %mul3A_572 = arith.muli %scan3A_387, %mul3A_571 : i32
        %get3A_573 = arith.constant 0 : i32
        %get3A_574 = arith.constant 3 : i32
        %get3A_575 = arith.index_cast %get3A_573 : i32 to index
        %get3A_576 = arith.index_cast %get3A_574 : i32 to index
        %get3A_577 = arith.index_cast %mul3A_572 : i32 to index
        %get3A_578 = tpu.vector_load %arg9[%get3A_575, %get3A_576, %get3A_577] {strides = array<i32>} : memref<4x8x1024xf32, #tpu.memory_space<vmem>>, vector<1x1x16xf32>,
        %get3A_579 = vector.shape_cast %get3A_578 : vector<1x1x16xf32> to vector<16xf32>
        %mul3A_580 = arith.mulf %get3A_579, %gather3A_136 : vector<16xf32>
        %add3A_581 = arith.addf %get3A_570, %mul3A_580 : vector<16xf32>
        %mul3A_582 = arith.constant 16 : i32
        %mul3A_583 = arith.muli %scan3A_387, %mul3A_582 : i32
        %get3A_584 = arith.constant 1 : i32
        %get3A_585 = arith.constant 3 : i32
        %get3A_586 = arith.index_cast %get3A_584 : i32 to index
        %get3A_587 = arith.index_cast %get3A_585 : i32 to index
        %get3A_588 = arith.index_cast %mul3A_583 : i32 to index
        %get3A_589 = tpu.vector_load %arg9[%get3A_586, %get3A_587, %get3A_588] {strides = array<i32>} : memref<4x8x1024xf32, #tpu.memory_space<vmem>>, vector<1x1x16xf32>,
        %get3A_590 = vector.shape_cast %get3A_589 : vector<1x1x16xf32> to vector<16xf32>
        %mul3A_591 = arith.mulf %get3A_590, %gather3A_148 : vector<16xf32>
        %add3A_592 = arith.addf %add3A_581, %mul3A_591 : vector<16xf32>
        %mul3A_593 = arith.constant 16 : i32
        %mul3A_594 = arith.muli %scan3A_387, %mul3A_593 : i32
        %get3A_595 = arith.constant 2 : i32
        %get3A_596 = arith.constant 3 : i32
        %get3A_597 = arith.index_cast %get3A_595 : i32 to index
        %get3A_598 = arith.index_cast %get3A_596 : i32 to index
        %get3A_599 = arith.index_cast %mul3A_594 : i32 to index
        %get3A_600 = tpu.vector_load %arg9[%get3A_597, %get3A_598, %get3A_599] {strides = array<i32>} : memref<4x8x1024xf32, #tpu.memory_space<vmem>>, vector<1x1x16xf32>,
        %get3A_601 = vector.shape_cast %get3A_600 : vector<1x1x16xf32> to vector<16xf32>
        %mul3A_602 = arith.mulf %get3A_601, %gather3A_160 : vector<16xf32>
        %add3A_603 = arith.addf %add3A_592, %mul3A_602 : vector<16xf32>
        %mul3A_604 = arith.constant 16 : i32
        %mul3A_605 = arith.muli %scan3A_387, %mul3A_604 : i32
        %get3A_606 = arith.constant 3 : i32
        %get3A_607 = arith.constant 3 : i32
        %get3A_608 = arith.index_cast %get3A_606 : i32 to index
        %get3A_609 = arith.index_cast %get3A_607 : i32 to index
        %get3A_610 = arith.index_cast %mul3A_605 : i32 to index
        %get3A_611 = tpu.vector_load %arg9[%get3A_608, %get3A_609, %get3A_610] {strides = array<i32>} : memref<4x8x1024xf32, #tpu.memory_space<vmem>>, vector<1x1x16xf32>,
        %get3A_612 = vector.shape_cast %get3A_611 : vector<1x1x16xf32> to vector<16xf32>
        %mul3A_613 = arith.mulf %get3A_612, %gather3A_172 : vector<16xf32>
        %add3A_614 = arith.addf %add3A_603, %mul3A_613 : vector<16xf32>
        %mul3A_615 = arith.constant 16 : i32
        %mul3A_616 = arith.muli %scan3A_387, %mul3A_615 : i32
        %swap3A_617 = arith.constant 3 : i32
        %swap3A_618 = arith.index_cast %swap3A_617 : i32 to index
        %swap3A_619 = arith.index_cast %mul3A_616 : i32 to index
        %swap3A_620 = tpu.vector_load %arg10[%swap3A_618, %swap3A_619] {strides = array<i32>} : memref<8x1024xf32, #tpu.memory_space<vmem>>, vector<1x16xf32>,
        %swap3A_621 = vector.shape_cast %swap3A_620 : vector<1x16xf32> to vector<16xf32>
        %swap3A_622 = vector.shape_cast %add3A_614 : vector<16xf32> to vector<1x16xf32>
        tpu.vector_store %arg10[%swap3A_618, %swap3A_619], %swap3A_622 {strides = array<i32>} : memref<8x1024xf32, #tpu.memory_space<vmem>>, vector<1x16xf32>,
        %mul3A_623 = arith.constant 16 : i32
        %mul3A_624 = arith.muli %scan3A_387, %mul3A_623 : i32
        %get3A_625 = arith.constant 4 : i32
        %get3A_626 = arith.index_cast %get3A_625 : i32 to index
        %get3A_627 = arith.index_cast %mul3A_624 : i32 to index
        %get3A_628 = tpu.vector_load %arg10[%get3A_626, %get3A_627] {strides = array<i32>} : memref<8x1024xf32, #tpu.memory_space<vmem>>, vector<1x16xf32>,
        %get3A_629 = vector.shape_cast %get3A_628 : vector<1x16xf32> to vector<16xf32>
        %mul3A_630 = arith.constant 16 : i32
        %mul3A_631 = arith.muli %scan3A_387, %mul3A_630 : i32
        %get3A_632 = arith.constant 0 : i32
        %get3A_633 = arith.constant 4 : i32
        %get3A_634 = arith.index_cast %get3A_632 : i32 to index
        %get3A_635 = arith.index_cast %get3A_633 : i32 to index
        %get3A_636 = arith.index_cast %mul3A_631 : i32 to index
        %get3A_637 = tpu.vector_load %arg9[%get3A_634, %get3A_635, %get3A_636] {strides = array<i32>} : memref<4x8x1024xf32, #tpu.memory_space<vmem>>, vector<1x1x16xf32>,
        %get3A_638 = vector.shape_cast %get3A_637 : vector<1x1x16xf32> to vector<16xf32>
        %mul3A_639 = arith.mulf %get3A_638, %gather3A_136 : vector<16xf32>
        %add3A_640 = arith.addf %get3A_629, %mul3A_639 : vector<16xf32>
        %mul3A_641 = arith.constant 16 : i32
        %mul3A_642 = arith.muli %scan3A_387, %mul3A_641 : i32
        %get3A_643 = arith.constant 1 : i32
        %get3A_644 = arith.constant 4 : i32
        %get3A_645 = arith.index_cast %get3A_643 : i32 to index
        %get3A_646 = arith.index_cast %get3A_644 : i32 to index
        %get3A_647 = arith.index_cast %mul3A_642 : i32 to index
        %get3A_648 = tpu.vector_load %arg9[%get3A_645, %get3A_646, %get3A_647] {strides = array<i32>} : memref<4x8x1024xf32, #tpu.memory_space<vmem>>, vector<1x1x16xf32>,
        %get3A_649 = vector.shape_cast %get3A_648 : vector<1x1x16xf32> to vector<16xf32>
        %mul3A_650 = arith.mulf %get3A_649, %gather3A_148 : vector<16xf32>
        %add3A_651 = arith.addf %add3A_640, %mul3A_650 : vector<16xf32>
        %mul3A_652 = arith.constant 16 : i32
        %mul3A_653 = arith.muli %scan3A_387, %mul3A_652 : i32
        %get3A_654 = arith.constant 2 : i32
        %get3A_655 = arith.constant 4 : i32
        %get3A_656 = arith.index_cast %get3A_654 : i32 to index
        %get3A_657 = arith.index_cast %get3A_655 : i32 to index
        %get3A_658 = arith.index_cast %mul3A_653 : i32 to index
        %get3A_659 = tpu.vector_load %arg9[%get3A_656, %get3A_657, %get3A_658] {strides = array<i32>} : memref<4x8x1024xf32, #tpu.memory_space<vmem>>, vector<1x1x16xf32>,
        %get3A_660 = vector.shape_cast %get3A_659 : vector<1x1x16xf32> to vector<16xf32>
        %mul3A_661 = arith.mulf %get3A_660, %gather3A_160 : vector<16xf32>
        %add3A_662 = arith.addf %add3A_651, %mul3A_661 : vector<16xf32>
        %mul3A_663 = arith.constant 16 : i32
        %mul3A_664 = arith.muli %scan3A_387, %mul3A_663 : i32
        %get3A_665 = arith.constant 3 : i32
        %get3A_666 = arith.constant 4 : i32
        %get3A_667 = arith.index_cast %get3A_665 : i32 to index
        %get3A_668 = arith.index_cast %get3A_666 : i32 to index
        %get3A_669 = arith.index_cast %mul3A_664 : i32 to index
        %get3A_670 = tpu.vector_load %arg9[%get3A_667, %get3A_668, %get3A_669] {strides = array<i32>} : memref<4x8x1024xf32, #tpu.memory_space<vmem>>, vector<1x1x16xf32>,
        %get3A_671 = vector.shape_cast %get3A_670 : vector<1x1x16xf32> to vector<16xf32>
        %mul3A_672 = arith.mulf %get3A_671, %gather3A_172 : vector<16xf32>
        %add3A_673 = arith.addf %add3A_662, %mul3A_672 : vector<16xf32>
        %mul3A_674 = arith.constant 16 : i32
        %mul3A_675 = arith.muli %scan3A_387, %mul3A_674 : i32
        %swap3A_676 = arith.constant 4 : i32
        %swap3A_677 = arith.index_cast %swap3A_676 : i32 to index
        %swap3A_678 = arith.index_cast %mul3A_675 : i32 to index
        %swap3A_679 = tpu.vector_load %arg10[%swap3A_677, %swap3A_678] {strides = array<i32>} : memref<8x1024xf32, #tpu.memory_space<vmem>>, vector<1x16xf32>,
        %swap3A_680 = vector.shape_cast %swap3A_679 : vector<1x16xf32> to vector<16xf32>
        %swap3A_681 = vector.shape_cast %add3A_673 : vector<16xf32> to vector<1x16xf32>
        tpu.vector_store %arg10[%swap3A_677, %swap3A_678], %swap3A_681 {strides = array<i32>} : memref<8x1024xf32, #tpu.memory_space<vmem>>, vector<1x16xf32>,
        %mul3A_682 = arith.constant 16 : i32
        %mul3A_683 = arith.muli %scan3A_387, %mul3A_682 : i32
        %get3A_684 = arith.constant 5 : i32
        %get3A_685 = arith.index_cast %get3A_684 : i32 to index
        %get3A_686 = arith.index_cast %mul3A_683 : i32 to index
        %get3A_687 = tpu.vector_load %arg10[%get3A_685, %get3A_686] {strides = array<i32>} : memref<8x1024xf32, #tpu.memory_space<vmem>>, vector<1x16xf32>,
        %get3A_688 = vector.shape_cast %get3A_687 : vector<1x16xf32> to vector<16xf32>
        %mul3A_689 = arith.constant 16 : i32
        %mul3A_690 = arith.muli %scan3A_387, %mul3A_689 : i32
        %get3A_691 = arith.constant 0 : i32
        %get3A_692 = arith.constant 5 : i32
        %get3A_693 = arith.index_cast %get3A_691 : i32 to index
        %get3A_694 = arith.index_cast %get3A_692 : i32 to index
        %get3A_695 = arith.index_cast %mul3A_690 : i32 to index
        %get3A_696 = tpu.vector_load %arg9[%get3A_693, %get3A_694, %get3A_695] {strides = array<i32>} : memref<4x8x1024xf32, #tpu.memory_space<vmem>>, vector<1x1x16xf32>,
        %get3A_697 = vector.shape_cast %get3A_696 : vector<1x1x16xf32> to vector<16xf32>
        %mul3A_698 = arith.mulf %get3A_697, %gather3A_136 : vector<16xf32>
        %add3A_699 = arith.addf %get3A_688, %mul3A_698 : vector<16xf32>
        %mul3A_700 = arith.constant 16 : i32
        %mul3A_701 = arith.muli %scan3A_387, %mul3A_700 : i32
        %get3A_702 = arith.constant 1 : i32
        %get3A_703 = arith.constant 5 : i32
        %get3A_704 = arith.index_cast %get3A_702 : i32 to index
        %get3A_705 = arith.index_cast %get3A_703 : i32 to index
        %get3A_706 = arith.index_cast %mul3A_701 : i32 to index
        %get3A_707 = tpu.vector_load %arg9[%get3A_704, %get3A_705, %get3A_706] {strides = array<i32>} : memref<4x8x1024xf32, #tpu.memory_space<vmem>>, vector<1x1x16xf32>,
        %get3A_708 = vector.shape_cast %get3A_707 : vector<1x1x16xf32> to vector<16xf32>
        %mul3A_709 = arith.mulf %get3A_708, %gather3A_148 : vector<16xf32>
        %add3A_710 = arith.addf %add3A_699, %mul3A_709 : vector<16xf32>
        %mul3A_711 = arith.constant 16 : i32
        %mul3A_712 = arith.muli %scan3A_387, %mul3A_711 : i32
        %get3A_713 = arith.constant 2 : i32
        %get3A_714 = arith.constant 5 : i32
        %get3A_715 = arith.index_cast %get3A_713 : i32 to index
        %get3A_716 = arith.index_cast %get3A_714 : i32 to index
        %get3A_717 = arith.index_cast %mul3A_712 : i32 to index
        %get3A_718 = tpu.vector_load %arg9[%get3A_715, %get3A_716, %get3A_717] {strides = array<i32>} : memref<4x8x1024xf32, #tpu.memory_space<vmem>>, vector<1x1x16xf32>,
        %get3A_719 = vector.shape_cast %get3A_718 : vector<1x1x16xf32> to vector<16xf32>
        %mul3A_720 = arith.mulf %get3A_719, %gather3A_160 : vector<16xf32>
        %add3A_721 = arith.addf %add3A_710, %mul3A_720 : vector<16xf32>
        %mul3A_722 = arith.constant 16 : i32
        %mul3A_723 = arith.muli %scan3A_387, %mul3A_722 : i32
        %get3A_724 = arith.constant 3 : i32
        %get3A_725 = arith.constant 5 : i32
        %get3A_726 = arith.index_cast %get3A_724 : i32 to index
        %get3A_727 = arith.index_cast %get3A_725 : i32 to index
        %get3A_728 = arith.index_cast %mul3A_723 : i32 to index
        %get3A_729 = tpu.vector_load %arg9[%get3A_726, %get3A_727, %get3A_728] {strides = array<i32>} : memref<4x8x1024xf32, #tpu.memory_space<vmem>>, vector<1x1x16xf32>,
        %get3A_730 = vector.shape_cast %get3A_729 : vector<1x1x16xf32> to vector<16xf32>
        %mul3A_731 = arith.mulf %get3A_730, %gather3A_172 : vector<16xf32>
        %add3A_732 = arith.addf %add3A_721, %mul3A_731 : vector<16xf32>
        %mul3A_733 = arith.constant 16 : i32
        %mul3A_734 = arith.muli %scan3A_387, %mul3A_733 : i32
        %swap3A_735 = arith.constant 5 : i32
        %swap3A_736 = arith.index_cast %swap3A_735 : i32 to index
        %swap3A_737 = arith.index_cast %mul3A_734 : i32 to index
        %swap3A_738 = tpu.vector_load %arg10[%swap3A_736, %swap3A_737] {strides = array<i32>} : memref<8x1024xf32, #tpu.memory_space<vmem>>, vector<1x16xf32>,
        %swap3A_739 = vector.shape_cast %swap3A_738 : vector<1x16xf32> to vector<16xf32>
        %swap3A_740 = vector.shape_cast %add3A_732 : vector<16xf32> to vector<1x16xf32>
        tpu.vector_store %arg10[%swap3A_736, %swap3A_737], %swap3A_740 {strides = array<i32>} : memref<8x1024xf32, #tpu.memory_space<vmem>>, vector<1x16xf32>,
        %mul3A_741 = arith.constant 16 : i32
        %mul3A_742 = arith.muli %scan3A_387, %mul3A_741 : i32
        %get3A_743 = arith.constant 6 : i32
        %get3A_744 = arith.index_cast %get3A_743 : i32 to index
        %get3A_745 = arith.index_cast %mul3A_742 : i32 to index
        %get3A_746 = tpu.vector_load %arg10[%get3A_744, %get3A_745] {strides = array<i32>} : memref<8x1024xf32, #tpu.memory_space<vmem>>, vector<1x16xf32>,
        %get3A_747 = vector.shape_cast %get3A_746 : vector<1x16xf32> to vector<16xf32>
        %mul3A_748 = arith.constant 16 : i32
        %mul3A_749 = arith.muli %scan3A_387, %mul3A_748 : i32
        %get3A_750 = arith.constant 0 : i32
        %get3A_751 = arith.constant 6 : i32
        %get3A_752 = arith.index_cast %get3A_750 : i32 to index
        %get3A_753 = arith.index_cast %get3A_751 : i32 to index
        %get3A_754 = arith.index_cast %mul3A_749 : i32 to index
        %get3A_755 = tpu.vector_load %arg9[%get3A_752, %get3A_753, %get3A_754] {strides = array<i32>} : memref<4x8x1024xf32, #tpu.memory_space<vmem>>, vector<1x1x16xf32>,
        %get3A_756 = vector.shape_cast %get3A_755 : vector<1x1x16xf32> to vector<16xf32>
        %mul3A_757 = arith.mulf %get3A_756, %gather3A_136 : vector<16xf32>
        %add3A_758 = arith.addf %get3A_747, %mul3A_757 : vector<16xf32>
        %mul3A_759 = arith.constant 16 : i32
        %mul3A_760 = arith.muli %scan3A_387, %mul3A_759 : i32
        %get3A_761 = arith.constant 1 : i32
        %get3A_762 = arith.constant 6 : i32
        %get3A_763 = arith.index_cast %get3A_761 : i32 to index
        %get3A_764 = arith.index_cast %get3A_762 : i32 to index
        %get3A_765 = arith.index_cast %mul3A_760 : i32 to index
        %get3A_766 = tpu.vector_load %arg9[%get3A_763, %get3A_764, %get3A_765] {strides = array<i32>} : memref<4x8x1024xf32, #tpu.memory_space<vmem>>, vector<1x1x16xf32>,
        %get3A_767 = vector.shape_cast %get3A_766 : vector<1x1x16xf32> to vector<16xf32>
        %mul3A_768 = arith.mulf %get3A_767, %gather3A_148 : vector<16xf32>
        %add3A_769 = arith.addf %add3A_758, %mul3A_768 : vector<16xf32>
        %mul3A_770 = arith.constant 16 : i32
        %mul3A_771 = arith.muli %scan3A_387, %mul3A_770 : i32
        %get3A_772 = arith.constant 2 : i32
        %get3A_773 = arith.constant 6 : i32
        %get3A_774 = arith.index_cast %get3A_772 : i32 to index
        %get3A_775 = arith.index_cast %get3A_773 : i32 to index
        %get3A_776 = arith.index_cast %mul3A_771 : i32 to index
        %get3A_777 = tpu.vector_load %arg9[%get3A_774, %get3A_775, %get3A_776] {strides = array<i32>} : memref<4x8x1024xf32, #tpu.memory_space<vmem>>, vector<1x1x16xf32>,
        %get3A_778 = vector.shape_cast %get3A_777 : vector<1x1x16xf32> to vector<16xf32>
        %mul3A_779 = arith.mulf %get3A_778, %gather3A_160 : vector<16xf32>
        %add3A_780 = arith.addf %add3A_769, %mul3A_779 : vector<16xf32>
        %mul3A_781 = arith.constant 16 : i32
        %mul3A_782 = arith.muli %scan3A_387, %mul3A_781 : i32
        %get3A_783 = arith.constant 3 : i32
        %get3A_784 = arith.constant 6 : i32
        %get3A_785 = arith.index_cast %get3A_783 : i32 to index
        %get3A_786 = arith.index_cast %get3A_784 : i32 to index
        %get3A_787 = arith.index_cast %mul3A_782 : i32 to index
        %get3A_788 = tpu.vector_load %arg9[%get3A_785, %get3A_786, %get3A_787] {strides = array<i32>} : memref<4x8x1024xf32, #tpu.memory_space<vmem>>, vector<1x1x16xf32>,
        %get3A_789 = vector.shape_cast %get3A_788 : vector<1x1x16xf32> to vector<16xf32>
        %mul3A_790 = arith.mulf %get3A_789, %gather3A_172 : vector<16xf32>
        %add3A_791 = arith.addf %add3A_780, %mul3A_790 : vector<16xf32>
        %mul3A_792 = arith.constant 16 : i32
        %mul3A_793 = arith.muli %scan3A_387, %mul3A_792 : i32
        %swap3A_794 = arith.constant 6 : i32
        %swap3A_795 = arith.index_cast %swap3A_794 : i32 to index
        %swap3A_796 = arith.index_cast %mul3A_793 : i32 to index
        %swap3A_797 = tpu.vector_load %arg10[%swap3A_795, %swap3A_796] {strides = array<i32>} : memref<8x1024xf32, #tpu.memory_space<vmem>>, vector<1x16xf32>,
        %swap3A_798 = vector.shape_cast %swap3A_797 : vector<1x16xf32> to vector<16xf32>
        %swap3A_799 = vector.shape_cast %add3A_791 : vector<16xf32> to vector<1x16xf32>
        tpu.vector_store %arg10[%swap3A_795, %swap3A_796], %swap3A_799 {strides = array<i32>} : memref<8x1024xf32, #tpu.memory_space<vmem>>, vector<1x16xf32>,
        %mul3A_800 = arith.constant 16 : i32
        %mul3A_801 = arith.muli %scan3A_387, %mul3A_800 : i32
        %get3A_802 = arith.constant 7 : i32
        %get3A_803 = arith.index_cast %get3A_802 : i32 to index
        %get3A_804 = arith.index_cast %mul3A_801 : i32 to index
        %get3A_805 = tpu.vector_load %arg10[%get3A_803, %get3A_804] {strides = array<i32>} : memref<8x1024xf32, #tpu.memory_space<vmem>>, vector<1x16xf32>,
        %get3A_806 = vector.shape_cast %get3A_805 : vector<1x16xf32> to vector<16xf32>
        %mul3A_807 = arith.constant 16 : i32
        %mul3A_808 = arith.muli %scan3A_387, %mul3A_807 : i32
        %get3A_809 = arith.constant 0 : i32
        %get3A_810 = arith.constant 7 : i32
        %get3A_811 = arith.index_cast %get3A_809 : i32 to index
        %get3A_812 = arith.index_cast %get3A_810 : i32 to index
        %get3A_813 = arith.index_cast %mul3A_808 : i32 to index
        %get3A_814 = tpu.vector_load %arg9[%get3A_811, %get3A_812, %get3A_813] {strides = array<i32>} : memref<4x8x1024xf32, #tpu.memory_space<vmem>>, vector<1x1x16xf32>,
        %get3A_815 = vector.shape_cast %get3A_814 : vector<1x1x16xf32> to vector<16xf32>
        %mul3A_816 = arith.mulf %get3A_815, %gather3A_136 : vector<16xf32>
        %add3A_817 = arith.addf %get3A_806, %mul3A_816 : vector<16xf32>
        %mul3A_818 = arith.constant 16 : i32
        %mul3A_819 = arith.muli %scan3A_387, %mul3A_818 : i32
        %get3A_820 = arith.constant 1 : i32
        %get3A_821 = arith.constant 7 : i32
        %get3A_822 = arith.index_cast %get3A_820 : i32 to index
        %get3A_823 = arith.index_cast %get3A_821 : i32 to index
        %get3A_824 = arith.index_cast %mul3A_819 : i32 to index
        %get3A_825 = tpu.vector_load %arg9[%get3A_822, %get3A_823, %get3A_824] {strides = array<i32>} : memref<4x8x1024xf32, #tpu.memory_space<vmem>>, vector<1x1x16xf32>,
        %get3A_826 = vector.shape_cast %get3A_825 : vector<1x1x16xf32> to vector<16xf32>
        %mul3A_827 = arith.mulf %get3A_826, %gather3A_148 : vector<16xf32>
        %add3A_828 = arith.addf %add3A_817, %mul3A_827 : vector<16xf32>
        %mul3A_829 = arith.constant 16 : i32
        %mul3A_830 = arith.muli %scan3A_387, %mul3A_829 : i32
        %get3A_831 = arith.constant 2 : i32
        %get3A_832 = arith.constant 7 : i32
        %get3A_833 = arith.index_cast %get3A_831 : i32 to index
        %get3A_834 = arith.index_cast %get3A_832 : i32 to index
        %get3A_835 = arith.index_cast %mul3A_830 : i32 to index
        %get3A_836 = tpu.vector_load %arg9[%get3A_833, %get3A_834, %get3A_835] {strides = array<i32>} : memref<4x8x1024xf32, #tpu.memory_space<vmem>>, vector<1x1x16xf32>,
        %get3A_837 = vector.shape_cast %get3A_836 : vector<1x1x16xf32> to vector<16xf32>
        %mul3A_838 = arith.mulf %get3A_837, %gather3A_160 : vector<16xf32>
        %add3A_839 = arith.addf %add3A_828, %mul3A_838 : vector<16xf32>
        %mul3A_840 = arith.constant 16 : i32
        %mul3A_841 = arith.muli %scan3A_387, %mul3A_840 : i32
        %get3A_842 = arith.constant 3 : i32
        %get3A_843 = arith.constant 7 : i32
        %get3A_844 = arith.index_cast %get3A_842 : i32 to index
        %get3A_845 = arith.index_cast %get3A_843 : i32 to index
        %get3A_846 = arith.index_cast %mul3A_841 : i32 to index
        %get3A_847 = tpu.vector_load %arg9[%get3A_844, %get3A_845, %get3A_846] {strides = array<i32>} : memref<4x8x1024xf32, #tpu.memory_space<vmem>>, vector<1x1x16xf32>,
        %get3A_848 = vector.shape_cast %get3A_847 : vector<1x1x16xf32> to vector<16xf32>
        %mul3A_849 = arith.mulf %get3A_848, %gather3A_172 : vector<16xf32>
        %add3A_850 = arith.addf %add3A_839, %mul3A_849 : vector<16xf32>
        %mul3A_851 = arith.constant 16 : i32
        %mul3A_852 = arith.muli %scan3A_387, %mul3A_851 : i32
        %swap3A_853 = arith.constant 7 : i32
        %swap3A_854 = arith.index_cast %swap3A_853 : i32 to index
        %swap3A_855 = arith.index_cast %mul3A_852 : i32 to index
        %swap3A_856 = tpu.vector_load %arg10[%swap3A_854, %swap3A_855] {strides = array<i32>} : memref<8x1024xf32, #tpu.memory_space<vmem>>, vector<1x16xf32>,
        %swap3A_857 = vector.shape_cast %swap3A_856 : vector<1x16xf32> to vector<16xf32>
        %swap3A_858 = vector.shape_cast %add3A_850 : vector<16xf32> to vector<1x16xf32>
        tpu.vector_store %arg10[%swap3A_854, %swap3A_855], %swap3A_858 {strides = array<i32>} : memref<8x1024xf32, #tpu.memory_space<vmem>>, vector<1x16xf32>,
      }
      %scan3A_213 = arith.constant 64 : i32
      %dma_start3A_214 = arith.constant 8 : i32
      %dma_start3A_215 = tpu.memref_slice %arg6[%add3A_74, %dma_start3A_214] : memref<16x16xi32, #tpu.memory_space<vmem>> -> memref<1x4xi32, #tpu.memory_space<vmem>>
      %dma_start3A_216 = tpu.memref_squeeze %dma_start3A_215 : memref<1x4xi32, #tpu.memory_space<vmem>> -> memref<4xi32, #tpu.memory_space<vmem>>
      %dma_start3A_217 = arith.constant 0 : i32
      %dma_start3A_218 = arith.constant 0 : i32
      %dma_start3A_219 = arith.constant 0 : i32
      %dma_start3A_220 = tpu.memref_slice %arg2[%dma_start3A_217, %dma_start3A_218, %dma_start3A_219] : memref<8192x8x1024xf32, #tpu.memory_space<hbm>> -> memref<8192x8x1024xf32, #tpu.memory_space<hbm>>
      tpu.enqueue_indirect_dma source(%dma_start3A_220 : memref<8192x8x1024xf32, #tpu.memory_space<hbm>>) target(%arg9 : memref<4x8x1024xf32, #tpu.memory_space<vmem>>) offsets(%dma_start3A_216 : memref<4xi32, #tpu.memory_space<vmem>>) semaphore(%arg13 : memref<!tpu.dma_semaphore, #tpu.memory_space<semaphore_mem>>)
      %add3A_221 = arith.addi %mul3A_2, %mul3A_72 : i32
      %dma_start3A_222 = arith.constant 0 : i32
      %dma_start3A_223 = arith.constant 0 : i32
      %dma_start3A_224 = tpu.memref_slice %arg5[%add3A_221, %dma_start3A_222, %dma_start3A_223] : memref<512x8x1024xf32, #tpu.memory_space<hbm>> -> memref<1x8x1024xf32, #tpu.memory_space<hbm>>
      %dma_start3A_225 = tpu.memref_squeeze %dma_start3A_224 : memref<1x8x1024xf32, #tpu.memory_space<hbm>> -> memref<8x1024xf32, #tpu.memory_space<hbm>>
      %dma_start3A_226 = arith.constant 0 : i32
      %dma_start3A_227 = arith.constant 0 : i32
      %dma_start3A_228 = tpu.memref_slice %arg5[%add3A_221, %dma_start3A_226, %dma_start3A_227] : memref<512x8x1024xf32, #tpu.memory_space<hbm>> -> memref<1x8x1024xf32, #tpu.memory_space<hbm>>
      %dma_start3A_229 = tpu.memref_squeeze %dma_start3A_228 : memref<1x8x1024xf32, #tpu.memory_space<hbm>> -> memref<8x1024xf32, #tpu.memory_space<hbm>>
      tpu.enqueue_dma source(%arg10 : memref<8x1024xf32, #tpu.memory_space<vmem>>) target(%dma_start3A_229 : memref<8x1024xf32, #tpu.memory_space<hbm>>) target_semaphore(%arg14 : memref<!tpu.dma_semaphore, #tpu.memory_space<semaphore_mem>>)
      %get3A_230 = arith.index_cast %add3A_74 : i32 to index
      %get3A_231 = arith.constant 0 : index
      %get3A_232 = tpu.vector_load %arg7[%get3A_230, %get3A_231] {strides = array<i32>} : memref<16x16xf32, #tpu.memory_space<vmem>>, vector<1x16xf32>,
      %get3A_233 = vector.shape_cast %get3A_232 : vector<1x16xf32> to vector<16xf32>
      %broadcast_in_dim3A_234 = arith.constant 0 : i32
      %broadcast_in_dim3A_235 = vector.broadcast %broadcast_in_dim3A_234 : i32 to vector<16xi32>
      %lt3A_236 = arith.constant 0 : i32
      %lt3A_237 = vector.broadcast %lt3A_236 : i32 to vector<16xi32>
      %lt3A_238 = arith.cmpi slt, %broadcast_in_dim3A_235, %lt3A_237 : vector<16xi32>
      %add3A_239 = arith.constant 16 : i32
      %add3A_240 = vector.broadcast %add3A_239 : i32 to vector<16xi32>
      %add3A_241 = arith.addi %broadcast_in_dim3A_235, %add3A_240 : vector<16xi32>
      %select_n3A_242 = arith.select %lt3A_238, %add3A_241, %broadcast_in_dim3A_235 : vector<16xi1>, vector<16xi32>
      %broadcast_in_dim3A_243 = vector.shape_cast %select_n3A_242 : vector<16xi32> to vector<16x1xi32>
      %gather3A_244 = vector.shape_cast %broadcast_in_dim3A_243 : vector<16x1xi32> to vector<16xi32>
      %gather3A_245 = tpu.dynamic_gather %get3A_233[%gather3A_244] in [0] : vector<16xf32>, vector<16xi32> -> vector<16xf32>
      %broadcast_in_dim3A_246 = arith.constant 1 : i32
      %broadcast_in_dim3A_247 = vector.broadcast %broadcast_in_dim3A_246 : i32 to vector<16xi32>
      %lt3A_248 = arith.constant 0 : i32
      %lt3A_249 = vector.broadcast %lt3A_248 : i32 to vector<16xi32>
      %lt3A_250 = arith.cmpi slt, %broadcast_in_dim3A_247, %lt3A_249 : vector<16xi32>
      %add3A_251 = arith.constant 16 : i32
      %add3A_252 = vector.broadcast %add3A_251 : i32 to vector<16xi32>
      %add3A_253 = arith.addi %broadcast_in_dim3A_247, %add3A_252 : vector<16xi32>
      %select_n3A_254 = arith.select %lt3A_250, %add3A_253, %broadcast_in_dim3A_247 : vector<16xi1>, vector<16xi32>
      %broadcast_in_dim3A_255 = vector.shape_cast %select_n3A_254 : vector<16xi32> to vector<16x1xi32>
      %gather3A_256 = vector.shape_cast %broadcast_in_dim3A_255 : vector<16x1xi32> to vector<16xi32>
      %gather3A_257 = tpu.dynamic_gather %get3A_233[%gather3A_256] in [0] : vector<16xf32>, vector<16xi32> -> vector<16xf32>
      %broadcast_in_dim3A_258 = arith.constant 2 : i32
      %broadcast_in_dim3A_259 = vector.broadcast %broadcast_in_dim3A_258 : i32 to vector<16xi32>
      %lt3A_260 = arith.constant 0 : i32
      %lt3A_261 = vector.broadcast %lt3A_260 : i32 to vector<16xi32>
      %lt3A_262 = arith.cmpi slt, %broadcast_in_dim3A_259, %lt3A_261 : vector<16xi32>
      %add3A_263 = arith.constant 16 : i32
      %add3A_264 = vector.broadcast %add3A_263 : i32 to vector<16xi32>
      %add3A_265 = arith.addi %broadcast_in_dim3A_259, %add3A_264 : vector<16xi32>
      %select_n3A_266 = arith.select %lt3A_262, %add3A_265, %broadcast_in_dim3A_259 : vector<16xi1>, vector<16xi32>
      %broadcast_in_dim3A_267 = vector.shape_cast %select_n3A_266 : vector<16xi32> to vector<16x1xi32>
      %gather3A_268 = vector.shape_cast %broadcast_in_dim3A_267 : vector<16x1xi32> to vector<16xi32>
      %gather3A_269 = tpu.dynamic_gather %get3A_233[%gather3A_268] in [0] : vector<16xf32>, vector<16xi32> -> vector<16xf32>
      %broadcast_in_dim3A_270 = arith.constant 3 : i32
      %broadcast_in_dim3A_271 = vector.broadcast %broadcast_in_dim3A_270 : i32 to vector<16xi32>
      %lt3A_272 = arith.constant 0 : i32
      %lt3A_273 = vector.broadcast %lt3A_272 : i32 to vector<16xi32>
      %lt3A_274 = arith.cmpi slt, %broadcast_in_dim3A_271, %lt3A_273 : vector<16xi32>
      %add3A_275 = arith.constant 16 : i32
      %add3A_276 = vector.broadcast %add3A_275 : i32 to vector<16xi32>
      %add3A_277 = arith.addi %broadcast_in_dim3A_271, %add3A_276 : vector<16xi32>
      %select_n3A_278 = arith.select %lt3A_274, %add3A_277, %broadcast_in_dim3A_271 : vector<16xi1>, vector<16xi32>
      %broadcast_in_dim3A_279 = vector.shape_cast %select_n3A_278 : vector<16xi32> to vector<16x1xi32>
      %gather3A_280 = vector.shape_cast %broadcast_in_dim3A_279 : vector<16x1xi32> to vector<16xi32>
      %gather3A_281 = tpu.dynamic_gather %get3A_233[%gather3A_280] in [0] : vector<16xf32>, vector<16xi32> -> vector<16xf32>
      %broadcast_in_dim3A_282 = arith.constant 4 : i32
      %broadcast_in_dim3A_283 = vector.broadcast %broadcast_in_dim3A_282 : i32 to vector<16xi32>
      %lt3A_284 = arith.constant 0 : i32
      %lt3A_285 = vector.broadcast %lt3A_284 : i32 to vector<16xi32>
      %lt3A_286 = arith.cmpi slt, %broadcast_in_dim3A_283, %lt3A_285 : vector<16xi32>
      %add3A_287 = arith.constant 16 : i32
      %add3A_288 = vector.broadcast %add3A_287 : i32 to vector<16xi32>
      %add3A_289 = arith.addi %broadcast_in_dim3A_283, %add3A_288 : vector<16xi32>
      %select_n3A_290 = arith.select %lt3A_286, %add3A_289, %broadcast_in_dim3A_283 : vector<16xi1>, vector<16xi32>
      %broadcast_in_dim3A_291 = vector.shape_cast %select_n3A_290 : vector<16xi32> to vector<16x1xi32>
      %gather3A_292 = vector.shape_cast %broadcast_in_dim3A_291 : vector<16x1xi32> to vector<16xi32>
      %gather3A_293 = tpu.dynamic_gather %get3A_233[%gather3A_292] in [0] : vector<16xf32>, vector<16xi32> -> vector<16xf32>
      %broadcast_in_dim3A_294 = arith.constant 5 : i32
      %broadcast_in_dim3A_295 = vector.broadcast %broadcast_in_dim3A_294 : i32 to vector<16xi32>
      %lt3A_296 = arith.constant 0 : i32
      %lt3A_297 = vector.broadcast %lt3A_296 : i32 to vector<16xi32>
      %lt3A_298 = arith.cmpi slt, %broadcast_in_dim3A_295, %lt3A_297 : vector<16xi32>
      %add3A_299 = arith.constant 16 : i32
      %add3A_300 = vector.broadcast %add3A_299 : i32 to vector<16xi32>
      %add3A_301 = arith.addi %broadcast_in_dim3A_295, %add3A_300 : vector<16xi32>
      %select_n3A_302 = arith.select %lt3A_298, %add3A_301, %broadcast_in_dim3A_295 : vector<16xi1>, vector<16xi32>
      %broadcast_in_dim3A_303 = vector.shape_cast %select_n3A_302 : vector<16xi32> to vector<16x1xi32>
      %gather3A_304 = vector.shape_cast %broadcast_in_dim3A_303 : vector<16x1xi32> to vector<16xi32>
      %gather3A_305 = tpu.dynamic_gather %get3A_233[%gather3A_304] in [0] : vector<16xf32>, vector<16xi32> -> vector<16xf32>
      %broadcast_in_dim3A_306 = arith.constant 6 : i32
      %broadcast_in_dim3A_307 = vector.broadcast %broadcast_in_dim3A_306 : i32 to vector<16xi32>
      %lt3A_308 = arith.constant 0 : i32
      %lt3A_309 = vector.broadcast %lt3A_308 : i32 to vector<16xi32>
      %lt3A_310 = arith.cmpi slt, %broadcast_in_dim3A_307, %lt3A_309 : vector<16xi32>
      %add3A_311 = arith.constant 16 : i32
      %add3A_312 = vector.broadcast %add3A_311 : i32 to vector<16xi32>
      %add3A_313 = arith.addi %broadcast_in_dim3A_307, %add3A_312 : vector<16xi32>
      %select_n3A_314 = arith.select %lt3A_310, %add3A_313, %broadcast_in_dim3A_307 : vector<16xi1>, vector<16xi32>
      %broadcast_in_dim3A_315 = vector.shape_cast %select_n3A_314 : vector<16xi32> to vector<16x1xi32>
      %gather3A_316 = vector.shape_cast %broadcast_in_dim3A_315 : vector<16x1xi32> to vector<16xi32>
      %gather3A_317 = tpu.dynamic_gather %get3A_233[%gather3A_316] in [0] : vector<16xf32>, vector<16xi32> -> vector<16xf32>
      %broadcast_in_dim3A_318 = arith.constant 7 : i32
      %broadcast_in_dim3A_319 = vector.broadcast %broadcast_in_dim3A_318 : i32 to vector<16xi32>
      %lt3A_320 = arith.constant 0 : i32
      %lt3A_321 = vector.broadcast %lt3A_320 : i32 to vector<16xi32>
      %lt3A_322 = arith.cmpi slt, %broadcast_in_dim3A_319, %lt3A_321 : vector<16xi32>
      %add3A_323 = arith.constant 16 : i32
      %add3A_324 = vector.broadcast %add3A_323 : i32 to vector<16xi32>
      %add3A_325 = arith.addi %broadcast_in_dim3A_319, %add3A_324 : vector<16xi32>
      %select_n3A_326 = arith.select %lt3A_322, %add3A_325, %broadcast_in_dim3A_319 : vector<16xi1>, vector<16xi32>
      %broadcast_in_dim3A_327 = vector.shape_cast %select_n3A_326 : vector<16xi32> to vector<16x1xi32>
      %gather3A_328 = vector.shape_cast %broadcast_in_dim3A_327 : vector<16x1xi32> to vector<16xi32>
      %gather3A_329 = tpu.dynamic_gather %get3A_233[%gather3A_328] in [0] : vector<16xf32>, vector<16xi32> -> vector<16xf32>
      %dma_wait3A_330 = arith.constant 0 : i32
      %dma_wait3A_331 = arith.constant 0 : i32
      %dma_wait3A_332 = tpu.memref_slice %arg5[%mul3A_2, %dma_wait3A_330, %dma_wait3A_331] : memref<512x8x1024xf32, #tpu.memory_space<hbm>> -> memref<1x8x1024xf32, #tpu.memory_space<hbm>>
      %dma_wait3A_333 = tpu.memref_squeeze %dma_wait3A_332 : memref<1x8x1024xf32, #tpu.memory_space<hbm>> -> memref<8x1024xf32, #tpu.memory_space<hbm>>
      %dma_wait3A_334 = arith.constant 0 : i32
      %dma_wait3A_335 = arith.constant 0 : i32
      %dma_wait3A_336 = tpu.memref_slice %arg5[%mul3A_2, %dma_wait3A_334, %dma_wait3A_335] : memref<512x8x1024xf32, #tpu.memory_space<hbm>> -> memref<1x8x1024xf32, #tpu.memory_space<hbm>>
      %dma_wait3A_337 = tpu.memref_squeeze %dma_wait3A_336 : memref<1x8x1024xf32, #tpu.memory_space<hbm>> -> memref<8x1024xf32, #tpu.memory_space<hbm>>
      tpu.wait_dma2 semaphore(%arg15 : memref<!tpu.dma_semaphore, #tpu.memory_space<semaphore_mem>>) src(%dma_wait3A_337 : memref<8x1024xf32, #tpu.memory_space<hbm>>) dst(%arg11 : memref<8x1024xf32, #tpu.memory_space<vmem>>)
      %dma_wait3A_338 = arith.constant 0 : i32
      %dma_wait3A_339 = tpu.memref_slice %arg6[%add3A_74, %dma_wait3A_338] : memref<16x16xi32, #tpu.memory_space<vmem>> -> memref<1x4xi32, #tpu.memory_space<vmem>>
      %dma_wait3A_340 = tpu.memref_squeeze %dma_wait3A_339 : memref<1x4xi32, #tpu.memory_space<vmem>> -> memref<4xi32, #tpu.memory_space<vmem>>
      %dma_wait3A_341 = arith.constant 0 : i32
      %dma_wait3A_342 = arith.constant 0 : i32
      %dma_wait3A_343 = arith.constant 0 : i32
      %dma_wait3A_344 = tpu.memref_slice %arg2[%dma_wait3A_341, %dma_wait3A_342, %dma_wait3A_343] : memref<8192x8x1024xf32, #tpu.memory_space<hbm>> -> memref<8192x8x1024xf32, #tpu.memory_space<hbm>>
      tpu.wait_indirect_dma semaphore(%arg12 : memref<!tpu.dma_semaphore, #tpu.memory_space<semaphore_mem>>) src(%dma_wait3A_344 : memref<8192x8x1024xf32, #tpu.memory_space<hbm>>) dst(%arg8 : memref<4x8x1024xf32, #tpu.memory_space<vmem>>)
      %scan3A_345 = arith.constant 0 : i32
      %scan3A_346 = arith.constant 0 : i32
      %scan3A_347 = arith.constant 64 : i32
      %scan3A_348 = arith.addi %scan3A_346, %scan3A_347 : i32
      %scan3A_349 = arith.constant 1 : i32
      scf.for %scan3A_387 = %scan3A_346 to %scan3A_348 step %scan3A_349  : i32 {
        %mul3A_388 = arith.constant 16 : i32
        %mul3A_389 = arith.muli %scan3A_387, %mul3A_388 : i32
        %get3A_390 = arith.constant 0 : i32
        %get3A_391 = arith.constant 0 : i32
        %get3A_392 = arith.index_cast %get3A_390 : i32 to index
        %get3A_393 = arith.index_cast %get3A_391 : i32 to index
        %get3A_394 = arith.index_cast %mul3A_389 : i32 to index
        %get3A_395 = tpu.vector_load %arg8[%get3A_392, %get3A_393, %get3A_394] {strides = array<i32>} : memref<4x8x1024xf32, #tpu.memory_space<vmem>>, vector<1x1x16xf32>,
        %get3A_396 = vector.shape_cast %get3A_395 : vector<1x1x16xf32> to vector<16xf32>
        %mul3A_397 = arith.mulf %get3A_396, %gather3A_245 : vector<16xf32>
        %mul3A_398 = arith.constant 16 : i32
        %mul3A_399 = arith.muli %scan3A_387, %mul3A_398 : i32
        %get3A_400 = arith.constant 1 : i32
        %get3A_401 = arith.constant 0 : i32
        %get3A_402 = arith.index_cast %get3A_400 : i32 to index
        %get3A_403 = arith.index_cast %get3A_401 : i32 to index
        %get3A_404 = arith.index_cast %mul3A_399 : i32 to index
        %get3A_405 = tpu.vector_load %arg8[%get3A_402, %get3A_403, %get3A_404] {strides = array<i32>} : memref<4x8x1024xf32, #tpu.memory_space<vmem>>, vector<1x1x16xf32>,
        %get3A_406 = vector.shape_cast %get3A_405 : vector<1x1x16xf32> to vector<16xf32>
        %mul3A_407 = arith.mulf %get3A_406, %gather3A_257 : vector<16xf32>
        %add3A_408 = arith.addf %mul3A_397, %mul3A_407 : vector<16xf32>
        %mul3A_409 = arith.constant 16 : i32
        %mul3A_410 = arith.muli %scan3A_387, %mul3A_409 : i32
        %get3A_411 = arith.constant 2 : i32
        %get3A_412 = arith.constant 0 : i32
        %get3A_413 = arith.index_cast %get3A_411 : i32 to index
        %get3A_414 = arith.index_cast %get3A_412 : i32 to index
        %get3A_415 = arith.index_cast %mul3A_410 : i32 to index
        %get3A_416 = tpu.vector_load %arg8[%get3A_413, %get3A_414, %get3A_415] {strides = array<i32>} : memref<4x8x1024xf32, #tpu.memory_space<vmem>>, vector<1x1x16xf32>,
        %get3A_417 = vector.shape_cast %get3A_416 : vector<1x1x16xf32> to vector<16xf32>
        %mul3A_418 = arith.mulf %get3A_417, %gather3A_269 : vector<16xf32>
        %add3A_419 = arith.addf %add3A_408, %mul3A_418 : vector<16xf32>
        %mul3A_420 = arith.constant 16 : i32
        %mul3A_421 = arith.muli %scan3A_387, %mul3A_420 : i32
        %get3A_422 = arith.constant 3 : i32
        %get3A_423 = arith.constant 0 : i32
        %get3A_424 = arith.index_cast %get3A_422 : i32 to index
        %get3A_425 = arith.index_cast %get3A_423 : i32 to index
        %get3A_426 = arith.index_cast %mul3A_421 : i32 to index
        %get3A_427 = tpu.vector_load %arg8[%get3A_424, %get3A_425, %get3A_426] {strides = array<i32>} : memref<4x8x1024xf32, #tpu.memory_space<vmem>>, vector<1x1x16xf32>,
        %get3A_428 = vector.shape_cast %get3A_427 : vector<1x1x16xf32> to vector<16xf32>
        %mul3A_429 = arith.mulf %get3A_428, %gather3A_281 : vector<16xf32>
        %add3A_430 = arith.addf %add3A_419, %mul3A_429 : vector<16xf32>
        %mul3A_431 = arith.constant 16 : i32
        %mul3A_432 = arith.muli %scan3A_387, %mul3A_431 : i32
        %swap3A = arith.constant 0 : i32
        %swap3A_433 = arith.index_cast %swap3A : i32 to index
        %swap3A_434 = arith.index_cast %mul3A_432 : i32 to index
        %swap3A_435 = tpu.vector_load %arg11[%swap3A_433, %swap3A_434] {strides = array<i32>} : memref<8x1024xf32, #tpu.memory_space<vmem>>, vector<1x16xf32>,
        %swap3A_436 = vector.shape_cast %swap3A_435 : vector<1x16xf32> to vector<16xf32>
        %swap3A_437 = vector.shape_cast %add3A_430 : vector<16xf32> to vector<1x16xf32>
        tpu.vector_store %arg11[%swap3A_433, %swap3A_434], %swap3A_437 {strides = array<i32>} : memref<8x1024xf32, #tpu.memory_space<vmem>>, vector<1x16xf32>,
        %mul3A_438 = arith.constant 16 : i32
        %mul3A_439 = arith.muli %scan3A_387, %mul3A_438 : i32
        %get3A_440 = arith.constant 0 : i32
        %get3A_441 = arith.constant 1 : i32
        %get3A_442 = arith.index_cast %get3A_440 : i32 to index
        %get3A_443 = arith.index_cast %get3A_441 : i32 to index
        %get3A_444 = arith.index_cast %mul3A_439 : i32 to index
        %get3A_445 = tpu.vector_load %arg8[%get3A_442, %get3A_443, %get3A_444] {strides = array<i32>} : memref<4x8x1024xf32, #tpu.memory_space<vmem>>, vector<1x1x16xf32>,
        %get3A_446 = vector.shape_cast %get3A_445 : vector<1x1x16xf32> to vector<16xf32>
        %mul3A_447 = arith.mulf %get3A_446, %gather3A_245 : vector<16xf32>
        %mul3A_448 = arith.constant 16 : i32
        %mul3A_449 = arith.muli %scan3A_387, %mul3A_448 : i32
        %get3A_450 = arith.constant 1 : i32
        %get3A_451 = arith.constant 1 : i32
        %get3A_452 = arith.index_cast %get3A_450 : i32 to index
        %get3A_453 = arith.index_cast %get3A_451 : i32 to index
        %get3A_454 = arith.index_cast %mul3A_449 : i32 to index
        %get3A_455 = tpu.vector_load %arg8[%get3A_452, %get3A_453, %get3A_454] {strides = array<i32>} : memref<4x8x1024xf32, #tpu.memory_space<vmem>>, vector<1x1x16xf32>,
        %get3A_456 = vector.shape_cast %get3A_455 : vector<1x1x16xf32> to vector<16xf32>
        %mul3A_457 = arith.mulf %get3A_456, %gather3A_257 : vector<16xf32>
        %add3A_458 = arith.addf %mul3A_447, %mul3A_457 : vector<16xf32>
        %mul3A_459 = arith.constant 16 : i32
        %mul3A_460 = arith.muli %scan3A_387, %mul3A_459 : i32
        %get3A_461 = arith.constant 2 : i32
        %get3A_462 = arith.constant 1 : i32
        %get3A_463 = arith.index_cast %get3A_461 : i32 to index
        %get3A_464 = arith.index_cast %get3A_462 : i32 to index
        %get3A_465 = arith.index_cast %mul3A_460 : i32 to index
        %get3A_466 = tpu.vector_load %arg8[%get3A_463, %get3A_464, %get3A_465] {strides = array<i32>} : memref<4x8x1024xf32, #tpu.memory_space<vmem>>, vector<1x1x16xf32>,
        %get3A_467 = vector.shape_cast %get3A_466 : vector<1x1x16xf32> to vector<16xf32>
        %mul3A_468 = arith.mulf %get3A_467, %gather3A_269 : vector<16xf32>
        %add3A_469 = arith.addf %add3A_458, %mul3A_468 : vector<16xf32>
        %mul3A_470 = arith.constant 16 : i32
        %mul3A_471 = arith.muli %scan3A_387, %mul3A_470 : i32
        %get3A_472 = arith.constant 3 : i32
        %get3A_473 = arith.constant 1 : i32
        %get3A_474 = arith.index_cast %get3A_472 : i32 to index
        %get3A_475 = arith.index_cast %get3A_473 : i32 to index
        %get3A_476 = arith.index_cast %mul3A_471 : i32 to index
        %get3A_477 = tpu.vector_load %arg8[%get3A_474, %get3A_475, %get3A_476] {strides = array<i32>} : memref<4x8x1024xf32, #tpu.memory_space<vmem>>, vector<1x1x16xf32>,
        %get3A_478 = vector.shape_cast %get3A_477 : vector<1x1x16xf32> to vector<16xf32>
        %mul3A_479 = arith.mulf %get3A_478, %gather3A_281 : vector<16xf32>
        %add3A_480 = arith.addf %add3A_469, %mul3A_479 : vector<16xf32>
        %mul3A_481 = arith.constant 16 : i32
        %mul3A_482 = arith.muli %scan3A_387, %mul3A_481 : i32
        %swap3A_483 = arith.constant 1 : i32
        %swap3A_484 = arith.index_cast %swap3A_483 : i32 to index
        %swap3A_485 = arith.index_cast %mul3A_482 : i32 to index
        %swap3A_486 = tpu.vector_load %arg11[%swap3A_484, %swap3A_485] {strides = array<i32>} : memref<8x1024xf32, #tpu.memory_space<vmem>>, vector<1x16xf32>,
        %swap3A_487 = vector.shape_cast %swap3A_486 : vector<1x16xf32> to vector<16xf32>
        %swap3A_488 = vector.shape_cast %add3A_480 : vector<16xf32> to vector<1x16xf32>
        tpu.vector_store %arg11[%swap3A_484, %swap3A_485], %swap3A_488 {strides = array<i32>} : memref<8x1024xf32, #tpu.memory_space<vmem>>, vector<1x16xf32>,
        %mul3A_489 = arith.constant 16 : i32
        %mul3A_490 = arith.muli %scan3A_387, %mul3A_489 : i32
        %get3A_491 = arith.constant 0 : i32
        %get3A_492 = arith.constant 2 : i32
        %get3A_493 = arith.index_cast %get3A_491 : i32 to index
        %get3A_494 = arith.index_cast %get3A_492 : i32 to index
        %get3A_495 = arith.index_cast %mul3A_490 : i32 to index
        %get3A_496 = tpu.vector_load %arg8[%get3A_493, %get3A_494, %get3A_495] {strides = array<i32>} : memref<4x8x1024xf32, #tpu.memory_space<vmem>>, vector<1x1x16xf32>,
        %get3A_497 = vector.shape_cast %get3A_496 : vector<1x1x16xf32> to vector<16xf32>
        %mul3A_498 = arith.mulf %get3A_497, %gather3A_245 : vector<16xf32>
        %mul3A_499 = arith.constant 16 : i32
        %mul3A_500 = arith.muli %scan3A_387, %mul3A_499 : i32
        %get3A_501 = arith.constant 1 : i32
        %get3A_502 = arith.constant 2 : i32
        %get3A_503 = arith.index_cast %get3A_501 : i32 to index
        %get3A_504 = arith.index_cast %get3A_502 : i32 to index
        %get3A_505 = arith.index_cast %mul3A_500 : i32 to index
        %get3A_506 = tpu.vector_load %arg8[%get3A_503, %get3A_504, %get3A_505] {strides = array<i32>} : memref<4x8x1024xf32, #tpu.memory_space<vmem>>, vector<1x1x16xf32>,
        %get3A_507 = vector.shape_cast %get3A_506 : vector<1x1x16xf32> to vector<16xf32>
        %mul3A_508 = arith.mulf %get3A_507, %gather3A_257 : vector<16xf32>
        %add3A_509 = arith.addf %mul3A_498, %mul3A_508 : vector<16xf32>
        %mul3A_510 = arith.constant 16 : i32
        %mul3A_511 = arith.muli %scan3A_387, %mul3A_510 : i32
        %get3A_512 = arith.constant 2 : i32
        %get3A_513 = arith.constant 2 : i32
        %get3A_514 = arith.index_cast %get3A_512 : i32 to index
        %get3A_515 = arith.index_cast %get3A_513 : i32 to index
        %get3A_516 = arith.index_cast %mul3A_511 : i32 to index
        %get3A_517 = tpu.vector_load %arg8[%get3A_514, %get3A_515, %get3A_516] {strides = array<i32>} : memref<4x8x1024xf32, #tpu.memory_space<vmem>>, vector<1x1x16xf32>,
        %get3A_518 = vector.shape_cast %get3A_517 : vector<1x1x16xf32> to vector<16xf32>
        %mul3A_519 = arith.mulf %get3A_518, %gather3A_269 : vector<16xf32>
        %add3A_520 = arith.addf %add3A_509, %mul3A_519 : vector<16xf32>
        %mul3A_521 = arith.constant 16 : i32
        %mul3A_522 = arith.muli %scan3A_387, %mul3A_521 : i32
        %get3A_523 = arith.constant 3 : i32
        %get3A_524 = arith.constant 2 : i32
        %get3A_525 = arith.index_cast %get3A_523 : i32 to index
        %get3A_526 = arith.index_cast %get3A_524 : i32 to index
        %get3A_527 = arith.index_cast %mul3A_522 : i32 to index
        %get3A_528 = tpu.vector_load %arg8[%get3A_525, %get3A_526, %get3A_527] {strides = array<i32>} : memref<4x8x1024xf32, #tpu.memory_space<vmem>>, vector<1x1x16xf32>,
        %get3A_529 = vector.shape_cast %get3A_528 : vector<1x1x16xf32> to vector<16xf32>
        %mul3A_530 = arith.mulf %get3A_529, %gather3A_281 : vector<16xf32>
        %add3A_531 = arith.addf %add3A_520, %mul3A_530 : vector<16xf32>
        %mul3A_532 = arith.constant 16 : i32
        %mul3A_533 = arith.muli %scan3A_387, %mul3A_532 : i32
        %swap3A_534 = arith.constant 2 : i32
        %swap3A_535 = arith.index_cast %swap3A_534 : i32 to index
        %swap3A_536 = arith.index_cast %mul3A_533 : i32 to index
        %swap3A_537 = tpu.vector_load %arg11[%swap3A_535, %swap3A_536] {strides = array<i32>} : memref<8x1024xf32, #tpu.memory_space<vmem>>, vector<1x16xf32>,
        %swap3A_538 = vector.shape_cast %swap3A_537 : vector<1x16xf32> to vector<16xf32>
        %swap3A_539 = vector.shape_cast %add3A_531 : vector<16xf32> to vector<1x16xf32>
        tpu.vector_store %arg11[%swap3A_535, %swap3A_536], %swap3A_539 {strides = array<i32>} : memref<8x1024xf32, #tpu.memory_space<vmem>>, vector<1x16xf32>,
        %mul3A_540 = arith.constant 16 : i32
        %mul3A_541 = arith.muli %scan3A_387, %mul3A_540 : i32
        %get3A_542 = arith.constant 0 : i32
        %get3A_543 = arith.constant 3 : i32
        %get3A_544 = arith.index_cast %get3A_542 : i32 to index
        %get3A_545 = arith.index_cast %get3A_543 : i32 to index
        %get3A_546 = arith.index_cast %mul3A_541 : i32 to index
        %get3A_547 = tpu.vector_load %arg8[%get3A_544, %get3A_545, %get3A_546] {strides = array<i32>} : memref<4x8x1024xf32, #tpu.memory_space<vmem>>, vector<1x1x16xf32>,
        %get3A_548 = vector.shape_cast %get3A_547 : vector<1x1x16xf32> to vector<16xf32>
        %mul3A_549 = arith.mulf %get3A_548, %gather3A_245 : vector<16xf32>
        %mul3A_550 = arith.constant 16 : i32
        %mul3A_551 = arith.muli %scan3A_387, %mul3A_550 : i32
        %get3A_552 = arith.constant 1 : i32
        %get3A_553 = arith.constant 3 : i32
        %get3A_554 = arith.index_cast %get3A_552 : i32 to index
        %get3A_555 = arith.index_cast %get3A_553 : i32 to index
        %get3A_556 = arith.index_cast %mul3A_551 : i32 to index
        %get3A_557 = tpu.vector_load %arg8[%get3A_554, %get3A_555, %get3A_556] {strides = array<i32>} : memref<4x8x1024xf32, #tpu.memory_space<vmem>>, vector<1x1x16xf32>,
        %get3A_558 = vector.shape_cast %get3A_557 : vector<1x1x16xf32> to vector<16xf32>
        %mul3A_559 = arith.mulf %get3A_558, %gather3A_257 : vector<16xf32>
        %add3A_560 = arith.addf %mul3A_549, %mul3A_559 : vector<16xf32>
        %mul3A_561 = arith.constant 16 : i32
        %mul3A_562 = arith.muli %scan3A_387, %mul3A_561 : i32
        %get3A_563 = arith.constant 2 : i32
        %get3A_564 = arith.constant 3 : i32
        %get3A_565 = arith.index_cast %get3A_563 : i32 to index
        %get3A_566 = arith.index_cast %get3A_564 : i32 to index
        %get3A_567 = arith.index_cast %mul3A_562 : i32 to index
        %get3A_568 = tpu.vector_load %arg8[%get3A_565, %get3A_566, %get3A_567] {strides = array<i32>} : memref<4x8x1024xf32, #tpu.memory_space<vmem>>, vector<1x1x16xf32>,
        %get3A_569 = vector.shape_cast %get3A_568 : vector<1x1x16xf32> to vector<16xf32>
        %mul3A_570 = arith.mulf %get3A_569, %gather3A_269 : vector<16xf32>
        %add3A_571 = arith.addf %add3A_560, %mul3A_570 : vector<16xf32>
        %mul3A_572 = arith.constant 16 : i32
        %mul3A_573 = arith.muli %scan3A_387, %mul3A_572 : i32
        %get3A_574 = arith.constant 3 : i32
        %get3A_575 = arith.constant 3 : i32
        %get3A_576 = arith.index_cast %get3A_574 : i32 to index
        %get3A_577 = arith.index_cast %get3A_575 : i32 to index
        %get3A_578 = arith.index_cast %mul3A_573 : i32 to index
        %get3A_579 = tpu.vector_load %arg8[%get3A_576, %get3A_577, %get3A_578] {strides = array<i32>} : memref<4x8x1024xf32, #tpu.memory_space<vmem>>, vector<1x1x16xf32>,
        %get3A_580 = vector.shape_cast %get3A_579 : vector<1x1x16xf32> to vector<16xf32>
        %mul3A_581 = arith.mulf %get3A_580, %gather3A_281 : vector<16xf32>
        %add3A_582 = arith.addf %add3A_571, %mul3A_581 : vector<16xf32>
        %mul3A_583 = arith.constant 16 : i32
        %mul3A_584 = arith.muli %scan3A_387, %mul3A_583 : i32
        %swap3A_585 = arith.constant 3 : i32
        %swap3A_586 = arith.index_cast %swap3A_585 : i32 to index
        %swap3A_587 = arith.index_cast %mul3A_584 : i32 to index
        %swap3A_588 = tpu.vector_load %arg11[%swap3A_586, %swap3A_587] {strides = array<i32>} : memref<8x1024xf32, #tpu.memory_space<vmem>>, vector<1x16xf32>,
        %swap3A_589 = vector.shape_cast %swap3A_588 : vector<1x16xf32> to vector<16xf32>
        %swap3A_590 = vector.shape_cast %add3A_582 : vector<16xf32> to vector<1x16xf32>
        tpu.vector_store %arg11[%swap3A_586, %swap3A_587], %swap3A_590 {strides = array<i32>} : memref<8x1024xf32, #tpu.memory_space<vmem>>, vector<1x16xf32>,
        %mul3A_591 = arith.constant 16 : i32
        %mul3A_592 = arith.muli %scan3A_387, %mul3A_591 : i32
        %get3A_593 = arith.constant 0 : i32
        %get3A_594 = arith.constant 4 : i32
        %get3A_595 = arith.index_cast %get3A_593 : i32 to index
        %get3A_596 = arith.index_cast %get3A_594 : i32 to index
        %get3A_597 = arith.index_cast %mul3A_592 : i32 to index
        %get3A_598 = tpu.vector_load %arg8[%get3A_595, %get3A_596, %get3A_597] {strides = array<i32>} : memref<4x8x1024xf32, #tpu.memory_space<vmem>>, vector<1x1x16xf32>,
        %get3A_599 = vector.shape_cast %get3A_598 : vector<1x1x16xf32> to vector<16xf32>
        %mul3A_600 = arith.mulf %get3A_599, %gather3A_245 : vector<16xf32>
        %mul3A_601 = arith.constant 16 : i32
        %mul3A_602 = arith.muli %scan3A_387, %mul3A_601 : i32
        %get3A_603 = arith.constant 1 : i32
        %get3A_604 = arith.constant 4 : i32
        %get3A_605 = arith.index_cast %get3A_603 : i32 to index
        %get3A_606 = arith.index_cast %get3A_604 : i32 to index
        %get3A_607 = arith.index_cast %mul3A_602 : i32 to index
        %get3A_608 = tpu.vector_load %arg8[%get3A_605, %get3A_606, %get3A_607] {strides = array<i32>} : memref<4x8x1024xf32, #tpu.memory_space<vmem>>, vector<1x1x16xf32>,
        %get3A_609 = vector.shape_cast %get3A_608 : vector<1x1x16xf32> to vector<16xf32>
        %mul3A_610 = arith.mulf %get3A_609, %gather3A_257 : vector<16xf32>
        %add3A_611 = arith.addf %mul3A_600, %mul3A_610 : vector<16xf32>
        %mul3A_612 = arith.constant 16 : i32
        %mul3A_613 = arith.muli %scan3A_387, %mul3A_612 : i32
        %get3A_614 = arith.constant 2 : i32
        %get3A_615 = arith.constant 4 : i32
        %get3A_616 = arith.index_cast %get3A_614 : i32 to index
        %get3A_617 = arith.index_cast %get3A_615 : i32 to index
        %get3A_618 = arith.index_cast %mul3A_613 : i32 to index
        %get3A_619 = tpu.vector_load %arg8[%get3A_616, %get3A_617, %get3A_618] {strides = array<i32>} : memref<4x8x1024xf32, #tpu.memory_space<vmem>>, vector<1x1x16xf32>,
        %get3A_620 = vector.shape_cast %get3A_619 : vector<1x1x16xf32> to vector<16xf32>
        %mul3A_621 = arith.mulf %get3A_620, %gather3A_269 : vector<16xf32>
        %add3A_622 = arith.addf %add3A_611, %mul3A_621 : vector<16xf32>
        %mul3A_623 = arith.constant 16 : i32
        %mul3A_624 = arith.muli %scan3A_387, %mul3A_623 : i32
        %get3A_625 = arith.constant 3 : i32
        %get3A_626 = arith.constant 4 : i32
        %get3A_627 = arith.index_cast %get3A_625 : i32 to index
        %get3A_628 = arith.index_cast %get3A_626 : i32 to index
        %get3A_629 = arith.index_cast %mul3A_624 : i32 to index
        %get3A_630 = tpu.vector_load %arg8[%get3A_627, %get3A_628, %get3A_629] {strides = array<i32>} : memref<4x8x1024xf32, #tpu.memory_space<vmem>>, vector<1x1x16xf32>,
        %get3A_631 = vector.shape_cast %get3A_630 : vector<1x1x16xf32> to vector<16xf32>
        %mul3A_632 = arith.mulf %get3A_631, %gather3A_281 : vector<16xf32>
        %add3A_633 = arith.addf %add3A_622, %mul3A_632 : vector<16xf32>
        %mul3A_634 = arith.constant 16 : i32
        %mul3A_635 = arith.muli %scan3A_387, %mul3A_634 : i32
        %swap3A_636 = arith.constant 4 : i32
        %swap3A_637 = arith.index_cast %swap3A_636 : i32 to index
        %swap3A_638 = arith.index_cast %mul3A_635 : i32 to index
        %swap3A_639 = tpu.vector_load %arg11[%swap3A_637, %swap3A_638] {strides = array<i32>} : memref<8x1024xf32, #tpu.memory_space<vmem>>, vector<1x16xf32>,
        %swap3A_640 = vector.shape_cast %swap3A_639 : vector<1x16xf32> to vector<16xf32>
        %swap3A_641 = vector.shape_cast %add3A_633 : vector<16xf32> to vector<1x16xf32>
        tpu.vector_store %arg11[%swap3A_637, %swap3A_638], %swap3A_641 {strides = array<i32>} : memref<8x1024xf32, #tpu.memory_space<vmem>>, vector<1x16xf32>,
        %mul3A_642 = arith.constant 16 : i32
        %mul3A_643 = arith.muli %scan3A_387, %mul3A_642 : i32
        %get3A_644 = arith.constant 0 : i32
        %get3A_645 = arith.constant 5 : i32
        %get3A_646 = arith.index_cast %get3A_644 : i32 to index
        %get3A_647 = arith.index_cast %get3A_645 : i32 to index
        %get3A_648 = arith.index_cast %mul3A_643 : i32 to index
        %get3A_649 = tpu.vector_load %arg8[%get3A_646, %get3A_647, %get3A_648] {strides = array<i32>} : memref<4x8x1024xf32, #tpu.memory_space<vmem>>, vector<1x1x16xf32>,
        %get3A_650 = vector.shape_cast %get3A_649 : vector<1x1x16xf32> to vector<16xf32>
        %mul3A_651 = arith.mulf %get3A_650, %gather3A_245 : vector<16xf32>
        %mul3A_652 = arith.constant 16 : i32
        %mul3A_653 = arith.muli %scan3A_387, %mul3A_652 : i32
        %get3A_654 = arith.constant 1 : i32
        %get3A_655 = arith.constant 5 : i32
        %get3A_656 = arith.index_cast %get3A_654 : i32 to index
        %get3A_657 = arith.index_cast %get3A_655 : i32 to index
        %get3A_658 = arith.index_cast %mul3A_653 : i32 to index
        %get3A_659 = tpu.vector_load %arg8[%get3A_656, %get3A_657, %get3A_658] {strides = array<i32>} : memref<4x8x1024xf32, #tpu.memory_space<vmem>>, vector<1x1x16xf32>,
        %get3A_660 = vector.shape_cast %get3A_659 : vector<1x1x16xf32> to vector<16xf32>
        %mul3A_661 = arith.mulf %get3A_660, %gather3A_257 : vector<16xf32>
        %add3A_662 = arith.addf %mul3A_651, %mul3A_661 : vector<16xf32>
        %mul3A_663 = arith.constant 16 : i32
        %mul3A_664 = arith.muli %scan3A_387, %mul3A_663 : i32
        %get3A_665 = arith.constant 2 : i32
        %get3A_666 = arith.constant 5 : i32
        %get3A_667 = arith.index_cast %get3A_665 : i32 to index
        %get3A_668 = arith.index_cast %get3A_666 : i32 to index
        %get3A_669 = arith.index_cast %mul3A_664 : i32 to index
        %get3A_670 = tpu.vector_load %arg8[%get3A_667, %get3A_668, %get3A_669] {strides = array<i32>} : memref<4x8x1024xf32, #tpu.memory_space<vmem>>, vector<1x1x16xf32>,
        %get3A_671 = vector.shape_cast %get3A_670 : vector<1x1x16xf32> to vector<16xf32>
        %mul3A_672 = arith.mulf %get3A_671, %gather3A_269 : vector<16xf32>
        %add3A_673 = arith.addf %add3A_662, %mul3A_672 : vector<16xf32>
        %mul3A_674 = arith.constant 16 : i32
        %mul3A_675 = arith.muli %scan3A_387, %mul3A_674 : i32
        %get3A_676 = arith.constant 3 : i32
        %get3A_677 = arith.constant 5 : i32
        %get3A_678 = arith.index_cast %get3A_676 : i32 to index
        %get3A_679 = arith.index_cast %get3A_677 : i32 to index
        %get3A_680 = arith.index_cast %mul3A_675 : i32 to index
        %get3A_681 = tpu.vector_load %arg8[%get3A_678, %get3A_679, %get3A_680] {strides = array<i32>} : memref<4x8x1024xf32, #tpu.memory_space<vmem>>, vector<1x1x16xf32>,
        %get3A_682 = vector.shape_cast %get3A_681 : vector<1x1x16xf32> to vector<16xf32>
        %mul3A_683 = arith.mulf %get3A_682, %gather3A_281 : vector<16xf32>
        %add3A_684 = arith.addf %add3A_673, %mul3A_683 : vector<16xf32>
        %mul3A_685 = arith.constant 16 : i32
        %mul3A_686 = arith.muli %scan3A_387, %mul3A_685 : i32
        %swap3A_687 = arith.constant 5 : i32
        %swap3A_688 = arith.index_cast %swap3A_687 : i32 to index
        %swap3A_689 = arith.index_cast %mul3A_686 : i32 to index
        %swap3A_690 = tpu.vector_load %arg11[%swap3A_688, %swap3A_689] {strides = array<i32>} : memref<8x1024xf32, #tpu.memory_space<vmem>>, vector<1x16xf32>,
        %swap3A_691 = vector.shape_cast %swap3A_690 : vector<1x16xf32> to vector<16xf32>
        %swap3A_692 = vector.shape_cast %add3A_684 : vector<16xf32> to vector<1x16xf32>
        tpu.vector_store %arg11[%swap3A_688, %swap3A_689], %swap3A_692 {strides = array<i32>} : memref<8x1024xf32, #tpu.memory_space<vmem>>, vector<1x16xf32>,
        %mul3A_693 = arith.constant 16 : i32
        %mul3A_694 = arith.muli %scan3A_387, %mul3A_693 : i32
        %get3A_695 = arith.constant 0 : i32
        %get3A_696 = arith.constant 6 : i32
        %get3A_697 = arith.index_cast %get3A_695 : i32 to index
        %get3A_698 = arith.index_cast %get3A_696 : i32 to index
        %get3A_699 = arith.index_cast %mul3A_694 : i32 to index
        %get3A_700 = tpu.vector_load %arg8[%get3A_697, %get3A_698, %get3A_699] {strides = array<i32>} : memref<4x8x1024xf32, #tpu.memory_space<vmem>>, vector<1x1x16xf32>,
        %get3A_701 = vector.shape_cast %get3A_700 : vector<1x1x16xf32> to vector<16xf32>
        %mul3A_702 = arith.mulf %get3A_701, %gather3A_245 : vector<16xf32>
        %mul3A_703 = arith.constant 16 : i32
        %mul3A_704 = arith.muli %scan3A_387, %mul3A_703 : i32
        %get3A_705 = arith.constant 1 : i32
        %get3A_706 = arith.constant 6 : i32
        %get3A_707 = arith.index_cast %get3A_705 : i32 to index
        %get3A_708 = arith.index_cast %get3A_706 : i32 to index
        %get3A_709 = arith.index_cast %mul3A_704 : i32 to index
        %get3A_710 = tpu.vector_load %arg8[%get3A_707, %get3A_708, %get3A_709] {strides = array<i32>} : memref<4x8x1024xf32, #tpu.memory_space<vmem>>, vector<1x1x16xf32>,
        %get3A_711 = vector.shape_cast %get3A_710 : vector<1x1x16xf32> to vector<16xf32>
        %mul3A_712 = arith.mulf %get3A_711, %gather3A_257 : vector<16xf32>
        %add3A_713 = arith.addf %mul3A_702, %mul3A_712 : vector<16xf32>
        %mul3A_714 = arith.constant 16 : i32
        %mul3A_715 = arith.muli %scan3A_387, %mul3A_714 : i32
        %get3A_716 = arith.constant 2 : i32
        %get3A_717 = arith.constant 6 : i32
        %get3A_718 = arith.index_cast %get3A_716 : i32 to index
        %get3A_719 = arith.index_cast %get3A_717 : i32 to index
        %get3A_720 = arith.index_cast %mul3A_715 : i32 to index
        %get3A_721 = tpu.vector_load %arg8[%get3A_718, %get3A_719, %get3A_720] {strides = array<i32>} : memref<4x8x1024xf32, #tpu.memory_space<vmem>>, vector<1x1x16xf32>,
        %get3A_722 = vector.shape_cast %get3A_721 : vector<1x1x16xf32> to vector<16xf32>
        %mul3A_723 = arith.mulf %get3A_722, %gather3A_269 : vector<16xf32>
        %add3A_724 = arith.addf %add3A_713, %mul3A_723 : vector<16xf32>
        %mul3A_725 = arith.constant 16 : i32
        %mul3A_726 = arith.muli %scan3A_387, %mul3A_725 : i32
        %get3A_727 = arith.constant 3 : i32
        %get3A_728 = arith.constant 6 : i32
        %get3A_729 = arith.index_cast %get3A_727 : i32 to index
        %get3A_730 = arith.index_cast %get3A_728 : i32 to index
        %get3A_731 = arith.index_cast %mul3A_726 : i32 to index
        %get3A_732 = tpu.vector_load %arg8[%get3A_729, %get3A_730, %get3A_731] {strides = array<i32>} : memref<4x8x1024xf32, #tpu.memory_space<vmem>>, vector<1x1x16xf32>,
        %get3A_733 = vector.shape_cast %get3A_732 : vector<1x1x16xf32> to vector<16xf32>
        %mul3A_734 = arith.mulf %get3A_733, %gather3A_281 : vector<16xf32>
        %add3A_735 = arith.addf %add3A_724, %mul3A_734 : vector<16xf32>
        %mul3A_736 = arith.constant 16 : i32
        %mul3A_737 = arith.muli %scan3A_387, %mul3A_736 : i32
        %swap3A_738 = arith.constant 6 : i32
        %swap3A_739 = arith.index_cast %swap3A_738 : i32 to index
        %swap3A_740 = arith.index_cast %mul3A_737 : i32 to index
        %swap3A_741 = tpu.vector_load %arg11[%swap3A_739, %swap3A_740] {strides = array<i32>} : memref<8x1024xf32, #tpu.memory_space<vmem>>, vector<1x16xf32>,
        %swap3A_742 = vector.shape_cast %swap3A_741 : vector<1x16xf32> to vector<16xf32>
        %swap3A_743 = vector.shape_cast %add3A_735 : vector<16xf32> to vector<1x16xf32>
        tpu.vector_store %arg11[%swap3A_739, %swap3A_740], %swap3A_743 {strides = array<i32>} : memref<8x1024xf32, #tpu.memory_space<vmem>>, vector<1x16xf32>,
        %mul3A_744 = arith.constant 16 : i32
        %mul3A_745 = arith.muli %scan3A_387, %mul3A_744 : i32
        %get3A_746 = arith.constant 0 : i32
        %get3A_747 = arith.constant 7 : i32
        %get3A_748 = arith.index_cast %get3A_746 : i32 to index
        %get3A_749 = arith.index_cast %get3A_747 : i32 to index
        %get3A_750 = arith.index_cast %mul3A_745 : i32 to index
        %get3A_751 = tpu.vector_load %arg8[%get3A_748, %get3A_749, %get3A_750] {strides = array<i32>} : memref<4x8x1024xf32, #tpu.memory_space<vmem>>, vector<1x1x16xf32>,
        %get3A_752 = vector.shape_cast %get3A_751 : vector<1x1x16xf32> to vector<16xf32>
        %mul3A_753 = arith.mulf %get3A_752, %gather3A_245 : vector<16xf32>
        %mul3A_754 = arith.constant 16 : i32
        %mul3A_755 = arith.muli %scan3A_387, %mul3A_754 : i32
        %get3A_756 = arith.constant 1 : i32
        %get3A_757 = arith.constant 7 : i32
        %get3A_758 = arith.index_cast %get3A_756 : i32 to index
        %get3A_759 = arith.index_cast %get3A_757 : i32 to index
        %get3A_760 = arith.index_cast %mul3A_755 : i32 to index
        %get3A_761 = tpu.vector_load %arg8[%get3A_758, %get3A_759, %get3A_760] {strides = array<i32>} : memref<4x8x1024xf32, #tpu.memory_space<vmem>>, vector<1x1x16xf32>,
        %get3A_762 = vector.shape_cast %get3A_761 : vector<1x1x16xf32> to vector<16xf32>
        %mul3A_763 = arith.mulf %get3A_762, %gather3A_257 : vector<16xf32>
        %add3A_764 = arith.addf %mul3A_753, %mul3A_763 : vector<16xf32>
        %mul3A_765 = arith.constant 16 : i32
        %mul3A_766 = arith.muli %scan3A_387, %mul3A_765 : i32
        %get3A_767 = arith.constant 2 : i32
        %get3A_768 = arith.constant 7 : i32
        %get3A_769 = arith.index_cast %get3A_767 : i32 to index
        %get3A_770 = arith.index_cast %get3A_768 : i32 to index
        %get3A_771 = arith.index_cast %mul3A_766 : i32 to index
        %get3A_772 = tpu.vector_load %arg8[%get3A_769, %get3A_770, %get3A_771] {strides = array<i32>} : memref<4x8x1024xf32, #tpu.memory_space<vmem>>, vector<1x1x16xf32>,
        %get3A_773 = vector.shape_cast %get3A_772 : vector<1x1x16xf32> to vector<16xf32>
        %mul3A_774 = arith.mulf %get3A_773, %gather3A_269 : vector<16xf32>
        %add3A_775 = arith.addf %add3A_764, %mul3A_774 : vector<16xf32>
        %mul3A_776 = arith.constant 16 : i32
        %mul3A_777 = arith.muli %scan3A_387, %mul3A_776 : i32
        %get3A_778 = arith.constant 3 : i32
        %get3A_779 = arith.constant 7 : i32
        %get3A_780 = arith.index_cast %get3A_778 : i32 to index
        %get3A_781 = arith.index_cast %get3A_779 : i32 to index
        %get3A_782 = arith.index_cast %mul3A_777 : i32 to index
        %get3A_783 = tpu.vector_load %arg8[%get3A_780, %get3A_781, %get3A_782] {strides = array<i32>} : memref<4x8x1024xf32, #tpu.memory_space<vmem>>, vector<1x1x16xf32>,
        %get3A_784 = vector.shape_cast %get3A_783 : vector<1x1x16xf32> to vector<16xf32>
        %mul3A_785 = arith.mulf %get3A_784, %gather3A_281 : vector<16xf32>
        %add3A_786 = arith.addf %add3A_775, %mul3A_785 : vector<16xf32>
        %mul3A_787 = arith.constant 16 : i32
        %mul3A_788 = arith.muli %scan3A_387, %mul3A_787 : i32
        %swap3A_789 = arith.constant 7 : i32
        %swap3A_790 = arith.index_cast %swap3A_789 : i32 to index
        %swap3A_791 = arith.index_cast %mul3A_788 : i32 to index
        %swap3A_792 = tpu.vector_load %arg11[%swap3A_790, %swap3A_791] {strides = array<i32>} : memref<8x1024xf32, #tpu.memory_space<vmem>>, vector<1x16xf32>,
        %swap3A_793 = vector.shape_cast %swap3A_792 : vector<1x16xf32> to vector<16xf32>
        %swap3A_794 = vector.shape_cast %add3A_786 : vector<16xf32> to vector<1x16xf32>
        tpu.vector_store %arg11[%swap3A_790, %swap3A_791], %swap3A_794 {strides = array<i32>} : memref<8x1024xf32, #tpu.memory_space<vmem>>, vector<1x16xf32>,
      }
      %scan3A_350 = arith.constant 64 : i32
      %dma_start3A_351 = arith.constant 0 : i32
      %dma_start3A_352 = tpu.memref_slice %arg6[%min3A_77, %dma_start3A_351] : memref<16x16xi32, #tpu.memory_space<vmem>> -> memref<1x4xi32, #tpu.memory_space<vmem>>
      %dma_start3A_353 = tpu.memref_squeeze %dma_start3A_352 : memref<1x4xi32, #tpu.memory_space<vmem>> -> memref<4xi32, #tpu.memory_space<vmem>>
      %dma_start3A_354 = arith.constant 0 : i32
      %dma_start3A_355 = arith.constant 0 : i32
      %dma_start3A_356 = arith.constant 0 : i32
      %dma_start3A_357 = tpu.memref_slice %arg2[%dma_start3A_354, %dma_start3A_355, %dma_start3A_356] : memref<8192x8x1024xf32, #tpu.memory_space<hbm>> -> memref<8192x8x1024xf32, #tpu.memory_space<hbm>>
      tpu.enqueue_indirect_dma source(%dma_start3A_357 : memref<8192x8x1024xf32, #tpu.memory_space<hbm>>) target(%arg8 : memref<4x8x1024xf32, #tpu.memory_space<vmem>>) offsets(%dma_start3A_353 : memref<4xi32, #tpu.memory_space<vmem>>) semaphore(%arg12 : memref<!tpu.dma_semaphore, #tpu.memory_space<semaphore_mem>>)
      %dma_wait3A_358 = arith.constant 8 : i32
      %dma_wait3A_359 = tpu.memref_slice %arg6[%add3A_74, %dma_wait3A_358] : memref<16x16xi32, #tpu.memory_space<vmem>> -> memref<1x4xi32, #tpu.memory_space<vmem>>
      %dma_wait3A_360 = tpu.memref_squeeze %dma_wait3A_359 : memref<1x4xi32, #tpu.memory_space<vmem>> -> memref<4xi32, #tpu.memory_space<vmem>>
      %dma_wait3A_361 = arith.constant 0 : i32
      %dma_wait3A_362 = arith.constant 0 : i32
      %dma_wait3A_363 = arith.constant 0 : i32
      %dma_wait3A_364 = tpu.memref_slice %arg2[%dma_wait3A_361, %dma_wait3A_362, %dma_wait3A_363] : memref<8192x8x1024xf32, #tpu.memory_space<hbm>> -> memref<8192x8x1024xf32, #tpu.memory_space<hbm>>
      tpu.wait_indirect_dma semaphore(%arg13 : memref<!tpu.dma_semaphore, #tpu.memory_space<semaphore_mem>>) src(%dma_wait3A_364 : memref<8192x8x1024xf32, #tpu.memory_space<hbm>>) dst(%arg9 : memref<4x8x1024xf32, #tpu.memory_space<vmem>>)
      %scan3A_365 = arith.constant 0 : i32
      %scan3A_366 = arith.constant 0 : i32
      %scan3A_367 = arith.constant 64 : i32
      %scan3A_368 = arith.addi %scan3A_366, %scan3A_367 : i32
      %scan3A_369 = arith.constant 1 : i32
      scf.for %scan3A_387 = %scan3A_366 to %scan3A_368 step %scan3A_369  : i32 {
        %mul3A_388 = arith.constant 16 : i32
        %mul3A_389 = arith.muli %scan3A_387, %mul3A_388 : i32
        %get3A_390 = arith.constant 0 : i32
        %get3A_391 = arith.index_cast %get3A_390 : i32 to index
        %get3A_392 = arith.index_cast %mul3A_389 : i32 to index
        %get3A_393 = tpu.vector_load %arg11[%get3A_391, %get3A_392] {strides = array<i32>} : memref<8x1024xf32, #tpu.memory_space<vmem>>, vector<1x16xf32>,
        %get3A_394 = vector.shape_cast %get3A_393 : vector<1x16xf32> to vector<16xf32>
        %mul3A_395 = arith.constant 16 : i32
        %mul3A_396 = arith.muli %scan3A_387, %mul3A_395 : i32
        %get3A_397 = arith.constant 0 : i32
        %get3A_398 = arith.constant 0 : i32
        %get3A_399 = arith.index_cast %get3A_397 : i32 to index
        %get3A_400 = arith.index_cast %get3A_398 : i32 to index
        %get3A_401 = arith.index_cast %mul3A_396 : i32 to index
        %get3A_402 = tpu.vector_load %arg9[%get3A_399, %get3A_400, %get3A_401] {strides = array<i32>} : memref<4x8x1024xf32, #tpu.memory_space<vmem>>, vector<1x1x16xf32>,
        %get3A_403 = vector.shape_cast %get3A_402 : vector<1x1x16xf32> to vector<16xf32>
        %mul3A_404 = arith.mulf %get3A_403, %gather3A_293 : vector<16xf32>
        %add3A_405 = arith.addf %get3A_394, %mul3A_404 : vector<16xf32>
        %mul3A_406 = arith.constant 16 : i32
        %mul3A_407 = arith.muli %scan3A_387, %mul3A_406 : i32
        %get3A_408 = arith.constant 1 : i32
        %get3A_409 = arith.constant 0 : i32
        %get3A_410 = arith.index_cast %get3A_408 : i32 to index
        %get3A_411 = arith.index_cast %get3A_409 : i32 to index
        %get3A_412 = arith.index_cast %mul3A_407 : i32 to index
        %get3A_413 = tpu.vector_load %arg9[%get3A_410, %get3A_411, %get3A_412] {strides = array<i32>} : memref<4x8x1024xf32, #tpu.memory_space<vmem>>, vector<1x1x16xf32>,
        %get3A_414 = vector.shape_cast %get3A_413 : vector<1x1x16xf32> to vector<16xf32>
        %mul3A_415 = arith.mulf %get3A_414, %gather3A_305 : vector<16xf32>
        %add3A_416 = arith.addf %add3A_405, %mul3A_415 : vector<16xf32>
        %mul3A_417 = arith.constant 16 : i32
        %mul3A_418 = arith.muli %scan3A_387, %mul3A_417 : i32
        %get3A_419 = arith.constant 2 : i32
        %get3A_420 = arith.constant 0 : i32
        %get3A_421 = arith.index_cast %get3A_419 : i32 to index
        %get3A_422 = arith.index_cast %get3A_420 : i32 to index
        %get3A_423 = arith.index_cast %mul3A_418 : i32 to index
        %get3A_424 = tpu.vector_load %arg9[%get3A_421, %get3A_422, %get3A_423] {strides = array<i32>} : memref<4x8x1024xf32, #tpu.memory_space<vmem>>, vector<1x1x16xf32>,
        %get3A_425 = vector.shape_cast %get3A_424 : vector<1x1x16xf32> to vector<16xf32>
        %mul3A_426 = arith.mulf %get3A_425, %gather3A_317 : vector<16xf32>
        %add3A_427 = arith.addf %add3A_416, %mul3A_426 : vector<16xf32>
        %mul3A_428 = arith.constant 16 : i32
        %mul3A_429 = arith.muli %scan3A_387, %mul3A_428 : i32
        %get3A_430 = arith.constant 3 : i32
        %get3A_431 = arith.constant 0 : i32
        %get3A_432 = arith.index_cast %get3A_430 : i32 to index
        %get3A_433 = arith.index_cast %get3A_431 : i32 to index
        %get3A_434 = arith.index_cast %mul3A_429 : i32 to index
        %get3A_435 = tpu.vector_load %arg9[%get3A_432, %get3A_433, %get3A_434] {strides = array<i32>} : memref<4x8x1024xf32, #tpu.memory_space<vmem>>, vector<1x1x16xf32>,
        %get3A_436 = vector.shape_cast %get3A_435 : vector<1x1x16xf32> to vector<16xf32>
        %mul3A_437 = arith.mulf %get3A_436, %gather3A_329 : vector<16xf32>
        %add3A_438 = arith.addf %add3A_427, %mul3A_437 : vector<16xf32>
        %mul3A_439 = arith.constant 16 : i32
        %mul3A_440 = arith.muli %scan3A_387, %mul3A_439 : i32
        %swap3A = arith.constant 0 : i32
        %swap3A_441 = arith.index_cast %swap3A : i32 to index
        %swap3A_442 = arith.index_cast %mul3A_440 : i32 to index
        %swap3A_443 = tpu.vector_load %arg11[%swap3A_441, %swap3A_442] {strides = array<i32>} : memref<8x1024xf32, #tpu.memory_space<vmem>>, vector<1x16xf32>,
        %swap3A_444 = vector.shape_cast %swap3A_443 : vector<1x16xf32> to vector<16xf32>
        %swap3A_445 = vector.shape_cast %add3A_438 : vector<16xf32> to vector<1x16xf32>
        tpu.vector_store %arg11[%swap3A_441, %swap3A_442], %swap3A_445 {strides = array<i32>} : memref<8x1024xf32, #tpu.memory_space<vmem>>, vector<1x16xf32>,
        %mul3A_446 = arith.constant 16 : i32
        %mul3A_447 = arith.muli %scan3A_387, %mul3A_446 : i32
        %get3A_448 = arith.constant 1 : i32
        %get3A_449 = arith.index_cast %get3A_448 : i32 to index
        %get3A_450 = arith.index_cast %mul3A_447 : i32 to index
        %get3A_451 = tpu.vector_load %arg11[%get3A_449, %get3A_450] {strides = array<i32>} : memref<8x1024xf32, #tpu.memory_space<vmem>>, vector<1x16xf32>,
        %get3A_452 = vector.shape_cast %get3A_451 : vector<1x16xf32> to vector<16xf32>
        %mul3A_453 = arith.constant 16 : i32
        %mul3A_454 = arith.muli %scan3A_387, %mul3A_453 : i32
        %get3A_455 = arith.constant 0 : i32
        %get3A_456 = arith.constant 1 : i32
        %get3A_457 = arith.index_cast %get3A_455 : i32 to index
        %get3A_458 = arith.index_cast %get3A_456 : i32 to index
        %get3A_459 = arith.index_cast %mul3A_454 : i32 to index
        %get3A_460 = tpu.vector_load %arg9[%get3A_457, %get3A_458, %get3A_459] {strides = array<i32>} : memref<4x8x1024xf32, #tpu.memory_space<vmem>>, vector<1x1x16xf32>,
        %get3A_461 = vector.shape_cast %get3A_460 : vector<1x1x16xf32> to vector<16xf32>
        %mul3A_462 = arith.mulf %get3A_461, %gather3A_293 : vector<16xf32>
        %add3A_463 = arith.addf %get3A_452, %mul3A_462 : vector<16xf32>
        %mul3A_464 = arith.constant 16 : i32
        %mul3A_465 = arith.muli %scan3A_387, %mul3A_464 : i32
        %get3A_466 = arith.constant 1 : i32
        %get3A_467 = arith.constant 1 : i32
        %get3A_468 = arith.index_cast %get3A_466 : i32 to index
        %get3A_469 = arith.index_cast %get3A_467 : i32 to index
        %get3A_470 = arith.index_cast %mul3A_465 : i32 to index
        %get3A_471 = tpu.vector_load %arg9[%get3A_468, %get3A_469, %get3A_470] {strides = array<i32>} : memref<4x8x1024xf32, #tpu.memory_space<vmem>>, vector<1x1x16xf32>,
        %get3A_472 = vector.shape_cast %get3A_471 : vector<1x1x16xf32> to vector<16xf32>
        %mul3A_473 = arith.mulf %get3A_472, %gather3A_305 : vector<16xf32>
        %add3A_474 = arith.addf %add3A_463, %mul3A_473 : vector<16xf32>
        %mul3A_475 = arith.constant 16 : i32
        %mul3A_476 = arith.muli %scan3A_387, %mul3A_475 : i32
        %get3A_477 = arith.constant 2 : i32
        %get3A_478 = arith.constant 1 : i32
        %get3A_479 = arith.index_cast %get3A_477 : i32 to index
        %get3A_480 = arith.index_cast %get3A_478 : i32 to index
        %get3A_481 = arith.index_cast %mul3A_476 : i32 to index
        %get3A_482 = tpu.vector_load %arg9[%get3A_479, %get3A_480, %get3A_481] {strides = array<i32>} : memref<4x8x1024xf32, #tpu.memory_space<vmem>>, vector<1x1x16xf32>,
        %get3A_483 = vector.shape_cast %get3A_482 : vector<1x1x16xf32> to vector<16xf32>
        %mul3A_484 = arith.mulf %get3A_483, %gather3A_317 : vector<16xf32>
        %add3A_485 = arith.addf %add3A_474, %mul3A_484 : vector<16xf32>
        %mul3A_486 = arith.constant 16 : i32
        %mul3A_487 = arith.muli %scan3A_387, %mul3A_486 : i32
        %get3A_488 = arith.constant 3 : i32
        %get3A_489 = arith.constant 1 : i32
        %get3A_490 = arith.index_cast %get3A_488 : i32 to index
        %get3A_491 = arith.index_cast %get3A_489 : i32 to index
        %get3A_492 = arith.index_cast %mul3A_487 : i32 to index
        %get3A_493 = tpu.vector_load %arg9[%get3A_490, %get3A_491, %get3A_492] {strides = array<i32>} : memref<4x8x1024xf32, #tpu.memory_space<vmem>>, vector<1x1x16xf32>,
        %get3A_494 = vector.shape_cast %get3A_493 : vector<1x1x16xf32> to vector<16xf32>
        %mul3A_495 = arith.mulf %get3A_494, %gather3A_329 : vector<16xf32>
        %add3A_496 = arith.addf %add3A_485, %mul3A_495 : vector<16xf32>
        %mul3A_497 = arith.constant 16 : i32
        %mul3A_498 = arith.muli %scan3A_387, %mul3A_497 : i32
        %swap3A_499 = arith.constant 1 : i32
        %swap3A_500 = arith.index_cast %swap3A_499 : i32 to index
        %swap3A_501 = arith.index_cast %mul3A_498 : i32 to index
        %swap3A_502 = tpu.vector_load %arg11[%swap3A_500, %swap3A_501] {strides = array<i32>} : memref<8x1024xf32, #tpu.memory_space<vmem>>, vector<1x16xf32>,
        %swap3A_503 = vector.shape_cast %swap3A_502 : vector<1x16xf32> to vector<16xf32>
        %swap3A_504 = vector.shape_cast %add3A_496 : vector<16xf32> to vector<1x16xf32>
        tpu.vector_store %arg11[%swap3A_500, %swap3A_501], %swap3A_504 {strides = array<i32>} : memref<8x1024xf32, #tpu.memory_space<vmem>>, vector<1x16xf32>,
        %mul3A_505 = arith.constant 16 : i32
        %mul3A_506 = arith.muli %scan3A_387, %mul3A_505 : i32
        %get3A_507 = arith.constant 2 : i32
        %get3A_508 = arith.index_cast %get3A_507 : i32 to index
        %get3A_509 = arith.index_cast %mul3A_506 : i32 to index
        %get3A_510 = tpu.vector_load %arg11[%get3A_508, %get3A_509] {strides = array<i32>} : memref<8x1024xf32, #tpu.memory_space<vmem>>, vector<1x16xf32>,
        %get3A_511 = vector.shape_cast %get3A_510 : vector<1x16xf32> to vector<16xf32>
        %mul3A_512 = arith.constant 16 : i32
        %mul3A_513 = arith.muli %scan3A_387, %mul3A_512 : i32
        %get3A_514 = arith.constant 0 : i32
        %get3A_515 = arith.constant 2 : i32
        %get3A_516 = arith.index_cast %get3A_514 : i32 to index
        %get3A_517 = arith.index_cast %get3A_515 : i32 to index
        %get3A_518 = arith.index_cast %mul3A_513 : i32 to index
        %get3A_519 = tpu.vector_load %arg9[%get3A_516, %get3A_517, %get3A_518] {strides = array<i32>} : memref<4x8x1024xf32, #tpu.memory_space<vmem>>, vector<1x1x16xf32>,
        %get3A_520 = vector.shape_cast %get3A_519 : vector<1x1x16xf32> to vector<16xf32>
        %mul3A_521 = arith.mulf %get3A_520, %gather3A_293 : vector<16xf32>
        %add3A_522 = arith.addf %get3A_511, %mul3A_521 : vector<16xf32>
        %mul3A_523 = arith.constant 16 : i32
        %mul3A_524 = arith.muli %scan3A_387, %mul3A_523 : i32
        %get3A_525 = arith.constant 1 : i32
        %get3A_526 = arith.constant 2 : i32
        %get3A_527 = arith.index_cast %get3A_525 : i32 to index
        %get3A_528 = arith.index_cast %get3A_526 : i32 to index
        %get3A_529 = arith.index_cast %mul3A_524 : i32 to index
        %get3A_530 = tpu.vector_load %arg9[%get3A_527, %get3A_528, %get3A_529] {strides = array<i32>} : memref<4x8x1024xf32, #tpu.memory_space<vmem>>, vector<1x1x16xf32>,
        %get3A_531 = vector.shape_cast %get3A_530 : vector<1x1x16xf32> to vector<16xf32>
        %mul3A_532 = arith.mulf %get3A_531, %gather3A_305 : vector<16xf32>
        %add3A_533 = arith.addf %add3A_522, %mul3A_532 : vector<16xf32>
        %mul3A_534 = arith.constant 16 : i32
        %mul3A_535 = arith.muli %scan3A_387, %mul3A_534 : i32
        %get3A_536 = arith.constant 2 : i32
        %get3A_537 = arith.constant 2 : i32
        %get3A_538 = arith.index_cast %get3A_536 : i32 to index
        %get3A_539 = arith.index_cast %get3A_537 : i32 to index
        %get3A_540 = arith.index_cast %mul3A_535 : i32 to index
        %get3A_541 = tpu.vector_load %arg9[%get3A_538, %get3A_539, %get3A_540] {strides = array<i32>} : memref<4x8x1024xf32, #tpu.memory_space<vmem>>, vector<1x1x16xf32>,
        %get3A_542 = vector.shape_cast %get3A_541 : vector<1x1x16xf32> to vector<16xf32>
        %mul3A_543 = arith.mulf %get3A_542, %gather3A_317 : vector<16xf32>
        %add3A_544 = arith.addf %add3A_533, %mul3A_543 : vector<16xf32>
        %mul3A_545 = arith.constant 16 : i32
        %mul3A_546 = arith.muli %scan3A_387, %mul3A_545 : i32
        %get3A_547 = arith.constant 3 : i32
        %get3A_548 = arith.constant 2 : i32
        %get3A_549 = arith.index_cast %get3A_547 : i32 to index
        %get3A_550 = arith.index_cast %get3A_548 : i32 to index
        %get3A_551 = arith.index_cast %mul3A_546 : i32 to index
        %get3A_552 = tpu.vector_load %arg9[%get3A_549, %get3A_550, %get3A_551] {strides = array<i32>} : memref<4x8x1024xf32, #tpu.memory_space<vmem>>, vector<1x1x16xf32>,
        %get3A_553 = vector.shape_cast %get3A_552 : vector<1x1x16xf32> to vector<16xf32>
        %mul3A_554 = arith.mulf %get3A_553, %gather3A_329 : vector<16xf32>
        %add3A_555 = arith.addf %add3A_544, %mul3A_554 : vector<16xf32>
        %mul3A_556 = arith.constant 16 : i32
        %mul3A_557 = arith.muli %scan3A_387, %mul3A_556 : i32
        %swap3A_558 = arith.constant 2 : i32
        %swap3A_559 = arith.index_cast %swap3A_558 : i32 to index
        %swap3A_560 = arith.index_cast %mul3A_557 : i32 to index
        %swap3A_561 = tpu.vector_load %arg11[%swap3A_559, %swap3A_560] {strides = array<i32>} : memref<8x1024xf32, #tpu.memory_space<vmem>>, vector<1x16xf32>,
        %swap3A_562 = vector.shape_cast %swap3A_561 : vector<1x16xf32> to vector<16xf32>
        %swap3A_563 = vector.shape_cast %add3A_555 : vector<16xf32> to vector<1x16xf32>
        tpu.vector_store %arg11[%swap3A_559, %swap3A_560], %swap3A_563 {strides = array<i32>} : memref<8x1024xf32, #tpu.memory_space<vmem>>, vector<1x16xf32>,
        %mul3A_564 = arith.constant 16 : i32
        %mul3A_565 = arith.muli %scan3A_387, %mul3A_564 : i32
        %get3A_566 = arith.constant 3 : i32
        %get3A_567 = arith.index_cast %get3A_566 : i32 to index
        %get3A_568 = arith.index_cast %mul3A_565 : i32 to index
        %get3A_569 = tpu.vector_load %arg11[%get3A_567, %get3A_568] {strides = array<i32>} : memref<8x1024xf32, #tpu.memory_space<vmem>>, vector<1x16xf32>,
        %get3A_570 = vector.shape_cast %get3A_569 : vector<1x16xf32> to vector<16xf32>
        %mul3A_571 = arith.constant 16 : i32
        %mul3A_572 = arith.muli %scan3A_387, %mul3A_571 : i32
        %get3A_573 = arith.constant 0 : i32
        %get3A_574 = arith.constant 3 : i32
        %get3A_575 = arith.index_cast %get3A_573 : i32 to index
        %get3A_576 = arith.index_cast %get3A_574 : i32 to index
        %get3A_577 = arith.index_cast %mul3A_572 : i32 to index
        %get3A_578 = tpu.vector_load %arg9[%get3A_575, %get3A_576, %get3A_577] {strides = array<i32>} : memref<4x8x1024xf32, #tpu.memory_space<vmem>>, vector<1x1x16xf32>,
        %get3A_579 = vector.shape_cast %get3A_578 : vector<1x1x16xf32> to vector<16xf32>
        %mul3A_580 = arith.mulf %get3A_579, %gather3A_293 : vector<16xf32>
        %add3A_581 = arith.addf %get3A_570, %mul3A_580 : vector<16xf32>
        %mul3A_582 = arith.constant 16 : i32
        %mul3A_583 = arith.muli %scan3A_387, %mul3A_582 : i32
        %get3A_584 = arith.constant 1 : i32
        %get3A_585 = arith.constant 3 : i32
        %get3A_586 = arith.index_cast %get3A_584 : i32 to index
        %get3A_587 = arith.index_cast %get3A_585 : i32 to index
        %get3A_588 = arith.index_cast %mul3A_583 : i32 to index
        %get3A_589 = tpu.vector_load %arg9[%get3A_586, %get3A_587, %get3A_588] {strides = array<i32>} : memref<4x8x1024xf32, #tpu.memory_space<vmem>>, vector<1x1x16xf32>,
        %get3A_590 = vector.shape_cast %get3A_589 : vector<1x1x16xf32> to vector<16xf32>
        %mul3A_591 = arith.mulf %get3A_590, %gather3A_305 : vector<16xf32>
        %add3A_592 = arith.addf %add3A_581, %mul3A_591 : vector<16xf32>
        %mul3A_593 = arith.constant 16 : i32
        %mul3A_594 = arith.muli %scan3A_387, %mul3A_593 : i32
        %get3A_595 = arith.constant 2 : i32
        %get3A_596 = arith.constant 3 : i32
        %get3A_597 = arith.index_cast %get3A_595 : i32 to index
        %get3A_598 = arith.index_cast %get3A_596 : i32 to index
        %get3A_599 = arith.index_cast %mul3A_594 : i32 to index
        %get3A_600 = tpu.vector_load %arg9[%get3A_597, %get3A_598, %get3A_599] {strides = array<i32>} : memref<4x8x1024xf32, #tpu.memory_space<vmem>>, vector<1x1x16xf32>,
        %get3A_601 = vector.shape_cast %get3A_600 : vector<1x1x16xf32> to vector<16xf32>
        %mul3A_602 = arith.mulf %get3A_601, %gather3A_317 : vector<16xf32>
        %add3A_603 = arith.addf %add3A_592, %mul3A_602 : vector<16xf32>
        %mul3A_604 = arith.constant 16 : i32
        %mul3A_605 = arith.muli %scan3A_387, %mul3A_604 : i32
        %get3A_606 = arith.constant 3 : i32
        %get3A_607 = arith.constant 3 : i32
        %get3A_608 = arith.index_cast %get3A_606 : i32 to index
        %get3A_609 = arith.index_cast %get3A_607 : i32 to index
        %get3A_610 = arith.index_cast %mul3A_605 : i32 to index
        %get3A_611 = tpu.vector_load %arg9[%get3A_608, %get3A_609, %get3A_610] {strides = array<i32>} : memref<4x8x1024xf32, #tpu.memory_space<vmem>>, vector<1x1x16xf32>,
        %get3A_612 = vector.shape_cast %get3A_611 : vector<1x1x16xf32> to vector<16xf32>
        %mul3A_613 = arith.mulf %get3A_612, %gather3A_329 : vector<16xf32>
        %add3A_614 = arith.addf %add3A_603, %mul3A_613 : vector<16xf32>
        %mul3A_615 = arith.constant 16 : i32
        %mul3A_616 = arith.muli %scan3A_387, %mul3A_615 : i32
        %swap3A_617 = arith.constant 3 : i32
        %swap3A_618 = arith.index_cast %swap3A_617 : i32 to index
        %swap3A_619 = arith.index_cast %mul3A_616 : i32 to index
        %swap3A_620 = tpu.vector_load %arg11[%swap3A_618, %swap3A_619] {strides = array<i32>} : memref<8x1024xf32, #tpu.memory_space<vmem>>, vector<1x16xf32>,
        %swap3A_621 = vector.shape_cast %swap3A_620 : vector<1x16xf32> to vector<16xf32>
        %swap3A_622 = vector.shape_cast %add3A_614 : vector<16xf32> to vector<1x16xf32>
        tpu.vector_store %arg11[%swap3A_618, %swap3A_619], %swap3A_622 {strides = array<i32>} : memref<8x1024xf32, #tpu.memory_space<vmem>>, vector<1x16xf32>,
        %mul3A_623 = arith.constant 16 : i32
        %mul3A_624 = arith.muli %scan3A_387, %mul3A_623 : i32
        %get3A_625 = arith.constant 4 : i32
        %get3A_626 = arith.index_cast %get3A_625 : i32 to index
        %get3A_627 = arith.index_cast %mul3A_624 : i32 to index
        %get3A_628 = tpu.vector_load %arg11[%get3A_626, %get3A_627] {strides = array<i32>} : memref<8x1024xf32, #tpu.memory_space<vmem>>, vector<1x16xf32>,
        %get3A_629 = vector.shape_cast %get3A_628 : vector<1x16xf32> to vector<16xf32>
        %mul3A_630 = arith.constant 16 : i32
        %mul3A_631 = arith.muli %scan3A_387, %mul3A_630 : i32
        %get3A_632 = arith.constant 0 : i32
        %get3A_633 = arith.constant 4 : i32
        %get3A_634 = arith.index_cast %get3A_632 : i32 to index
        %get3A_635 = arith.index_cast %get3A_633 : i32 to index
        %get3A_636 = arith.index_cast %mul3A_631 : i32 to index
        %get3A_637 = tpu.vector_load %arg9[%get3A_634, %get3A_635, %get3A_636] {strides = array<i32>} : memref<4x8x1024xf32, #tpu.memory_space<vmem>>, vector<1x1x16xf32>,
        %get3A_638 = vector.shape_cast %get3A_637 : vector<1x1x16xf32> to vector<16xf32>
        %mul3A_639 = arith.mulf %get3A_638, %gather3A_293 : vector<16xf32>
        %add3A_640 = arith.addf %get3A_629, %mul3A_639 : vector<16xf32>
        %mul3A_641 = arith.constant 16 : i32
        %mul3A_642 = arith.muli %scan3A_387, %mul3A_641 : i32
        %get3A_643 = arith.constant 1 : i32
        %get3A_644 = arith.constant 4 : i32
        %get3A_645 = arith.index_cast %get3A_643 : i32 to index
        %get3A_646 = arith.index_cast %get3A_644 : i32 to index
        %get3A_647 = arith.index_cast %mul3A_642 : i32 to index
        %get3A_648 = tpu.vector_load %arg9[%get3A_645, %get3A_646, %get3A_647] {strides = array<i32>} : memref<4x8x1024xf32, #tpu.memory_space<vmem>>, vector<1x1x16xf32>,
        %get3A_649 = vector.shape_cast %get3A_648 : vector<1x1x16xf32> to vector<16xf32>
        %mul3A_650 = arith.mulf %get3A_649, %gather3A_305 : vector<16xf32>
        %add3A_651 = arith.addf %add3A_640, %mul3A_650 : vector<16xf32>
        %mul3A_652 = arith.constant 16 : i32
        %mul3A_653 = arith.muli %scan3A_387, %mul3A_652 : i32
        %get3A_654 = arith.constant 2 : i32
        %get3A_655 = arith.constant 4 : i32
        %get3A_656 = arith.index_cast %get3A_654 : i32 to index
        %get3A_657 = arith.index_cast %get3A_655 : i32 to index
        %get3A_658 = arith.index_cast %mul3A_653 : i32 to index
        %get3A_659 = tpu.vector_load %arg9[%get3A_656, %get3A_657, %get3A_658] {strides = array<i32>} : memref<4x8x1024xf32, #tpu.memory_space<vmem>>, vector<1x1x16xf32>,
        %get3A_660 = vector.shape_cast %get3A_659 : vector<1x1x16xf32> to vector<16xf32>
        %mul3A_661 = arith.mulf %get3A_660, %gather3A_317 : vector<16xf32>
        %add3A_662 = arith.addf %add3A_651, %mul3A_661 : vector<16xf32>
        %mul3A_663 = arith.constant 16 : i32
        %mul3A_664 = arith.muli %scan3A_387, %mul3A_663 : i32
        %get3A_665 = arith.constant 3 : i32
        %get3A_666 = arith.constant 4 : i32
        %get3A_667 = arith.index_cast %get3A_665 : i32 to index
        %get3A_668 = arith.index_cast %get3A_666 : i32 to index
        %get3A_669 = arith.index_cast %mul3A_664 : i32 to index
        %get3A_670 = tpu.vector_load %arg9[%get3A_667, %get3A_668, %get3A_669] {strides = array<i32>} : memref<4x8x1024xf32, #tpu.memory_space<vmem>>, vector<1x1x16xf32>,
        %get3A_671 = vector.shape_cast %get3A_670 : vector<1x1x16xf32> to vector<16xf32>
        %mul3A_672 = arith.mulf %get3A_671, %gather3A_329 : vector<16xf32>
        %add3A_673 = arith.addf %add3A_662, %mul3A_672 : vector<16xf32>
        %mul3A_674 = arith.constant 16 : i32
        %mul3A_675 = arith.muli %scan3A_387, %mul3A_674 : i32
        %swap3A_676 = arith.constant 4 : i32
        %swap3A_677 = arith.index_cast %swap3A_676 : i32 to index
        %swap3A_678 = arith.index_cast %mul3A_675 : i32 to index
        %swap3A_679 = tpu.vector_load %arg11[%swap3A_677, %swap3A_678] {strides = array<i32>} : memref<8x1024xf32, #tpu.memory_space<vmem>>, vector<1x16xf32>,
        %swap3A_680 = vector.shape_cast %swap3A_679 : vector<1x16xf32> to vector<16xf32>
        %swap3A_681 = vector.shape_cast %add3A_673 : vector<16xf32> to vector<1x16xf32>
        tpu.vector_store %arg11[%swap3A_677, %swap3A_678], %swap3A_681 {strides = array<i32>} : memref<8x1024xf32, #tpu.memory_space<vmem>>, vector<1x16xf32>,
        %mul3A_682 = arith.constant 16 : i32
        %mul3A_683 = arith.muli %scan3A_387, %mul3A_682 : i32
        %get3A_684 = arith.constant 5 : i32
        %get3A_685 = arith.index_cast %get3A_684 : i32 to index
        %get3A_686 = arith.index_cast %mul3A_683 : i32 to index
        %get3A_687 = tpu.vector_load %arg11[%get3A_685, %get3A_686] {strides = array<i32>} : memref<8x1024xf32, #tpu.memory_space<vmem>>, vector<1x16xf32>,
        %get3A_688 = vector.shape_cast %get3A_687 : vector<1x16xf32> to vector<16xf32>
        %mul3A_689 = arith.constant 16 : i32
        %mul3A_690 = arith.muli %scan3A_387, %mul3A_689 : i32
        %get3A_691 = arith.constant 0 : i32
        %get3A_692 = arith.constant 5 : i32
        %get3A_693 = arith.index_cast %get3A_691 : i32 to index
        %get3A_694 = arith.index_cast %get3A_692 : i32 to index
        %get3A_695 = arith.index_cast %mul3A_690 : i32 to index
        %get3A_696 = tpu.vector_load %arg9[%get3A_693, %get3A_694, %get3A_695] {strides = array<i32>} : memref<4x8x1024xf32, #tpu.memory_space<vmem>>, vector<1x1x16xf32>,
        %get3A_697 = vector.shape_cast %get3A_696 : vector<1x1x16xf32> to vector<16xf32>
        %mul3A_698 = arith.mulf %get3A_697, %gather3A_293 : vector<16xf32>
        %add3A_699 = arith.addf %get3A_688, %mul3A_698 : vector<16xf32>
        %mul3A_700 = arith.constant 16 : i32
        %mul3A_701 = arith.muli %scan3A_387, %mul3A_700 : i32
        %get3A_702 = arith.constant 1 : i32
        %get3A_703 = arith.constant 5 : i32
        %get3A_704 = arith.index_cast %get3A_702 : i32 to index
        %get3A_705 = arith.index_cast %get3A_703 : i32 to index
        %get3A_706 = arith.index_cast %mul3A_701 : i32 to index
        %get3A_707 = tpu.vector_load %arg9[%get3A_704, %get3A_705, %get3A_706] {strides = array<i32>} : memref<4x8x1024xf32, #tpu.memory_space<vmem>>, vector<1x1x16xf32>,
        %get3A_708 = vector.shape_cast %get3A_707 : vector<1x1x16xf32> to vector<16xf32>
        %mul3A_709 = arith.mulf %get3A_708, %gather3A_305 : vector<16xf32>
        %add3A_710 = arith.addf %add3A_699, %mul3A_709 : vector<16xf32>
        %mul3A_711 = arith.constant 16 : i32
        %mul3A_712 = arith.muli %scan3A_387, %mul3A_711 : i32
        %get3A_713 = arith.constant 2 : i32
        %get3A_714 = arith.constant 5 : i32
        %get3A_715 = arith.index_cast %get3A_713 : i32 to index
        %get3A_716 = arith.index_cast %get3A_714 : i32 to index
        %get3A_717 = arith.index_cast %mul3A_712 : i32 to index
        %get3A_718 = tpu.vector_load %arg9[%get3A_715, %get3A_716, %get3A_717] {strides = array<i32>} : memref<4x8x1024xf32, #tpu.memory_space<vmem>>, vector<1x1x16xf32>,
        %get3A_719 = vector.shape_cast %get3A_718 : vector<1x1x16xf32> to vector<16xf32>
        %mul3A_720 = arith.mulf %get3A_719, %gather3A_317 : vector<16xf32>
        %add3A_721 = arith.addf %add3A_710, %mul3A_720 : vector<16xf32>
        %mul3A_722 = arith.constant 16 : i32
        %mul3A_723 = arith.muli %scan3A_387, %mul3A_722 : i32
        %get3A_724 = arith.constant 3 : i32
        %get3A_725 = arith.constant 5 : i32
        %get3A_726 = arith.index_cast %get3A_724 : i32 to index
        %get3A_727 = arith.index_cast %get3A_725 : i32 to index
        %get3A_728 = arith.index_cast %mul3A_723 : i32 to index
        %get3A_729 = tpu.vector_load %arg9[%get3A_726, %get3A_727, %get3A_728] {strides = array<i32>} : memref<4x8x1024xf32, #tpu.memory_space<vmem>>, vector<1x1x16xf32>,
        %get3A_730 = vector.shape_cast %get3A_729 : vector<1x1x16xf32> to vector<16xf32>
        %mul3A_731 = arith.mulf %get3A_730, %gather3A_329 : vector<16xf32>
        %add3A_732 = arith.addf %add3A_721, %mul3A_731 : vector<16xf32>
        %mul3A_733 = arith.constant 16 : i32
        %mul3A_734 = arith.muli %scan3A_387, %mul3A_733 : i32
        %swap3A_735 = arith.constant 5 : i32
        %swap3A_736 = arith.index_cast %swap3A_735 : i32 to index
        %swap3A_737 = arith.index_cast %mul3A_734 : i32 to index
        %swap3A_738 = tpu.vector_load %arg11[%swap3A_736, %swap3A_737] {strides = array<i32>} : memref<8x1024xf32, #tpu.memory_space<vmem>>, vector<1x16xf32>,
        %swap3A_739 = vector.shape_cast %swap3A_738 : vector<1x16xf32> to vector<16xf32>
        %swap3A_740 = vector.shape_cast %add3A_732 : vector<16xf32> to vector<1x16xf32>
        tpu.vector_store %arg11[%swap3A_736, %swap3A_737], %swap3A_740 {strides = array<i32>} : memref<8x1024xf32, #tpu.memory_space<vmem>>, vector<1x16xf32>,
        %mul3A_741 = arith.constant 16 : i32
        %mul3A_742 = arith.muli %scan3A_387, %mul3A_741 : i32
        %get3A_743 = arith.constant 6 : i32
        %get3A_744 = arith.index_cast %get3A_743 : i32 to index
        %get3A_745 = arith.index_cast %mul3A_742 : i32 to index
        %get3A_746 = tpu.vector_load %arg11[%get3A_744, %get3A_745] {strides = array<i32>} : memref<8x1024xf32, #tpu.memory_space<vmem>>, vector<1x16xf32>,
        %get3A_747 = vector.shape_cast %get3A_746 : vector<1x16xf32> to vector<16xf32>
        %mul3A_748 = arith.constant 16 : i32
        %mul3A_749 = arith.muli %scan3A_387, %mul3A_748 : i32
        %get3A_750 = arith.constant 0 : i32
        %get3A_751 = arith.constant 6 : i32
        %get3A_752 = arith.index_cast %get3A_750 : i32 to index
        %get3A_753 = arith.index_cast %get3A_751 : i32 to index
        %get3A_754 = arith.index_cast %mul3A_749 : i32 to index
        %get3A_755 = tpu.vector_load %arg9[%get3A_752, %get3A_753, %get3A_754] {strides = array<i32>} : memref<4x8x1024xf32, #tpu.memory_space<vmem>>, vector<1x1x16xf32>,
        %get3A_756 = vector.shape_cast %get3A_755 : vector<1x1x16xf32> to vector<16xf32>
        %mul3A_757 = arith.mulf %get3A_756, %gather3A_293 : vector<16xf32>
        %add3A_758 = arith.addf %get3A_747, %mul3A_757 : vector<16xf32>
        %mul3A_759 = arith.constant 16 : i32
        %mul3A_760 = arith.muli %scan3A_387, %mul3A_759 : i32
        %get3A_761 = arith.constant 1 : i32
        %get3A_762 = arith.constant 6 : i32
        %get3A_763 = arith.index_cast %get3A_761 : i32 to index
        %get3A_764 = arith.index_cast %get3A_762 : i32 to index
        %get3A_765 = arith.index_cast %mul3A_760 : i32 to index
        %get3A_766 = tpu.vector_load %arg9[%get3A_763, %get3A_764, %get3A_765] {strides = array<i32>} : memref<4x8x1024xf32, #tpu.memory_space<vmem>>, vector<1x1x16xf32>,
        %get3A_767 = vector.shape_cast %get3A_766 : vector<1x1x16xf32> to vector<16xf32>
        %mul3A_768 = arith.mulf %get3A_767, %gather3A_305 : vector<16xf32>
        %add3A_769 = arith.addf %add3A_758, %mul3A_768 : vector<16xf32>
        %mul3A_770 = arith.constant 16 : i32
        %mul3A_771 = arith.muli %scan3A_387, %mul3A_770 : i32
        %get3A_772 = arith.constant 2 : i32
        %get3A_773 = arith.constant 6 : i32
        %get3A_774 = arith.index_cast %get3A_772 : i32 to index
        %get3A_775 = arith.index_cast %get3A_773 : i32 to index
        %get3A_776 = arith.index_cast %mul3A_771 : i32 to index
        %get3A_777 = tpu.vector_load %arg9[%get3A_774, %get3A_775, %get3A_776] {strides = array<i32>} : memref<4x8x1024xf32, #tpu.memory_space<vmem>>, vector<1x1x16xf32>,
        %get3A_778 = vector.shape_cast %get3A_777 : vector<1x1x16xf32> to vector<16xf32>
        %mul3A_779 = arith.mulf %get3A_778, %gather3A_317 : vector<16xf32>
        %add3A_780 = arith.addf %add3A_769, %mul3A_779 : vector<16xf32>
        %mul3A_781 = arith.constant 16 : i32
        %mul3A_782 = arith.muli %scan3A_387, %mul3A_781 : i32
        %get3A_783 = arith.constant 3 : i32
        %get3A_784 = arith.constant 6 : i32
        %get3A_785 = arith.index_cast %get3A_783 : i32 to index
        %get3A_786 = arith.index_cast %get3A_784 : i32 to index
        %get3A_787 = arith.index_cast %mul3A_782 : i32 to index
        %get3A_788 = tpu.vector_load %arg9[%get3A_785, %get3A_786, %get3A_787] {strides = array<i32>} : memref<4x8x1024xf32, #tpu.memory_space<vmem>>, vector<1x1x16xf32>,
        %get3A_789 = vector.shape_cast %get3A_788 : vector<1x1x16xf32> to vector<16xf32>
        %mul3A_790 = arith.mulf %get3A_789, %gather3A_329 : vector<16xf32>
        %add3A_791 = arith.addf %add3A_780, %mul3A_790 : vector<16xf32>
        %mul3A_792 = arith.constant 16 : i32
        %mul3A_793 = arith.muli %scan3A_387, %mul3A_792 : i32
        %swap3A_794 = arith.constant 6 : i32
        %swap3A_795 = arith.index_cast %swap3A_794 : i32 to index
        %swap3A_796 = arith.index_cast %mul3A_793 : i32 to index
        %swap3A_797 = tpu.vector_load %arg11[%swap3A_795, %swap3A_796] {strides = array<i32>} : memref<8x1024xf32, #tpu.memory_space<vmem>>, vector<1x16xf32>,
        %swap3A_798 = vector.shape_cast %swap3A_797 : vector<1x16xf32> to vector<16xf32>
        %swap3A_799 = vector.shape_cast %add3A_791 : vector<16xf32> to vector<1x16xf32>
        tpu.vector_store %arg11[%swap3A_795, %swap3A_796], %swap3A_799 {strides = array<i32>} : memref<8x1024xf32, #tpu.memory_space<vmem>>, vector<1x16xf32>,
        %mul3A_800 = arith.constant 16 : i32
        %mul3A_801 = arith.muli %scan3A_387, %mul3A_800 : i32
        %get3A_802 = arith.constant 7 : i32
        %get3A_803 = arith.index_cast %get3A_802 : i32 to index
        %get3A_804 = arith.index_cast %mul3A_801 : i32 to index
        %get3A_805 = tpu.vector_load %arg11[%get3A_803, %get3A_804] {strides = array<i32>} : memref<8x1024xf32, #tpu.memory_space<vmem>>, vector<1x16xf32>,
        %get3A_806 = vector.shape_cast %get3A_805 : vector<1x16xf32> to vector<16xf32>
        %mul3A_807 = arith.constant 16 : i32
        %mul3A_808 = arith.muli %scan3A_387, %mul3A_807 : i32
        %get3A_809 = arith.constant 0 : i32
        %get3A_810 = arith.constant 7 : i32
        %get3A_811 = arith.index_cast %get3A_809 : i32 to index
        %get3A_812 = arith.index_cast %get3A_810 : i32 to index
        %get3A_813 = arith.index_cast %mul3A_808 : i32 to index
        %get3A_814 = tpu.vector_load %arg9[%get3A_811, %get3A_812, %get3A_813] {strides = array<i32>} : memref<4x8x1024xf32, #tpu.memory_space<vmem>>, vector<1x1x16xf32>,
        %get3A_815 = vector.shape_cast %get3A_814 : vector<1x1x16xf32> to vector<16xf32>
        %mul3A_816 = arith.mulf %get3A_815, %gather3A_293 : vector<16xf32>
        %add3A_817 = arith.addf %get3A_806, %mul3A_816 : vector<16xf32>
        %mul3A_818 = arith.constant 16 : i32
        %mul3A_819 = arith.muli %scan3A_387, %mul3A_818 : i32
        %get3A_820 = arith.constant 1 : i32
        %get3A_821 = arith.constant 7 : i32
        %get3A_822 = arith.index_cast %get3A_820 : i32 to index
        %get3A_823 = arith.index_cast %get3A_821 : i32 to index
        %get3A_824 = arith.index_cast %mul3A_819 : i32 to index
        %get3A_825 = tpu.vector_load %arg9[%get3A_822, %get3A_823, %get3A_824] {strides = array<i32>} : memref<4x8x1024xf32, #tpu.memory_space<vmem>>, vector<1x1x16xf32>,
        %get3A_826 = vector.shape_cast %get3A_825 : vector<1x1x16xf32> to vector<16xf32>
        %mul3A_827 = arith.mulf %get3A_826, %gather3A_305 : vector<16xf32>
        %add3A_828 = arith.addf %add3A_817, %mul3A_827 : vector<16xf32>
        %mul3A_829 = arith.constant 16 : i32
        %mul3A_830 = arith.muli %scan3A_387, %mul3A_829 : i32
        %get3A_831 = arith.constant 2 : i32
        %get3A_832 = arith.constant 7 : i32
        %get3A_833 = arith.index_cast %get3A_831 : i32 to index
        %get3A_834 = arith.index_cast %get3A_832 : i32 to index
        %get3A_835 = arith.index_cast %mul3A_830 : i32 to index
        %get3A_836 = tpu.vector_load %arg9[%get3A_833, %get3A_834, %get3A_835] {strides = array<i32>} : memref<4x8x1024xf32, #tpu.memory_space<vmem>>, vector<1x1x16xf32>,
        %get3A_837 = vector.shape_cast %get3A_836 : vector<1x1x16xf32> to vector<16xf32>
        %mul3A_838 = arith.mulf %get3A_837, %gather3A_317 : vector<16xf32>
        %add3A_839 = arith.addf %add3A_828, %mul3A_838 : vector<16xf32>
        %mul3A_840 = arith.constant 16 : i32
        %mul3A_841 = arith.muli %scan3A_387, %mul3A_840 : i32
        %get3A_842 = arith.constant 3 : i32
        %get3A_843 = arith.constant 7 : i32
        %get3A_844 = arith.index_cast %get3A_842 : i32 to index
        %get3A_845 = arith.index_cast %get3A_843 : i32 to index
        %get3A_846 = arith.index_cast %mul3A_841 : i32 to index
        %get3A_847 = tpu.vector_load %arg9[%get3A_844, %get3A_845, %get3A_846] {strides = array<i32>} : memref<4x8x1024xf32, #tpu.memory_space<vmem>>, vector<1x1x16xf32>,
        %get3A_848 = vector.shape_cast %get3A_847 : vector<1x1x16xf32> to vector<16xf32>
        %mul3A_849 = arith.mulf %get3A_848, %gather3A_329 : vector<16xf32>
        %add3A_850 = arith.addf %add3A_839, %mul3A_849 : vector<16xf32>
        %mul3A_851 = arith.constant 16 : i32
        %mul3A_852 = arith.muli %scan3A_387, %mul3A_851 : i32
        %swap3A_853 = arith.constant 7 : i32
        %swap3A_854 = arith.index_cast %swap3A_853 : i32 to index
        %swap3A_855 = arith.index_cast %mul3A_852 : i32 to index
        %swap3A_856 = tpu.vector_load %arg11[%swap3A_854, %swap3A_855] {strides = array<i32>} : memref<8x1024xf32, #tpu.memory_space<vmem>>, vector<1x16xf32>,
        %swap3A_857 = vector.shape_cast %swap3A_856 : vector<1x16xf32> to vector<16xf32>
        %swap3A_858 = vector.shape_cast %add3A_850 : vector<16xf32> to vector<1x16xf32>
        tpu.vector_store %arg11[%swap3A_854, %swap3A_855], %swap3A_858 {strides = array<i32>} : memref<8x1024xf32, #tpu.memory_space<vmem>>, vector<1x16xf32>,
      }
      %scan3A_370 = arith.constant 64 : i32
      %dma_start3A_371 = arith.constant 8 : i32
      %dma_start3A_372 = tpu.memref_slice %arg6[%min3A_77, %dma_start3A_371] : memref<16x16xi32, #tpu.memory_space<vmem>> -> memref<1x4xi32, #tpu.memory_space<vmem>>
      %dma_start3A_373 = tpu.memref_squeeze %dma_start3A_372 : memref<1x4xi32, #tpu.memory_space<vmem>> -> memref<4xi32, #tpu.memory_space<vmem>>
      %dma_start3A_374 = arith.constant 0 : i32
      %dma_start3A_375 = arith.constant 0 : i32
      %dma_start3A_376 = arith.constant 0 : i32
      %dma_start3A_377 = tpu.memref_slice %arg2[%dma_start3A_374, %dma_start3A_375, %dma_start3A_376] : memref<8192x8x1024xf32, #tpu.memory_space<hbm>> -> memref<8192x8x1024xf32, #tpu.memory_space<hbm>>
      tpu.enqueue_indirect_dma source(%dma_start3A_377 : memref<8192x8x1024xf32, #tpu.memory_space<hbm>>) target(%arg9 : memref<4x8x1024xf32, #tpu.memory_space<vmem>>) offsets(%dma_start3A_373 : memref<4xi32, #tpu.memory_space<vmem>>) semaphore(%arg13 : memref<!tpu.dma_semaphore, #tpu.memory_space<semaphore_mem>>)
      %add3A_378 = arith.addi %mul3A_2, %add3A_74 : i32
      %dma_start3A_379 = arith.constant 0 : i32
      %dma_start3A_380 = arith.constant 0 : i32
      %dma_start3A_381 = tpu.memref_slice %arg5[%add3A_378, %dma_start3A_379, %dma_start3A_380] : memref<512x8x1024xf32, #tpu.memory_space<hbm>> -> memref<1x8x1024xf32, #tpu.memory_space<hbm>>
      %dma_start3A_382 = tpu.memref_squeeze %dma_start3A_381 : memref<1x8x1024xf32, #tpu.memory_space<hbm>> -> memref<8x1024xf32, #tpu.memory_space<hbm>>
      %dma_start3A_383 = arith.constant 0 : i32
      %dma_start3A_384 = arith.constant 0 : i32
      %dma_start3A_385 = tpu.memref_slice %arg5[%add3A_378, %dma_start3A_383, %dma_start3A_384] : memref<512x8x1024xf32, #tpu.memory_space<hbm>> -> memref<1x8x1024xf32, #tpu.memory_space<hbm>>
      %dma_start3A_386 = tpu.memref_squeeze %dma_start3A_385 : memref<1x8x1024xf32, #tpu.memory_space<hbm>> -> memref<8x1024xf32, #tpu.memory_space<hbm>>
      tpu.enqueue_dma source(%arg11 : memref<8x1024xf32, #tpu.memory_space<vmem>>) target(%dma_start3A_386 : memref<8x1024xf32, #tpu.memory_space<hbm>>) target_semaphore(%arg15 : memref<!tpu.dma_semaphore, #tpu.memory_space<semaphore_mem>>)
    }
    %scan3A_38 = arith.constant 8 : i32
    %dma_wait3A = arith.constant 0 : i32
    %dma_wait3A_39 = arith.constant 0 : i32
    %dma_wait3A_40 = tpu.memref_slice %arg6[%dma_wait3A, %dma_wait3A_39] : memref<16x16xi32, #tpu.memory_space<vmem>> -> memref<1x4xi32, #tpu.memory_space<vmem>>
    %dma_wait3A_41 = tpu.memref_squeeze %dma_wait3A_40 : memref<1x4xi32, #tpu.memory_space<vmem>> -> memref<4xi32, #tpu.memory_space<vmem>>
    %dma_wait3A_42 = arith.constant 0 : i32
    %dma_wait3A_43 = arith.constant 0 : i32
    %dma_wait3A_44 = arith.constant 0 : i32
    %dma_wait3A_45 = tpu.memref_slice %arg2[%dma_wait3A_42, %dma_wait3A_43, %dma_wait3A_44] : memref<8192x8x1024xf32, #tpu.memory_space<hbm>> -> memref<8192x8x1024xf32, #tpu.memory_space<hbm>>
    tpu.wait_indirect_dma semaphore(%arg12 : memref<!tpu.dma_semaphore, #tpu.memory_space<semaphore_mem>>) src(%dma_wait3A_45 : memref<8192x8x1024xf32, #tpu.memory_space<hbm>>) dst(%arg8 : memref<4x8x1024xf32, #tpu.memory_space<vmem>>)
    %dma_wait3A_46 = arith.constant 0 : i32
    %dma_wait3A_47 = arith.constant 8 : i32
    %dma_wait3A_48 = tpu.memref_slice %arg6[%dma_wait3A_46, %dma_wait3A_47] : memref<16x16xi32, #tpu.memory_space<vmem>> -> memref<1x4xi32, #tpu.memory_space<vmem>>
    %dma_wait3A_49 = tpu.memref_squeeze %dma_wait3A_48 : memref<1x4xi32, #tpu.memory_space<vmem>> -> memref<4xi32, #tpu.memory_space<vmem>>
    %dma_wait3A_50 = arith.constant 0 : i32
    %dma_wait3A_51 = arith.constant 0 : i32
    %dma_wait3A_52 = arith.constant 0 : i32
    %dma_wait3A_53 = tpu.memref_slice %arg2[%dma_wait3A_50, %dma_wait3A_51, %dma_wait3A_52] : memref<8192x8x1024xf32, #tpu.memory_space<hbm>> -> memref<8192x8x1024xf32, #tpu.memory_space<hbm>>
    tpu.wait_indirect_dma semaphore(%arg13 : memref<!tpu.dma_semaphore, #tpu.memory_space<semaphore_mem>>) src(%dma_wait3A_53 : memref<8192x8x1024xf32, #tpu.memory_space<hbm>>) dst(%arg9 : memref<4x8x1024xf32, #tpu.memory_space<vmem>>)
    %dma_wait3A_54 = arith.constant 0 : i32
    %dma_wait3A_55 = arith.constant 0 : i32
    %dma_wait3A_56 = tpu.memref_slice %arg5[%mul3A_2, %dma_wait3A_54, %dma_wait3A_55] : memref<512x8x1024xf32, #tpu.memory_space<hbm>> -> memref<1x8x1024xf32, #tpu.memory_space<hbm>>
    %dma_wait3A_57 = tpu.memref_squeeze %dma_wait3A_56 : memref<1x8x1024xf32, #tpu.memory_space<hbm>> -> memref<8x1024xf32, #tpu.memory_space<hbm>>
    %dma_wait3A_58 = arith.constant 0 : i32
    %dma_wait3A_59 = arith.constant 0 : i32
    %dma_wait3A_60 = tpu.memref_slice %arg5[%mul3A_2, %dma_wait3A_58, %dma_wait3A_59] : memref<512x8x1024xf32, #tpu.memory_space<hbm>> -> memref<1x8x1024xf32, #tpu.memory_space<hbm>>
    %dma_wait3A_61 = tpu.memref_squeeze %dma_wait3A_60 : memref<1x8x1024xf32, #tpu.memory_space<hbm>> -> memref<8x1024xf32, #tpu.memory_space<hbm>>
    tpu.wait_dma2 semaphore(%arg14 : memref<!tpu.dma_semaphore, #tpu.memory_space<semaphore_mem>>) src(%dma_wait3A_61 : memref<8x1024xf32, #tpu.memory_space<hbm>>) dst(%arg10 : memref<8x1024xf32, #tpu.memory_space<vmem>>)
    %dma_wait3A_62 = arith.constant 0 : i32
    %dma_wait3A_63 = arith.constant 0 : i32
    %dma_wait3A_64 = tpu.memref_slice %arg5[%mul3A_2, %dma_wait3A_62, %dma_wait3A_63] : memref<512x8x1024xf32, #tpu.memory_space<hbm>> -> memref<1x8x1024xf32, #tpu.memory_space<hbm>>
    %dma_wait3A_65 = tpu.memref_squeeze %dma_wait3A_64 : memref<1x8x1024xf32, #tpu.memory_space<hbm>> -> memref<8x1024xf32, #tpu.memory_space<hbm>>
    %dma_wait3A_66 = arith.constant 0 : i32
    %dma_wait3A_67 = arith.constant 0 : i32
    %dma_wait3A_68 = tpu.memref_slice %arg5[%mul3A_2, %dma_wait3A_66, %dma_wait3A_67] : memref<512x8x1024xf32, #tpu.memory_space<hbm>> -> memref<1x8x1024xf32, #tpu.memory_space<hbm>>
    %dma_wait3A_69 = tpu.memref_squeeze %dma_wait3A_68 : memref<1x8x1024xf32, #tpu.memory_space<hbm>> -> memref<8x1024xf32, #tpu.memory_space<hbm>>
    tpu.wait_dma2 semaphore(%arg15 : memref<!tpu.dma_semaphore, #tpu.memory_space<semaphore_mem>>) src(%dma_wait3A_69 : memref<8x1024xf32, #tpu.memory_space<hbm>>) dst(%arg11 : memref<8x1024xf32, #tpu.memory_space<vmem>>)
    return
  }
}

#map = affine_map<(d0, d1) -> (0, 0, 0)>
#map1 = affine_map<(d0, d1) -> (0, 0)>
module attributes {stable_mosaic.version = 14 : i64} {
  func.func @_combine_body(%arg0: i32, %arg1: i32, %arg2: memref<8192x8x1024xf32, #tpu.memory_space<hbm>>, %arg3: memref<512x16xi32, #tpu.memory_space<hbm>>, %arg4: memref<512x16xf32, #tpu.memory_space<hbm>>, %arg5: memref<512x8x1024xf32, #tpu.memory_space<hbm>>, %arg6: memref<16x16xi32, #tpu.memory_space<vmem>>, %arg7: memref<16x16xf32, #tpu.memory_space<vmem>>, %arg8: memref<4x8x1024xf32, #tpu.memory_space<vmem>>, %arg9: memref<4x8x1024xf32, #tpu.memory_space<vmem>>, %arg10: memref<8x1024xf32, #tpu.memory_space<vmem>>, %arg11: memref<8x1024xf32, #tpu.memory_space<vmem>>, %arg12: memref<!tpu.dma_semaphore, #tpu.memory_space<semaphore_mem>>, %arg13: memref<!tpu.dma_semaphore, #tpu.memory_space<semaphore_mem>>, %arg14: memref<!tpu.dma_semaphore, #tpu.memory_space<semaphore_mem>>, %arg15: memref<!tpu.dma_semaphore, #tpu.memory_space<semaphore_mem>>) attributes {dimension_semantics = [#tpu.dimension_semantics<core_parallel>, #tpu.dimension_semantics<subcore_parallel>], iteration_bounds = array<i64: 2, 16>, scalar_prefetch = 0 : i64, scratch_operands = 10 : i64, tpu.core_type = #tpu.core_type<sc_vector_subcore>, window_params = [{transform_indices = #map}, {transform_indices = #map1}, {transform_indices = #map1}, {transform_indices = #map}]} {
    %mul3A = arith.constant 2 : i32
    %mul3A_0 = arith.muli %arg1, %mul3A : i32
    %add3A = arith.addi %mul3A_0, %arg0 : i32
    %mul3A_1 = arith.constant 16 : i32
    %mul3A_2 = arith.muli %add3A, %mul3A_1 : i32
    "tpu.region"() ({
      %run_scoped3A = tpu.sem_alloc : memref<!tpu.dma_semaphore, #tpu.memory_space<semaphore_mem>>
      %dma_start3A_70 = arith.constant 0 : i32
      %dma_start3A_71 = tpu.memref_slice %arg3[%mul3A_2, %dma_start3A_70] : memref<512x16xi32, #tpu.memory_space<hbm>> -> memref<16x16xi32, #tpu.memory_space<hbm>>
      %dma_start3A_72 = arith.constant 0 : i32
      %dma_start3A_73 = tpu.memref_slice %arg3[%mul3A_2, %dma_start3A_72] : memref<512x16xi32, #tpu.memory_space<hbm>> -> memref<16x16xi32, #tpu.memory_space<hbm>>
      tpu.enqueue_dma source(%dma_start3A_73 : memref<16x16xi32, #tpu.memory_space<hbm>>) target(%arg6 : memref<16x16xi32, #tpu.memory_space<vmem>>) target_semaphore(%run_scoped3A : memref<!tpu.dma_semaphore, #tpu.memory_space<semaphore_mem>>)
      %dma_wait3A_74 = arith.constant 0 : i32
      %dma_wait3A_75 = tpu.memref_slice %arg3[%mul3A_2, %dma_wait3A_74] : memref<512x16xi32, #tpu.memory_space<hbm>> -> memref<16x16xi32, #tpu.memory_space<hbm>>
      %dma_wait3A_76 = arith.constant 0 : i32
      %dma_wait3A_77 = tpu.memref_slice %arg3[%mul3A_2, %dma_wait3A_76] : memref<512x16xi32, #tpu.memory_space<hbm>> -> memref<16x16xi32, #tpu.memory_space<hbm>>
      tpu.wait_dma2 semaphore(%run_scoped3A : memref<!tpu.dma_semaphore, #tpu.memory_space<semaphore_mem>>) src(%dma_wait3A_77 : memref<16x16xi32, #tpu.memory_space<hbm>>) dst(%arg6 : memref<16x16xi32, #tpu.memory_space<vmem>>)
      tpu.yield
    }) : () -> ()
    "tpu.region"() ({
      %run_scoped3A = tpu.sem_alloc : memref<!tpu.dma_semaphore, #tpu.memory_space<semaphore_mem>>
      %dma_start3A_70 = arith.constant 0 : i32
      %dma_start3A_71 = tpu.memref_slice %arg4[%mul3A_2, %dma_start3A_70] : memref<512x16xf32, #tpu.memory_space<hbm>> -> memref<16x16xf32, #tpu.memory_space<hbm>>
      %dma_start3A_72 = arith.constant 0 : i32
      %dma_start3A_73 = tpu.memref_slice %arg4[%mul3A_2, %dma_start3A_72] : memref<512x16xf32, #tpu.memory_space<hbm>> -> memref<16x16xf32, #tpu.memory_space<hbm>>
      tpu.enqueue_dma source(%dma_start3A_73 : memref<16x16xf32, #tpu.memory_space<hbm>>) target(%arg7 : memref<16x16xf32, #tpu.memory_space<vmem>>) target_semaphore(%run_scoped3A : memref<!tpu.dma_semaphore, #tpu.memory_space<semaphore_mem>>)
      %dma_wait3A_74 = arith.constant 0 : i32
      %dma_wait3A_75 = tpu.memref_slice %arg4[%mul3A_2, %dma_wait3A_74] : memref<512x16xf32, #tpu.memory_space<hbm>> -> memref<16x16xf32, #tpu.memory_space<hbm>>
      %dma_wait3A_76 = arith.constant 0 : i32
      %dma_wait3A_77 = tpu.memref_slice %arg4[%mul3A_2, %dma_wait3A_76] : memref<512x16xf32, #tpu.memory_space<hbm>> -> memref<16x16xf32, #tpu.memory_space<hbm>>
      tpu.wait_dma2 semaphore(%run_scoped3A : memref<!tpu.dma_semaphore, #tpu.memory_space<semaphore_mem>>) src(%dma_wait3A_77 : memref<16x16xf32, #tpu.memory_space<hbm>>) dst(%arg7 : memref<16x16xf32, #tpu.memory_space<vmem>>)
      tpu.yield
    }) : () -> ()
    %dma_start3A = arith.constant 0 : i32
    %dma_start3A_3 = arith.constant 0 : i32
    %dma_start3A_4 = tpu.memref_slice %arg5[%mul3A_2, %dma_start3A, %dma_start3A_3] : memref<512x8x1024xf32, #tpu.memory_space<hbm>> -> memref<1x8x1024xf32, #tpu.memory_space<hbm>>
    %dma_start3A_5 = tpu.memref_squeeze %dma_start3A_4 : memref<1x8x1024xf32, #tpu.memory_space<hbm>> -> memref<8x1024xf32, #tpu.memory_space<hbm>>
    %dma_start3A_6 = arith.constant 0 : i32
    %dma_start3A_7 = arith.constant 0 : i32
    %dma_start3A_8 = tpu.memref_slice %arg5[%mul3A_2, %dma_start3A_6, %dma_start3A_7] : memref<512x8x1024xf32, #tpu.memory_space<hbm>> -> memref<1x8x1024xf32, #tpu.memory_space<hbm>>
    %dma_start3A_9 = tpu.memref_squeeze %dma_start3A_8 : memref<1x8x1024xf32, #tpu.memory_space<hbm>> -> memref<8x1024xf32, #tpu.memory_space<hbm>>
    tpu.enqueue_dma source(%dma_start3A_9 : memref<8x1024xf32, #tpu.memory_space<hbm>>) target(%arg10 : memref<8x1024xf32, #tpu.memory_space<vmem>>) target_semaphore(%arg14 : memref<!tpu.dma_semaphore, #tpu.memory_space<semaphore_mem>>)
    %dma_start3A_10 = arith.constant 0 : i32
    %dma_start3A_11 = arith.constant 0 : i32
    %dma_start3A_12 = tpu.memref_slice %arg5[%mul3A_2, %dma_start3A_10, %dma_start3A_11] : memref<512x8x1024xf32, #tpu.memory_space<hbm>> -> memref<1x8x1024xf32, #tpu.memory_space<hbm>>
    %dma_start3A_13 = tpu.memref_squeeze %dma_start3A_12 : memref<1x8x1024xf32, #tpu.memory_space<hbm>> -> memref<8x1024xf32, #tpu.memory_space<hbm>>
    %dma_start3A_14 = arith.constant 0 : i32
    %dma_start3A_15 = arith.constant 0 : i32
    %dma_start3A_16 = tpu.memref_slice %arg5[%mul3A_2, %dma_start3A_14, %dma_start3A_15] : memref<512x8x1024xf32, #tpu.memory_space<hbm>> -> memref<1x8x1024xf32, #tpu.memory_space<hbm>>
    %dma_start3A_17 = tpu.memref_squeeze %dma_start3A_16 : memref<1x8x1024xf32, #tpu.memory_space<hbm>> -> memref<8x1024xf32, #tpu.memory_space<hbm>>
    tpu.enqueue_dma source(%dma_start3A_17 : memref<8x1024xf32, #tpu.memory_space<hbm>>) target(%arg11 : memref<8x1024xf32, #tpu.memory_space<vmem>>) target_semaphore(%arg15 : memref<!tpu.dma_semaphore, #tpu.memory_space<semaphore_mem>>)
    %dma_start3A_18 = arith.constant 0 : i32
    %dma_start3A_19 = arith.constant 0 : i32
    %dma_start3A_20 = tpu.memref_slice %arg6[%dma_start3A_18, %dma_start3A_19] : memref<16x16xi32, #tpu.memory_space<vmem>> -> memref<1x4xi32, #tpu.memory_space<vmem>>
    %dma_start3A_21 = tpu.memref_squeeze %dma_start3A_20 : memref<1x4xi32, #tpu.memory_space<vmem>> -> memref<4xi32, #tpu.memory_space<vmem>>
    %dma_start3A_22 = arith.constant 0 : i32
    %dma_start3A_23 = arith.constant 0 : i32
    %dma_start3A_24 = arith.constant 0 : i32
    %dma_start3A_25 = tpu.memref_slice %arg2[%dma_start3A_22, %dma_start3A_23, %dma_start3A_24] : memref<8192x8x1024xf32, #tpu.memory_space<hbm>> -> memref<8192x8x1024xf32, #tpu.memory_space<hbm>>
    tpu.enqueue_indirect_dma source(%dma_start3A_25 : memref<8192x8x1024xf32, #tpu.memory_space<hbm>>) target(%arg8 : memref<4x8x1024xf32, #tpu.memory_space<vmem>>) offsets(%dma_start3A_21 : memref<4xi32, #tpu.memory_space<vmem>>) semaphore(%arg12 : memref<!tpu.dma_semaphore, #tpu.memory_space<semaphore_mem>>)
    %dma_start3A_26 = arith.constant 0 : i32
    %dma_start3A_27 = arith.constant 8 : i32
    %dma_start3A_28 = tpu.memref_slice %arg6[%dma_start3A_26, %dma_start3A_27] : memref<16x16xi32, #tpu.memory_space<vmem>> -> memref<1x4xi32, #tpu.memory_space<vmem>>
    %dma_start3A_29 = tpu.memref_squeeze %dma_start3A_28 : memref<1x4xi32, #tpu.memory_space<vmem>> -> memref<4xi32, #tpu.memory_space<vmem>>
    %dma_start3A_30 = arith.constant 0 : i32
    %dma_start3A_31 = arith.constant 0 : i32
    %dma_start3A_32 = arith.constant 0 : i32
    %dma_start3A_33 = tpu.memref_slice %arg2[%dma_start3A_30, %dma_start3A_31, %dma_start3A_32] : memref<8192x8x1024xf32, #tpu.memory_space<hbm>> -> memref<8192x8x1024xf32, #tpu.memory_space<hbm>>
    tpu.enqueue_indirect_dma source(%dma_start3A_33 : memref<8192x8x1024xf32, #tpu.memory_space<hbm>>) target(%arg9 : memref<4x8x1024xf32, #tpu.memory_space<vmem>>) offsets(%dma_start3A_29 : memref<4xi32, #tpu.memory_space<vmem>>) semaphore(%arg13 : memref<!tpu.dma_semaphore, #tpu.memory_space<semaphore_mem>>)
    %scan3A = arith.constant 0 : i32
    %scan3A_34 = arith.constant 0 : i32
    %scan3A_35 = arith.constant 8 : i32
    %scan3A_36 = arith.addi %scan3A_34, %scan3A_35 : i32
    %scan3A_37 = arith.constant 1 : i32
    scf.for %scan3A_70 = %scan3A_34 to %scan3A_36 step %scan3A_37  : i32 {
      %mul3A_71 = arith.constant 2 : i32
      %mul3A_72 = arith.muli %mul3A_71, %scan3A_70 : i32
      %add3A_73 = arith.constant 1 : i32
      %add3A_74 = arith.addi %mul3A_72, %add3A_73 : i32
      %add3A_75 = arith.constant 2 : i32
      %add3A_76 = arith.addi %mul3A_72, %add3A_75 : i32
      %min3A = arith.constant 15 : i32
      %min3A_77 = arith.minsi %add3A_76, %min3A : i32
      %get3A = arith.index_cast %mul3A_72 : i32 to index
      %get3A_78 = arith.constant 0 : index
      %get3A_79 = tpu.vector_load %arg7[%get3A, %get3A_78] {strides = array<i32>} : memref<16x16xf32, #tpu.memory_space<vmem>>, vector<1x16xf32>,
      %get3A_80 = vector.shape_cast %get3A_79 : vector<1x16xf32> to vector<16xf32>
      %broadcast_in_dim3A = arith.constant 0 : i32
      %broadcast_in_dim3A_81 = vector.broadcast %broadcast_in_dim3A : i32 to vector<16xi32>
      %lt3A = arith.constant 0 : i32
      %lt3A_82 = vector.broadcast %lt3A : i32 to vector<16xi32>
      %lt3A_83 = arith.cmpi slt, %broadcast_in_dim3A_81, %lt3A_82 : vector<16xi32>
      %add3A_84 = arith.constant 16 : i32
      %add3A_85 = vector.broadcast %add3A_84 : i32 to vector<16xi32>
      %add3A_86 = arith.addi %broadcast_in_dim3A_81, %add3A_85 : vector<16xi32>
      %select_n3A = arith.select %lt3A_83, %add3A_86, %broadcast_in_dim3A_81 : vector<16xi1>, vector<16xi32>
      %broadcast_in_dim3A_87 = vector.shape_cast %select_n3A : vector<16xi32> to vector<16x1xi32>
      %gather3A = vector.shape_cast %broadcast_in_dim3A_87 : vector<16x1xi32> to vector<16xi32>
      %gather3A_88 = tpu.dynamic_gather %get3A_80[%gather3A] in [0] : vector<16xf32>, vector<16xi32> -> vector<16xf32>
      %broadcast_in_dim3A_89 = arith.constant 1 : i32
      %broadcast_in_dim3A_90 = vector.broadcast %broadcast_in_dim3A_89 : i32 to vector<16xi32>
      %lt3A_91 = arith.constant 0 : i32
      %lt3A_92 = vector.broadcast %lt3A_91 : i32 to vector<16xi32>
      %lt3A_93 = arith.cmpi slt, %broadcast_in_dim3A_90, %lt3A_92 : vector<16xi32>
      %add3A_94 = arith.constant 16 : i32
      %add3A_95 = vector.broadcast %add3A_94 : i32 to vector<16xi32>
      %add3A_96 = arith.addi %broadcast_in_dim3A_90, %add3A_95 : vector<16xi32>
      %select_n3A_97 = arith.select %lt3A_93, %add3A_96, %broadcast_in_dim3A_90 : vector<16xi1>, vector<16xi32>
      %broadcast_in_dim3A_98 = vector.shape_cast %select_n3A_97 : vector<16xi32> to vector<16x1xi32>
      %gather3A_99 = vector.shape_cast %broadcast_in_dim3A_98 : vector<16x1xi32> to vector<16xi32>
      %gather3A_100 = tpu.dynamic_gather %get3A_80[%gather3A_99] in [0] : vector<16xf32>, vector<16xi32> -> vector<16xf32>
      %broadcast_in_dim3A_101 = arith.constant 2 : i32
      %broadcast_in_dim3A_102 = vector.broadcast %broadcast_in_dim3A_101 : i32 to vector<16xi32>
      %lt3A_103 = arith.constant 0 : i32
      %lt3A_104 = vector.broadcast %lt3A_103 : i32 to vector<16xi32>
      %lt3A_105 = arith.cmpi slt, %broadcast_in_dim3A_102, %lt3A_104 : vector<16xi32>
      %add3A_106 = arith.constant 16 : i32
      %add3A_107 = vector.broadcast %add3A_106 : i32 to vector<16xi32>
      %add3A_108 = arith.addi %broadcast_in_dim3A_102, %add3A_107 : vector<16xi32>
      %select_n3A_109 = arith.select %lt3A_105, %add3A_108, %broadcast_in_dim3A_102 : vector<16xi1>, vector<16xi32>
      %broadcast_in_dim3A_110 = vector.shape_cast %select_n3A_109 : vector<16xi32> to vector<16x1xi32>
      %gather3A_111 = vector.shape_cast %broadcast_in_dim3A_110 : vector<16x1xi32> to vector<16xi32>
      %gather3A_112 = tpu.dynamic_gather %get3A_80[%gather3A_111] in [0] : vector<16xf32>, vector<16xi32> -> vector<16xf32>
      %broadcast_in_dim3A_113 = arith.constant 3 : i32
      %broadcast_in_dim3A_114 = vector.broadcast %broadcast_in_dim3A_113 : i32 to vector<16xi32>
      %lt3A_115 = arith.constant 0 : i32
      %lt3A_116 = vector.broadcast %lt3A_115 : i32 to vector<16xi32>
      %lt3A_117 = arith.cmpi slt, %broadcast_in_dim3A_114, %lt3A_116 : vector<16xi32>
      %add3A_118 = arith.constant 16 : i32
      %add3A_119 = vector.broadcast %add3A_118 : i32 to vector<16xi32>
      %add3A_120 = arith.addi %broadcast_in_dim3A_114, %add3A_119 : vector<16xi32>
      %select_n3A_121 = arith.select %lt3A_117, %add3A_120, %broadcast_in_dim3A_114 : vector<16xi1>, vector<16xi32>
      %broadcast_in_dim3A_122 = vector.shape_cast %select_n3A_121 : vector<16xi32> to vector<16x1xi32>
      %gather3A_123 = vector.shape_cast %broadcast_in_dim3A_122 : vector<16x1xi32> to vector<16xi32>
      %gather3A_124 = tpu.dynamic_gather %get3A_80[%gather3A_123] in [0] : vector<16xf32>, vector<16xi32> -> vector<16xf32>
      %broadcast_in_dim3A_125 = arith.constant 4 : i32
      %broadcast_in_dim3A_126 = vector.broadcast %broadcast_in_dim3A_125 : i32 to vector<16xi32>
      %lt3A_127 = arith.constant 0 : i32
      %lt3A_128 = vector.broadcast %lt3A_127 : i32 to vector<16xi32>
      %lt3A_129 = arith.cmpi slt, %broadcast_in_dim3A_126, %lt3A_128 : vector<16xi32>
      %add3A_130 = arith.constant 16 : i32
      %add3A_131 = vector.broadcast %add3A_130 : i32 to vector<16xi32>
      %add3A_132 = arith.addi %broadcast_in_dim3A_126, %add3A_131 : vector<16xi32>
      %select_n3A_133 = arith.select %lt3A_129, %add3A_132, %broadcast_in_dim3A_126 : vector<16xi1>, vector<16xi32>
      %broadcast_in_dim3A_134 = vector.shape_cast %select_n3A_133 : vector<16xi32> to vector<16x1xi32>
      %gather3A_135 = vector.shape_cast %broadcast_in_dim3A_134 : vector<16x1xi32> to vector<16xi32>
      %gather3A_136 = tpu.dynamic_gather %get3A_80[%gather3A_135] in [0] : vector<16xf32>, vector<16xi32> -> vector<16xf32>
      %broadcast_in_dim3A_137 = arith.constant 5 : i32
      %broadcast_in_dim3A_138 = vector.broadcast %broadcast_in_dim3A_137 : i32 to vector<16xi32>
      %lt3A_139 = arith.constant 0 : i32
      %lt3A_140 = vector.broadcast %lt3A_139 : i32 to vector<16xi32>
      %lt3A_141 = arith.cmpi slt, %broadcast_in_dim3A_138, %lt3A_140 : vector<16xi32>
      %add3A_142 = arith.constant 16 : i32
      %add3A_143 = vector.broadcast %add3A_142 : i32 to vector<16xi32>
      %add3A_144 = arith.addi %broadcast_in_dim3A_138, %add3A_143 : vector<16xi32>
      %select_n3A_145 = arith.select %lt3A_141, %add3A_144, %broadcast_in_dim3A_138 : vector<16xi1>, vector<16xi32>
      %broadcast_in_dim3A_146 = vector.shape_cast %select_n3A_145 : vector<16xi32> to vector<16x1xi32>
      %gather3A_147 = vector.shape_cast %broadcast_in_dim3A_146 : vector<16x1xi32> to vector<16xi32>
      %gather3A_148 = tpu.dynamic_gather %get3A_80[%gather3A_147] in [0] : vector<16xf32>, vector<16xi32> -> vector<16xf32>
      %broadcast_in_dim3A_149 = arith.constant 6 : i32
      %broadcast_in_dim3A_150 = vector.broadcast %broadcast_in_dim3A_149 : i32 to vector<16xi32>
      %lt3A_151 = arith.constant 0 : i32
      %lt3A_152 = vector.broadcast %lt3A_151 : i32 to vector<16xi32>
      %lt3A_153 = arith.cmpi slt, %broadcast_in_dim3A_150, %lt3A_152 : vector<16xi32>
      %add3A_154 = arith.constant 16 : i32
      %add3A_155 = vector.broadcast %add3A_154 : i32 to vector<16xi32>
      %add3A_156 = arith.addi %broadcast_in_dim3A_150, %add3A_155 : vector<16xi32>
      %select_n3A_157 = arith.select %lt3A_153, %add3A_156, %broadcast_in_dim3A_150 : vector<16xi1>, vector<16xi32>
      %broadcast_in_dim3A_158 = vector.shape_cast %select_n3A_157 : vector<16xi32> to vector<16x1xi32>
      %gather3A_159 = vector.shape_cast %broadcast_in_dim3A_158 : vector<16x1xi32> to vector<16xi32>
      %gather3A_160 = tpu.dynamic_gather %get3A_80[%gather3A_159] in [0] : vector<16xf32>, vector<16xi32> -> vector<16xf32>
      %broadcast_in_dim3A_161 = arith.constant 7 : i32
      %broadcast_in_dim3A_162 = vector.broadcast %broadcast_in_dim3A_161 : i32 to vector<16xi32>
      %lt3A_163 = arith.constant 0 : i32
      %lt3A_164 = vector.broadcast %lt3A_163 : i32 to vector<16xi32>
      %lt3A_165 = arith.cmpi slt, %broadcast_in_dim3A_162, %lt3A_164 : vector<16xi32>
      %add3A_166 = arith.constant 16 : i32
      %add3A_167 = vector.broadcast %add3A_166 : i32 to vector<16xi32>
      %add3A_168 = arith.addi %broadcast_in_dim3A_162, %add3A_167 : vector<16xi32>
      %select_n3A_169 = arith.select %lt3A_165, %add3A_168, %broadcast_in_dim3A_162 : vector<16xi1>, vector<16xi32>
      %broadcast_in_dim3A_170 = vector.shape_cast %select_n3A_169 : vector<16xi32> to vector<16x1xi32>
      %gather3A_171 = vector.shape_cast %broadcast_in_dim3A_170 : vector<16x1xi32> to vector<16xi32>
      %gather3A_172 = tpu.dynamic_gather %get3A_80[%gather3A_171] in [0] : vector<16xf32>, vector<16xi32> -> vector<16xf32>
      %dma_wait3A_173 = arith.constant 0 : i32
      %dma_wait3A_174 = arith.constant 0 : i32
      %dma_wait3A_175 = tpu.memref_slice %arg5[%mul3A_2, %dma_wait3A_173, %dma_wait3A_174] : memref<512x8x1024xf32, #tpu.memory_space<hbm>> -> memref<1x8x1024xf32, #tpu.memory_space<hbm>>
      %dma_wait3A_176 = tpu.memref_squeeze %dma_wait3A_175 : memref<1x8x1024xf32, #tpu.memory_space<hbm>> -> memref<8x1024xf32, #tpu.memory_space<hbm>>
      %dma_wait3A_177 = arith.constant 0 : i32
      %dma_wait3A_178 = arith.constant 0 : i32
      %dma_wait3A_179 = tpu.memref_slice %arg5[%mul3A_2, %dma_wait3A_177, %dma_wait3A_178] : memref<512x8x1024xf32, #tpu.memory_space<hbm>> -> memref<1x8x1024xf32, #tpu.memory_space<hbm>>
      %dma_wait3A_180 = tpu.memref_squeeze %dma_wait3A_179 : memref<1x8x1024xf32, #tpu.memory_space<hbm>> -> memref<8x1024xf32, #tpu.memory_space<hbm>>
      tpu.wait_dma2 semaphore(%arg14 : memref<!tpu.dma_semaphore, #tpu.memory_space<semaphore_mem>>) src(%dma_wait3A_180 : memref<8x1024xf32, #tpu.memory_space<hbm>>) dst(%arg10 : memref<8x1024xf32, #tpu.memory_space<vmem>>)
      %dma_wait3A_181 = arith.constant 0 : i32
      %dma_wait3A_182 = tpu.memref_slice %arg6[%mul3A_72, %dma_wait3A_181] : memref<16x16xi32, #tpu.memory_space<vmem>> -> memref<1x4xi32, #tpu.memory_space<vmem>>
      %dma_wait3A_183 = tpu.memref_squeeze %dma_wait3A_182 : memref<1x4xi32, #tpu.memory_space<vmem>> -> memref<4xi32, #tpu.memory_space<vmem>>
      %dma_wait3A_184 = arith.constant 0 : i32
      %dma_wait3A_185 = arith.constant 0 : i32
      %dma_wait3A_186 = arith.constant 0 : i32
      %dma_wait3A_187 = tpu.memref_slice %arg2[%dma_wait3A_184, %dma_wait3A_185, %dma_wait3A_186] : memref<8192x8x1024xf32, #tpu.memory_space<hbm>> -> memref<8192x8x1024xf32, #tpu.memory_space<hbm>>
      tpu.wait_indirect_dma semaphore(%arg12 : memref<!tpu.dma_semaphore, #tpu.memory_space<semaphore_mem>>) src(%dma_wait3A_187 : memref<8192x8x1024xf32, #tpu.memory_space<hbm>>) dst(%arg8 : memref<4x8x1024xf32, #tpu.memory_space<vmem>>)
      %scan3A_188 = arith.constant 0 : i32
      %scan3A_189 = arith.constant 0 : i32
      %scan3A_190 = arith.constant 64 : i32
      %scan3A_191 = arith.addi %scan3A_189, %scan3A_190 : i32
      %scan3A_192 = arith.constant 1 : i32
      scf.for %scan3A_387 = %scan3A_189 to %scan3A_191 step %scan3A_192  : i32 {
        %mul3A_388 = arith.constant 16 : i32
        %mul3A_389 = arith.muli %scan3A_387, %mul3A_388 : i32
        %get3A_390 = arith.constant 0 : i32
        %get3A_391 = arith.constant 0 : i32
        %get3A_392 = arith.index_cast %get3A_390 : i32 to index
        %get3A_393 = arith.index_cast %get3A_391 : i32 to index
        %get3A_394 = arith.index_cast %mul3A_389 : i32 to index
        %get3A_395 = tpu.vector_load %arg8[%get3A_392, %get3A_393, %get3A_394] {strides = array<i32>} : memref<4x8x1024xf32, #tpu.memory_space<vmem>>, vector<1x1x16xf32>,
        %get3A_396 = vector.shape_cast %get3A_395 : vector<1x1x16xf32> to vector<16xf32>
        %mul3A_397 = arith.mulf %get3A_396, %gather3A_88 : vector<16xf32>
        %mul3A_398 = arith.constant 16 : i32
        %mul3A_399 = arith.muli %scan3A_387, %mul3A_398 : i32
        %get3A_400 = arith.constant 1 : i32
        %get3A_401 = arith.constant 0 : i32
        %get3A_402 = arith.index_cast %get3A_400 : i32 to index
        %get3A_403 = arith.index_cast %get3A_401 : i32 to index
        %get3A_404 = arith.index_cast %mul3A_399 : i32 to index
        %get3A_405 = tpu.vector_load %arg8[%get3A_402, %get3A_403, %get3A_404] {strides = array<i32>} : memref<4x8x1024xf32, #tpu.memory_space<vmem>>, vector<1x1x16xf32>,
        %get3A_406 = vector.shape_cast %get3A_405 : vector<1x1x16xf32> to vector<16xf32>
        %mul3A_407 = arith.mulf %get3A_406, %gather3A_100 : vector<16xf32>
        %add3A_408 = arith.addf %mul3A_397, %mul3A_407 : vector<16xf32>
        %mul3A_409 = arith.constant 16 : i32
        %mul3A_410 = arith.muli %scan3A_387, %mul3A_409 : i32
        %get3A_411 = arith.constant 2 : i32
        %get3A_412 = arith.constant 0 : i32
        %get3A_413 = arith.index_cast %get3A_411 : i32 to index
        %get3A_414 = arith.index_cast %get3A_412 : i32 to index
        %get3A_415 = arith.index_cast %mul3A_410 : i32 to index
        %get3A_416 = tpu.vector_load %arg8[%get3A_413, %get3A_414, %get3A_415] {strides = array<i32>} : memref<4x8x1024xf32, #tpu.memory_space<vmem>>, vector<1x1x16xf32>,
        %get3A_417 = vector.shape_cast %get3A_416 : vector<1x1x16xf32> to vector<16xf32>
        %mul3A_418 = arith.mulf %get3A_417, %gather3A_112 : vector<16xf32>
        %add3A_419 = arith.addf %add3A_408, %mul3A_418 : vector<16xf32>
        %mul3A_420 = arith.constant 16 : i32
        %mul3A_421 = arith.muli %scan3A_387, %mul3A_420 : i32
        %get3A_422 = arith.constant 3 : i32
        %get3A_423 = arith.constant 0 : i32
        %get3A_424 = arith.index_cast %get3A_422 : i32 to index
        %get3A_425 = arith.index_cast %get3A_423 : i32 to index
        %get3A_426 = arith.index_cast %mul3A_421 : i32 to index
        %get3A_427 = tpu.vector_load %arg8[%get3A_424, %get3A_425, %get3A_426] {strides = array<i32>} : memref<4x8x1024xf32, #tpu.memory_space<vmem>>, vector<1x1x16xf32>,
        %get3A_428 = vector.shape_cast %get3A_427 : vector<1x1x16xf32> to vector<16xf32>
        %mul3A_429 = arith.mulf %get3A_428, %gather3A_124 : vector<16xf32>
        %add3A_430 = arith.addf %add3A_419, %mul3A_429 : vector<16xf32>
        %mul3A_431 = arith.constant 16 : i32
        %mul3A_432 = arith.muli %scan3A_387, %mul3A_431 : i32
        %swap3A = arith.constant 0 : i32
        %swap3A_433 = arith.index_cast %swap3A : i32 to index
        %swap3A_434 = arith.index_cast %mul3A_432 : i32 to index
        %swap3A_435 = tpu.vector_load %arg10[%swap3A_433, %swap3A_434] {strides = array<i32>} : memref<8x1024xf32, #tpu.memory_space<vmem>>, vector<1x16xf32>,
        %swap3A_436 = vector.shape_cast %swap3A_435 : vector<1x16xf32> to vector<16xf32>
        %swap3A_437 = vector.shape_cast %add3A_430 : vector<16xf32> to vector<1x16xf32>
        tpu.vector_store %arg10[%swap3A_433, %swap3A_434], %swap3A_437 {strides = array<i32>} : memref<8x1024xf32, #tpu.memory_space<vmem>>, vector<1x16xf32>,
        %mul3A_438 = arith.constant 16 : i32
        %mul3A_439 = arith.muli %scan3A_387, %mul3A_438 : i32
        %get3A_440 = arith.constant 0 : i32
        %get3A_441 = arith.constant 1 : i32
        %get3A_442 = arith.index_cast %get3A_440 : i32 to index
        %get3A_443 = arith.index_cast %get3A_441 : i32 to index
        %get3A_444 = arith.index_cast %mul3A_439 : i32 to index
        %get3A_445 = tpu.vector_load %arg8[%get3A_442, %get3A_443, %get3A_444] {strides = array<i32>} : memref<4x8x1024xf32, #tpu.memory_space<vmem>>, vector<1x1x16xf32>,
        %get3A_446 = vector.shape_cast %get3A_445 : vector<1x1x16xf32> to vector<16xf32>
        %mul3A_447 = arith.mulf %get3A_446, %gather3A_88 : vector<16xf32>
        %mul3A_448 = arith.constant 16 : i32
        %mul3A_449 = arith.muli %scan3A_387, %mul3A_448 : i32
        %get3A_450 = arith.constant 1 : i32
        %get3A_451 = arith.constant 1 : i32
        %get3A_452 = arith.index_cast %get3A_450 : i32 to index
        %get3A_453 = arith.index_cast %get3A_451 : i32 to index
        %get3A_454 = arith.index_cast %mul3A_449 : i32 to index
        %get3A_455 = tpu.vector_load %arg8[%get3A_452, %get3A_453, %get3A_454] {strides = array<i32>} : memref<4x8x1024xf32, #tpu.memory_space<vmem>>, vector<1x1x16xf32>,
        %get3A_456 = vector.shape_cast %get3A_455 : vector<1x1x16xf32> to vector<16xf32>
        %mul3A_457 = arith.mulf %get3A_456, %gather3A_100 : vector<16xf32>
        %add3A_458 = arith.addf %mul3A_447, %mul3A_457 : vector<16xf32>
        %mul3A_459 = arith.constant 16 : i32
        %mul3A_460 = arith.muli %scan3A_387, %mul3A_459 : i32
        %get3A_461 = arith.constant 2 : i32
        %get3A_462 = arith.constant 1 : i32
        %get3A_463 = arith.index_cast %get3A_461 : i32 to index
        %get3A_464 = arith.index_cast %get3A_462 : i32 to index
        %get3A_465 = arith.index_cast %mul3A_460 : i32 to index
        %get3A_466 = tpu.vector_load %arg8[%get3A_463, %get3A_464, %get3A_465] {strides = array<i32>} : memref<4x8x1024xf32, #tpu.memory_space<vmem>>, vector<1x1x16xf32>,
        %get3A_467 = vector.shape_cast %get3A_466 : vector<1x1x16xf32> to vector<16xf32>
        %mul3A_468 = arith.mulf %get3A_467, %gather3A_112 : vector<16xf32>
        %add3A_469 = arith.addf %add3A_458, %mul3A_468 : vector<16xf32>
        %mul3A_470 = arith.constant 16 : i32
        %mul3A_471 = arith.muli %scan3A_387, %mul3A_470 : i32
        %get3A_472 = arith.constant 3 : i32
        %get3A_473 = arith.constant 1 : i32
        %get3A_474 = arith.index_cast %get3A_472 : i32 to index
        %get3A_475 = arith.index_cast %get3A_473 : i32 to index
        %get3A_476 = arith.index_cast %mul3A_471 : i32 to index
        %get3A_477 = tpu.vector_load %arg8[%get3A_474, %get3A_475, %get3A_476] {strides = array<i32>} : memref<4x8x1024xf32, #tpu.memory_space<vmem>>, vector<1x1x16xf32>,
        %get3A_478 = vector.shape_cast %get3A_477 : vector<1x1x16xf32> to vector<16xf32>
        %mul3A_479 = arith.mulf %get3A_478, %gather3A_124 : vector<16xf32>
        %add3A_480 = arith.addf %add3A_469, %mul3A_479 : vector<16xf32>
        %mul3A_481 = arith.constant 16 : i32
        %mul3A_482 = arith.muli %scan3A_387, %mul3A_481 : i32
        %swap3A_483 = arith.constant 1 : i32
        %swap3A_484 = arith.index_cast %swap3A_483 : i32 to index
        %swap3A_485 = arith.index_cast %mul3A_482 : i32 to index
        %swap3A_486 = tpu.vector_load %arg10[%swap3A_484, %swap3A_485] {strides = array<i32>} : memref<8x1024xf32, #tpu.memory_space<vmem>>, vector<1x16xf32>,
        %swap3A_487 = vector.shape_cast %swap3A_486 : vector<1x16xf32> to vector<16xf32>
        %swap3A_488 = vector.shape_cast %add3A_480 : vector<16xf32> to vector<1x16xf32>
        tpu.vector_store %arg10[%swap3A_484, %swap3A_485], %swap3A_488 {strides = array<i32>} : memref<8x1024xf32, #tpu.memory_space<vmem>>, vector<1x16xf32>,
        %mul3A_489 = arith.constant 16 : i32
        %mul3A_490 = arith.muli %scan3A_387, %mul3A_489 : i32
        %get3A_491 = arith.constant 0 : i32
        %get3A_492 = arith.constant 2 : i32
        %get3A_493 = arith.index_cast %get3A_491 : i32 to index
        %get3A_494 = arith.index_cast %get3A_492 : i32 to index
        %get3A_495 = arith.index_cast %mul3A_490 : i32 to index
        %get3A_496 = tpu.vector_load %arg8[%get3A_493, %get3A_494, %get3A_495] {strides = array<i32>} : memref<4x8x1024xf32, #tpu.memory_space<vmem>>, vector<1x1x16xf32>,
        %get3A_497 = vector.shape_cast %get3A_496 : vector<1x1x16xf32> to vector<16xf32>
        %mul3A_498 = arith.mulf %get3A_497, %gather3A_88 : vector<16xf32>
        %mul3A_499 = arith.constant 16 : i32
        %mul3A_500 = arith.muli %scan3A_387, %mul3A_499 : i32
        %get3A_501 = arith.constant 1 : i32
        %get3A_502 = arith.constant 2 : i32
        %get3A_503 = arith.index_cast %get3A_501 : i32 to index
        %get3A_504 = arith.index_cast %get3A_502 : i32 to index
        %get3A_505 = arith.index_cast %mul3A_500 : i32 to index
        %get3A_506 = tpu.vector_load %arg8[%get3A_503, %get3A_504, %get3A_505] {strides = array<i32>} : memref<4x8x1024xf32, #tpu.memory_space<vmem>>, vector<1x1x16xf32>,
        %get3A_507 = vector.shape_cast %get3A_506 : vector<1x1x16xf32> to vector<16xf32>
        %mul3A_508 = arith.mulf %get3A_507, %gather3A_100 : vector<16xf32>
        %add3A_509 = arith.addf %mul3A_498, %mul3A_508 : vector<16xf32>
        %mul3A_510 = arith.constant 16 : i32
        %mul3A_511 = arith.muli %scan3A_387, %mul3A_510 : i32
        %get3A_512 = arith.constant 2 : i32
        %get3A_513 = arith.constant 2 : i32
        %get3A_514 = arith.index_cast %get3A_512 : i32 to index
        %get3A_515 = arith.index_cast %get3A_513 : i32 to index
        %get3A_516 = arith.index_cast %mul3A_511 : i32 to index
        %get3A_517 = tpu.vector_load %arg8[%get3A_514, %get3A_515, %get3A_516] {strides = array<i32>} : memref<4x8x1024xf32, #tpu.memory_space<vmem>>, vector<1x1x16xf32>,
        %get3A_518 = vector.shape_cast %get3A_517 : vector<1x1x16xf32> to vector<16xf32>
        %mul3A_519 = arith.mulf %get3A_518, %gather3A_112 : vector<16xf32>
        %add3A_520 = arith.addf %add3A_509, %mul3A_519 : vector<16xf32>
        %mul3A_521 = arith.constant 16 : i32
        %mul3A_522 = arith.muli %scan3A_387, %mul3A_521 : i32
        %get3A_523 = arith.constant 3 : i32
        %get3A_524 = arith.constant 2 : i32
        %get3A_525 = arith.index_cast %get3A_523 : i32 to index
        %get3A_526 = arith.index_cast %get3A_524 : i32 to index
        %get3A_527 = arith.index_cast %mul3A_522 : i32 to index
        %get3A_528 = tpu.vector_load %arg8[%get3A_525, %get3A_526, %get3A_527] {strides = array<i32>} : memref<4x8x1024xf32, #tpu.memory_space<vmem>>, vector<1x1x16xf32>,
        %get3A_529 = vector.shape_cast %get3A_528 : vector<1x1x16xf32> to vector<16xf32>
        %mul3A_530 = arith.mulf %get3A_529, %gather3A_124 : vector<16xf32>
        %add3A_531 = arith.addf %add3A_520, %mul3A_530 : vector<16xf32>
        %mul3A_532 = arith.constant 16 : i32
        %mul3A_533 = arith.muli %scan3A_387, %mul3A_532 : i32
        %swap3A_534 = arith.constant 2 : i32
        %swap3A_535 = arith.index_cast %swap3A_534 : i32 to index
        %swap3A_536 = arith.index_cast %mul3A_533 : i32 to index
        %swap3A_537 = tpu.vector_load %arg10[%swap3A_535, %swap3A_536] {strides = array<i32>} : memref<8x1024xf32, #tpu.memory_space<vmem>>, vector<1x16xf32>,
        %swap3A_538 = vector.shape_cast %swap3A_537 : vector<1x16xf32> to vector<16xf32>
        %swap3A_539 = vector.shape_cast %add3A_531 : vector<16xf32> to vector<1x16xf32>
        tpu.vector_store %arg10[%swap3A_535, %swap3A_536], %swap3A_539 {strides = array<i32>} : memref<8x1024xf32, #tpu.memory_space<vmem>>, vector<1x16xf32>,
        %mul3A_540 = arith.constant 16 : i32
        %mul3A_541 = arith.muli %scan3A_387, %mul3A_540 : i32
        %get3A_542 = arith.constant 0 : i32
        %get3A_543 = arith.constant 3 : i32
        %get3A_544 = arith.index_cast %get3A_542 : i32 to index
        %get3A_545 = arith.index_cast %get3A_543 : i32 to index
        %get3A_546 = arith.index_cast %mul3A_541 : i32 to index
        %get3A_547 = tpu.vector_load %arg8[%get3A_544, %get3A_545, %get3A_546] {strides = array<i32>} : memref<4x8x1024xf32, #tpu.memory_space<vmem>>, vector<1x1x16xf32>,
        %get3A_548 = vector.shape_cast %get3A_547 : vector<1x1x16xf32> to vector<16xf32>
        %mul3A_549 = arith.mulf %get3A_548, %gather3A_88 : vector<16xf32>
        %mul3A_550 = arith.constant 16 : i32
        %mul3A_551 = arith.muli %scan3A_387, %mul3A_550 : i32
        %get3A_552 = arith.constant 1 : i32
        %get3A_553 = arith.constant 3 : i32
        %get3A_554 = arith.index_cast %get3A_552 : i32 to index
        %get3A_555 = arith.index_cast %get3A_553 : i32 to index
        %get3A_556 = arith.index_cast %mul3A_551 : i32 to index
        %get3A_557 = tpu.vector_load %arg8[%get3A_554, %get3A_555, %get3A_556] {strides = array<i32>} : memref<4x8x1024xf32, #tpu.memory_space<vmem>>, vector<1x1x16xf32>,
        %get3A_558 = vector.shape_cast %get3A_557 : vector<1x1x16xf32> to vector<16xf32>
        %mul3A_559 = arith.mulf %get3A_558, %gather3A_100 : vector<16xf32>
        %add3A_560 = arith.addf %mul3A_549, %mul3A_559 : vector<16xf32>
        %mul3A_561 = arith.constant 16 : i32
        %mul3A_562 = arith.muli %scan3A_387, %mul3A_561 : i32
        %get3A_563 = arith.constant 2 : i32
        %get3A_564 = arith.constant 3 : i32
        %get3A_565 = arith.index_cast %get3A_563 : i32 to index
        %get3A_566 = arith.index_cast %get3A_564 : i32 to index
        %get3A_567 = arith.index_cast %mul3A_562 : i32 to index
        %get3A_568 = tpu.vector_load %arg8[%get3A_565, %get3A_566, %get3A_567] {strides = array<i32>} : memref<4x8x1024xf32, #tpu.memory_space<vmem>>, vector<1x1x16xf32>,
        %get3A_569 = vector.shape_cast %get3A_568 : vector<1x1x16xf32> to vector<16xf32>
        %mul3A_570 = arith.mulf %get3A_569, %gather3A_112 : vector<16xf32>
        %add3A_571 = arith.addf %add3A_560, %mul3A_570 : vector<16xf32>
        %mul3A_572 = arith.constant 16 : i32
        %mul3A_573 = arith.muli %scan3A_387, %mul3A_572 : i32
        %get3A_574 = arith.constant 3 : i32
        %get3A_575 = arith.constant 3 : i32
        %get3A_576 = arith.index_cast %get3A_574 : i32 to index
        %get3A_577 = arith.index_cast %get3A_575 : i32 to index
        %get3A_578 = arith.index_cast %mul3A_573 : i32 to index
        %get3A_579 = tpu.vector_load %arg8[%get3A_576, %get3A_577, %get3A_578] {strides = array<i32>} : memref<4x8x1024xf32, #tpu.memory_space<vmem>>, vector<1x1x16xf32>,
        %get3A_580 = vector.shape_cast %get3A_579 : vector<1x1x16xf32> to vector<16xf32>
        %mul3A_581 = arith.mulf %get3A_580, %gather3A_124 : vector<16xf32>
        %add3A_582 = arith.addf %add3A_571, %mul3A_581 : vector<16xf32>
        %mul3A_583 = arith.constant 16 : i32
        %mul3A_584 = arith.muli %scan3A_387, %mul3A_583 : i32
        %swap3A_585 = arith.constant 3 : i32
        %swap3A_586 = arith.index_cast %swap3A_585 : i32 to index
        %swap3A_587 = arith.index_cast %mul3A_584 : i32 to index
        %swap3A_588 = tpu.vector_load %arg10[%swap3A_586, %swap3A_587] {strides = array<i32>} : memref<8x1024xf32, #tpu.memory_space<vmem>>, vector<1x16xf32>,
        %swap3A_589 = vector.shape_cast %swap3A_588 : vector<1x16xf32> to vector<16xf32>
        %swap3A_590 = vector.shape_cast %add3A_582 : vector<16xf32> to vector<1x16xf32>
        tpu.vector_store %arg10[%swap3A_586, %swap3A_587], %swap3A_590 {strides = array<i32>} : memref<8x1024xf32, #tpu.memory_space<vmem>>, vector<1x16xf32>,
        %mul3A_591 = arith.constant 16 : i32
        %mul3A_592 = arith.muli %scan3A_387, %mul3A_591 : i32
        %get3A_593 = arith.constant 0 : i32
        %get3A_594 = arith.constant 4 : i32
        %get3A_595 = arith.index_cast %get3A_593 : i32 to index
        %get3A_596 = arith.index_cast %get3A_594 : i32 to index
        %get3A_597 = arith.index_cast %mul3A_592 : i32 to index
        %get3A_598 = tpu.vector_load %arg8[%get3A_595, %get3A_596, %get3A_597] {strides = array<i32>} : memref<4x8x1024xf32, #tpu.memory_space<vmem>>, vector<1x1x16xf32>,
        %get3A_599 = vector.shape_cast %get3A_598 : vector<1x1x16xf32> to vector<16xf32>
        %mul3A_600 = arith.mulf %get3A_599, %gather3A_88 : vector<16xf32>
        %mul3A_601 = arith.constant 16 : i32
        %mul3A_602 = arith.muli %scan3A_387, %mul3A_601 : i32
        %get3A_603 = arith.constant 1 : i32
        %get3A_604 = arith.constant 4 : i32
        %get3A_605 = arith.index_cast %get3A_603 : i32 to index
        %get3A_606 = arith.index_cast %get3A_604 : i32 to index
        %get3A_607 = arith.index_cast %mul3A_602 : i32 to index
        %get3A_608 = tpu.vector_load %arg8[%get3A_605, %get3A_606, %get3A_607] {strides = array<i32>} : memref<4x8x1024xf32, #tpu.memory_space<vmem>>, vector<1x1x16xf32>,
        %get3A_609 = vector.shape_cast %get3A_608 : vector<1x1x16xf32> to vector<16xf32>
        %mul3A_610 = arith.mulf %get3A_609, %gather3A_100 : vector<16xf32>
        %add3A_611 = arith.addf %mul3A_600, %mul3A_610 : vector<16xf32>
        %mul3A_612 = arith.constant 16 : i32
        %mul3A_613 = arith.muli %scan3A_387, %mul3A_612 : i32
        %get3A_614 = arith.constant 2 : i32
        %get3A_615 = arith.constant 4 : i32
        %get3A_616 = arith.index_cast %get3A_614 : i32 to index
        %get3A_617 = arith.index_cast %get3A_615 : i32 to index
        %get3A_618 = arith.index_cast %mul3A_613 : i32 to index
        %get3A_619 = tpu.vector_load %arg8[%get3A_616, %get3A_617, %get3A_618] {strides = array<i32>} : memref<4x8x1024xf32, #tpu.memory_space<vmem>>, vector<1x1x16xf32>,
        %get3A_620 = vector.shape_cast %get3A_619 : vector<1x1x16xf32> to vector<16xf32>
        %mul3A_621 = arith.mulf %get3A_620, %gather3A_112 : vector<16xf32>
        %add3A_622 = arith.addf %add3A_611, %mul3A_621 : vector<16xf32>
        %mul3A_623 = arith.constant 16 : i32
        %mul3A_624 = arith.muli %scan3A_387, %mul3A_623 : i32
        %get3A_625 = arith.constant 3 : i32
        %get3A_626 = arith.constant 4 : i32
        %get3A_627 = arith.index_cast %get3A_625 : i32 to index
        %get3A_628 = arith.index_cast %get3A_626 : i32 to index
        %get3A_629 = arith.index_cast %mul3A_624 : i32 to index
        %get3A_630 = tpu.vector_load %arg8[%get3A_627, %get3A_628, %get3A_629] {strides = array<i32>} : memref<4x8x1024xf32, #tpu.memory_space<vmem>>, vector<1x1x16xf32>,
        %get3A_631 = vector.shape_cast %get3A_630 : vector<1x1x16xf32> to vector<16xf32>
        %mul3A_632 = arith.mulf %get3A_631, %gather3A_124 : vector<16xf32>
        %add3A_633 = arith.addf %add3A_622, %mul3A_632 : vector<16xf32>
        %mul3A_634 = arith.constant 16 : i32
        %mul3A_635 = arith.muli %scan3A_387, %mul3A_634 : i32
        %swap3A_636 = arith.constant 4 : i32
        %swap3A_637 = arith.index_cast %swap3A_636 : i32 to index
        %swap3A_638 = arith.index_cast %mul3A_635 : i32 to index
        %swap3A_639 = tpu.vector_load %arg10[%swap3A_637, %swap3A_638] {strides = array<i32>} : memref<8x1024xf32, #tpu.memory_space<vmem>>, vector<1x16xf32>,
        %swap3A_640 = vector.shape_cast %swap3A_639 : vector<1x16xf32> to vector<16xf32>
        %swap3A_641 = vector.shape_cast %add3A_633 : vector<16xf32> to vector<1x16xf32>
        tpu.vector_store %arg10[%swap3A_637, %swap3A_638], %swap3A_641 {strides = array<i32>} : memref<8x1024xf32, #tpu.memory_space<vmem>>, vector<1x16xf32>,
        %mul3A_642 = arith.constant 16 : i32
        %mul3A_643 = arith.muli %scan3A_387, %mul3A_642 : i32
        %get3A_644 = arith.constant 0 : i32
        %get3A_645 = arith.constant 5 : i32
        %get3A_646 = arith.index_cast %get3A_644 : i32 to index
        %get3A_647 = arith.index_cast %get3A_645 : i32 to index
        %get3A_648 = arith.index_cast %mul3A_643 : i32 to index
        %get3A_649 = tpu.vector_load %arg8[%get3A_646, %get3A_647, %get3A_648] {strides = array<i32>} : memref<4x8x1024xf32, #tpu.memory_space<vmem>>, vector<1x1x16xf32>,
        %get3A_650 = vector.shape_cast %get3A_649 : vector<1x1x16xf32> to vector<16xf32>
        %mul3A_651 = arith.mulf %get3A_650, %gather3A_88 : vector<16xf32>
        %mul3A_652 = arith.constant 16 : i32
        %mul3A_653 = arith.muli %scan3A_387, %mul3A_652 : i32
        %get3A_654 = arith.constant 1 : i32
        %get3A_655 = arith.constant 5 : i32
        %get3A_656 = arith.index_cast %get3A_654 : i32 to index
        %get3A_657 = arith.index_cast %get3A_655 : i32 to index
        %get3A_658 = arith.index_cast %mul3A_653 : i32 to index
        %get3A_659 = tpu.vector_load %arg8[%get3A_656, %get3A_657, %get3A_658] {strides = array<i32>} : memref<4x8x1024xf32, #tpu.memory_space<vmem>>, vector<1x1x16xf32>,
        %get3A_660 = vector.shape_cast %get3A_659 : vector<1x1x16xf32> to vector<16xf32>
        %mul3A_661 = arith.mulf %get3A_660, %gather3A_100 : vector<16xf32>
        %add3A_662 = arith.addf %mul3A_651, %mul3A_661 : vector<16xf32>
        %mul3A_663 = arith.constant 16 : i32
        %mul3A_664 = arith.muli %scan3A_387, %mul3A_663 : i32
        %get3A_665 = arith.constant 2 : i32
        %get3A_666 = arith.constant 5 : i32
        %get3A_667 = arith.index_cast %get3A_665 : i32 to index
        %get3A_668 = arith.index_cast %get3A_666 : i32 to index
        %get3A_669 = arith.index_cast %mul3A_664 : i32 to index
        %get3A_670 = tpu.vector_load %arg8[%get3A_667, %get3A_668, %get3A_669] {strides = array<i32>} : memref<4x8x1024xf32, #tpu.memory_space<vmem>>, vector<1x1x16xf32>,
        %get3A_671 = vector.shape_cast %get3A_670 : vector<1x1x16xf32> to vector<16xf32>
        %mul3A_672 = arith.mulf %get3A_671, %gather3A_112 : vector<16xf32>
        %add3A_673 = arith.addf %add3A_662, %mul3A_672 : vector<16xf32>
        %mul3A_674 = arith.constant 16 : i32
        %mul3A_675 = arith.muli %scan3A_387, %mul3A_674 : i32
        %get3A_676 = arith.constant 3 : i32
        %get3A_677 = arith.constant 5 : i32
        %get3A_678 = arith.index_cast %get3A_676 : i32 to index
        %get3A_679 = arith.index_cast %get3A_677 : i32 to index
        %get3A_680 = arith.index_cast %mul3A_675 : i32 to index
        %get3A_681 = tpu.vector_load %arg8[%get3A_678, %get3A_679, %get3A_680] {strides = array<i32>} : memref<4x8x1024xf32, #tpu.memory_space<vmem>>, vector<1x1x16xf32>,
        %get3A_682 = vector.shape_cast %get3A_681 : vector<1x1x16xf32> to vector<16xf32>
        %mul3A_683 = arith.mulf %get3A_682, %gather3A_124 : vector<16xf32>
        %add3A_684 = arith.addf %add3A_673, %mul3A_683 : vector<16xf32>
        %mul3A_685 = arith.constant 16 : i32
        %mul3A_686 = arith.muli %scan3A_387, %mul3A_685 : i32
        %swap3A_687 = arith.constant 5 : i32
        %swap3A_688 = arith.index_cast %swap3A_687 : i32 to index
        %swap3A_689 = arith.index_cast %mul3A_686 : i32 to index
        %swap3A_690 = tpu.vector_load %arg10[%swap3A_688, %swap3A_689] {strides = array<i32>} : memref<8x1024xf32, #tpu.memory_space<vmem>>, vector<1x16xf32>,
        %swap3A_691 = vector.shape_cast %swap3A_690 : vector<1x16xf32> to vector<16xf32>
        %swap3A_692 = vector.shape_cast %add3A_684 : vector<16xf32> to vector<1x16xf32>
        tpu.vector_store %arg10[%swap3A_688, %swap3A_689], %swap3A_692 {strides = array<i32>} : memref<8x1024xf32, #tpu.memory_space<vmem>>, vector<1x16xf32>,
        %mul3A_693 = arith.constant 16 : i32
        %mul3A_694 = arith.muli %scan3A_387, %mul3A_693 : i32
        %get3A_695 = arith.constant 0 : i32
        %get3A_696 = arith.constant 6 : i32
        %get3A_697 = arith.index_cast %get3A_695 : i32 to index
        %get3A_698 = arith.index_cast %get3A_696 : i32 to index
        %get3A_699 = arith.index_cast %mul3A_694 : i32 to index
        %get3A_700 = tpu.vector_load %arg8[%get3A_697, %get3A_698, %get3A_699] {strides = array<i32>} : memref<4x8x1024xf32, #tpu.memory_space<vmem>>, vector<1x1x16xf32>,
        %get3A_701 = vector.shape_cast %get3A_700 : vector<1x1x16xf32> to vector<16xf32>
        %mul3A_702 = arith.mulf %get3A_701, %gather3A_88 : vector<16xf32>
        %mul3A_703 = arith.constant 16 : i32
        %mul3A_704 = arith.muli %scan3A_387, %mul3A_703 : i32
        %get3A_705 = arith.constant 1 : i32
        %get3A_706 = arith.constant 6 : i32
        %get3A_707 = arith.index_cast %get3A_705 : i32 to index
        %get3A_708 = arith.index_cast %get3A_706 : i32 to index
        %get3A_709 = arith.index_cast %mul3A_704 : i32 to index
        %get3A_710 = tpu.vector_load %arg8[%get3A_707, %get3A_708, %get3A_709] {strides = array<i32>} : memref<4x8x1024xf32, #tpu.memory_space<vmem>>, vector<1x1x16xf32>,
        %get3A_711 = vector.shape_cast %get3A_710 : vector<1x1x16xf32> to vector<16xf32>
        %mul3A_712 = arith.mulf %get3A_711, %gather3A_100 : vector<16xf32>
        %add3A_713 = arith.addf %mul3A_702, %mul3A_712 : vector<16xf32>
        %mul3A_714 = arith.constant 16 : i32
        %mul3A_715 = arith.muli %scan3A_387, %mul3A_714 : i32
        %get3A_716 = arith.constant 2 : i32
        %get3A_717 = arith.constant 6 : i32
        %get3A_718 = arith.index_cast %get3A_716 : i32 to index
        %get3A_719 = arith.index_cast %get3A_717 : i32 to index
        %get3A_720 = arith.index_cast %mul3A_715 : i32 to index
        %get3A_721 = tpu.vector_load %arg8[%get3A_718, %get3A_719, %get3A_720] {strides = array<i32>} : memref<4x8x1024xf32, #tpu.memory_space<vmem>>, vector<1x1x16xf32>,
        %get3A_722 = vector.shape_cast %get3A_721 : vector<1x1x16xf32> to vector<16xf32>
        %mul3A_723 = arith.mulf %get3A_722, %gather3A_112 : vector<16xf32>
        %add3A_724 = arith.addf %add3A_713, %mul3A_723 : vector<16xf32>
        %mul3A_725 = arith.constant 16 : i32
        %mul3A_726 = arith.muli %scan3A_387, %mul3A_725 : i32
        %get3A_727 = arith.constant 3 : i32
        %get3A_728 = arith.constant 6 : i32
        %get3A_729 = arith.index_cast %get3A_727 : i32 to index
        %get3A_730 = arith.index_cast %get3A_728 : i32 to index
        %get3A_731 = arith.index_cast %mul3A_726 : i32 to index
        %get3A_732 = tpu.vector_load %arg8[%get3A_729, %get3A_730, %get3A_731] {strides = array<i32>} : memref<4x8x1024xf32, #tpu.memory_space<vmem>>, vector<1x1x16xf32>,
        %get3A_733 = vector.shape_cast %get3A_732 : vector<1x1x16xf32> to vector<16xf32>
        %mul3A_734 = arith.mulf %get3A_733, %gather3A_124 : vector<16xf32>
        %add3A_735 = arith.addf %add3A_724, %mul3A_734 : vector<16xf32>
        %mul3A_736 = arith.constant 16 : i32
        %mul3A_737 = arith.muli %scan3A_387, %mul3A_736 : i32
        %swap3A_738 = arith.constant 6 : i32
        %swap3A_739 = arith.index_cast %swap3A_738 : i32 to index
        %swap3A_740 = arith.index_cast %mul3A_737 : i32 to index
        %swap3A_741 = tpu.vector_load %arg10[%swap3A_739, %swap3A_740] {strides = array<i32>} : memref<8x1024xf32, #tpu.memory_space<vmem>>, vector<1x16xf32>,
        %swap3A_742 = vector.shape_cast %swap3A_741 : vector<1x16xf32> to vector<16xf32>
        %swap3A_743 = vector.shape_cast %add3A_735 : vector<16xf32> to vector<1x16xf32>
        tpu.vector_store %arg10[%swap3A_739, %swap3A_740], %swap3A_743 {strides = array<i32>} : memref<8x1024xf32, #tpu.memory_space<vmem>>, vector<1x16xf32>,
        %mul3A_744 = arith.constant 16 : i32
        %mul3A_745 = arith.muli %scan3A_387, %mul3A_744 : i32
        %get3A_746 = arith.constant 0 : i32
        %get3A_747 = arith.constant 7 : i32
        %get3A_748 = arith.index_cast %get3A_746 : i32 to index
        %get3A_749 = arith.index_cast %get3A_747 : i32 to index
        %get3A_750 = arith.index_cast %mul3A_745 : i32 to index
        %get3A_751 = tpu.vector_load %arg8[%get3A_748, %get3A_749, %get3A_750] {strides = array<i32>} : memref<4x8x1024xf32, #tpu.memory_space<vmem>>, vector<1x1x16xf32>,
        %get3A_752 = vector.shape_cast %get3A_751 : vector<1x1x16xf32> to vector<16xf32>
        %mul3A_753 = arith.mulf %get3A_752, %gather3A_88 : vector<16xf32>
        %mul3A_754 = arith.constant 16 : i32
        %mul3A_755 = arith.muli %scan3A_387, %mul3A_754 : i32
        %get3A_756 = arith.constant 1 : i32
        %get3A_757 = arith.constant 7 : i32
        %get3A_758 = arith.index_cast %get3A_756 : i32 to index
        %get3A_759 = arith.index_cast %get3A_757 : i32 to index
        %get3A_760 = arith.index_cast %mul3A_755 : i32 to index
        %get3A_761 = tpu.vector_load %arg8[%get3A_758, %get3A_759, %get3A_760] {strides = array<i32>} : memref<4x8x1024xf32, #tpu.memory_space<vmem>>, vector<1x1x16xf32>,
        %get3A_762 = vector.shape_cast %get3A_761 : vector<1x1x16xf32> to vector<16xf32>
        %mul3A_763 = arith.mulf %get3A_762, %gather3A_100 : vector<16xf32>
        %add3A_764 = arith.addf %mul3A_753, %mul3A_763 : vector<16xf32>
        %mul3A_765 = arith.constant 16 : i32
        %mul3A_766 = arith.muli %scan3A_387, %mul3A_765 : i32
        %get3A_767 = arith.constant 2 : i32
        %get3A_768 = arith.constant 7 : i32
        %get3A_769 = arith.index_cast %get3A_767 : i32 to index
        %get3A_770 = arith.index_cast %get3A_768 : i32 to index
        %get3A_771 = arith.index_cast %mul3A_766 : i32 to index
        %get3A_772 = tpu.vector_load %arg8[%get3A_769, %get3A_770, %get3A_771] {strides = array<i32>} : memref<4x8x1024xf32, #tpu.memory_space<vmem>>, vector<1x1x16xf32>,
        %get3A_773 = vector.shape_cast %get3A_772 : vector<1x1x16xf32> to vector<16xf32>
        %mul3A_774 = arith.mulf %get3A_773, %gather3A_112 : vector<16xf32>
        %add3A_775 = arith.addf %add3A_764, %mul3A_774 : vector<16xf32>
        %mul3A_776 = arith.constant 16 : i32
        %mul3A_777 = arith.muli %scan3A_387, %mul3A_776 : i32
        %get3A_778 = arith.constant 3 : i32
        %get3A_779 = arith.constant 7 : i32
        %get3A_780 = arith.index_cast %get3A_778 : i32 to index
        %get3A_781 = arith.index_cast %get3A_779 : i32 to index
        %get3A_782 = arith.index_cast %mul3A_777 : i32 to index
        %get3A_783 = tpu.vector_load %arg8[%get3A_780, %get3A_781, %get3A_782] {strides = array<i32>} : memref<4x8x1024xf32, #tpu.memory_space<vmem>>, vector<1x1x16xf32>,
        %get3A_784 = vector.shape_cast %get3A_783 : vector<1x1x16xf32> to vector<16xf32>
        %mul3A_785 = arith.mulf %get3A_784, %gather3A_124 : vector<16xf32>
        %add3A_786 = arith.addf %add3A_775, %mul3A_785 : vector<16xf32>
        %mul3A_787 = arith.constant 16 : i32
        %mul3A_788 = arith.muli %scan3A_387, %mul3A_787 : i32
        %swap3A_789 = arith.constant 7 : i32
        %swap3A_790 = arith.index_cast %swap3A_789 : i32 to index
        %swap3A_791 = arith.index_cast %mul3A_788 : i32 to index
        %swap3A_792 = tpu.vector_load %arg10[%swap3A_790, %swap3A_791] {strides = array<i32>} : memref<8x1024xf32, #tpu.memory_space<vmem>>, vector<1x16xf32>,
        %swap3A_793 = vector.shape_cast %swap3A_792 : vector<1x16xf32> to vector<16xf32>
        %swap3A_794 = vector.shape_cast %add3A_786 : vector<16xf32> to vector<1x16xf32>
        tpu.vector_store %arg10[%swap3A_790, %swap3A_791], %swap3A_794 {strides = array<i32>} : memref<8x1024xf32, #tpu.memory_space<vmem>>, vector<1x16xf32>,
      }
      %scan3A_193 = arith.constant 64 : i32
      %dma_start3A_194 = arith.constant 0 : i32
      %dma_start3A_195 = tpu.memref_slice %arg6[%add3A_74, %dma_start3A_194] : memref<16x16xi32, #tpu.memory_space<vmem>> -> memref<1x4xi32, #tpu.memory_space<vmem>>
      %dma_start3A_196 = tpu.memref_squeeze %dma_start3A_195 : memref<1x4xi32, #tpu.memory_space<vmem>> -> memref<4xi32, #tpu.memory_space<vmem>>
      %dma_start3A_197 = arith.constant 0 : i32
      %dma_start3A_198 = arith.constant 0 : i32
      %dma_start3A_199 = arith.constant 0 : i32
      %dma_start3A_200 = tpu.memref_slice %arg2[%dma_start3A_197, %dma_start3A_198, %dma_start3A_199] : memref<8192x8x1024xf32, #tpu.memory_space<hbm>> -> memref<8192x8x1024xf32, #tpu.memory_space<hbm>>
      tpu.enqueue_indirect_dma source(%dma_start3A_200 : memref<8192x8x1024xf32, #tpu.memory_space<hbm>>) target(%arg8 : memref<4x8x1024xf32, #tpu.memory_space<vmem>>) offsets(%dma_start3A_196 : memref<4xi32, #tpu.memory_space<vmem>>) semaphore(%arg12 : memref<!tpu.dma_semaphore, #tpu.memory_space<semaphore_mem>>)
      %dma_wait3A_201 = arith.constant 8 : i32
      %dma_wait3A_202 = tpu.memref_slice %arg6[%mul3A_72, %dma_wait3A_201] : memref<16x16xi32, #tpu.memory_space<vmem>> -> memref<1x4xi32, #tpu.memory_space<vmem>>
      %dma_wait3A_203 = tpu.memref_squeeze %dma_wait3A_202 : memref<1x4xi32, #tpu.memory_space<vmem>> -> memref<4xi32, #tpu.memory_space<vmem>>
      %dma_wait3A_204 = arith.constant 0 : i32
      %dma_wait3A_205 = arith.constant 0 : i32
      %dma_wait3A_206 = arith.constant 0 : i32
      %dma_wait3A_207 = tpu.memref_slice %arg2[%dma_wait3A_204, %dma_wait3A_205, %dma_wait3A_206] : memref<8192x8x1024xf32, #tpu.memory_space<hbm>> -> memref<8192x8x1024xf32, #tpu.memory_space<hbm>>
      tpu.wait_indirect_dma semaphore(%arg13 : memref<!tpu.dma_semaphore, #tpu.memory_space<semaphore_mem>>) src(%dma_wait3A_207 : memref<8192x8x1024xf32, #tpu.memory_space<hbm>>) dst(%arg9 : memref<4x8x1024xf32, #tpu.memory_space<vmem>>)
      %scan3A_208 = arith.constant 0 : i32
      %scan3A_209 = arith.constant 0 : i32
      %scan3A_210 = arith.constant 64 : i32
      %scan3A_211 = arith.addi %scan3A_209, %scan3A_210 : i32
      %scan3A_212 = arith.constant 1 : i32
      scf.for %scan3A_387 = %scan3A_209 to %scan3A_211 step %scan3A_212  : i32 {
        %mul3A_388 = arith.constant 16 : i32
        %mul3A_389 = arith.muli %scan3A_387, %mul3A_388 : i32
        %get3A_390 = arith.constant 0 : i32
        %get3A_391 = arith.index_cast %get3A_390 : i32 to index
        %get3A_392 = arith.index_cast %mul3A_389 : i32 to index
        %get3A_393 = tpu.vector_load %arg10[%get3A_391, %get3A_392] {strides = array<i32>} : memref<8x1024xf32, #tpu.memory_space<vmem>>, vector<1x16xf32>,
        %get3A_394 = vector.shape_cast %get3A_393 : vector<1x16xf32> to vector<16xf32>
        %mul3A_395 = arith.constant 16 : i32
        %mul3A_396 = arith.muli %scan3A_387, %mul3A_395 : i32
        %get3A_397 = arith.constant 0 : i32
        %get3A_398 = arith.constant 0 : i32
        %get3A_399 = arith.index_cast %get3A_397 : i32 to index
        %get3A_400 = arith.index_cast %get3A_398 : i32 to index
        %get3A_401 = arith.index_cast %mul3A_396 : i32 to index
        %get3A_402 = tpu.vector_load %arg9[%get3A_399, %get3A_400, %get3A_401] {strides = array<i32>} : memref<4x8x1024xf32, #tpu.memory_space<vmem>>, vector<1x1x16xf32>,
        %get3A_403 = vector.shape_cast %get3A_402 : vector<1x1x16xf32> to vector<16xf32>
        %mul3A_404 = arith.mulf %get3A_403, %gather3A_136 : vector<16xf32>
        %add3A_405 = arith.addf %get3A_394, %mul3A_404 : vector<16xf32>
        %mul3A_406 = arith.constant 16 : i32
        %mul3A_407 = arith.muli %scan3A_387, %mul3A_406 : i32
        %get3A_408 = arith.constant 1 : i32
        %get3A_409 = arith.constant 0 : i32
        %get3A_410 = arith.index_cast %get3A_408 : i32 to index
        %get3A_411 = arith.index_cast %get3A_409 : i32 to index
        %get3A_412 = arith.index_cast %mul3A_407 : i32 to index
        %get3A_413 = tpu.vector_load %arg9[%get3A_410, %get3A_411, %get3A_412] {strides = array<i32>} : memref<4x8x1024xf32, #tpu.memory_space<vmem>>, vector<1x1x16xf32>,
        %get3A_414 = vector.shape_cast %get3A_413 : vector<1x1x16xf32> to vector<16xf32>
        %mul3A_415 = arith.mulf %get3A_414, %gather3A_148 : vector<16xf32>
        %add3A_416 = arith.addf %add3A_405, %mul3A_415 : vector<16xf32>
        %mul3A_417 = arith.constant 16 : i32
        %mul3A_418 = arith.muli %scan3A_387, %mul3A_417 : i32
        %get3A_419 = arith.constant 2 : i32
        %get3A_420 = arith.constant 0 : i32
        %get3A_421 = arith.index_cast %get3A_419 : i32 to index
        %get3A_422 = arith.index_cast %get3A_420 : i32 to index
        %get3A_423 = arith.index_cast %mul3A_418 : i32 to index
        %get3A_424 = tpu.vector_load %arg9[%get3A_421, %get3A_422, %get3A_423] {strides = array<i32>} : memref<4x8x1024xf32, #tpu.memory_space<vmem>>, vector<1x1x16xf32>,
        %get3A_425 = vector.shape_cast %get3A_424 : vector<1x1x16xf32> to vector<16xf32>
        %mul3A_426 = arith.mulf %get3A_425, %gather3A_160 : vector<16xf32>
        %add3A_427 = arith.addf %add3A_416, %mul3A_426 : vector<16xf32>
        %mul3A_428 = arith.constant 16 : i32
        %mul3A_429 = arith.muli %scan3A_387, %mul3A_428 : i32
        %get3A_430 = arith.constant 3 : i32
        %get3A_431 = arith.constant 0 : i32
        %get3A_432 = arith.index_cast %get3A_430 : i32 to index
        %get3A_433 = arith.index_cast %get3A_431 : i32 to index
        %get3A_434 = arith.index_cast %mul3A_429 : i32 to index
        %get3A_435 = tpu.vector_load %arg9[%get3A_432, %get3A_433, %get3A_434] {strides = array<i32>} : memref<4x8x1024xf32, #tpu.memory_space<vmem>>, vector<1x1x16xf32>,
        %get3A_436 = vector.shape_cast %get3A_435 : vector<1x1x16xf32> to vector<16xf32>
        %mul3A_437 = arith.mulf %get3A_436, %gather3A_172 : vector<16xf32>
        %add3A_438 = arith.addf %add3A_427, %mul3A_437 : vector<16xf32>
        %mul3A_439 = arith.constant 16 : i32
        %mul3A_440 = arith.muli %scan3A_387, %mul3A_439 : i32
        %swap3A = arith.constant 0 : i32
        %swap3A_441 = arith.index_cast %swap3A : i32 to index
        %swap3A_442 = arith.index_cast %mul3A_440 : i32 to index
        %swap3A_443 = tpu.vector_load %arg10[%swap3A_441, %swap3A_442] {strides = array<i32>} : memref<8x1024xf32, #tpu.memory_space<vmem>>, vector<1x16xf32>,
        %swap3A_444 = vector.shape_cast %swap3A_443 : vector<1x16xf32> to vector<16xf32>
        %swap3A_445 = vector.shape_cast %add3A_438 : vector<16xf32> to vector<1x16xf32>
        tpu.vector_store %arg10[%swap3A_441, %swap3A_442], %swap3A_445 {strides = array<i32>} : memref<8x1024xf32, #tpu.memory_space<vmem>>, vector<1x16xf32>,
        %mul3A_446 = arith.constant 16 : i32
        %mul3A_447 = arith.muli %scan3A_387, %mul3A_446 : i32
        %get3A_448 = arith.constant 1 : i32
        %get3A_449 = arith.index_cast %get3A_448 : i32 to index
        %get3A_450 = arith.index_cast %mul3A_447 : i32 to index
        %get3A_451 = tpu.vector_load %arg10[%get3A_449, %get3A_450] {strides = array<i32>} : memref<8x1024xf32, #tpu.memory_space<vmem>>, vector<1x16xf32>,
        %get3A_452 = vector.shape_cast %get3A_451 : vector<1x16xf32> to vector<16xf32>
        %mul3A_453 = arith.constant 16 : i32
        %mul3A_454 = arith.muli %scan3A_387, %mul3A_453 : i32
        %get3A_455 = arith.constant 0 : i32
        %get3A_456 = arith.constant 1 : i32
        %get3A_457 = arith.index_cast %get3A_455 : i32 to index
        %get3A_458 = arith.index_cast %get3A_456 : i32 to index
        %get3A_459 = arith.index_cast %mul3A_454 : i32 to index
        %get3A_460 = tpu.vector_load %arg9[%get3A_457, %get3A_458, %get3A_459] {strides = array<i32>} : memref<4x8x1024xf32, #tpu.memory_space<vmem>>, vector<1x1x16xf32>,
        %get3A_461 = vector.shape_cast %get3A_460 : vector<1x1x16xf32> to vector<16xf32>
        %mul3A_462 = arith.mulf %get3A_461, %gather3A_136 : vector<16xf32>
        %add3A_463 = arith.addf %get3A_452, %mul3A_462 : vector<16xf32>
        %mul3A_464 = arith.constant 16 : i32
        %mul3A_465 = arith.muli %scan3A_387, %mul3A_464 : i32
        %get3A_466 = arith.constant 1 : i32
        %get3A_467 = arith.constant 1 : i32
        %get3A_468 = arith.index_cast %get3A_466 : i32 to index
        %get3A_469 = arith.index_cast %get3A_467 : i32 to index
        %get3A_470 = arith.index_cast %mul3A_465 : i32 to index
        %get3A_471 = tpu.vector_load %arg9[%get3A_468, %get3A_469, %get3A_470] {strides = array<i32>} : memref<4x8x1024xf32, #tpu.memory_space<vmem>>, vector<1x1x16xf32>,
        %get3A_472 = vector.shape_cast %get3A_471 : vector<1x1x16xf32> to vector<16xf32>
        %mul3A_473 = arith.mulf %get3A_472, %gather3A_148 : vector<16xf32>
        %add3A_474 = arith.addf %add3A_463, %mul3A_473 : vector<16xf32>
        %mul3A_475 = arith.constant 16 : i32
        %mul3A_476 = arith.muli %scan3A_387, %mul3A_475 : i32
        %get3A_477 = arith.constant 2 : i32
        %get3A_478 = arith.constant 1 : i32
        %get3A_479 = arith.index_cast %get3A_477 : i32 to index
        %get3A_480 = arith.index_cast %get3A_478 : i32 to index
        %get3A_481 = arith.index_cast %mul3A_476 : i32 to index
        %get3A_482 = tpu.vector_load %arg9[%get3A_479, %get3A_480, %get3A_481] {strides = array<i32>} : memref<4x8x1024xf32, #tpu.memory_space<vmem>>, vector<1x1x16xf32>,
        %get3A_483 = vector.shape_cast %get3A_482 : vector<1x1x16xf32> to vector<16xf32>
        %mul3A_484 = arith.mulf %get3A_483, %gather3A_160 : vector<16xf32>
        %add3A_485 = arith.addf %add3A_474, %mul3A_484 : vector<16xf32>
        %mul3A_486 = arith.constant 16 : i32
        %mul3A_487 = arith.muli %scan3A_387, %mul3A_486 : i32
        %get3A_488 = arith.constant 3 : i32
        %get3A_489 = arith.constant 1 : i32
        %get3A_490 = arith.index_cast %get3A_488 : i32 to index
        %get3A_491 = arith.index_cast %get3A_489 : i32 to index
        %get3A_492 = arith.index_cast %mul3A_487 : i32 to index
        %get3A_493 = tpu.vector_load %arg9[%get3A_490, %get3A_491, %get3A_492] {strides = array<i32>} : memref<4x8x1024xf32, #tpu.memory_space<vmem>>, vector<1x1x16xf32>,
        %get3A_494 = vector.shape_cast %get3A_493 : vector<1x1x16xf32> to vector<16xf32>
        %mul3A_495 = arith.mulf %get3A_494, %gather3A_172 : vector<16xf32>
        %add3A_496 = arith.addf %add3A_485, %mul3A_495 : vector<16xf32>
        %mul3A_497 = arith.constant 16 : i32
        %mul3A_498 = arith.muli %scan3A_387, %mul3A_497 : i32
        %swap3A_499 = arith.constant 1 : i32
        %swap3A_500 = arith.index_cast %swap3A_499 : i32 to index
        %swap3A_501 = arith.index_cast %mul3A_498 : i32 to index
        %swap3A_502 = tpu.vector_load %arg10[%swap3A_500, %swap3A_501] {strides = array<i32>} : memref<8x1024xf32, #tpu.memory_space<vmem>>, vector<1x16xf32>,
        %swap3A_503 = vector.shape_cast %swap3A_502 : vector<1x16xf32> to vector<16xf32>
        %swap3A_504 = vector.shape_cast %add3A_496 : vector<16xf32> to vector<1x16xf32>
        tpu.vector_store %arg10[%swap3A_500, %swap3A_501], %swap3A_504 {strides = array<i32>} : memref<8x1024xf32, #tpu.memory_space<vmem>>, vector<1x16xf32>,
        %mul3A_505 = arith.constant 16 : i32
        %mul3A_506 = arith.muli %scan3A_387, %mul3A_505 : i32
        %get3A_507 = arith.constant 2 : i32
        %get3A_508 = arith.index_cast %get3A_507 : i32 to index
        %get3A_509 = arith.index_cast %mul3A_506 : i32 to index
        %get3A_510 = tpu.vector_load %arg10[%get3A_508, %get3A_509] {strides = array<i32>} : memref<8x1024xf32, #tpu.memory_space<vmem>>, vector<1x16xf32>,
        %get3A_511 = vector.shape_cast %get3A_510 : vector<1x16xf32> to vector<16xf32>
        %mul3A_512 = arith.constant 16 : i32
        %mul3A_513 = arith.muli %scan3A_387, %mul3A_512 : i32
        %get3A_514 = arith.constant 0 : i32
        %get3A_515 = arith.constant 2 : i32
        %get3A_516 = arith.index_cast %get3A_514 : i32 to index
        %get3A_517 = arith.index_cast %get3A_515 : i32 to index
        %get3A_518 = arith.index_cast %mul3A_513 : i32 to index
        %get3A_519 = tpu.vector_load %arg9[%get3A_516, %get3A_517, %get3A_518] {strides = array<i32>} : memref<4x8x1024xf32, #tpu.memory_space<vmem>>, vector<1x1x16xf32>,
        %get3A_520 = vector.shape_cast %get3A_519 : vector<1x1x16xf32> to vector<16xf32>
        %mul3A_521 = arith.mulf %get3A_520, %gather3A_136 : vector<16xf32>
        %add3A_522 = arith.addf %get3A_511, %mul3A_521 : vector<16xf32>
        %mul3A_523 = arith.constant 16 : i32
        %mul3A_524 = arith.muli %scan3A_387, %mul3A_523 : i32
        %get3A_525 = arith.constant 1 : i32
        %get3A_526 = arith.constant 2 : i32
        %get3A_527 = arith.index_cast %get3A_525 : i32 to index
        %get3A_528 = arith.index_cast %get3A_526 : i32 to index
        %get3A_529 = arith.index_cast %mul3A_524 : i32 to index
        %get3A_530 = tpu.vector_load %arg9[%get3A_527, %get3A_528, %get3A_529] {strides = array<i32>} : memref<4x8x1024xf32, #tpu.memory_space<vmem>>, vector<1x1x16xf32>,
        %get3A_531 = vector.shape_cast %get3A_530 : vector<1x1x16xf32> to vector<16xf32>
        %mul3A_532 = arith.mulf %get3A_531, %gather3A_148 : vector<16xf32>
        %add3A_533 = arith.addf %add3A_522, %mul3A_532 : vector<16xf32>
        %mul3A_534 = arith.constant 16 : i32
        %mul3A_535 = arith.muli %scan3A_387, %mul3A_534 : i32
        %get3A_536 = arith.constant 2 : i32
        %get3A_537 = arith.constant 2 : i32
        %get3A_538 = arith.index_cast %get3A_536 : i32 to index
        %get3A_539 = arith.index_cast %get3A_537 : i32 to index
        %get3A_540 = arith.index_cast %mul3A_535 : i32 to index
        %get3A_541 = tpu.vector_load %arg9[%get3A_538, %get3A_539, %get3A_540] {strides = array<i32>} : memref<4x8x1024xf32, #tpu.memory_space<vmem>>, vector<1x1x16xf32>,
        %get3A_542 = vector.shape_cast %get3A_541 : vector<1x1x16xf32> to vector<16xf32>
        %mul3A_543 = arith.mulf %get3A_542, %gather3A_160 : vector<16xf32>
        %add3A_544 = arith.addf %add3A_533, %mul3A_543 : vector<16xf32>
        %mul3A_545 = arith.constant 16 : i32
        %mul3A_546 = arith.muli %scan3A_387, %mul3A_545 : i32
        %get3A_547 = arith.constant 3 : i32
        %get3A_548 = arith.constant 2 : i32
        %get3A_549 = arith.index_cast %get3A_547 : i32 to index
        %get3A_550 = arith.index_cast %get3A_548 : i32 to index
        %get3A_551 = arith.index_cast %mul3A_546 : i32 to index
        %get3A_552 = tpu.vector_load %arg9[%get3A_549, %get3A_550, %get3A_551] {strides = array<i32>} : memref<4x8x1024xf32, #tpu.memory_space<vmem>>, vector<1x1x16xf32>,
        %get3A_553 = vector.shape_cast %get3A_552 : vector<1x1x16xf32> to vector<16xf32>
        %mul3A_554 = arith.mulf %get3A_553, %gather3A_172 : vector<16xf32>
        %add3A_555 = arith.addf %add3A_544, %mul3A_554 : vector<16xf32>
        %mul3A_556 = arith.constant 16 : i32
        %mul3A_557 = arith.muli %scan3A_387, %mul3A_556 : i32
        %swap3A_558 = arith.constant 2 : i32
        %swap3A_559 = arith.index_cast %swap3A_558 : i32 to index
        %swap3A_560 = arith.index_cast %mul3A_557 : i32 to index
        %swap3A_561 = tpu.vector_load %arg10[%swap3A_559, %swap3A_560] {strides = array<i32>} : memref<8x1024xf32, #tpu.memory_space<vmem>>, vector<1x16xf32>,
        %swap3A_562 = vector.shape_cast %swap3A_561 : vector<1x16xf32> to vector<16xf32>
        %swap3A_563 = vector.shape_cast %add3A_555 : vector<16xf32> to vector<1x16xf32>
        tpu.vector_store %arg10[%swap3A_559, %swap3A_560], %swap3A_563 {strides = array<i32>} : memref<8x1024xf32, #tpu.memory_space<vmem>>, vector<1x16xf32>,
        %mul3A_564 = arith.constant 16 : i32
        %mul3A_565 = arith.muli %scan3A_387, %mul3A_564 : i32
        %get3A_566 = arith.constant 3 : i32
        %get3A_567 = arith.index_cast %get3A_566 : i32 to index
        %get3A_568 = arith.index_cast %mul3A_565 : i32 to index
        %get3A_569 = tpu.vector_load %arg10[%get3A_567, %get3A_568] {strides = array<i32>} : memref<8x1024xf32, #tpu.memory_space<vmem>>, vector<1x16xf32>,
        %get3A_570 = vector.shape_cast %get3A_569 : vector<1x16xf32> to vector<16xf32>
        %mul3A_571 = arith.constant 16 : i32
        %mul3A_572 = arith.muli %scan3A_387, %mul3A_571 : i32
        %get3A_573 = arith.constant 0 : i32
        %get3A_574 = arith.constant 3 : i32
        %get3A_575 = arith.index_cast %get3A_573 : i32 to index
        %get3A_576 = arith.index_cast %get3A_574 : i32 to index
        %get3A_577 = arith.index_cast %mul3A_572 : i32 to index
        %get3A_578 = tpu.vector_load %arg9[%get3A_575, %get3A_576, %get3A_577] {strides = array<i32>} : memref<4x8x1024xf32, #tpu.memory_space<vmem>>, vector<1x1x16xf32>,
        %get3A_579 = vector.shape_cast %get3A_578 : vector<1x1x16xf32> to vector<16xf32>
        %mul3A_580 = arith.mulf %get3A_579, %gather3A_136 : vector<16xf32>
        %add3A_581 = arith.addf %get3A_570, %mul3A_580 : vector<16xf32>
        %mul3A_582 = arith.constant 16 : i32
        %mul3A_583 = arith.muli %scan3A_387, %mul3A_582 : i32
        %get3A_584 = arith.constant 1 : i32
        %get3A_585 = arith.constant 3 : i32
        %get3A_586 = arith.index_cast %get3A_584 : i32 to index
        %get3A_587 = arith.index_cast %get3A_585 : i32 to index
        %get3A_588 = arith.index_cast %mul3A_583 : i32 to index
        %get3A_589 = tpu.vector_load %arg9[%get3A_586, %get3A_587, %get3A_588] {strides = array<i32>} : memref<4x8x1024xf32, #tpu.memory_space<vmem>>, vector<1x1x16xf32>,
        %get3A_590 = vector.shape_cast %get3A_589 : vector<1x1x16xf32> to vector<16xf32>
        %mul3A_591 = arith.mulf %get3A_590, %gather3A_148 : vector<16xf32>
        %add3A_592 = arith.addf %add3A_581, %mul3A_591 : vector<16xf32>
        %mul3A_593 = arith.constant 16 : i32
        %mul3A_594 = arith.muli %scan3A_387, %mul3A_593 : i32
        %get3A_595 = arith.constant 2 : i32
        %get3A_596 = arith.constant 3 : i32
        %get3A_597 = arith.index_cast %get3A_595 : i32 to index
        %get3A_598 = arith.index_cast %get3A_596 : i32 to index
        %get3A_599 = arith.index_cast %mul3A_594 : i32 to index
        %get3A_600 = tpu.vector_load %arg9[%get3A_597, %get3A_598, %get3A_599] {strides = array<i32>} : memref<4x8x1024xf32, #tpu.memory_space<vmem>>, vector<1x1x16xf32>,
        %get3A_601 = vector.shape_cast %get3A_600 : vector<1x1x16xf32> to vector<16xf32>
        %mul3A_602 = arith.mulf %get3A_601, %gather3A_160 : vector<16xf32>
        %add3A_603 = arith.addf %add3A_592, %mul3A_602 : vector<16xf32>
        %mul3A_604 = arith.constant 16 : i32
        %mul3A_605 = arith.muli %scan3A_387, %mul3A_604 : i32
        %get3A_606 = arith.constant 3 : i32
        %get3A_607 = arith.constant 3 : i32
        %get3A_608 = arith.index_cast %get3A_606 : i32 to index
        %get3A_609 = arith.index_cast %get3A_607 : i32 to index
        %get3A_610 = arith.index_cast %mul3A_605 : i32 to index
        %get3A_611 = tpu.vector_load %arg9[%get3A_608, %get3A_609, %get3A_610] {strides = array<i32>} : memref<4x8x1024xf32, #tpu.memory_space<vmem>>, vector<1x1x16xf32>,
        %get3A_612 = vector.shape_cast %get3A_611 : vector<1x1x16xf32> to vector<16xf32>
        %mul3A_613 = arith.mulf %get3A_612, %gather3A_172 : vector<16xf32>
        %add3A_614 = arith.addf %add3A_603, %mul3A_613 : vector<16xf32>
        %mul3A_615 = arith.constant 16 : i32
        %mul3A_616 = arith.muli %scan3A_387, %mul3A_615 : i32
        %swap3A_617 = arith.constant 3 : i32
        %swap3A_618 = arith.index_cast %swap3A_617 : i32 to index
        %swap3A_619 = arith.index_cast %mul3A_616 : i32 to index
        %swap3A_620 = tpu.vector_load %arg10[%swap3A_618, %swap3A_619] {strides = array<i32>} : memref<8x1024xf32, #tpu.memory_space<vmem>>, vector<1x16xf32>,
        %swap3A_621 = vector.shape_cast %swap3A_620 : vector<1x16xf32> to vector<16xf32>
        %swap3A_622 = vector.shape_cast %add3A_614 : vector<16xf32> to vector<1x16xf32>
        tpu.vector_store %arg10[%swap3A_618, %swap3A_619], %swap3A_622 {strides = array<i32>} : memref<8x1024xf32, #tpu.memory_space<vmem>>, vector<1x16xf32>,
        %mul3A_623 = arith.constant 16 : i32
        %mul3A_624 = arith.muli %scan3A_387, %mul3A_623 : i32
        %get3A_625 = arith.constant 4 : i32
        %get3A_626 = arith.index_cast %get3A_625 : i32 to index
        %get3A_627 = arith.index_cast %mul3A_624 : i32 to index
        %get3A_628 = tpu.vector_load %arg10[%get3A_626, %get3A_627] {strides = array<i32>} : memref<8x1024xf32, #tpu.memory_space<vmem>>, vector<1x16xf32>,
        %get3A_629 = vector.shape_cast %get3A_628 : vector<1x16xf32> to vector<16xf32>
        %mul3A_630 = arith.constant 16 : i32
        %mul3A_631 = arith.muli %scan3A_387, %mul3A_630 : i32
        %get3A_632 = arith.constant 0 : i32
        %get3A_633 = arith.constant 4 : i32
        %get3A_634 = arith.index_cast %get3A_632 : i32 to index
        %get3A_635 = arith.index_cast %get3A_633 : i32 to index
        %get3A_636 = arith.index_cast %mul3A_631 : i32 to index
        %get3A_637 = tpu.vector_load %arg9[%get3A_634, %get3A_635, %get3A_636] {strides = array<i32>} : memref<4x8x1024xf32, #tpu.memory_space<vmem>>, vector<1x1x16xf32>,
        %get3A_638 = vector.shape_cast %get3A_637 : vector<1x1x16xf32> to vector<16xf32>
        %mul3A_639 = arith.mulf %get3A_638, %gather3A_136 : vector<16xf32>
        %add3A_640 = arith.addf %get3A_629, %mul3A_639 : vector<16xf32>
        %mul3A_641 = arith.constant 16 : i32
        %mul3A_642 = arith.muli %scan3A_387, %mul3A_641 : i32
        %get3A_643 = arith.constant 1 : i32
        %get3A_644 = arith.constant 4 : i32
        %get3A_645 = arith.index_cast %get3A_643 : i32 to index
        %get3A_646 = arith.index_cast %get3A_644 : i32 to index
        %get3A_647 = arith.index_cast %mul3A_642 : i32 to index
        %get3A_648 = tpu.vector_load %arg9[%get3A_645, %get3A_646, %get3A_647] {strides = array<i32>} : memref<4x8x1024xf32, #tpu.memory_space<vmem>>, vector<1x1x16xf32>,
        %get3A_649 = vector.shape_cast %get3A_648 : vector<1x1x16xf32> to vector<16xf32>
        %mul3A_650 = arith.mulf %get3A_649, %gather3A_148 : vector<16xf32>
        %add3A_651 = arith.addf %add3A_640, %mul3A_650 : vector<16xf32>
        %mul3A_652 = arith.constant 16 : i32
        %mul3A_653 = arith.muli %scan3A_387, %mul3A_652 : i32
        %get3A_654 = arith.constant 2 : i32
        %get3A_655 = arith.constant 4 : i32
        %get3A_656 = arith.index_cast %get3A_654 : i32 to index
        %get3A_657 = arith.index_cast %get3A_655 : i32 to index
        %get3A_658 = arith.index_cast %mul3A_653 : i32 to index
        %get3A_659 = tpu.vector_load %arg9[%get3A_656, %get3A_657, %get3A_658] {strides = array<i32>} : memref<4x8x1024xf32, #tpu.memory_space<vmem>>, vector<1x1x16xf32>,
        %get3A_660 = vector.shape_cast %get3A_659 : vector<1x1x16xf32> to vector<16xf32>
        %mul3A_661 = arith.mulf %get3A_660, %gather3A_160 : vector<16xf32>
        %add3A_662 = arith.addf %add3A_651, %mul3A_661 : vector<16xf32>
        %mul3A_663 = arith.constant 16 : i32
        %mul3A_664 = arith.muli %scan3A_387, %mul3A_663 : i32
        %get3A_665 = arith.constant 3 : i32
        %get3A_666 = arith.constant 4 : i32
        %get3A_667 = arith.index_cast %get3A_665 : i32 to index
        %get3A_668 = arith.index_cast %get3A_666 : i32 to index
        %get3A_669 = arith.index_cast %mul3A_664 : i32 to index
        %get3A_670 = tpu.vector_load %arg9[%get3A_667, %get3A_668, %get3A_669] {strides = array<i32>} : memref<4x8x1024xf32, #tpu.memory_space<vmem>>, vector<1x1x16xf32>,
        %get3A_671 = vector.shape_cast %get3A_670 : vector<1x1x16xf32> to vector<16xf32>
        %mul3A_672 = arith.mulf %get3A_671, %gather3A_172 : vector<16xf32>
        %add3A_673 = arith.addf %add3A_662, %mul3A_672 : vector<16xf32>
        %mul3A_674 = arith.constant 16 : i32
        %mul3A_675 = arith.muli %scan3A_387, %mul3A_674 : i32
        %swap3A_676 = arith.constant 4 : i32
        %swap3A_677 = arith.index_cast %swap3A_676 : i32 to index
        %swap3A_678 = arith.index_cast %mul3A_675 : i32 to index
        %swap3A_679 = tpu.vector_load %arg10[%swap3A_677, %swap3A_678] {strides = array<i32>} : memref<8x1024xf32, #tpu.memory_space<vmem>>, vector<1x16xf32>,
        %swap3A_680 = vector.shape_cast %swap3A_679 : vector<1x16xf32> to vector<16xf32>
        %swap3A_681 = vector.shape_cast %add3A_673 : vector<16xf32> to vector<1x16xf32>
        tpu.vector_store %arg10[%swap3A_677, %swap3A_678], %swap3A_681 {strides = array<i32>} : memref<8x1024xf32, #tpu.memory_space<vmem>>, vector<1x16xf32>,
        %mul3A_682 = arith.constant 16 : i32
        %mul3A_683 = arith.muli %scan3A_387, %mul3A_682 : i32
        %get3A_684 = arith.constant 5 : i32
        %get3A_685 = arith.index_cast %get3A_684 : i32 to index
        %get3A_686 = arith.index_cast %mul3A_683 : i32 to index
        %get3A_687 = tpu.vector_load %arg10[%get3A_685, %get3A_686] {strides = array<i32>} : memref<8x1024xf32, #tpu.memory_space<vmem>>, vector<1x16xf32>,
        %get3A_688 = vector.shape_cast %get3A_687 : vector<1x16xf32> to vector<16xf32>
        %mul3A_689 = arith.constant 16 : i32
        %mul3A_690 = arith.muli %scan3A_387, %mul3A_689 : i32
        %get3A_691 = arith.constant 0 : i32
        %get3A_692 = arith.constant 5 : i32
        %get3A_693 = arith.index_cast %get3A_691 : i32 to index
        %get3A_694 = arith.index_cast %get3A_692 : i32 to index
        %get3A_695 = arith.index_cast %mul3A_690 : i32 to index
        %get3A_696 = tpu.vector_load %arg9[%get3A_693, %get3A_694, %get3A_695] {strides = array<i32>} : memref<4x8x1024xf32, #tpu.memory_space<vmem>>, vector<1x1x16xf32>,
        %get3A_697 = vector.shape_cast %get3A_696 : vector<1x1x16xf32> to vector<16xf32>
        %mul3A_698 = arith.mulf %get3A_697, %gather3A_136 : vector<16xf32>
        %add3A_699 = arith.addf %get3A_688, %mul3A_698 : vector<16xf32>
        %mul3A_700 = arith.constant 16 : i32
        %mul3A_701 = arith.muli %scan3A_387, %mul3A_700 : i32
        %get3A_702 = arith.constant 1 : i32
        %get3A_703 = arith.constant 5 : i32
        %get3A_704 = arith.index_cast %get3A_702 : i32 to index
        %get3A_705 = arith.index_cast %get3A_703 : i32 to index
        %get3A_706 = arith.index_cast %mul3A_701 : i32 to index
        %get3A_707 = tpu.vector_load %arg9[%get3A_704, %get3A_705, %get3A_706] {strides = array<i32>} : memref<4x8x1024xf32, #tpu.memory_space<vmem>>, vector<1x1x16xf32>,
        %get3A_708 = vector.shape_cast %get3A_707 : vector<1x1x16xf32> to vector<16xf32>
        %mul3A_709 = arith.mulf %get3A_708, %gather3A_148 : vector<16xf32>
        %add3A_710 = arith.addf %add3A_699, %mul3A_709 : vector<16xf32>
        %mul3A_711 = arith.constant 16 : i32
        %mul3A_712 = arith.muli %scan3A_387, %mul3A_711 : i32
        %get3A_713 = arith.constant 2 : i32
        %get3A_714 = arith.constant 5 : i32
        %get3A_715 = arith.index_cast %get3A_713 : i32 to index
        %get3A_716 = arith.index_cast %get3A_714 : i32 to index
        %get3A_717 = arith.index_cast %mul3A_712 : i32 to index
        %get3A_718 = tpu.vector_load %arg9[%get3A_715, %get3A_716, %get3A_717] {strides = array<i32>} : memref<4x8x1024xf32, #tpu.memory_space<vmem>>, vector<1x1x16xf32>,
        %get3A_719 = vector.shape_cast %get3A_718 : vector<1x1x16xf32> to vector<16xf32>
        %mul3A_720 = arith.mulf %get3A_719, %gather3A_160 : vector<16xf32>
        %add3A_721 = arith.addf %add3A_710, %mul3A_720 : vector<16xf32>
        %mul3A_722 = arith.constant 16 : i32
        %mul3A_723 = arith.muli %scan3A_387, %mul3A_722 : i32
        %get3A_724 = arith.constant 3 : i32
        %get3A_725 = arith.constant 5 : i32
        %get3A_726 = arith.index_cast %get3A_724 : i32 to index
        %get3A_727 = arith.index_cast %get3A_725 : i32 to index
        %get3A_728 = arith.index_cast %mul3A_723 : i32 to index
        %get3A_729 = tpu.vector_load %arg9[%get3A_726, %get3A_727, %get3A_728] {strides = array<i32>} : memref<4x8x1024xf32, #tpu.memory_space<vmem>>, vector<1x1x16xf32>,
        %get3A_730 = vector.shape_cast %get3A_729 : vector<1x1x16xf32> to vector<16xf32>
        %mul3A_731 = arith.mulf %get3A_730, %gather3A_172 : vector<16xf32>
        %add3A_732 = arith.addf %add3A_721, %mul3A_731 : vector<16xf32>
        %mul3A_733 = arith.constant 16 : i32
        %mul3A_734 = arith.muli %scan3A_387, %mul3A_733 : i32
        %swap3A_735 = arith.constant 5 : i32
        %swap3A_736 = arith.index_cast %swap3A_735 : i32 to index
        %swap3A_737 = arith.index_cast %mul3A_734 : i32 to index
        %swap3A_738 = tpu.vector_load %arg10[%swap3A_736, %swap3A_737] {strides = array<i32>} : memref<8x1024xf32, #tpu.memory_space<vmem>>, vector<1x16xf32>,
        %swap3A_739 = vector.shape_cast %swap3A_738 : vector<1x16xf32> to vector<16xf32>
        %swap3A_740 = vector.shape_cast %add3A_732 : vector<16xf32> to vector<1x16xf32>
        tpu.vector_store %arg10[%swap3A_736, %swap3A_737], %swap3A_740 {strides = array<i32>} : memref<8x1024xf32, #tpu.memory_space<vmem>>, vector<1x16xf32>,
        %mul3A_741 = arith.constant 16 : i32
        %mul3A_742 = arith.muli %scan3A_387, %mul3A_741 : i32
        %get3A_743 = arith.constant 6 : i32
        %get3A_744 = arith.index_cast %get3A_743 : i32 to index
        %get3A_745 = arith.index_cast %mul3A_742 : i32 to index
        %get3A_746 = tpu.vector_load %arg10[%get3A_744, %get3A_745] {strides = array<i32>} : memref<8x1024xf32, #tpu.memory_space<vmem>>, vector<1x16xf32>,
        %get3A_747 = vector.shape_cast %get3A_746 : vector<1x16xf32> to vector<16xf32>
        %mul3A_748 = arith.constant 16 : i32
        %mul3A_749 = arith.muli %scan3A_387, %mul3A_748 : i32
        %get3A_750 = arith.constant 0 : i32
        %get3A_751 = arith.constant 6 : i32
        %get3A_752 = arith.index_cast %get3A_750 : i32 to index
        %get3A_753 = arith.index_cast %get3A_751 : i32 to index
        %get3A_754 = arith.index_cast %mul3A_749 : i32 to index
        %get3A_755 = tpu.vector_load %arg9[%get3A_752, %get3A_753, %get3A_754] {strides = array<i32>} : memref<4x8x1024xf32, #tpu.memory_space<vmem>>, vector<1x1x16xf32>,
        %get3A_756 = vector.shape_cast %get3A_755 : vector<1x1x16xf32> to vector<16xf32>
        %mul3A_757 = arith.mulf %get3A_756, %gather3A_136 : vector<16xf32>
        %add3A_758 = arith.addf %get3A_747, %mul3A_757 : vector<16xf32>
        %mul3A_759 = arith.constant 16 : i32
        %mul3A_760 = arith.muli %scan3A_387, %mul3A_759 : i32
        %get3A_761 = arith.constant 1 : i32
        %get3A_762 = arith.constant 6 : i32
        %get3A_763 = arith.index_cast %get3A_761 : i32 to index
        %get3A_764 = arith.index_cast %get3A_762 : i32 to index
        %get3A_765 = arith.index_cast %mul3A_760 : i32 to index
        %get3A_766 = tpu.vector_load %arg9[%get3A_763, %get3A_764, %get3A_765] {strides = array<i32>} : memref<4x8x1024xf32, #tpu.memory_space<vmem>>, vector<1x1x16xf32>,
        %get3A_767 = vector.shape_cast %get3A_766 : vector<1x1x16xf32> to vector<16xf32>
        %mul3A_768 = arith.mulf %get3A_767, %gather3A_148 : vector<16xf32>
        %add3A_769 = arith.addf %add3A_758, %mul3A_768 : vector<16xf32>
        %mul3A_770 = arith.constant 16 : i32
        %mul3A_771 = arith.muli %scan3A_387, %mul3A_770 : i32
        %get3A_772 = arith.constant 2 : i32
        %get3A_773 = arith.constant 6 : i32
        %get3A_774 = arith.index_cast %get3A_772 : i32 to index
        %get3A_775 = arith.index_cast %get3A_773 : i32 to index
        %get3A_776 = arith.index_cast %mul3A_771 : i32 to index
        %get3A_777 = tpu.vector_load %arg9[%get3A_774, %get3A_775, %get3A_776] {strides = array<i32>} : memref<4x8x1024xf32, #tpu.memory_space<vmem>>, vector<1x1x16xf32>,
        %get3A_778 = vector.shape_cast %get3A_777 : vector<1x1x16xf32> to vector<16xf32>
        %mul3A_779 = arith.mulf %get3A_778, %gather3A_160 : vector<16xf32>
        %add3A_780 = arith.addf %add3A_769, %mul3A_779 : vector<16xf32>
        %mul3A_781 = arith.constant 16 : i32
        %mul3A_782 = arith.muli %scan3A_387, %mul3A_781 : i32
        %get3A_783 = arith.constant 3 : i32
        %get3A_784 = arith.constant 6 : i32
        %get3A_785 = arith.index_cast %get3A_783 : i32 to index
        %get3A_786 = arith.index_cast %get3A_784 : i32 to index
        %get3A_787 = arith.index_cast %mul3A_782 : i32 to index
        %get3A_788 = tpu.vector_load %arg9[%get3A_785, %get3A_786, %get3A_787] {strides = array<i32>} : memref<4x8x1024xf32, #tpu.memory_space<vmem>>, vector<1x1x16xf32>,
        %get3A_789 = vector.shape_cast %get3A_788 : vector<1x1x16xf32> to vector<16xf32>
        %mul3A_790 = arith.mulf %get3A_789, %gather3A_172 : vector<16xf32>
        %add3A_791 = arith.addf %add3A_780, %mul3A_790 : vector<16xf32>
        %mul3A_792 = arith.constant 16 : i32
        %mul3A_793 = arith.muli %scan3A_387, %mul3A_792 : i32
        %swap3A_794 = arith.constant 6 : i32
        %swap3A_795 = arith.index_cast %swap3A_794 : i32 to index
        %swap3A_796 = arith.index_cast %mul3A_793 : i32 to index
        %swap3A_797 = tpu.vector_load %arg10[%swap3A_795, %swap3A_796] {strides = array<i32>} : memref<8x1024xf32, #tpu.memory_space<vmem>>, vector<1x16xf32>,
        %swap3A_798 = vector.shape_cast %swap3A_797 : vector<1x16xf32> to vector<16xf32>
        %swap3A_799 = vector.shape_cast %add3A_791 : vector<16xf32> to vector<1x16xf32>
        tpu.vector_store %arg10[%swap3A_795, %swap3A_796], %swap3A_799 {strides = array<i32>} : memref<8x1024xf32, #tpu.memory_space<vmem>>, vector<1x16xf32>,
        %mul3A_800 = arith.constant 16 : i32
        %mul3A_801 = arith.muli %scan3A_387, %mul3A_800 : i32
        %get3A_802 = arith.constant 7 : i32
        %get3A_803 = arith.index_cast %get3A_802 : i32 to index
        %get3A_804 = arith.index_cast %mul3A_801 : i32 to index
        %get3A_805 = tpu.vector_load %arg10[%get3A_803, %get3A_804] {strides = array<i32>} : memref<8x1024xf32, #tpu.memory_space<vmem>>, vector<1x16xf32>,
        %get3A_806 = vector.shape_cast %get3A_805 : vector<1x16xf32> to vector<16xf32>
        %mul3A_807 = arith.constant 16 : i32
        %mul3A_808 = arith.muli %scan3A_387, %mul3A_807 : i32
        %get3A_809 = arith.constant 0 : i32
        %get3A_810 = arith.constant 7 : i32
        %get3A_811 = arith.index_cast %get3A_809 : i32 to index
        %get3A_812 = arith.index_cast %get3A_810 : i32 to index
        %get3A_813 = arith.index_cast %mul3A_808 : i32 to index
        %get3A_814 = tpu.vector_load %arg9[%get3A_811, %get3A_812, %get3A_813] {strides = array<i32>} : memref<4x8x1024xf32, #tpu.memory_space<vmem>>, vector<1x1x16xf32>,
        %get3A_815 = vector.shape_cast %get3A_814 : vector<1x1x16xf32> to vector<16xf32>
        %mul3A_816 = arith.mulf %get3A_815, %gather3A_136 : vector<16xf32>
        %add3A_817 = arith.addf %get3A_806, %mul3A_816 : vector<16xf32>
        %mul3A_818 = arith.constant 16 : i32
        %mul3A_819 = arith.muli %scan3A_387, %mul3A_818 : i32
        %get3A_820 = arith.constant 1 : i32
        %get3A_821 = arith.constant 7 : i32
        %get3A_822 = arith.index_cast %get3A_820 : i32 to index
        %get3A_823 = arith.index_cast %get3A_821 : i32 to index
        %get3A_824 = arith.index_cast %mul3A_819 : i32 to index
        %get3A_825 = tpu.vector_load %arg9[%get3A_822, %get3A_823, %get3A_824] {strides = array<i32>} : memref<4x8x1024xf32, #tpu.memory_space<vmem>>, vector<1x1x16xf32>,
        %get3A_826 = vector.shape_cast %get3A_825 : vector<1x1x16xf32> to vector<16xf32>
        %mul3A_827 = arith.mulf %get3A_826, %gather3A_148 : vector<16xf32>
        %add3A_828 = arith.addf %add3A_817, %mul3A_827 : vector<16xf32>
        %mul3A_829 = arith.constant 16 : i32
        %mul3A_830 = arith.muli %scan3A_387, %mul3A_829 : i32
        %get3A_831 = arith.constant 2 : i32
        %get3A_832 = arith.constant 7 : i32
        %get3A_833 = arith.index_cast %get3A_831 : i32 to index
        %get3A_834 = arith.index_cast %get3A_832 : i32 to index
        %get3A_835 = arith.index_cast %mul3A_830 : i32 to index
        %get3A_836 = tpu.vector_load %arg9[%get3A_833, %get3A_834, %get3A_835] {strides = array<i32>} : memref<4x8x1024xf32, #tpu.memory_space<vmem>>, vector<1x1x16xf32>,
        %get3A_837 = vector.shape_cast %get3A_836 : vector<1x1x16xf32> to vector<16xf32>
        %mul3A_838 = arith.mulf %get3A_837, %gather3A_160 : vector<16xf32>
        %add3A_839 = arith.addf %add3A_828, %mul3A_838 : vector<16xf32>
        %mul3A_840 = arith.constant 16 : i32
        %mul3A_841 = arith.muli %scan3A_387, %mul3A_840 : i32
        %get3A_842 = arith.constant 3 : i32
        %get3A_843 = arith.constant 7 : i32
        %get3A_844 = arith.index_cast %get3A_842 : i32 to index
        %get3A_845 = arith.index_cast %get3A_843 : i32 to index
        %get3A_846 = arith.index_cast %mul3A_841 : i32 to index
        %get3A_847 = tpu.vector_load %arg9[%get3A_844, %get3A_845, %get3A_846] {strides = array<i32>} : memref<4x8x1024xf32, #tpu.memory_space<vmem>>, vector<1x1x16xf32>,
        %get3A_848 = vector.shape_cast %get3A_847 : vector<1x1x16xf32> to vector<16xf32>
        %mul3A_849 = arith.mulf %get3A_848, %gather3A_172 : vector<16xf32>
        %add3A_850 = arith.addf %add3A_839, %mul3A_849 : vector<16xf32>
        %mul3A_851 = arith.constant 16 : i32
        %mul3A_852 = arith.muli %scan3A_387, %mul3A_851 : i32
        %swap3A_853 = arith.constant 7 : i32
        %swap3A_854 = arith.index_cast %swap3A_853 : i32 to index
        %swap3A_855 = arith.index_cast %mul3A_852 : i32 to index
        %swap3A_856 = tpu.vector_load %arg10[%swap3A_854, %swap3A_855] {strides = array<i32>} : memref<8x1024xf32, #tpu.memory_space<vmem>>, vector<1x16xf32>,
        %swap3A_857 = vector.shape_cast %swap3A_856 : vector<1x16xf32> to vector<16xf32>
        %swap3A_858 = vector.shape_cast %add3A_850 : vector<16xf32> to vector<1x16xf32>
        tpu.vector_store %arg10[%swap3A_854, %swap3A_855], %swap3A_858 {strides = array<i32>} : memref<8x1024xf32, #tpu.memory_space<vmem>>, vector<1x16xf32>,
      }
      %scan3A_213 = arith.constant 64 : i32
      %dma_start3A_214 = arith.constant 8 : i32
      %dma_start3A_215 = tpu.memref_slice %arg6[%add3A_74, %dma_start3A_214] : memref<16x16xi32, #tpu.memory_space<vmem>> -> memref<1x4xi32, #tpu.memory_space<vmem>>
      %dma_start3A_216 = tpu.memref_squeeze %dma_start3A_215 : memref<1x4xi32, #tpu.memory_space<vmem>> -> memref<4xi32, #tpu.memory_space<vmem>>
      %dma_start3A_217 = arith.constant 0 : i32
      %dma_start3A_218 = arith.constant 0 : i32
      %dma_start3A_219 = arith.constant 0 : i32
      %dma_start3A_220 = tpu.memref_slice %arg2[%dma_start3A_217, %dma_start3A_218, %dma_start3A_219] : memref<8192x8x1024xf32, #tpu.memory_space<hbm>> -> memref<8192x8x1024xf32, #tpu.memory_space<hbm>>
      tpu.enqueue_indirect_dma source(%dma_start3A_220 : memref<8192x8x1024xf32, #tpu.memory_space<hbm>>) target(%arg9 : memref<4x8x1024xf32, #tpu.memory_space<vmem>>) offsets(%dma_start3A_216 : memref<4xi32, #tpu.memory_space<vmem>>) semaphore(%arg13 : memref<!tpu.dma_semaphore, #tpu.memory_space<semaphore_mem>>)
      %add3A_221 = arith.addi %mul3A_2, %mul3A_72 : i32
      %dma_start3A_222 = arith.constant 0 : i32
      %dma_start3A_223 = arith.constant 0 : i32
      %dma_start3A_224 = tpu.memref_slice %arg5[%add3A_221, %dma_start3A_222, %dma_start3A_223] : memref<512x8x1024xf32, #tpu.memory_space<hbm>> -> memref<1x8x1024xf32, #tpu.memory_space<hbm>>
      %dma_start3A_225 = tpu.memref_squeeze %dma_start3A_224 : memref<1x8x1024xf32, #tpu.memory_space<hbm>> -> memref<8x1024xf32, #tpu.memory_space<hbm>>
      %dma_start3A_226 = arith.constant 0 : i32
      %dma_start3A_227 = arith.constant 0 : i32
      %dma_start3A_228 = tpu.memref_slice %arg5[%add3A_221, %dma_start3A_226, %dma_start3A_227] : memref<512x8x1024xf32, #tpu.memory_space<hbm>> -> memref<1x8x1024xf32, #tpu.memory_space<hbm>>
      %dma_start3A_229 = tpu.memref_squeeze %dma_start3A_228 : memref<1x8x1024xf32, #tpu.memory_space<hbm>> -> memref<8x1024xf32, #tpu.memory_space<hbm>>
      tpu.enqueue_dma source(%arg10 : memref<8x1024xf32, #tpu.memory_space<vmem>>) target(%dma_start3A_229 : memref<8x1024xf32, #tpu.memory_space<hbm>>) target_semaphore(%arg14 : memref<!tpu.dma_semaphore, #tpu.memory_space<semaphore_mem>>)
      %get3A_230 = arith.index_cast %add3A_74 : i32 to index
      %get3A_231 = arith.constant 0 : index
      %get3A_232 = tpu.vector_load %arg7[%get3A_230, %get3A_231] {strides = array<i32>} : memref<16x16xf32, #tpu.memory_space<vmem>>, vector<1x16xf32>,
      %get3A_233 = vector.shape_cast %get3A_232 : vector<1x16xf32> to vector<16xf32>
      %broadcast_in_dim3A_234 = arith.constant 0 : i32
      %broadcast_in_dim3A_235 = vector.broadcast %broadcast_in_dim3A_234 : i32 to vector<16xi32>
      %lt3A_236 = arith.constant 0 : i32
      %lt3A_237 = vector.broadcast %lt3A_236 : i32 to vector<16xi32>
      %lt3A_238 = arith.cmpi slt, %broadcast_in_dim3A_235, %lt3A_237 : vector<16xi32>
      %add3A_239 = arith.constant 16 : i32
      %add3A_240 = vector.broadcast %add3A_239 : i32 to vector<16xi32>
      %add3A_241 = arith.addi %broadcast_in_dim3A_235, %add3A_240 : vector<16xi32>
      %select_n3A_242 = arith.select %lt3A_238, %add3A_241, %broadcast_in_dim3A_235 : vector<16xi1>, vector<16xi32>
      %broadcast_in_dim3A_243 = vector.shape_cast %select_n3A_242 : vector<16xi32> to vector<16x1xi32>
      %gather3A_244 = vector.shape_cast %broadcast_in_dim3A_243 : vector<16x1xi32> to vector<16xi32>
      %gather3A_245 = tpu.dynamic_gather %get3A_233[%gather3A_244] in [0] : vector<16xf32>, vector<16xi32> -> vector<16xf32>
      %broadcast_in_dim3A_246 = arith.constant 1 : i32
      %broadcast_in_dim3A_247 = vector.broadcast %broadcast_in_dim3A_246 : i32 to vector<16xi32>
      %lt3A_248 = arith.constant 0 : i32
      %lt3A_249 = vector.broadcast %lt3A_248 : i32 to vector<16xi32>
      %lt3A_250 = arith.cmpi slt, %broadcast_in_dim3A_247, %lt3A_249 : vector<16xi32>
      %add3A_251 = arith.constant 16 : i32
      %add3A_252 = vector.broadcast %add3A_251 : i32 to vector<16xi32>
      %add3A_253 = arith.addi %broadcast_in_dim3A_247, %add3A_252 : vector<16xi32>
      %select_n3A_254 = arith.select %lt3A_250, %add3A_253, %broadcast_in_dim3A_247 : vector<16xi1>, vector<16xi32>
      %broadcast_in_dim3A_255 = vector.shape_cast %select_n3A_254 : vector<16xi32> to vector<16x1xi32>
      %gather3A_256 = vector.shape_cast %broadcast_in_dim3A_255 : vector<16x1xi32> to vector<16xi32>
      %gather3A_257 = tpu.dynamic_gather %get3A_233[%gather3A_256] in [0] : vector<16xf32>, vector<16xi32> -> vector<16xf32>
      %broadcast_in_dim3A_258 = arith.constant 2 : i32
      %broadcast_in_dim3A_259 = vector.broadcast %broadcast_in_dim3A_258 : i32 to vector<16xi32>
      %lt3A_260 = arith.constant 0 : i32
      %lt3A_261 = vector.broadcast %lt3A_260 : i32 to vector<16xi32>
      %lt3A_262 = arith.cmpi slt, %broadcast_in_dim3A_259, %lt3A_261 : vector<16xi32>
      %add3A_263 = arith.constant 16 : i32
      %add3A_264 = vector.broadcast %add3A_263 : i32 to vector<16xi32>
      %add3A_265 = arith.addi %broadcast_in_dim3A_259, %add3A_264 : vector<16xi32>
      %select_n3A_266 = arith.select %lt3A_262, %add3A_265, %broadcast_in_dim3A_259 : vector<16xi1>, vector<16xi32>
      %broadcast_in_dim3A_267 = vector.shape_cast %select_n3A_266 : vector<16xi32> to vector<16x1xi32>
      %gather3A_268 = vector.shape_cast %broadcast_in_dim3A_267 : vector<16x1xi32> to vector<16xi32>
      %gather3A_269 = tpu.dynamic_gather %get3A_233[%gather3A_268] in [0] : vector<16xf32>, vector<16xi32> -> vector<16xf32>
      %broadcast_in_dim3A_270 = arith.constant 3 : i32
      %broadcast_in_dim3A_271 = vector.broadcast %broadcast_in_dim3A_270 : i32 to vector<16xi32>
      %lt3A_272 = arith.constant 0 : i32
      %lt3A_273 = vector.broadcast %lt3A_272 : i32 to vector<16xi32>
      %lt3A_274 = arith.cmpi slt, %broadcast_in_dim3A_271, %lt3A_273 : vector<16xi32>
      %add3A_275 = arith.constant 16 : i32
      %add3A_276 = vector.broadcast %add3A_275 : i32 to vector<16xi32>
      %add3A_277 = arith.addi %broadcast_in_dim3A_271, %add3A_276 : vector<16xi32>
      %select_n3A_278 = arith.select %lt3A_274, %add3A_277, %broadcast_in_dim3A_271 : vector<16xi1>, vector<16xi32>
      %broadcast_in_dim3A_279 = vector.shape_cast %select_n3A_278 : vector<16xi32> to vector<16x1xi32>
      %gather3A_280 = vector.shape_cast %broadcast_in_dim3A_279 : vector<16x1xi32> to vector<16xi32>
      %gather3A_281 = tpu.dynamic_gather %get3A_233[%gather3A_280] in [0] : vector<16xf32>, vector<16xi32> -> vector<16xf32>
      %broadcast_in_dim3A_282 = arith.constant 4 : i32
      %broadcast_in_dim3A_283 = vector.broadcast %broadcast_in_dim3A_282 : i32 to vector<16xi32>
      %lt3A_284 = arith.constant 0 : i32
      %lt3A_285 = vector.broadcast %lt3A_284 : i32 to vector<16xi32>
      %lt3A_286 = arith.cmpi slt, %broadcast_in_dim3A_283, %lt3A_285 : vector<16xi32>
      %add3A_287 = arith.constant 16 : i32
      %add3A_288 = vector.broadcast %add3A_287 : i32 to vector<16xi32>
      %add3A_289 = arith.addi %broadcast_in_dim3A_283, %add3A_288 : vector<16xi32>
      %select_n3A_290 = arith.select %lt3A_286, %add3A_289, %broadcast_in_dim3A_283 : vector<16xi1>, vector<16xi32>
      %broadcast_in_dim3A_291 = vector.shape_cast %select_n3A_290 : vector<16xi32> to vector<16x1xi32>
      %gather3A_292 = vector.shape_cast %broadcast_in_dim3A_291 : vector<16x1xi32> to vector<16xi32>
      %gather3A_293 = tpu.dynamic_gather %get3A_233[%gather3A_292] in [0] : vector<16xf32>, vector<16xi32> -> vector<16xf32>
      %broadcast_in_dim3A_294 = arith.constant 5 : i32
      %broadcast_in_dim3A_295 = vector.broadcast %broadcast_in_dim3A_294 : i32 to vector<16xi32>
      %lt3A_296 = arith.constant 0 : i32
      %lt3A_297 = vector.broadcast %lt3A_296 : i32 to vector<16xi32>
      %lt3A_298 = arith.cmpi slt, %broadcast_in_dim3A_295, %lt3A_297 : vector<16xi32>
      %add3A_299 = arith.constant 16 : i32
      %add3A_300 = vector.broadcast %add3A_299 : i32 to vector<16xi32>
      %add3A_301 = arith.addi %broadcast_in_dim3A_295, %add3A_300 : vector<16xi32>
      %select_n3A_302 = arith.select %lt3A_298, %add3A_301, %broadcast_in_dim3A_295 : vector<16xi1>, vector<16xi32>
      %broadcast_in_dim3A_303 = vector.shape_cast %select_n3A_302 : vector<16xi32> to vector<16x1xi32>
      %gather3A_304 = vector.shape_cast %broadcast_in_dim3A_303 : vector<16x1xi32> to vector<16xi32>
      %gather3A_305 = tpu.dynamic_gather %get3A_233[%gather3A_304] in [0] : vector<16xf32>, vector<16xi32> -> vector<16xf32>
      %broadcast_in_dim3A_306 = arith.constant 6 : i32
      %broadcast_in_dim3A_307 = vector.broadcast %broadcast_in_dim3A_306 : i32 to vector<16xi32>
      %lt3A_308 = arith.constant 0 : i32
      %lt3A_309 = vector.broadcast %lt3A_308 : i32 to vector<16xi32>
      %lt3A_310 = arith.cmpi slt, %broadcast_in_dim3A_307, %lt3A_309 : vector<16xi32>
      %add3A_311 = arith.constant 16 : i32
      %add3A_312 = vector.broadcast %add3A_311 : i32 to vector<16xi32>
      %add3A_313 = arith.addi %broadcast_in_dim3A_307, %add3A_312 : vector<16xi32>
      %select_n3A_314 = arith.select %lt3A_310, %add3A_313, %broadcast_in_dim3A_307 : vector<16xi1>, vector<16xi32>
      %broadcast_in_dim3A_315 = vector.shape_cast %select_n3A_314 : vector<16xi32> to vector<16x1xi32>
      %gather3A_316 = vector.shape_cast %broadcast_in_dim3A_315 : vector<16x1xi32> to vector<16xi32>
      %gather3A_317 = tpu.dynamic_gather %get3A_233[%gather3A_316] in [0] : vector<16xf32>, vector<16xi32> -> vector<16xf32>
      %broadcast_in_dim3A_318 = arith.constant 7 : i32
      %broadcast_in_dim3A_319 = vector.broadcast %broadcast_in_dim3A_318 : i32 to vector<16xi32>
      %lt3A_320 = arith.constant 0 : i32
      %lt3A_321 = vector.broadcast %lt3A_320 : i32 to vector<16xi32>
      %lt3A_322 = arith.cmpi slt, %broadcast_in_dim3A_319, %lt3A_321 : vector<16xi32>
      %add3A_323 = arith.constant 16 : i32
      %add3A_324 = vector.broadcast %add3A_323 : i32 to vector<16xi32>
      %add3A_325 = arith.addi %broadcast_in_dim3A_319, %add3A_324 : vector<16xi32>
      %select_n3A_326 = arith.select %lt3A_322, %add3A_325, %broadcast_in_dim3A_319 : vector<16xi1>, vector<16xi32>
      %broadcast_in_dim3A_327 = vector.shape_cast %select_n3A_326 : vector<16xi32> to vector<16x1xi32>
      %gather3A_328 = vector.shape_cast %broadcast_in_dim3A_327 : vector<16x1xi32> to vector<16xi32>
      %gather3A_329 = tpu.dynamic_gather %get3A_233[%gather3A_328] in [0] : vector<16xf32>, vector<16xi32> -> vector<16xf32>
      %dma_wait3A_330 = arith.constant 0 : i32
      %dma_wait3A_331 = arith.constant 0 : i32
      %dma_wait3A_332 = tpu.memref_slice %arg5[%mul3A_2, %dma_wait3A_330, %dma_wait3A_331] : memref<512x8x1024xf32, #tpu.memory_space<hbm>> -> memref<1x8x1024xf32, #tpu.memory_space<hbm>>
      %dma_wait3A_333 = tpu.memref_squeeze %dma_wait3A_332 : memref<1x8x1024xf32, #tpu.memory_space<hbm>> -> memref<8x1024xf32, #tpu.memory_space<hbm>>
      %dma_wait3A_334 = arith.constant 0 : i32
      %dma_wait3A_335 = arith.constant 0 : i32
      %dma_wait3A_336 = tpu.memref_slice %arg5[%mul3A_2, %dma_wait3A_334, %dma_wait3A_335] : memref<512x8x1024xf32, #tpu.memory_space<hbm>> -> memref<1x8x1024xf32, #tpu.memory_space<hbm>>
      %dma_wait3A_337 = tpu.memref_squeeze %dma_wait3A_336 : memref<1x8x1024xf32, #tpu.memory_space<hbm>> -> memref<8x1024xf32, #tpu.memory_space<hbm>>
      tpu.wait_dma2 semaphore(%arg15 : memref<!tpu.dma_semaphore, #tpu.memory_space<semaphore_mem>>) src(%dma_wait3A_337 : memref<8x1024xf32, #tpu.memory_space<hbm>>) dst(%arg11 : memref<8x1024xf32, #tpu.memory_space<vmem>>)
      %dma_wait3A_338 = arith.constant 0 : i32
      %dma_wait3A_339 = tpu.memref_slice %arg6[%add3A_74, %dma_wait3A_338] : memref<16x16xi32, #tpu.memory_space<vmem>> -> memref<1x4xi32, #tpu.memory_space<vmem>>
      %dma_wait3A_340 = tpu.memref_squeeze %dma_wait3A_339 : memref<1x4xi32, #tpu.memory_space<vmem>> -> memref<4xi32, #tpu.memory_space<vmem>>
      %dma_wait3A_341 = arith.constant 0 : i32
      %dma_wait3A_342 = arith.constant 0 : i32
      %dma_wait3A_343 = arith.constant 0 : i32
      %dma_wait3A_344 = tpu.memref_slice %arg2[%dma_wait3A_341, %dma_wait3A_342, %dma_wait3A_343] : memref<8192x8x1024xf32, #tpu.memory_space<hbm>> -> memref<8192x8x1024xf32, #tpu.memory_space<hbm>>
      tpu.wait_indirect_dma semaphore(%arg12 : memref<!tpu.dma_semaphore, #tpu.memory_space<semaphore_mem>>) src(%dma_wait3A_344 : memref<8192x8x1024xf32, #tpu.memory_space<hbm>>) dst(%arg8 : memref<4x8x1024xf32, #tpu.memory_space<vmem>>)
      %scan3A_345 = arith.constant 0 : i32
      %scan3A_346 = arith.constant 0 : i32
      %scan3A_347 = arith.constant 64 : i32
      %scan3A_348 = arith.addi %scan3A_346, %scan3A_347 : i32
      %scan3A_349 = arith.constant 1 : i32
      scf.for %scan3A_387 = %scan3A_346 to %scan3A_348 step %scan3A_349  : i32 {
        %mul3A_388 = arith.constant 16 : i32
        %mul3A_389 = arith.muli %scan3A_387, %mul3A_388 : i32
        %get3A_390 = arith.constant 0 : i32
        %get3A_391 = arith.constant 0 : i32
        %get3A_392 = arith.index_cast %get3A_390 : i32 to index
        %get3A_393 = arith.index_cast %get3A_391 : i32 to index
        %get3A_394 = arith.index_cast %mul3A_389 : i32 to index
        %get3A_395 = tpu.vector_load %arg8[%get3A_392, %get3A_393, %get3A_394] {strides = array<i32>} : memref<4x8x1024xf32, #tpu.memory_space<vmem>>, vector<1x1x16xf32>,
        %get3A_396 = vector.shape_cast %get3A_395 : vector<1x1x16xf32> to vector<16xf32>
        %mul3A_397 = arith.mulf %get3A_396, %gather3A_245 : vector<16xf32>
        %mul3A_398 = arith.constant 16 : i32
        %mul3A_399 = arith.muli %scan3A_387, %mul3A_398 : i32
        %get3A_400 = arith.constant 1 : i32
        %get3A_401 = arith.constant 0 : i32
        %get3A_402 = arith.index_cast %get3A_400 : i32 to index
        %get3A_403 = arith.index_cast %get3A_401 : i32 to index
        %get3A_404 = arith.index_cast %mul3A_399 : i32 to index
        %get3A_405 = tpu.vector_load %arg8[%get3A_402, %get3A_403, %get3A_404] {strides = array<i32>} : memref<4x8x1024xf32, #tpu.memory_space<vmem>>, vector<1x1x16xf32>,
        %get3A_406 = vector.shape_cast %get3A_405 : vector<1x1x16xf32> to vector<16xf32>
        %mul3A_407 = arith.mulf %get3A_406, %gather3A_257 : vector<16xf32>
        %add3A_408 = arith.addf %mul3A_397, %mul3A_407 : vector<16xf32>
        %mul3A_409 = arith.constant 16 : i32
        %mul3A_410 = arith.muli %scan3A_387, %mul3A_409 : i32
        %get3A_411 = arith.constant 2 : i32
        %get3A_412 = arith.constant 0 : i32
        %get3A_413 = arith.index_cast %get3A_411 : i32 to index
        %get3A_414 = arith.index_cast %get3A_412 : i32 to index
        %get3A_415 = arith.index_cast %mul3A_410 : i32 to index
        %get3A_416 = tpu.vector_load %arg8[%get3A_413, %get3A_414, %get3A_415] {strides = array<i32>} : memref<4x8x1024xf32, #tpu.memory_space<vmem>>, vector<1x1x16xf32>,
        %get3A_417 = vector.shape_cast %get3A_416 : vector<1x1x16xf32> to vector<16xf32>
        %mul3A_418 = arith.mulf %get3A_417, %gather3A_269 : vector<16xf32>
        %add3A_419 = arith.addf %add3A_408, %mul3A_418 : vector<16xf32>
        %mul3A_420 = arith.constant 16 : i32
        %mul3A_421 = arith.muli %scan3A_387, %mul3A_420 : i32
        %get3A_422 = arith.constant 3 : i32
        %get3A_423 = arith.constant 0 : i32
        %get3A_424 = arith.index_cast %get3A_422 : i32 to index
        %get3A_425 = arith.index_cast %get3A_423 : i32 to index
        %get3A_426 = arith.index_cast %mul3A_421 : i32 to index
        %get3A_427 = tpu.vector_load %arg8[%get3A_424, %get3A_425, %get3A_426] {strides = array<i32>} : memref<4x8x1024xf32, #tpu.memory_space<vmem>>, vector<1x1x16xf32>,
        %get3A_428 = vector.shape_cast %get3A_427 : vector<1x1x16xf32> to vector<16xf32>
        %mul3A_429 = arith.mulf %get3A_428, %gather3A_281 : vector<16xf32>
        %add3A_430 = arith.addf %add3A_419, %mul3A_429 : vector<16xf32>
        %mul3A_431 = arith.constant 16 : i32
        %mul3A_432 = arith.muli %scan3A_387, %mul3A_431 : i32
        %swap3A = arith.constant 0 : i32
        %swap3A_433 = arith.index_cast %swap3A : i32 to index
        %swap3A_434 = arith.index_cast %mul3A_432 : i32 to index
        %swap3A_435 = tpu.vector_load %arg11[%swap3A_433, %swap3A_434] {strides = array<i32>} : memref<8x1024xf32, #tpu.memory_space<vmem>>, vector<1x16xf32>,
        %swap3A_436 = vector.shape_cast %swap3A_435 : vector<1x16xf32> to vector<16xf32>
        %swap3A_437 = vector.shape_cast %add3A_430 : vector<16xf32> to vector<1x16xf32>
        tpu.vector_store %arg11[%swap3A_433, %swap3A_434], %swap3A_437 {strides = array<i32>} : memref<8x1024xf32, #tpu.memory_space<vmem>>, vector<1x16xf32>,
        %mul3A_438 = arith.constant 16 : i32
        %mul3A_439 = arith.muli %scan3A_387, %mul3A_438 : i32
        %get3A_440 = arith.constant 0 : i32
        %get3A_441 = arith.constant 1 : i32
        %get3A_442 = arith.index_cast %get3A_440 : i32 to index
        %get3A_443 = arith.index_cast %get3A_441 : i32 to index
        %get3A_444 = arith.index_cast %mul3A_439 : i32 to index
        %get3A_445 = tpu.vector_load %arg8[%get3A_442, %get3A_443, %get3A_444] {strides = array<i32>} : memref<4x8x1024xf32, #tpu.memory_space<vmem>>, vector<1x1x16xf32>,
        %get3A_446 = vector.shape_cast %get3A_445 : vector<1x1x16xf32> to vector<16xf32>
        %mul3A_447 = arith.mulf %get3A_446, %gather3A_245 : vector<16xf32>
        %mul3A_448 = arith.constant 16 : i32
        %mul3A_449 = arith.muli %scan3A_387, %mul3A_448 : i32
        %get3A_450 = arith.constant 1 : i32
        %get3A_451 = arith.constant 1 : i32
        %get3A_452 = arith.index_cast %get3A_450 : i32 to index
        %get3A_453 = arith.index_cast %get3A_451 : i32 to index
        %get3A_454 = arith.index_cast %mul3A_449 : i32 to index
        %get3A_455 = tpu.vector_load %arg8[%get3A_452, %get3A_453, %get3A_454] {strides = array<i32>} : memref<4x8x1024xf32, #tpu.memory_space<vmem>>, vector<1x1x16xf32>,
        %get3A_456 = vector.shape_cast %get3A_455 : vector<1x1x16xf32> to vector<16xf32>
        %mul3A_457 = arith.mulf %get3A_456, %gather3A_257 : vector<16xf32>
        %add3A_458 = arith.addf %mul3A_447, %mul3A_457 : vector<16xf32>
        %mul3A_459 = arith.constant 16 : i32
        %mul3A_460 = arith.muli %scan3A_387, %mul3A_459 : i32
        %get3A_461 = arith.constant 2 : i32
        %get3A_462 = arith.constant 1 : i32
        %get3A_463 = arith.index_cast %get3A_461 : i32 to index
        %get3A_464 = arith.index_cast %get3A_462 : i32 to index
        %get3A_465 = arith.index_cast %mul3A_460 : i32 to index
        %get3A_466 = tpu.vector_load %arg8[%get3A_463, %get3A_464, %get3A_465] {strides = array<i32>} : memref<4x8x1024xf32, #tpu.memory_space<vmem>>, vector<1x1x16xf32>,
        %get3A_467 = vector.shape_cast %get3A_466 : vector<1x1x16xf32> to vector<16xf32>
        %mul3A_468 = arith.mulf %get3A_467, %gather3A_269 : vector<16xf32>
        %add3A_469 = arith.addf %add3A_458, %mul3A_468 : vector<16xf32>
        %mul3A_470 = arith.constant 16 : i32
        %mul3A_471 = arith.muli %scan3A_387, %mul3A_470 : i32
        %get3A_472 = arith.constant 3 : i32
        %get3A_473 = arith.constant 1 : i32
        %get3A_474 = arith.index_cast %get3A_472 : i32 to index
        %get3A_475 = arith.index_cast %get3A_473 : i32 to index
        %get3A_476 = arith.index_cast %mul3A_471 : i32 to index
        %get3A_477 = tpu.vector_load %arg8[%get3A_474, %get3A_475, %get3A_476] {strides = array<i32>} : memref<4x8x1024xf32, #tpu.memory_space<vmem>>, vector<1x1x16xf32>,
        %get3A_478 = vector.shape_cast %get3A_477 : vector<1x1x16xf32> to vector<16xf32>
        %mul3A_479 = arith.mulf %get3A_478, %gather3A_281 : vector<16xf32>
        %add3A_480 = arith.addf %add3A_469, %mul3A_479 : vector<16xf32>
        %mul3A_481 = arith.constant 16 : i32
        %mul3A_482 = arith.muli %scan3A_387, %mul3A_481 : i32
        %swap3A_483 = arith.constant 1 : i32
        %swap3A_484 = arith.index_cast %swap3A_483 : i32 to index
        %swap3A_485 = arith.index_cast %mul3A_482 : i32 to index
        %swap3A_486 = tpu.vector_load %arg11[%swap3A_484, %swap3A_485] {strides = array<i32>} : memref<8x1024xf32, #tpu.memory_space<vmem>>, vector<1x16xf32>,
        %swap3A_487 = vector.shape_cast %swap3A_486 : vector<1x16xf32> to vector<16xf32>
        %swap3A_488 = vector.shape_cast %add3A_480 : vector<16xf32> to vector<1x16xf32>
        tpu.vector_store %arg11[%swap3A_484, %swap3A_485], %swap3A_488 {strides = array<i32>} : memref<8x1024xf32, #tpu.memory_space<vmem>>, vector<1x16xf32>,
        %mul3A_489 = arith.constant 16 : i32
        %mul3A_490 = arith.muli %scan3A_387, %mul3A_489 : i32
        %get3A_491 = arith.constant 0 : i32
        %get3A_492 = arith.constant 2 : i32
        %get3A_493 = arith.index_cast %get3A_491 : i32 to index
        %get3A_494 = arith.index_cast %get3A_492 : i32 to index
        %get3A_495 = arith.index_cast %mul3A_490 : i32 to index
        %get3A_496 = tpu.vector_load %arg8[%get3A_493, %get3A_494, %get3A_495] {strides = array<i32>} : memref<4x8x1024xf32, #tpu.memory_space<vmem>>, vector<1x1x16xf32>,
        %get3A_497 = vector.shape_cast %get3A_496 : vector<1x1x16xf32> to vector<16xf32>
        %mul3A_498 = arith.mulf %get3A_497, %gather3A_245 : vector<16xf32>
        %mul3A_499 = arith.constant 16 : i32
        %mul3A_500 = arith.muli %scan3A_387, %mul3A_499 : i32
        %get3A_501 = arith.constant 1 : i32
        %get3A_502 = arith.constant 2 : i32
        %get3A_503 = arith.index_cast %get3A_501 : i32 to index
        %get3A_504 = arith.index_cast %get3A_502 : i32 to index
        %get3A_505 = arith.index_cast %mul3A_500 : i32 to index
        %get3A_506 = tpu.vector_load %arg8[%get3A_503, %get3A_504, %get3A_505] {strides = array<i32>} : memref<4x8x1024xf32, #tpu.memory_space<vmem>>, vector<1x1x16xf32>,
        %get3A_507 = vector.shape_cast %get3A_506 : vector<1x1x16xf32> to vector<16xf32>
        %mul3A_508 = arith.mulf %get3A_507, %gather3A_257 : vector<16xf32>
        %add3A_509 = arith.addf %mul3A_498, %mul3A_508 : vector<16xf32>
        %mul3A_510 = arith.constant 16 : i32
        %mul3A_511 = arith.muli %scan3A_387, %mul3A_510 : i32
        %get3A_512 = arith.constant 2 : i32
        %get3A_513 = arith.constant 2 : i32
        %get3A_514 = arith.index_cast %get3A_512 : i32 to index
        %get3A_515 = arith.index_cast %get3A_513 : i32 to index
        %get3A_516 = arith.index_cast %mul3A_511 : i32 to index
        %get3A_517 = tpu.vector_load %arg8[%get3A_514, %get3A_515, %get3A_516] {strides = array<i32>} : memref<4x8x1024xf32, #tpu.memory_space<vmem>>, vector<1x1x16xf32>,
        %get3A_518 = vector.shape_cast %get3A_517 : vector<1x1x16xf32> to vector<16xf32>
        %mul3A_519 = arith.mulf %get3A_518, %gather3A_269 : vector<16xf32>
        %add3A_520 = arith.addf %add3A_509, %mul3A_519 : vector<16xf32>
        %mul3A_521 = arith.constant 16 : i32
        %mul3A_522 = arith.muli %scan3A_387, %mul3A_521 : i32
        %get3A_523 = arith.constant 3 : i32
        %get3A_524 = arith.constant 2 : i32
        %get3A_525 = arith.index_cast %get3A_523 : i32 to index
        %get3A_526 = arith.index_cast %get3A_524 : i32 to index
        %get3A_527 = arith.index_cast %mul3A_522 : i32 to index
        %get3A_528 = tpu.vector_load %arg8[%get3A_525, %get3A_526, %get3A_527] {strides = array<i32>} : memref<4x8x1024xf32, #tpu.memory_space<vmem>>, vector<1x1x16xf32>,
        %get3A_529 = vector.shape_cast %get3A_528 : vector<1x1x16xf32> to vector<16xf32>
        %mul3A_530 = arith.mulf %get3A_529, %gather3A_281 : vector<16xf32>
        %add3A_531 = arith.addf %add3A_520, %mul3A_530 : vector<16xf32>
        %mul3A_532 = arith.constant 16 : i32
        %mul3A_533 = arith.muli %scan3A_387, %mul3A_532 : i32
        %swap3A_534 = arith.constant 2 : i32
        %swap3A_535 = arith.index_cast %swap3A_534 : i32 to index
        %swap3A_536 = arith.index_cast %mul3A_533 : i32 to index
        %swap3A_537 = tpu.vector_load %arg11[%swap3A_535, %swap3A_536] {strides = array<i32>} : memref<8x1024xf32, #tpu.memory_space<vmem>>, vector<1x16xf32>,
        %swap3A_538 = vector.shape_cast %swap3A_537 : vector<1x16xf32> to vector<16xf32>
        %swap3A_539 = vector.shape_cast %add3A_531 : vector<16xf32> to vector<1x16xf32>
        tpu.vector_store %arg11[%swap3A_535, %swap3A_536], %swap3A_539 {strides = array<i32>} : memref<8x1024xf32, #tpu.memory_space<vmem>>, vector<1x16xf32>,
        %mul3A_540 = arith.constant 16 : i32
        %mul3A_541 = arith.muli %scan3A_387, %mul3A_540 : i32
        %get3A_542 = arith.constant 0 : i32
        %get3A_543 = arith.constant 3 : i32
        %get3A_544 = arith.index_cast %get3A_542 : i32 to index
        %get3A_545 = arith.index_cast %get3A_543 : i32 to index
        %get3A_546 = arith.index_cast %mul3A_541 : i32 to index
        %get3A_547 = tpu.vector_load %arg8[%get3A_544, %get3A_545, %get3A_546] {strides = array<i32>} : memref<4x8x1024xf32, #tpu.memory_space<vmem>>, vector<1x1x16xf32>,
        %get3A_548 = vector.shape_cast %get3A_547 : vector<1x1x16xf32> to vector<16xf32>
        %mul3A_549 = arith.mulf %get3A_548, %gather3A_245 : vector<16xf32>
        %mul3A_550 = arith.constant 16 : i32
        %mul3A_551 = arith.muli %scan3A_387, %mul3A_550 : i32
        %get3A_552 = arith.constant 1 : i32
        %get3A_553 = arith.constant 3 : i32
        %get3A_554 = arith.index_cast %get3A_552 : i32 to index
        %get3A_555 = arith.index_cast %get3A_553 : i32 to index
        %get3A_556 = arith.index_cast %mul3A_551 : i32 to index
        %get3A_557 = tpu.vector_load %arg8[%get3A_554, %get3A_555, %get3A_556] {strides = array<i32>} : memref<4x8x1024xf32, #tpu.memory_space<vmem>>, vector<1x1x16xf32>,
        %get3A_558 = vector.shape_cast %get3A_557 : vector<1x1x16xf32> to vector<16xf32>
        %mul3A_559 = arith.mulf %get3A_558, %gather3A_257 : vector<16xf32>
        %add3A_560 = arith.addf %mul3A_549, %mul3A_559 : vector<16xf32>
        %mul3A_561 = arith.constant 16 : i32
        %mul3A_562 = arith.muli %scan3A_387, %mul3A_561 : i32
        %get3A_563 = arith.constant 2 : i32
        %get3A_564 = arith.constant 3 : i32
        %get3A_565 = arith.index_cast %get3A_563 : i32 to index
        %get3A_566 = arith.index_cast %get3A_564 : i32 to index
        %get3A_567 = arith.index_cast %mul3A_562 : i32 to index
        %get3A_568 = tpu.vector_load %arg8[%get3A_565, %get3A_566, %get3A_567] {strides = array<i32>} : memref<4x8x1024xf32, #tpu.memory_space<vmem>>, vector<1x1x16xf32>,
        %get3A_569 = vector.shape_cast %get3A_568 : vector<1x1x16xf32> to vector<16xf32>
        %mul3A_570 = arith.mulf %get3A_569, %gather3A_269 : vector<16xf32>
        %add3A_571 = arith.addf %add3A_560, %mul3A_570 : vector<16xf32>
        %mul3A_572 = arith.constant 16 : i32
        %mul3A_573 = arith.muli %scan3A_387, %mul3A_572 : i32
        %get3A_574 = arith.constant 3 : i32
        %get3A_575 = arith.constant 3 : i32
        %get3A_576 = arith.index_cast %get3A_574 : i32 to index
        %get3A_577 = arith.index_cast %get3A_575 : i32 to index
        %get3A_578 = arith.index_cast %mul3A_573 : i32 to index
        %get3A_579 = tpu.vector_load %arg8[%get3A_576, %get3A_577, %get3A_578] {strides = array<i32>} : memref<4x8x1024xf32, #tpu.memory_space<vmem>>, vector<1x1x16xf32>,
        %get3A_580 = vector.shape_cast %get3A_579 : vector<1x1x16xf32> to vector<16xf32>
        %mul3A_581 = arith.mulf %get3A_580, %gather3A_281 : vector<16xf32>
        %add3A_582 = arith.addf %add3A_571, %mul3A_581 : vector<16xf32>
        %mul3A_583 = arith.constant 16 : i32
        %mul3A_584 = arith.muli %scan3A_387, %mul3A_583 : i32
        %swap3A_585 = arith.constant 3 : i32
        %swap3A_586 = arith.index_cast %swap3A_585 : i32 to index
        %swap3A_587 = arith.index_cast %mul3A_584 : i32 to index
        %swap3A_588 = tpu.vector_load %arg11[%swap3A_586, %swap3A_587] {strides = array<i32>} : memref<8x1024xf32, #tpu.memory_space<vmem>>, vector<1x16xf32>,
        %swap3A_589 = vector.shape_cast %swap3A_588 : vector<1x16xf32> to vector<16xf32>
        %swap3A_590 = vector.shape_cast %add3A_582 : vector<16xf32> to vector<1x16xf32>
        tpu.vector_store %arg11[%swap3A_586, %swap3A_587], %swap3A_590 {strides = array<i32>} : memref<8x1024xf32, #tpu.memory_space<vmem>>, vector<1x16xf32>,
        %mul3A_591 = arith.constant 16 : i32
        %mul3A_592 = arith.muli %scan3A_387, %mul3A_591 : i32
        %get3A_593 = arith.constant 0 : i32
        %get3A_594 = arith.constant 4 : i32
        %get3A_595 = arith.index_cast %get3A_593 : i32 to index
        %get3A_596 = arith.index_cast %get3A_594 : i32 to index
        %get3A_597 = arith.index_cast %mul3A_592 : i32 to index
        %get3A_598 = tpu.vector_load %arg8[%get3A_595, %get3A_596, %get3A_597] {strides = array<i32>} : memref<4x8x1024xf32, #tpu.memory_space<vmem>>, vector<1x1x16xf32>,
        %get3A_599 = vector.shape_cast %get3A_598 : vector<1x1x16xf32> to vector<16xf32>
        %mul3A_600 = arith.mulf %get3A_599, %gather3A_245 : vector<16xf32>
        %mul3A_601 = arith.constant 16 : i32
        %mul3A_602 = arith.muli %scan3A_387, %mul3A_601 : i32
        %get3A_603 = arith.constant 1 : i32
        %get3A_604 = arith.constant 4 : i32
        %get3A_605 = arith.index_cast %get3A_603 : i32 to index
        %get3A_606 = arith.index_cast %get3A_604 : i32 to index
        %get3A_607 = arith.index_cast %mul3A_602 : i32 to index
        %get3A_608 = tpu.vector_load %arg8[%get3A_605, %get3A_606, %get3A_607] {strides = array<i32>} : memref<4x8x1024xf32, #tpu.memory_space<vmem>>, vector<1x1x16xf32>,
        %get3A_609 = vector.shape_cast %get3A_608 : vector<1x1x16xf32> to vector<16xf32>
        %mul3A_610 = arith.mulf %get3A_609, %gather3A_257 : vector<16xf32>
        %add3A_611 = arith.addf %mul3A_600, %mul3A_610 : vector<16xf32>
        %mul3A_612 = arith.constant 16 : i32
        %mul3A_613 = arith.muli %scan3A_387, %mul3A_612 : i32
        %get3A_614 = arith.constant 2 : i32
        %get3A_615 = arith.constant 4 : i32
        %get3A_616 = arith.index_cast %get3A_614 : i32 to index
        %get3A_617 = arith.index_cast %get3A_615 : i32 to index
        %get3A_618 = arith.index_cast %mul3A_613 : i32 to index
        %get3A_619 = tpu.vector_load %arg8[%get3A_616, %get3A_617, %get3A_618] {strides = array<i32>} : memref<4x8x1024xf32, #tpu.memory_space<vmem>>, vector<1x1x16xf32>,
        %get3A_620 = vector.shape_cast %get3A_619 : vector<1x1x16xf32> to vector<16xf32>
        %mul3A_621 = arith.mulf %get3A_620, %gather3A_269 : vector<16xf32>
        %add3A_622 = arith.addf %add3A_611, %mul3A_621 : vector<16xf32>
        %mul3A_623 = arith.constant 16 : i32
        %mul3A_624 = arith.muli %scan3A_387, %mul3A_623 : i32
        %get3A_625 = arith.constant 3 : i32
        %get3A_626 = arith.constant 4 : i32
        %get3A_627 = arith.index_cast %get3A_625 : i32 to index
        %get3A_628 = arith.index_cast %get3A_626 : i32 to index
        %get3A_629 = arith.index_cast %mul3A_624 : i32 to index
        %get3A_630 = tpu.vector_load %arg8[%get3A_627, %get3A_628, %get3A_629] {strides = array<i32>} : memref<4x8x1024xf32, #tpu.memory_space<vmem>>, vector<1x1x16xf32>,
        %get3A_631 = vector.shape_cast %get3A_630 : vector<1x1x16xf32> to vector<16xf32>
        %mul3A_632 = arith.mulf %get3A_631, %gather3A_281 : vector<16xf32>
        %add3A_633 = arith.addf %add3A_622, %mul3A_632 : vector<16xf32>
        %mul3A_634 = arith.constant 16 : i32
        %mul3A_635 = arith.muli %scan3A_387, %mul3A_634 : i32
        %swap3A_636 = arith.constant 4 : i32
        %swap3A_637 = arith.index_cast %swap3A_636 : i32 to index
        %swap3A_638 = arith.index_cast %mul3A_635 : i32 to index
        %swap3A_639 = tpu.vector_load %arg11[%swap3A_637, %swap3A_638] {strides = array<i32>} : memref<8x1024xf32, #tpu.memory_space<vmem>>, vector<1x16xf32>,
        %swap3A_640 = vector.shape_cast %swap3A_639 : vector<1x16xf32> to vector<16xf32>
        %swap3A_641 = vector.shape_cast %add3A_633 : vector<16xf32> to vector<1x16xf32>
        tpu.vector_store %arg11[%swap3A_637, %swap3A_638], %swap3A_641 {strides = array<i32>} : memref<8x1024xf32, #tpu.memory_space<vmem>>, vector<1x16xf32>,
        %mul3A_642 = arith.constant 16 : i32
        %mul3A_643 = arith.muli %scan3A_387, %mul3A_642 : i32
        %get3A_644 = arith.constant 0 : i32
        %get3A_645 = arith.constant 5 : i32
        %get3A_646 = arith.index_cast %get3A_644 : i32 to index
        %get3A_647 = arith.index_cast %get3A_645 : i32 to index
        %get3A_648 = arith.index_cast %mul3A_643 : i32 to index
        %get3A_649 = tpu.vector_load %arg8[%get3A_646, %get3A_647, %get3A_648] {strides = array<i32>} : memref<4x8x1024xf32, #tpu.memory_space<vmem>>, vector<1x1x16xf32>,
        %get3A_650 = vector.shape_cast %get3A_649 : vector<1x1x16xf32> to vector<16xf32>
        %mul3A_651 = arith.mulf %get3A_650, %gather3A_245 : vector<16xf32>
        %mul3A_652 = arith.constant 16 : i32
        %mul3A_653 = arith.muli %scan3A_387, %mul3A_652 : i32
        %get3A_654 = arith.constant 1 : i32
        %get3A_655 = arith.constant 5 : i32
        %get3A_656 = arith.index_cast %get3A_654 : i32 to index
        %get3A_657 = arith.index_cast %get3A_655 : i32 to index
        %get3A_658 = arith.index_cast %mul3A_653 : i32 to index
        %get3A_659 = tpu.vector_load %arg8[%get3A_656, %get3A_657, %get3A_658] {strides = array<i32>} : memref<4x8x1024xf32, #tpu.memory_space<vmem>>, vector<1x1x16xf32>,
        %get3A_660 = vector.shape_cast %get3A_659 : vector<1x1x16xf32> to vector<16xf32>
        %mul3A_661 = arith.mulf %get3A_660, %gather3A_257 : vector<16xf32>
        %add3A_662 = arith.addf %mul3A_651, %mul3A_661 : vector<16xf32>
        %mul3A_663 = arith.constant 16 : i32
        %mul3A_664 = arith.muli %scan3A_387, %mul3A_663 : i32
        %get3A_665 = arith.constant 2 : i32
        %get3A_666 = arith.constant 5 : i32
        %get3A_667 = arith.index_cast %get3A_665 : i32 to index
        %get3A_668 = arith.index_cast %get3A_666 : i32 to index
        %get3A_669 = arith.index_cast %mul3A_664 : i32 to index
        %get3A_670 = tpu.vector_load %arg8[%get3A_667, %get3A_668, %get3A_669] {strides = array<i32>} : memref<4x8x1024xf32, #tpu.memory_space<vmem>>, vector<1x1x16xf32>,
        %get3A_671 = vector.shape_cast %get3A_670 : vector<1x1x16xf32> to vector<16xf32>
        %mul3A_672 = arith.mulf %get3A_671, %gather3A_269 : vector<16xf32>
        %add3A_673 = arith.addf %add3A_662, %mul3A_672 : vector<16xf32>
        %mul3A_674 = arith.constant 16 : i32
        %mul3A_675 = arith.muli %scan3A_387, %mul3A_674 : i32
        %get3A_676 = arith.constant 3 : i32
        %get3A_677 = arith.constant 5 : i32
        %get3A_678 = arith.index_cast %get3A_676 : i32 to index
        %get3A_679 = arith.index_cast %get3A_677 : i32 to index
        %get3A_680 = arith.index_cast %mul3A_675 : i32 to index
        %get3A_681 = tpu.vector_load %arg8[%get3A_678, %get3A_679, %get3A_680] {strides = array<i32>} : memref<4x8x1024xf32, #tpu.memory_space<vmem>>, vector<1x1x16xf32>,
        %get3A_682 = vector.shape_cast %get3A_681 : vector<1x1x16xf32> to vector<16xf32>
        %mul3A_683 = arith.mulf %get3A_682, %gather3A_281 : vector<16xf32>
        %add3A_684 = arith.addf %add3A_673, %mul3A_683 : vector<16xf32>
        %mul3A_685 = arith.constant 16 : i32
        %mul3A_686 = arith.muli %scan3A_387, %mul3A_685 : i32
        %swap3A_687 = arith.constant 5 : i32
        %swap3A_688 = arith.index_cast %swap3A_687 : i32 to index
        %swap3A_689 = arith.index_cast %mul3A_686 : i32 to index
        %swap3A_690 = tpu.vector_load %arg11[%swap3A_688, %swap3A_689] {strides = array<i32>} : memref<8x1024xf32, #tpu.memory_space<vmem>>, vector<1x16xf32>,
        %swap3A_691 = vector.shape_cast %swap3A_690 : vector<1x16xf32> to vector<16xf32>
        %swap3A_692 = vector.shape_cast %add3A_684 : vector<16xf32> to vector<1x16xf32>
        tpu.vector_store %arg11[%swap3A_688, %swap3A_689], %swap3A_692 {strides = array<i32>} : memref<8x1024xf32, #tpu.memory_space<vmem>>, vector<1x16xf32>,
        %mul3A_693 = arith.constant 16 : i32
        %mul3A_694 = arith.muli %scan3A_387, %mul3A_693 : i32
        %get3A_695 = arith.constant 0 : i32
        %get3A_696 = arith.constant 6 : i32
        %get3A_697 = arith.index_cast %get3A_695 : i32 to index
        %get3A_698 = arith.index_cast %get3A_696 : i32 to index
        %get3A_699 = arith.index_cast %mul3A_694 : i32 to index
        %get3A_700 = tpu.vector_load %arg8[%get3A_697, %get3A_698, %get3A_699] {strides = array<i32>} : memref<4x8x1024xf32, #tpu.memory_space<vmem>>, vector<1x1x16xf32>,
        %get3A_701 = vector.shape_cast %get3A_700 : vector<1x1x16xf32> to vector<16xf32>
        %mul3A_702 = arith.mulf %get3A_701, %gather3A_245 : vector<16xf32>
        %mul3A_703 = arith.constant 16 : i32
        %mul3A_704 = arith.muli %scan3A_387, %mul3A_703 : i32
        %get3A_705 = arith.constant 1 : i32
        %get3A_706 = arith.constant 6 : i32
        %get3A_707 = arith.index_cast %get3A_705 : i32 to index
        %get3A_708 = arith.index_cast %get3A_706 : i32 to index
        %get3A_709 = arith.index_cast %mul3A_704 : i32 to index
        %get3A_710 = tpu.vector_load %arg8[%get3A_707, %get3A_708, %get3A_709] {strides = array<i32>} : memref<4x8x1024xf32, #tpu.memory_space<vmem>>, vector<1x1x16xf32>,
        %get3A_711 = vector.shape_cast %get3A_710 : vector<1x1x16xf32> to vector<16xf32>
        %mul3A_712 = arith.mulf %get3A_711, %gather3A_257 : vector<16xf32>
        %add3A_713 = arith.addf %mul3A_702, %mul3A_712 : vector<16xf32>
        %mul3A_714 = arith.constant 16 : i32
        %mul3A_715 = arith.muli %scan3A_387, %mul3A_714 : i32
        %get3A_716 = arith.constant 2 : i32
        %get3A_717 = arith.constant 6 : i32
        %get3A_718 = arith.index_cast %get3A_716 : i32 to index
        %get3A_719 = arith.index_cast %get3A_717 : i32 to index
        %get3A_720 = arith.index_cast %mul3A_715 : i32 to index
        %get3A_721 = tpu.vector_load %arg8[%get3A_718, %get3A_719, %get3A_720] {strides = array<i32>} : memref<4x8x1024xf32, #tpu.memory_space<vmem>>, vector<1x1x16xf32>,
        %get3A_722 = vector.shape_cast %get3A_721 : vector<1x1x16xf32> to vector<16xf32>
        %mul3A_723 = arith.mulf %get3A_722, %gather3A_269 : vector<16xf32>
        %add3A_724 = arith.addf %add3A_713, %mul3A_723 : vector<16xf32>
        %mul3A_725 = arith.constant 16 : i32
        %mul3A_726 = arith.muli %scan3A_387, %mul3A_725 : i32
        %get3A_727 = arith.constant 3 : i32
        %get3A_728 = arith.constant 6 : i32
        %get3A_729 = arith.index_cast %get3A_727 : i32 to index
        %get3A_730 = arith.index_cast %get3A_728 : i32 to index
        %get3A_731 = arith.index_cast %mul3A_726 : i32 to index
        %get3A_732 = tpu.vector_load %arg8[%get3A_729, %get3A_730, %get3A_731] {strides = array<i32>} : memref<4x8x1024xf32, #tpu.memory_space<vmem>>, vector<1x1x16xf32>,
        %get3A_733 = vector.shape_cast %get3A_732 : vector<1x1x16xf32> to vector<16xf32>
        %mul3A_734 = arith.mulf %get3A_733, %gather3A_281 : vector<16xf32>
        %add3A_735 = arith.addf %add3A_724, %mul3A_734 : vector<16xf32>
        %mul3A_736 = arith.constant 16 : i32
        %mul3A_737 = arith.muli %scan3A_387, %mul3A_736 : i32
        %swap3A_738 = arith.constant 6 : i32
        %swap3A_739 = arith.index_cast %swap3A_738 : i32 to index
        %swap3A_740 = arith.index_cast %mul3A_737 : i32 to index
        %swap3A_741 = tpu.vector_load %arg11[%swap3A_739, %swap3A_740] {strides = array<i32>} : memref<8x1024xf32, #tpu.memory_space<vmem>>, vector<1x16xf32>,
        %swap3A_742 = vector.shape_cast %swap3A_741 : vector<1x16xf32> to vector<16xf32>
        %swap3A_743 = vector.shape_cast %add3A_735 : vector<16xf32> to vector<1x16xf32>
        tpu.vector_store %arg11[%swap3A_739, %swap3A_740], %swap3A_743 {strides = array<i32>} : memref<8x1024xf32, #tpu.memory_space<vmem>>, vector<1x16xf32>,
        %mul3A_744 = arith.constant 16 : i32
        %mul3A_745 = arith.muli %scan3A_387, %mul3A_744 : i32
        %get3A_746 = arith.constant 0 : i32
        %get3A_747 = arith.constant 7 : i32
        %get3A_748 = arith.index_cast %get3A_746 : i32 to index
        %get3A_749 = arith.index_cast %get3A_747 : i32 to index
        %get3A_750 = arith.index_cast %mul3A_745 : i32 to index
        %get3A_751 = tpu.vector_load %arg8[%get3A_748, %get3A_749, %get3A_750] {strides = array<i32>} : memref<4x8x1024xf32, #tpu.memory_space<vmem>>, vector<1x1x16xf32>,
        %get3A_752 = vector.shape_cast %get3A_751 : vector<1x1x16xf32> to vector<16xf32>
        %mul3A_753 = arith.mulf %get3A_752, %gather3A_245 : vector<16xf32>
        %mul3A_754 = arith.constant 16 : i32
        %mul3A_755 = arith.muli %scan3A_387, %mul3A_754 : i32
        %get3A_756 = arith.constant 1 : i32
        %get3A_757 = arith.constant 7 : i32
        %get3A_758 = arith.index_cast %get3A_756 : i32 to index
        %get3A_759 = arith.index_cast %get3A_757 : i32 to index
        %get3A_760 = arith.index_cast %mul3A_755 : i32 to index
        %get3A_761 = tpu.vector_load %arg8[%get3A_758, %get3A_759, %get3A_760] {strides = array<i32>} : memref<4x8x1024xf32, #tpu.memory_space<vmem>>, vector<1x1x16xf32>,
        %get3A_762 = vector.shape_cast %get3A_761 : vector<1x1x16xf32> to vector<16xf32>
        %mul3A_763 = arith.mulf %get3A_762, %gather3A_257 : vector<16xf32>
        %add3A_764 = arith.addf %mul3A_753, %mul3A_763 : vector<16xf32>
        %mul3A_765 = arith.constant 16 : i32
        %mul3A_766 = arith.muli %scan3A_387, %mul3A_765 : i32
        %get3A_767 = arith.constant 2 : i32
        %get3A_768 = arith.constant 7 : i32
        %get3A_769 = arith.index_cast %get3A_767 : i32 to index
        %get3A_770 = arith.index_cast %get3A_768 : i32 to index
        %get3A_771 = arith.index_cast %mul3A_766 : i32 to index
        %get3A_772 = tpu.vector_load %arg8[%get3A_769, %get3A_770, %get3A_771] {strides = array<i32>} : memref<4x8x1024xf32, #tpu.memory_space<vmem>>, vector<1x1x16xf32>,
        %get3A_773 = vector.shape_cast %get3A_772 : vector<1x1x16xf32> to vector<16xf32>
        %mul3A_774 = arith.mulf %get3A_773, %gather3A_269 : vector<16xf32>
        %add3A_775 = arith.addf %add3A_764, %mul3A_774 : vector<16xf32>
        %mul3A_776 = arith.constant 16 : i32
        %mul3A_777 = arith.muli %scan3A_387, %mul3A_776 : i32
        %get3A_778 = arith.constant 3 : i32
        %get3A_779 = arith.constant 7 : i32
        %get3A_780 = arith.index_cast %get3A_778 : i32 to index
        %get3A_781 = arith.index_cast %get3A_779 : i32 to index
        %get3A_782 = arith.index_cast %mul3A_777 : i32 to index
        %get3A_783 = tpu.vector_load %arg8[%get3A_780, %get3A_781, %get3A_782] {strides = array<i32>} : memref<4x8x1024xf32, #tpu.memory_space<vmem>>, vector<1x1x16xf32>,
        %get3A_784 = vector.shape_cast %get3A_783 : vector<1x1x16xf32> to vector<16xf32>
        %mul3A_785 = arith.mulf %get3A_784, %gather3A_281 : vector<16xf32>
        %add3A_786 = arith.addf %add3A_775, %mul3A_785 : vector<16xf32>
        %mul3A_787 = arith.constant 16 : i32
        %mul3A_788 = arith.muli %scan3A_387, %mul3A_787 : i32
        %swap3A_789 = arith.constant 7 : i32
        %swap3A_790 = arith.index_cast %swap3A_789 : i32 to index
        %swap3A_791 = arith.index_cast %mul3A_788 : i32 to index
        %swap3A_792 = tpu.vector_load %arg11[%swap3A_790, %swap3A_791] {strides = array<i32>} : memref<8x1024xf32, #tpu.memory_space<vmem>>, vector<1x16xf32>,
        %swap3A_793 = vector.shape_cast %swap3A_792 : vector<1x16xf32> to vector<16xf32>
        %swap3A_794 = vector.shape_cast %add3A_786 : vector<16xf32> to vector<1x16xf32>
        tpu.vector_store %arg11[%swap3A_790, %swap3A_791], %swap3A_794 {strides = array<i32>} : memref<8x1024xf32, #tpu.memory_space<vmem>>, vector<1x16xf32>,
      }
      %scan3A_350 = arith.constant 64 : i32
      %dma_start3A_351 = arith.constant 0 : i32
      %dma_start3A_352 = tpu.memref_slice %arg6[%min3A_77, %dma_start3A_351] : memref<16x16xi32, #tpu.memory_space<vmem>> -> memref<1x4xi32, #tpu.memory_space<vmem>>
      %dma_start3A_353 = tpu.memref_squeeze %dma_start3A_352 : memref<1x4xi32, #tpu.memory_space<vmem>> -> memref<4xi32, #tpu.memory_space<vmem>>
      %dma_start3A_354 = arith.constant 0 : i32
      %dma_start3A_355 = arith.constant 0 : i32
      %dma_start3A_356 = arith.constant 0 : i32
      %dma_start3A_357 = tpu.memref_slice %arg2[%dma_start3A_354, %dma_start3A_355, %dma_start3A_356] : memref<8192x8x1024xf32, #tpu.memory_space<hbm>> -> memref<8192x8x1024xf32, #tpu.memory_space<hbm>>
      tpu.enqueue_indirect_dma source(%dma_start3A_357 : memref<8192x8x1024xf32, #tpu.memory_space<hbm>>) target(%arg8 : memref<4x8x1024xf32, #tpu.memory_space<vmem>>) offsets(%dma_start3A_353 : memref<4xi32, #tpu.memory_space<vmem>>) semaphore(%arg12 : memref<!tpu.dma_semaphore, #tpu.memory_space<semaphore_mem>>)
      %dma_wait3A_358 = arith.constant 8 : i32
      %dma_wait3A_359 = tpu.memref_slice %arg6[%add3A_74, %dma_wait3A_358] : memref<16x16xi32, #tpu.memory_space<vmem>> -> memref<1x4xi32, #tpu.memory_space<vmem>>
      %dma_wait3A_360 = tpu.memref_squeeze %dma_wait3A_359 : memref<1x4xi32, #tpu.memory_space<vmem>> -> memref<4xi32, #tpu.memory_space<vmem>>
      %dma_wait3A_361 = arith.constant 0 : i32
      %dma_wait3A_362 = arith.constant 0 : i32
      %dma_wait3A_363 = arith.constant 0 : i32
      %dma_wait3A_364 = tpu.memref_slice %arg2[%dma_wait3A_361, %dma_wait3A_362, %dma_wait3A_363] : memref<8192x8x1024xf32, #tpu.memory_space<hbm>> -> memref<8192x8x1024xf32, #tpu.memory_space<hbm>>
      tpu.wait_indirect_dma semaphore(%arg13 : memref<!tpu.dma_semaphore, #tpu.memory_space<semaphore_mem>>) src(%dma_wait3A_364 : memref<8192x8x1024xf32, #tpu.memory_space<hbm>>) dst(%arg9 : memref<4x8x1024xf32, #tpu.memory_space<vmem>>)
      %scan3A_365 = arith.constant 0 : i32
      %scan3A_366 = arith.constant 0 : i32
      %scan3A_367 = arith.constant 64 : i32
      %scan3A_368 = arith.addi %scan3A_366, %scan3A_367 : i32
      %scan3A_369 = arith.constant 1 : i32
      scf.for %scan3A_387 = %scan3A_366 to %scan3A_368 step %scan3A_369  : i32 {
        %mul3A_388 = arith.constant 16 : i32
        %mul3A_389 = arith.muli %scan3A_387, %mul3A_388 : i32
        %get3A_390 = arith.constant 0 : i32
        %get3A_391 = arith.index_cast %get3A_390 : i32 to index
        %get3A_392 = arith.index_cast %mul3A_389 : i32 to index
        %get3A_393 = tpu.vector_load %arg11[%get3A_391, %get3A_392] {strides = array<i32>} : memref<8x1024xf32, #tpu.memory_space<vmem>>, vector<1x16xf32>,
        %get3A_394 = vector.shape_cast %get3A_393 : vector<1x16xf32> to vector<16xf32>
        %mul3A_395 = arith.constant 16 : i32
        %mul3A_396 = arith.muli %scan3A_387, %mul3A_395 : i32
        %get3A_397 = arith.constant 0 : i32
        %get3A_398 = arith.constant 0 : i32
        %get3A_399 = arith.index_cast %get3A_397 : i32 to index
        %get3A_400 = arith.index_cast %get3A_398 : i32 to index
        %get3A_401 = arith.index_cast %mul3A_396 : i32 to index
        %get3A_402 = tpu.vector_load %arg9[%get3A_399, %get3A_400, %get3A_401] {strides = array<i32>} : memref<4x8x1024xf32, #tpu.memory_space<vmem>>, vector<1x1x16xf32>,
        %get3A_403 = vector.shape_cast %get3A_402 : vector<1x1x16xf32> to vector<16xf32>
        %mul3A_404 = arith.mulf %get3A_403, %gather3A_293 : vector<16xf32>
        %add3A_405 = arith.addf %get3A_394, %mul3A_404 : vector<16xf32>
        %mul3A_406 = arith.constant 16 : i32
        %mul3A_407 = arith.muli %scan3A_387, %mul3A_406 : i32
        %get3A_408 = arith.constant 1 : i32
        %get3A_409 = arith.constant 0 : i32
        %get3A_410 = arith.index_cast %get3A_408 : i32 to index
        %get3A_411 = arith.index_cast %get3A_409 : i32 to index
        %get3A_412 = arith.index_cast %mul3A_407 : i32 to index
        %get3A_413 = tpu.vector_load %arg9[%get3A_410, %get3A_411, %get3A_412] {strides = array<i32>} : memref<4x8x1024xf32, #tpu.memory_space<vmem>>, vector<1x1x16xf32>,
        %get3A_414 = vector.shape_cast %get3A_413 : vector<1x1x16xf32> to vector<16xf32>
        %mul3A_415 = arith.mulf %get3A_414, %gather3A_305 : vector<16xf32>
        %add3A_416 = arith.addf %add3A_405, %mul3A_415 : vector<16xf32>
        %mul3A_417 = arith.constant 16 : i32
        %mul3A_418 = arith.muli %scan3A_387, %mul3A_417 : i32
        %get3A_419 = arith.constant 2 : i32
        %get3A_420 = arith.constant 0 : i32
        %get3A_421 = arith.index_cast %get3A_419 : i32 to index
        %get3A_422 = arith.index_cast %get3A_420 : i32 to index
        %get3A_423 = arith.index_cast %mul3A_418 : i32 to index
        %get3A_424 = tpu.vector_load %arg9[%get3A_421, %get3A_422, %get3A_423] {strides = array<i32>} : memref<4x8x1024xf32, #tpu.memory_space<vmem>>, vector<1x1x16xf32>,
        %get3A_425 = vector.shape_cast %get3A_424 : vector<1x1x16xf32> to vector<16xf32>
        %mul3A_426 = arith.mulf %get3A_425, %gather3A_317 : vector<16xf32>
        %add3A_427 = arith.addf %add3A_416, %mul3A_426 : vector<16xf32>
        %mul3A_428 = arith.constant 16 : i32
        %mul3A_429 = arith.muli %scan3A_387, %mul3A_428 : i32
        %get3A_430 = arith.constant 3 : i32
        %get3A_431 = arith.constant 0 : i32
        %get3A_432 = arith.index_cast %get3A_430 : i32 to index
        %get3A_433 = arith.index_cast %get3A_431 : i32 to index
        %get3A_434 = arith.index_cast %mul3A_429 : i32 to index
        %get3A_435 = tpu.vector_load %arg9[%get3A_432, %get3A_433, %get3A_434] {strides = array<i32>} : memref<4x8x1024xf32, #tpu.memory_space<vmem>>, vector<1x1x16xf32>,
        %get3A_436 = vector.shape_cast %get3A_435 : vector<1x1x16xf32> to vector<16xf32>
        %mul3A_437 = arith.mulf %get3A_436, %gather3A_329 : vector<16xf32>
        %add3A_438 = arith.addf %add3A_427, %mul3A_437 : vector<16xf32>
        %mul3A_439 = arith.constant 16 : i32
        %mul3A_440 = arith.muli %scan3A_387, %mul3A_439 : i32
        %swap3A = arith.constant 0 : i32
        %swap3A_441 = arith.index_cast %swap3A : i32 to index
        %swap3A_442 = arith.index_cast %mul3A_440 : i32 to index
        %swap3A_443 = tpu.vector_load %arg11[%swap3A_441, %swap3A_442] {strides = array<i32>} : memref<8x1024xf32, #tpu.memory_space<vmem>>, vector<1x16xf32>,
        %swap3A_444 = vector.shape_cast %swap3A_443 : vector<1x16xf32> to vector<16xf32>
        %swap3A_445 = vector.shape_cast %add3A_438 : vector<16xf32> to vector<1x16xf32>
        tpu.vector_store %arg11[%swap3A_441, %swap3A_442], %swap3A_445 {strides = array<i32>} : memref<8x1024xf32, #tpu.memory_space<vmem>>, vector<1x16xf32>,
        %mul3A_446 = arith.constant 16 : i32
        %mul3A_447 = arith.muli %scan3A_387, %mul3A_446 : i32
        %get3A_448 = arith.constant 1 : i32
        %get3A_449 = arith.index_cast %get3A_448 : i32 to index
        %get3A_450 = arith.index_cast %mul3A_447 : i32 to index
        %get3A_451 = tpu.vector_load %arg11[%get3A_449, %get3A_450] {strides = array<i32>} : memref<8x1024xf32, #tpu.memory_space<vmem>>, vector<1x16xf32>,
        %get3A_452 = vector.shape_cast %get3A_451 : vector<1x16xf32> to vector<16xf32>
        %mul3A_453 = arith.constant 16 : i32
        %mul3A_454 = arith.muli %scan3A_387, %mul3A_453 : i32
        %get3A_455 = arith.constant 0 : i32
        %get3A_456 = arith.constant 1 : i32
        %get3A_457 = arith.index_cast %get3A_455 : i32 to index
        %get3A_458 = arith.index_cast %get3A_456 : i32 to index
        %get3A_459 = arith.index_cast %mul3A_454 : i32 to index
        %get3A_460 = tpu.vector_load %arg9[%get3A_457, %get3A_458, %get3A_459] {strides = array<i32>} : memref<4x8x1024xf32, #tpu.memory_space<vmem>>, vector<1x1x16xf32>,
        %get3A_461 = vector.shape_cast %get3A_460 : vector<1x1x16xf32> to vector<16xf32>
        %mul3A_462 = arith.mulf %get3A_461, %gather3A_293 : vector<16xf32>
        %add3A_463 = arith.addf %get3A_452, %mul3A_462 : vector<16xf32>
        %mul3A_464 = arith.constant 16 : i32
        %mul3A_465 = arith.muli %scan3A_387, %mul3A_464 : i32
        %get3A_466 = arith.constant 1 : i32
        %get3A_467 = arith.constant 1 : i32
        %get3A_468 = arith.index_cast %get3A_466 : i32 to index
        %get3A_469 = arith.index_cast %get3A_467 : i32 to index
        %get3A_470 = arith.index_cast %mul3A_465 : i32 to index
        %get3A_471 = tpu.vector_load %arg9[%get3A_468, %get3A_469, %get3A_470] {strides = array<i32>} : memref<4x8x1024xf32, #tpu.memory_space<vmem>>, vector<1x1x16xf32>,
        %get3A_472 = vector.shape_cast %get3A_471 : vector<1x1x16xf32> to vector<16xf32>
        %mul3A_473 = arith.mulf %get3A_472, %gather3A_305 : vector<16xf32>
        %add3A_474 = arith.addf %add3A_463, %mul3A_473 : vector<16xf32>
        %mul3A_475 = arith.constant 16 : i32
        %mul3A_476 = arith.muli %scan3A_387, %mul3A_475 : i32
        %get3A_477 = arith.constant 2 : i32
        %get3A_478 = arith.constant 1 : i32
        %get3A_479 = arith.index_cast %get3A_477 : i32 to index
        %get3A_480 = arith.index_cast %get3A_478 : i32 to index
        %get3A_481 = arith.index_cast %mul3A_476 : i32 to index
        %get3A_482 = tpu.vector_load %arg9[%get3A_479, %get3A_480, %get3A_481] {strides = array<i32>} : memref<4x8x1024xf32, #tpu.memory_space<vmem>>, vector<1x1x16xf32>,
        %get3A_483 = vector.shape_cast %get3A_482 : vector<1x1x16xf32> to vector<16xf32>
        %mul3A_484 = arith.mulf %get3A_483, %gather3A_317 : vector<16xf32>
        %add3A_485 = arith.addf %add3A_474, %mul3A_484 : vector<16xf32>
        %mul3A_486 = arith.constant 16 : i32
        %mul3A_487 = arith.muli %scan3A_387, %mul3A_486 : i32
        %get3A_488 = arith.constant 3 : i32
        %get3A_489 = arith.constant 1 : i32
        %get3A_490 = arith.index_cast %get3A_488 : i32 to index
        %get3A_491 = arith.index_cast %get3A_489 : i32 to index
        %get3A_492 = arith.index_cast %mul3A_487 : i32 to index
        %get3A_493 = tpu.vector_load %arg9[%get3A_490, %get3A_491, %get3A_492] {strides = array<i32>} : memref<4x8x1024xf32, #tpu.memory_space<vmem>>, vector<1x1x16xf32>,
        %get3A_494 = vector.shape_cast %get3A_493 : vector<1x1x16xf32> to vector<16xf32>
        %mul3A_495 = arith.mulf %get3A_494, %gather3A_329 : vector<16xf32>
        %add3A_496 = arith.addf %add3A_485, %mul3A_495 : vector<16xf32>
        %mul3A_497 = arith.constant 16 : i32
        %mul3A_498 = arith.muli %scan3A_387, %mul3A_497 : i32
        %swap3A_499 = arith.constant 1 : i32
        %swap3A_500 = arith.index_cast %swap3A_499 : i32 to index
        %swap3A_501 = arith.index_cast %mul3A_498 : i32 to index
        %swap3A_502 = tpu.vector_load %arg11[%swap3A_500, %swap3A_501] {strides = array<i32>} : memref<8x1024xf32, #tpu.memory_space<vmem>>, vector<1x16xf32>,
        %swap3A_503 = vector.shape_cast %swap3A_502 : vector<1x16xf32> to vector<16xf32>
        %swap3A_504 = vector.shape_cast %add3A_496 : vector<16xf32> to vector<1x16xf32>
        tpu.vector_store %arg11[%swap3A_500, %swap3A_501], %swap3A_504 {strides = array<i32>} : memref<8x1024xf32, #tpu.memory_space<vmem>>, vector<1x16xf32>,
        %mul3A_505 = arith.constant 16 : i32
        %mul3A_506 = arith.muli %scan3A_387, %mul3A_505 : i32
        %get3A_507 = arith.constant 2 : i32
        %get3A_508 = arith.index_cast %get3A_507 : i32 to index
        %get3A_509 = arith.index_cast %mul3A_506 : i32 to index
        %get3A_510 = tpu.vector_load %arg11[%get3A_508, %get3A_509] {strides = array<i32>} : memref<8x1024xf32, #tpu.memory_space<vmem>>, vector<1x16xf32>,
        %get3A_511 = vector.shape_cast %get3A_510 : vector<1x16xf32> to vector<16xf32>
        %mul3A_512 = arith.constant 16 : i32
        %mul3A_513 = arith.muli %scan3A_387, %mul3A_512 : i32
        %get3A_514 = arith.constant 0 : i32
        %get3A_515 = arith.constant 2 : i32
        %get3A_516 = arith.index_cast %get3A_514 : i32 to index
        %get3A_517 = arith.index_cast %get3A_515 : i32 to index
        %get3A_518 = arith.index_cast %mul3A_513 : i32 to index
        %get3A_519 = tpu.vector_load %arg9[%get3A_516, %get3A_517, %get3A_518] {strides = array<i32>} : memref<4x8x1024xf32, #tpu.memory_space<vmem>>, vector<1x1x16xf32>,
        %get3A_520 = vector.shape_cast %get3A_519 : vector<1x1x16xf32> to vector<16xf32>
        %mul3A_521 = arith.mulf %get3A_520, %gather3A_293 : vector<16xf32>
        %add3A_522 = arith.addf %get3A_511, %mul3A_521 : vector<16xf32>
        %mul3A_523 = arith.constant 16 : i32
        %mul3A_524 = arith.muli %scan3A_387, %mul3A_523 : i32
        %get3A_525 = arith.constant 1 : i32
        %get3A_526 = arith.constant 2 : i32
        %get3A_527 = arith.index_cast %get3A_525 : i32 to index
        %get3A_528 = arith.index_cast %get3A_526 : i32 to index
        %get3A_529 = arith.index_cast %mul3A_524 : i32 to index
        %get3A_530 = tpu.vector_load %arg9[%get3A_527, %get3A_528, %get3A_529] {strides = array<i32>} : memref<4x8x1024xf32, #tpu.memory_space<vmem>>, vector<1x1x16xf32>,
        %get3A_531 = vector.shape_cast %get3A_530 : vector<1x1x16xf32> to vector<16xf32>
        %mul3A_532 = arith.mulf %get3A_531, %gather3A_305 : vector<16xf32>
        %add3A_533 = arith.addf %add3A_522, %mul3A_532 : vector<16xf32>
        %mul3A_534 = arith.constant 16 : i32
        %mul3A_535 = arith.muli %scan3A_387, %mul3A_534 : i32
        %get3A_536 = arith.constant 2 : i32
        %get3A_537 = arith.constant 2 : i32
        %get3A_538 = arith.index_cast %get3A_536 : i32 to index
        %get3A_539 = arith.index_cast %get3A_537 : i32 to index
        %get3A_540 = arith.index_cast %mul3A_535 : i32 to index
        %get3A_541 = tpu.vector_load %arg9[%get3A_538, %get3A_539, %get3A_540] {strides = array<i32>} : memref<4x8x1024xf32, #tpu.memory_space<vmem>>, vector<1x1x16xf32>,
        %get3A_542 = vector.shape_cast %get3A_541 : vector<1x1x16xf32> to vector<16xf32>
        %mul3A_543 = arith.mulf %get3A_542, %gather3A_317 : vector<16xf32>
        %add3A_544 = arith.addf %add3A_533, %mul3A_543 : vector<16xf32>
        %mul3A_545 = arith.constant 16 : i32
        %mul3A_546 = arith.muli %scan3A_387, %mul3A_545 : i32
        %get3A_547 = arith.constant 3 : i32
        %get3A_548 = arith.constant 2 : i32
        %get3A_549 = arith.index_cast %get3A_547 : i32 to index
        %get3A_550 = arith.index_cast %get3A_548 : i32 to index
        %get3A_551 = arith.index_cast %mul3A_546 : i32 to index
        %get3A_552 = tpu.vector_load %arg9[%get3A_549, %get3A_550, %get3A_551] {strides = array<i32>} : memref<4x8x1024xf32, #tpu.memory_space<vmem>>, vector<1x1x16xf32>,
        %get3A_553 = vector.shape_cast %get3A_552 : vector<1x1x16xf32> to vector<16xf32>
        %mul3A_554 = arith.mulf %get3A_553, %gather3A_329 : vector<16xf32>
        %add3A_555 = arith.addf %add3A_544, %mul3A_554 : vector<16xf32>
        %mul3A_556 = arith.constant 16 : i32
        %mul3A_557 = arith.muli %scan3A_387, %mul3A_556 : i32
        %swap3A_558 = arith.constant 2 : i32
        %swap3A_559 = arith.index_cast %swap3A_558 : i32 to index
        %swap3A_560 = arith.index_cast %mul3A_557 : i32 to index
        %swap3A_561 = tpu.vector_load %arg11[%swap3A_559, %swap3A_560] {strides = array<i32>} : memref<8x1024xf32, #tpu.memory_space<vmem>>, vector<1x16xf32>,
        %swap3A_562 = vector.shape_cast %swap3A_561 : vector<1x16xf32> to vector<16xf32>
        %swap3A_563 = vector.shape_cast %add3A_555 : vector<16xf32> to vector<1x16xf32>
        tpu.vector_store %arg11[%swap3A_559, %swap3A_560], %swap3A_563 {strides = array<i32>} : memref<8x1024xf32, #tpu.memory_space<vmem>>, vector<1x16xf32>,
        %mul3A_564 = arith.constant 16 : i32
        %mul3A_565 = arith.muli %scan3A_387, %mul3A_564 : i32
        %get3A_566 = arith.constant 3 : i32
        %get3A_567 = arith.index_cast %get3A_566 : i32 to index
        %get3A_568 = arith.index_cast %mul3A_565 : i32 to index
        %get3A_569 = tpu.vector_load %arg11[%get3A_567, %get3A_568] {strides = array<i32>} : memref<8x1024xf32, #tpu.memory_space<vmem>>, vector<1x16xf32>,
        %get3A_570 = vector.shape_cast %get3A_569 : vector<1x16xf32> to vector<16xf32>
        %mul3A_571 = arith.constant 16 : i32
        %mul3A_572 = arith.muli %scan3A_387, %mul3A_571 : i32
        %get3A_573 = arith.constant 0 : i32
        %get3A_574 = arith.constant 3 : i32
        %get3A_575 = arith.index_cast %get3A_573 : i32 to index
        %get3A_576 = arith.index_cast %get3A_574 : i32 to index
        %get3A_577 = arith.index_cast %mul3A_572 : i32 to index
        %get3A_578 = tpu.vector_load %arg9[%get3A_575, %get3A_576, %get3A_577] {strides = array<i32>} : memref<4x8x1024xf32, #tpu.memory_space<vmem>>, vector<1x1x16xf32>,
        %get3A_579 = vector.shape_cast %get3A_578 : vector<1x1x16xf32> to vector<16xf32>
        %mul3A_580 = arith.mulf %get3A_579, %gather3A_293 : vector<16xf32>
        %add3A_581 = arith.addf %get3A_570, %mul3A_580 : vector<16xf32>
        %mul3A_582 = arith.constant 16 : i32
        %mul3A_583 = arith.muli %scan3A_387, %mul3A_582 : i32
        %get3A_584 = arith.constant 1 : i32
        %get3A_585 = arith.constant 3 : i32
        %get3A_586 = arith.index_cast %get3A_584 : i32 to index
        %get3A_587 = arith.index_cast %get3A_585 : i32 to index
        %get3A_588 = arith.index_cast %mul3A_583 : i32 to index
        %get3A_589 = tpu.vector_load %arg9[%get3A_586, %get3A_587, %get3A_588] {strides = array<i32>} : memref<4x8x1024xf32, #tpu.memory_space<vmem>>, vector<1x1x16xf32>,
        %get3A_590 = vector.shape_cast %get3A_589 : vector<1x1x16xf32> to vector<16xf32>
        %mul3A_591 = arith.mulf %get3A_590, %gather3A_305 : vector<16xf32>
        %add3A_592 = arith.addf %add3A_581, %mul3A_591 : vector<16xf32>
        %mul3A_593 = arith.constant 16 : i32
        %mul3A_594 = arith.muli %scan3A_387, %mul3A_593 : i32
        %get3A_595 = arith.constant 2 : i32
        %get3A_596 = arith.constant 3 : i32
        %get3A_597 = arith.index_cast %get3A_595 : i32 to index
        %get3A_598 = arith.index_cast %get3A_596 : i32 to index
        %get3A_599 = arith.index_cast %mul3A_594 : i32 to index
        %get3A_600 = tpu.vector_load %arg9[%get3A_597, %get3A_598, %get3A_599] {strides = array<i32>} : memref<4x8x1024xf32, #tpu.memory_space<vmem>>, vector<1x1x16xf32>,
        %get3A_601 = vector.shape_cast %get3A_600 : vector<1x1x16xf32> to vector<16xf32>
        %mul3A_602 = arith.mulf %get3A_601, %gather3A_317 : vector<16xf32>
        %add3A_603 = arith.addf %add3A_592, %mul3A_602 : vector<16xf32>
        %mul3A_604 = arith.constant 16 : i32
        %mul3A_605 = arith.muli %scan3A_387, %mul3A_604 : i32
        %get3A_606 = arith.constant 3 : i32
        %get3A_607 = arith.constant 3 : i32
        %get3A_608 = arith.index_cast %get3A_606 : i32 to index
        %get3A_609 = arith.index_cast %get3A_607 : i32 to index
        %get3A_610 = arith.index_cast %mul3A_605 : i32 to index
        %get3A_611 = tpu.vector_load %arg9[%get3A_608, %get3A_609, %get3A_610] {strides = array<i32>} : memref<4x8x1024xf32, #tpu.memory_space<vmem>>, vector<1x1x16xf32>,
        %get3A_612 = vector.shape_cast %get3A_611 : vector<1x1x16xf32> to vector<16xf32>
        %mul3A_613 = arith.mulf %get3A_612, %gather3A_329 : vector<16xf32>
        %add3A_614 = arith.addf %add3A_603, %mul3A_613 : vector<16xf32>
        %mul3A_615 = arith.constant 16 : i32
        %mul3A_616 = arith.muli %scan3A_387, %mul3A_615 : i32
        %swap3A_617 = arith.constant 3 : i32
        %swap3A_618 = arith.index_cast %swap3A_617 : i32 to index
        %swap3A_619 = arith.index_cast %mul3A_616 : i32 to index
        %swap3A_620 = tpu.vector_load %arg11[%swap3A_618, %swap3A_619] {strides = array<i32>} : memref<8x1024xf32, #tpu.memory_space<vmem>>, vector<1x16xf32>,
        %swap3A_621 = vector.shape_cast %swap3A_620 : vector<1x16xf32> to vector<16xf32>
        %swap3A_622 = vector.shape_cast %add3A_614 : vector<16xf32> to vector<1x16xf32>
        tpu.vector_store %arg11[%swap3A_618, %swap3A_619], %swap3A_622 {strides = array<i32>} : memref<8x1024xf32, #tpu.memory_space<vmem>>, vector<1x16xf32>,
        %mul3A_623 = arith.constant 16 : i32
        %mul3A_624 = arith.muli %scan3A_387, %mul3A_623 : i32
        %get3A_625 = arith.constant 4 : i32
        %get3A_626 = arith.index_cast %get3A_625 : i32 to index
        %get3A_627 = arith.index_cast %mul3A_624 : i32 to index
        %get3A_628 = tpu.vector_load %arg11[%get3A_626, %get3A_627] {strides = array<i32>} : memref<8x1024xf32, #tpu.memory_space<vmem>>, vector<1x16xf32>,
        %get3A_629 = vector.shape_cast %get3A_628 : vector<1x16xf32> to vector<16xf32>
        %mul3A_630 = arith.constant 16 : i32
        %mul3A_631 = arith.muli %scan3A_387, %mul3A_630 : i32
        %get3A_632 = arith.constant 0 : i32
        %get3A_633 = arith.constant 4 : i32
        %get3A_634 = arith.index_cast %get3A_632 : i32 to index
        %get3A_635 = arith.index_cast %get3A_633 : i32 to index
        %get3A_636 = arith.index_cast %mul3A_631 : i32 to index
        %get3A_637 = tpu.vector_load %arg9[%get3A_634, %get3A_635, %get3A_636] {strides = array<i32>} : memref<4x8x1024xf32, #tpu.memory_space<vmem>>, vector<1x1x16xf32>,
        %get3A_638 = vector.shape_cast %get3A_637 : vector<1x1x16xf32> to vector<16xf32>
        %mul3A_639 = arith.mulf %get3A_638, %gather3A_293 : vector<16xf32>
        %add3A_640 = arith.addf %get3A_629, %mul3A_639 : vector<16xf32>
        %mul3A_641 = arith.constant 16 : i32
        %mul3A_642 = arith.muli %scan3A_387, %mul3A_641 : i32
        %get3A_643 = arith.constant 1 : i32
        %get3A_644 = arith.constant 4 : i32
        %get3A_645 = arith.index_cast %get3A_643 : i32 to index
        %get3A_646 = arith.index_cast %get3A_644 : i32 to index
        %get3A_647 = arith.index_cast %mul3A_642 : i32 to index
        %get3A_648 = tpu.vector_load %arg9[%get3A_645, %get3A_646, %get3A_647] {strides = array<i32>} : memref<4x8x1024xf32, #tpu.memory_space<vmem>>, vector<1x1x16xf32>,
        %get3A_649 = vector.shape_cast %get3A_648 : vector<1x1x16xf32> to vector<16xf32>
        %mul3A_650 = arith.mulf %get3A_649, %gather3A_305 : vector<16xf32>
        %add3A_651 = arith.addf %add3A_640, %mul3A_650 : vector<16xf32>
        %mul3A_652 = arith.constant 16 : i32
        %mul3A_653 = arith.muli %scan3A_387, %mul3A_652 : i32
        %get3A_654 = arith.constant 2 : i32
        %get3A_655 = arith.constant 4 : i32
        %get3A_656 = arith.index_cast %get3A_654 : i32 to index
        %get3A_657 = arith.index_cast %get3A_655 : i32 to index
        %get3A_658 = arith.index_cast %mul3A_653 : i32 to index
        %get3A_659 = tpu.vector_load %arg9[%get3A_656, %get3A_657, %get3A_658] {strides = array<i32>} : memref<4x8x1024xf32, #tpu.memory_space<vmem>>, vector<1x1x16xf32>,
        %get3A_660 = vector.shape_cast %get3A_659 : vector<1x1x16xf32> to vector<16xf32>
        %mul3A_661 = arith.mulf %get3A_660, %gather3A_317 : vector<16xf32>
        %add3A_662 = arith.addf %add3A_651, %mul3A_661 : vector<16xf32>
        %mul3A_663 = arith.constant 16 : i32
        %mul3A_664 = arith.muli %scan3A_387, %mul3A_663 : i32
        %get3A_665 = arith.constant 3 : i32
        %get3A_666 = arith.constant 4 : i32
        %get3A_667 = arith.index_cast %get3A_665 : i32 to index
        %get3A_668 = arith.index_cast %get3A_666 : i32 to index
        %get3A_669 = arith.index_cast %mul3A_664 : i32 to index
        %get3A_670 = tpu.vector_load %arg9[%get3A_667, %get3A_668, %get3A_669] {strides = array<i32>} : memref<4x8x1024xf32, #tpu.memory_space<vmem>>, vector<1x1x16xf32>,
        %get3A_671 = vector.shape_cast %get3A_670 : vector<1x1x16xf32> to vector<16xf32>
        %mul3A_672 = arith.mulf %get3A_671, %gather3A_329 : vector<16xf32>
        %add3A_673 = arith.addf %add3A_662, %mul3A_672 : vector<16xf32>
        %mul3A_674 = arith.constant 16 : i32
        %mul3A_675 = arith.muli %scan3A_387, %mul3A_674 : i32
        %swap3A_676 = arith.constant 4 : i32
        %swap3A_677 = arith.index_cast %swap3A_676 : i32 to index
        %swap3A_678 = arith.index_cast %mul3A_675 : i32 to index
        %swap3A_679 = tpu.vector_load %arg11[%swap3A_677, %swap3A_678] {strides = array<i32>} : memref<8x1024xf32, #tpu.memory_space<vmem>>, vector<1x16xf32>,
        %swap3A_680 = vector.shape_cast %swap3A_679 : vector<1x16xf32> to vector<16xf32>
        %swap3A_681 = vector.shape_cast %add3A_673 : vector<16xf32> to vector<1x16xf32>
        tpu.vector_store %arg11[%swap3A_677, %swap3A_678], %swap3A_681 {strides = array<i32>} : memref<8x1024xf32, #tpu.memory_space<vmem>>, vector<1x16xf32>,
        %mul3A_682 = arith.constant 16 : i32
        %mul3A_683 = arith.muli %scan3A_387, %mul3A_682 : i32
        %get3A_684 = arith.constant 5 : i32
        %get3A_685 = arith.index_cast %get3A_684 : i32 to index
        %get3A_686 = arith.index_cast %mul3A_683 : i32 to index
        %get3A_687 = tpu.vector_load %arg11[%get3A_685, %get3A_686] {strides = array<i32>} : memref<8x1024xf32, #tpu.memory_space<vmem>>, vector<1x16xf32>,
        %get3A_688 = vector.shape_cast %get3A_687 : vector<1x16xf32> to vector<16xf32>
        %mul3A_689 = arith.constant 16 : i32
        %mul3A_690 = arith.muli %scan3A_387, %mul3A_689 : i32
        %get3A_691 = arith.constant 0 : i32
        %get3A_692 = arith.constant 5 : i32
        %get3A_693 = arith.index_cast %get3A_691 : i32 to index
        %get3A_694 = arith.index_cast %get3A_692 : i32 to index
        %get3A_695 = arith.index_cast %mul3A_690 : i32 to index
        %get3A_696 = tpu.vector_load %arg9[%get3A_693, %get3A_694, %get3A_695] {strides = array<i32>} : memref<4x8x1024xf32, #tpu.memory_space<vmem>>, vector<1x1x16xf32>,
        %get3A_697 = vector.shape_cast %get3A_696 : vector<1x1x16xf32> to vector<16xf32>
        %mul3A_698 = arith.mulf %get3A_697, %gather3A_293 : vector<16xf32>
        %add3A_699 = arith.addf %get3A_688, %mul3A_698 : vector<16xf32>
        %mul3A_700 = arith.constant 16 : i32
        %mul3A_701 = arith.muli %scan3A_387, %mul3A_700 : i32
        %get3A_702 = arith.constant 1 : i32
        %get3A_703 = arith.constant 5 : i32
        %get3A_704 = arith.index_cast %get3A_702 : i32 to index
        %get3A_705 = arith.index_cast %get3A_703 : i32 to index
        %get3A_706 = arith.index_cast %mul3A_701 : i32 to index
        %get3A_707 = tpu.vector_load %arg9[%get3A_704, %get3A_705, %get3A_706] {strides = array<i32>} : memref<4x8x1024xf32, #tpu.memory_space<vmem>>, vector<1x1x16xf32>,
        %get3A_708 = vector.shape_cast %get3A_707 : vector<1x1x16xf32> to vector<16xf32>
        %mul3A_709 = arith.mulf %get3A_708, %gather3A_305 : vector<16xf32>
        %add3A_710 = arith.addf %add3A_699, %mul3A_709 : vector<16xf32>
        %mul3A_711 = arith.constant 16 : i32
        %mul3A_712 = arith.muli %scan3A_387, %mul3A_711 : i32
        %get3A_713 = arith.constant 2 : i32
        %get3A_714 = arith.constant 5 : i32
        %get3A_715 = arith.index_cast %get3A_713 : i32 to index
        %get3A_716 = arith.index_cast %get3A_714 : i32 to index
        %get3A_717 = arith.index_cast %mul3A_712 : i32 to index
        %get3A_718 = tpu.vector_load %arg9[%get3A_715, %get3A_716, %get3A_717] {strides = array<i32>} : memref<4x8x1024xf32, #tpu.memory_space<vmem>>, vector<1x1x16xf32>,
        %get3A_719 = vector.shape_cast %get3A_718 : vector<1x1x16xf32> to vector<16xf32>
        %mul3A_720 = arith.mulf %get3A_719, %gather3A_317 : vector<16xf32>
        %add3A_721 = arith.addf %add3A_710, %mul3A_720 : vector<16xf32>
        %mul3A_722 = arith.constant 16 : i32
        %mul3A_723 = arith.muli %scan3A_387, %mul3A_722 : i32
        %get3A_724 = arith.constant 3 : i32
        %get3A_725 = arith.constant 5 : i32
        %get3A_726 = arith.index_cast %get3A_724 : i32 to index
        %get3A_727 = arith.index_cast %get3A_725 : i32 to index
        %get3A_728 = arith.index_cast %mul3A_723 : i32 to index
        %get3A_729 = tpu.vector_load %arg9[%get3A_726, %get3A_727, %get3A_728] {strides = array<i32>} : memref<4x8x1024xf32, #tpu.memory_space<vmem>>, vector<1x1x16xf32>,
        %get3A_730 = vector.shape_cast %get3A_729 : vector<1x1x16xf32> to vector<16xf32>
        %mul3A_731 = arith.mulf %get3A_730, %gather3A_329 : vector<16xf32>
        %add3A_732 = arith.addf %add3A_721, %mul3A_731 : vector<16xf32>
        %mul3A_733 = arith.constant 16 : i32
        %mul3A_734 = arith.muli %scan3A_387, %mul3A_733 : i32
        %swap3A_735 = arith.constant 5 : i32
        %swap3A_736 = arith.index_cast %swap3A_735 : i32 to index
        %swap3A_737 = arith.index_cast %mul3A_734 : i32 to index
        %swap3A_738 = tpu.vector_load %arg11[%swap3A_736, %swap3A_737] {strides = array<i32>} : memref<8x1024xf32, #tpu.memory_space<vmem>>, vector<1x16xf32>,
        %swap3A_739 = vector.shape_cast %swap3A_738 : vector<1x16xf32> to vector<16xf32>
        %swap3A_740 = vector.shape_cast %add3A_732 : vector<16xf32> to vector<1x16xf32>
        tpu.vector_store %arg11[%swap3A_736, %swap3A_737], %swap3A_740 {strides = array<i32>} : memref<8x1024xf32, #tpu.memory_space<vmem>>, vector<1x16xf32>,
        %mul3A_741 = arith.constant 16 : i32
        %mul3A_742 = arith.muli %scan3A_387, %mul3A_741 : i32
        %get3A_743 = arith.constant 6 : i32
        %get3A_744 = arith.index_cast %get3A_743 : i32 to index
        %get3A_745 = arith.index_cast %mul3A_742 : i32 to index
        %get3A_746 = tpu.vector_load %arg11[%get3A_744, %get3A_745] {strides = array<i32>} : memref<8x1024xf32, #tpu.memory_space<vmem>>, vector<1x16xf32>,
        %get3A_747 = vector.shape_cast %get3A_746 : vector<1x16xf32> to vector<16xf32>
        %mul3A_748 = arith.constant 16 : i32
        %mul3A_749 = arith.muli %scan3A_387, %mul3A_748 : i32
        %get3A_750 = arith.constant 0 : i32
        %get3A_751 = arith.constant 6 : i32
        %get3A_752 = arith.index_cast %get3A_750 : i32 to index
        %get3A_753 = arith.index_cast %get3A_751 : i32 to index
        %get3A_754 = arith.index_cast %mul3A_749 : i32 to index
        %get3A_755 = tpu.vector_load %arg9[%get3A_752, %get3A_753, %get3A_754] {strides = array<i32>} : memref<4x8x1024xf32, #tpu.memory_space<vmem>>, vector<1x1x16xf32>,
        %get3A_756 = vector.shape_cast %get3A_755 : vector<1x1x16xf32> to vector<16xf32>
        %mul3A_757 = arith.mulf %get3A_756, %gather3A_293 : vector<16xf32>
        %add3A_758 = arith.addf %get3A_747, %mul3A_757 : vector<16xf32>
        %mul3A_759 = arith.constant 16 : i32
        %mul3A_760 = arith.muli %scan3A_387, %mul3A_759 : i32
        %get3A_761 = arith.constant 1 : i32
        %get3A_762 = arith.constant 6 : i32
        %get3A_763 = arith.index_cast %get3A_761 : i32 to index
        %get3A_764 = arith.index_cast %get3A_762 : i32 to index
        %get3A_765 = arith.index_cast %mul3A_760 : i32 to index
        %get3A_766 = tpu.vector_load %arg9[%get3A_763, %get3A_764, %get3A_765] {strides = array<i32>} : memref<4x8x1024xf32, #tpu.memory_space<vmem>>, vector<1x1x16xf32>,
        %get3A_767 = vector.shape_cast %get3A_766 : vector<1x1x16xf32> to vector<16xf32>
        %mul3A_768 = arith.mulf %get3A_767, %gather3A_305 : vector<16xf32>
        %add3A_769 = arith.addf %add3A_758, %mul3A_768 : vector<16xf32>
        %mul3A_770 = arith.constant 16 : i32
        %mul3A_771 = arith.muli %scan3A_387, %mul3A_770 : i32
        %get3A_772 = arith.constant 2 : i32
        %get3A_773 = arith.constant 6 : i32
        %get3A_774 = arith.index_cast %get3A_772 : i32 to index
        %get3A_775 = arith.index_cast %get3A_773 : i32 to index
        %get3A_776 = arith.index_cast %mul3A_771 : i32 to index
        %get3A_777 = tpu.vector_load %arg9[%get3A_774, %get3A_775, %get3A_776] {strides = array<i32>} : memref<4x8x1024xf32, #tpu.memory_space<vmem>>, vector<1x1x16xf32>,
        %get3A_778 = vector.shape_cast %get3A_777 : vector<1x1x16xf32> to vector<16xf32>
        %mul3A_779 = arith.mulf %get3A_778, %gather3A_317 : vector<16xf32>
        %add3A_780 = arith.addf %add3A_769, %mul3A_779 : vector<16xf32>
        %mul3A_781 = arith.constant 16 : i32
        %mul3A_782 = arith.muli %scan3A_387, %mul3A_781 : i32
        %get3A_783 = arith.constant 3 : i32
        %get3A_784 = arith.constant 6 : i32
        %get3A_785 = arith.index_cast %get3A_783 : i32 to index
        %get3A_786 = arith.index_cast %get3A_784 : i32 to index
        %get3A_787 = arith.index_cast %mul3A_782 : i32 to index
        %get3A_788 = tpu.vector_load %arg9[%get3A_785, %get3A_786, %get3A_787] {strides = array<i32>} : memref<4x8x1024xf32, #tpu.memory_space<vmem>>, vector<1x1x16xf32>,
        %get3A_789 = vector.shape_cast %get3A_788 : vector<1x1x16xf32> to vector<16xf32>
        %mul3A_790 = arith.mulf %get3A_789, %gather3A_329 : vector<16xf32>
        %add3A_791 = arith.addf %add3A_780, %mul3A_790 : vector<16xf32>
        %mul3A_792 = arith.constant 16 : i32
        %mul3A_793 = arith.muli %scan3A_387, %mul3A_792 : i32
        %swap3A_794 = arith.constant 6 : i32
        %swap3A_795 = arith.index_cast %swap3A_794 : i32 to index
        %swap3A_796 = arith.index_cast %mul3A_793 : i32 to index
        %swap3A_797 = tpu.vector_load %arg11[%swap3A_795, %swap3A_796] {strides = array<i32>} : memref<8x1024xf32, #tpu.memory_space<vmem>>, vector<1x16xf32>,
        %swap3A_798 = vector.shape_cast %swap3A_797 : vector<1x16xf32> to vector<16xf32>
        %swap3A_799 = vector.shape_cast %add3A_791 : vector<16xf32> to vector<1x16xf32>
        tpu.vector_store %arg11[%swap3A_795, %swap3A_796], %swap3A_799 {strides = array<i32>} : memref<8x1024xf32, #tpu.memory_space<vmem>>, vector<1x16xf32>,
        %mul3A_800 = arith.constant 16 : i32
        %mul3A_801 = arith.muli %scan3A_387, %mul3A_800 : i32
        %get3A_802 = arith.constant 7 : i32
        %get3A_803 = arith.index_cast %get3A_802 : i32 to index
        %get3A_804 = arith.index_cast %mul3A_801 : i32 to index
        %get3A_805 = tpu.vector_load %arg11[%get3A_803, %get3A_804] {strides = array<i32>} : memref<8x1024xf32, #tpu.memory_space<vmem>>, vector<1x16xf32>,
        %get3A_806 = vector.shape_cast %get3A_805 : vector<1x16xf32> to vector<16xf32>
        %mul3A_807 = arith.constant 16 : i32
        %mul3A_808 = arith.muli %scan3A_387, %mul3A_807 : i32
        %get3A_809 = arith.constant 0 : i32
        %get3A_810 = arith.constant 7 : i32
        %get3A_811 = arith.index_cast %get3A_809 : i32 to index
        %get3A_812 = arith.index_cast %get3A_810 : i32 to index
        %get3A_813 = arith.index_cast %mul3A_808 : i32 to index
        %get3A_814 = tpu.vector_load %arg9[%get3A_811, %get3A_812, %get3A_813] {strides = array<i32>} : memref<4x8x1024xf32, #tpu.memory_space<vmem>>, vector<1x1x16xf32>,
        %get3A_815 = vector.shape_cast %get3A_814 : vector<1x1x16xf32> to vector<16xf32>
        %mul3A_816 = arith.mulf %get3A_815, %gather3A_293 : vector<16xf32>
        %add3A_817 = arith.addf %get3A_806, %mul3A_816 : vector<16xf32>
        %mul3A_818 = arith.constant 16 : i32
        %mul3A_819 = arith.muli %scan3A_387, %mul3A_818 : i32
        %get3A_820 = arith.constant 1 : i32
        %get3A_821 = arith.constant 7 : i32
        %get3A_822 = arith.index_cast %get3A_820 : i32 to index
        %get3A_823 = arith.index_cast %get3A_821 : i32 to index
        %get3A_824 = arith.index_cast %mul3A_819 : i32 to index
        %get3A_825 = tpu.vector_load %arg9[%get3A_822, %get3A_823, %get3A_824] {strides = array<i32>} : memref<4x8x1024xf32, #tpu.memory_space<vmem>>, vector<1x1x16xf32>,
        %get3A_826 = vector.shape_cast %get3A_825 : vector<1x1x16xf32> to vector<16xf32>
        %mul3A_827 = arith.mulf %get3A_826, %gather3A_305 : vector<16xf32>
        %add3A_828 = arith.addf %add3A_817, %mul3A_827 : vector<16xf32>
        %mul3A_829 = arith.constant 16 : i32
        %mul3A_830 = arith.muli %scan3A_387, %mul3A_829 : i32
        %get3A_831 = arith.constant 2 : i32
        %get3A_832 = arith.constant 7 : i32
        %get3A_833 = arith.index_cast %get3A_831 : i32 to index
        %get3A_834 = arith.index_cast %get3A_832 : i32 to index
        %get3A_835 = arith.index_cast %mul3A_830 : i32 to index
        %get3A_836 = tpu.vector_load %arg9[%get3A_833, %get3A_834, %get3A_835] {strides = array<i32>} : memref<4x8x1024xf32, #tpu.memory_space<vmem>>, vector<1x1x16xf32>,
        %get3A_837 = vector.shape_cast %get3A_836 : vector<1x1x16xf32> to vector<16xf32>
        %mul3A_838 = arith.mulf %get3A_837, %gather3A_317 : vector<16xf32>
        %add3A_839 = arith.addf %add3A_828, %mul3A_838 : vector<16xf32>
        %mul3A_840 = arith.constant 16 : i32
        %mul3A_841 = arith.muli %scan3A_387, %mul3A_840 : i32
        %get3A_842 = arith.constant 3 : i32
        %get3A_843 = arith.constant 7 : i32
        %get3A_844 = arith.index_cast %get3A_842 : i32 to index
        %get3A_845 = arith.index_cast %get3A_843 : i32 to index
        %get3A_846 = arith.index_cast %mul3A_841 : i32 to index
        %get3A_847 = tpu.vector_load %arg9[%get3A_844, %get3A_845, %get3A_846] {strides = array<i32>} : memref<4x8x1024xf32, #tpu.memory_space<vmem>>, vector<1x1x16xf32>,
        %get3A_848 = vector.shape_cast %get3A_847 : vector<1x1x16xf32> to vector<16xf32>
        %mul3A_849 = arith.mulf %get3A_848, %gather3A_329 : vector<16xf32>
        %add3A_850 = arith.addf %add3A_839, %mul3A_849 : vector<16xf32>
        %mul3A_851 = arith.constant 16 : i32
        %mul3A_852 = arith.muli %scan3A_387, %mul3A_851 : i32
        %swap3A_853 = arith.constant 7 : i32
        %swap3A_854 = arith.index_cast %swap3A_853 : i32 to index
        %swap3A_855 = arith.index_cast %mul3A_852 : i32 to index
        %swap3A_856 = tpu.vector_load %arg11[%swap3A_854, %swap3A_855] {strides = array<i32>} : memref<8x1024xf32, #tpu.memory_space<vmem>>, vector<1x16xf32>,
        %swap3A_857 = vector.shape_cast %swap3A_856 : vector<1x16xf32> to vector<16xf32>
        %swap3A_858 = vector.shape_cast %add3A_850 : vector<16xf32> to vector<1x16xf32>
        tpu.vector_store %arg11[%swap3A_854, %swap3A_855], %swap3A_858 {strides = array<i32>} : memref<8x1024xf32, #tpu.memory_space<vmem>>, vector<1x16xf32>,
      }
      %scan3A_370 = arith.constant 64 : i32
      %dma_start3A_371 = arith.constant 8 : i32
      %dma_start3A_372 = tpu.memref_slice %arg6[%min3A_77, %dma_start3A_371] : memref<16x16xi32, #tpu.memory_space<vmem>> -> memref<1x4xi32, #tpu.memory_space<vmem>>
      %dma_start3A_373 = tpu.memref_squeeze %dma_start3A_372 : memref<1x4xi32, #tpu.memory_space<vmem>> -> memref<4xi32, #tpu.memory_space<vmem>>
      %dma_start3A_374 = arith.constant 0 : i32
      %dma_start3A_375 = arith.constant 0 : i32
      %dma_start3A_376 = arith.constant 0 : i32
      %dma_start3A_377 = tpu.memref_slice %arg2[%dma_start3A_374, %dma_start3A_375, %dma_start3A_376] : memref<8192x8x1024xf32, #tpu.memory_space<hbm>> -> memref<8192x8x1024xf32, #tpu.memory_space<hbm>>
      tpu.enqueue_indirect_dma source(%dma_start3A_377 : memref<8192x8x1024xf32, #tpu.memory_space<hbm>>) target(%arg9 : memref<4x8x1024xf32, #tpu.memory_space<vmem>>) offsets(%dma_start3A_373 : memref<4xi32, #tpu.memory_space<vmem>>) semaphore(%arg13 : memref<!tpu.dma_semaphore, #tpu.memory_space<semaphore_mem>>)
      %add3A_378 = arith.addi %mul3A_2, %add3A_74 : i32
      %dma_start3A_379 = arith.constant 0 : i32
      %dma_start3A_380 = arith.constant 0 : i32
      %dma_start3A_381 = tpu.memref_slice %arg5[%add3A_378, %dma_start3A_379, %dma_start3A_380] : memref<512x8x1024xf32, #tpu.memory_space<hbm>> -> memref<1x8x1024xf32, #tpu.memory_space<hbm>>
      %dma_start3A_382 = tpu.memref_squeeze %dma_start3A_381 : memref<1x8x1024xf32, #tpu.memory_space<hbm>> -> memref<8x1024xf32, #tpu.memory_space<hbm>>
      %dma_start3A_383 = arith.constant 0 : i32
      %dma_start3A_384 = arith.constant 0 : i32
      %dma_start3A_385 = tpu.memref_slice %arg5[%add3A_378, %dma_start3A_383, %dma_start3A_384] : memref<512x8x1024xf32, #tpu.memory_space<hbm>> -> memref<1x8x1024xf32, #tpu.memory_space<hbm>>
      %dma_start3A_386 = tpu.memref_squeeze %dma_start3A_385 : memref<1x8x1024xf32, #tpu.memory_space<hbm>> -> memref<8x1024xf32, #tpu.memory_space<hbm>>
      tpu.enqueue_dma source(%arg11 : memref<8x1024xf32, #tpu.memory_space<vmem>>) target(%dma_start3A_386 : memref<8x1024xf32, #tpu.memory_space<hbm>>) target_semaphore(%arg15 : memref<!tpu.dma_semaphore, #tpu.memory_space<semaphore_mem>>)
    }
    %scan3A_38 = arith.constant 8 : i32
    %dma_wait3A = arith.constant 0 : i32
    %dma_wait3A_39 = arith.constant 0 : i32
    %dma_wait3A_40 = tpu.memref_slice %arg6[%dma_wait3A, %dma_wait3A_39] : memref<16x16xi32, #tpu.memory_space<vmem>> -> memref<1x4xi32, #tpu.memory_space<vmem>>
    %dma_wait3A_41 = tpu.memref_squeeze %dma_wait3A_40 : memref<1x4xi32, #tpu.memory_space<vmem>> -> memref<4xi32, #tpu.memory_space<vmem>>
    %dma_wait3A_42 = arith.constant 0 : i32
    %dma_wait3A_43 = arith.constant 0 : i32
    %dma_wait3A_44 = arith.constant 0 : i32
    %dma_wait3A_45 = tpu.memref_slice %arg2[%dma_wait3A_42, %dma_wait3A_43, %dma_wait3A_44] : memref<8192x8x1024xf32, #tpu.memory_space<hbm>> -> memref<8192x8x1024xf32, #tpu.memory_space<hbm>>
    tpu.wait_indirect_dma semaphore(%arg12 : memref<!tpu.dma_semaphore, #tpu.memory_space<semaphore_mem>>) src(%dma_wait3A_45 : memref<8192x8x1024xf32, #tpu.memory_space<hbm>>) dst(%arg8 : memref<4x8x1024xf32, #tpu.memory_space<vmem>>)
    %dma_wait3A_46 = arith.constant 0 : i32
    %dma_wait3A_47 = arith.constant 8 : i32
    %dma_wait3A_48 = tpu.memref_slice %arg6[%dma_wait3A_46, %dma_wait3A_47] : memref<16x16xi32, #tpu.memory_space<vmem>> -> memref<1x4xi32, #tpu.memory_space<vmem>>
    %dma_wait3A_49 = tpu.memref_squeeze %dma_wait3A_48 : memref<1x4xi32, #tpu.memory_space<vmem>> -> memref<4xi32, #tpu.memory_space<vmem>>
    %dma_wait3A_50 = arith.constant 0 : i32
    %dma_wait3A_51 = arith.constant 0 : i32
    %dma_wait3A_52 = arith.constant 0 : i32
    %dma_wait3A_53 = tpu.memref_slice %arg2[%dma_wait3A_50, %dma_wait3A_51, %dma_wait3A_52] : memref<8192x8x1024xf32, #tpu.memory_space<hbm>> -> memref<8192x8x1024xf32, #tpu.memory_space<hbm>>
    tpu.wait_indirect_dma semaphore(%arg13 : memref<!tpu.dma_semaphore, #tpu.memory_space<semaphore_mem>>) src(%dma_wait3A_53 : memref<8192x8x1024xf32, #tpu.memory_space<hbm>>) dst(%arg9 : memref<4x8x1024xf32, #tpu.memory_space<vmem>>)
    %dma_wait3A_54 = arith.constant 0 : i32
    %dma_wait3A_55 = arith.constant 0 : i32
    %dma_wait3A_56 = tpu.memref_slice %arg5[%mul3A_2, %dma_wait3A_54, %dma_wait3A_55] : memref<512x8x1024xf32, #tpu.memory_space<hbm>> -> memref<1x8x1024xf32, #tpu.memory_space<hbm>>
    %dma_wait3A_57 = tpu.memref_squeeze %dma_wait3A_56 : memref<1x8x1024xf32, #tpu.memory_space<hbm>> -> memref<8x1024xf32, #tpu.memory_space<hbm>>
    %dma_wait3A_58 = arith.constant 0 : i32
    %dma_wait3A_59 = arith.constant 0 : i32
    %dma_wait3A_60 = tpu.memref_slice %arg5[%mul3A_2, %dma_wait3A_58, %dma_wait3A_59] : memref<512x8x1024xf32, #tpu.memory_space<hbm>> -> memref<1x8x1024xf32, #tpu.memory_space<hbm>>
    %dma_wait3A_61 = tpu.memref_squeeze %dma_wait3A_60 : memref<1x8x1024xf32, #tpu.memory_space<hbm>> -> memref<8x1024xf32, #tpu.memory_space<hbm>>
    tpu.wait_dma2 semaphore(%arg14 : memref<!tpu.dma_semaphore, #tpu.memory_space<semaphore_mem>>) src(%dma_wait3A_61 : memref<8x1024xf32, #tpu.memory_space<hbm>>) dst(%arg10 : memref<8x1024xf32, #tpu.memory_space<vmem>>)
    %dma_wait3A_62 = arith.constant 0 : i32
    %dma_wait3A_63 = arith.constant 0 : i32
    %dma_wait3A_64 = tpu.memref_slice %arg5[%mul3A_2, %dma_wait3A_62, %dma_wait3A_63] : memref<512x8x1024xf32, #tpu.memory_space<hbm>> -> memref<1x8x1024xf32, #tpu.memory_space<hbm>>
    %dma_wait3A_65 = tpu.memref_squeeze %dma_wait3A_64 : memref<1x8x1024xf32, #tpu.memory_space<hbm>> -> memref<8x1024xf32, #tpu.memory_space<hbm>>
    %dma_wait3A_66 = arith.constant 0 : i32
    %dma_wait3A_67 = arith.constant 0 : i32
    %dma_wait3A_68 = tpu.memref_slice %arg5[%mul3A_2, %dma_wait3A_66, %dma_wait3A_67] : memref<512x8x1024xf32, #tpu.memory_space<hbm>> -> memref<1x8x1024xf32, #tpu.memory_space<hbm>>
    %dma_wait3A_69 = tpu.memref_squeeze %dma_wait3A_68 : memref<1x8x1024xf32, #tpu.memory_space<hbm>> -> memref<8x1024xf32, #tpu.memory_space<hbm>>
    tpu.wait_dma2 semaphore(%arg15 : memref<!tpu.dma_semaphore, #tpu.memory_space<semaphore_mem>>) src(%dma_wait3A_69 : memref<8x1024xf32, #tpu.memory_space<hbm>>) dst(%arg11 : memref<8x1024xf32, #tpu.memory_space<vmem>>)
    return
  }
}

module attributes {stable_mosaic.version = 14 : i64} {
  func.func @_topk_body(%arg0: i32, %arg1: memref<512x1024xf32, #tpu.memory_space<vmem>>, %arg2: memref<256x1024xf32, #tpu.memory_space<vmem>>, %arg3: memref<8192x256xf32, #tpu.memory_space<vmem>>, %arg4: memref<512x16xi32, #tpu.memory_space<vmem>>, %arg5: memref<512x16xf32, #tpu.memory_space<vmem>>) attributes {dimension_semantics = [#tpu.dimension_semantics<arbitrary>], iteration_bounds = array<i64: 1>, scalar_prefetch = 0 : i64, scratch_operands = 0 : i64, tpu.core_type = #tpu.core_type<tc>, window_params = [{pipeline_mode = #tpu.pipeline_mode<synchronous>, transform_indices = @transform_0, window_bounds = array<i64: 512, 1024>}, {pipeline_mode = #tpu.pipeline_mode<synchronous>, transform_indices = @transform_1, window_bounds = array<i64: 256, 1024>}, {pipeline_mode = #tpu.pipeline_mode<synchronous>, transform_indices = @transform_2, window_bounds = array<i64: 8192, 256>}, {pipeline_mode = #tpu.pipeline_mode<synchronous>, transform_indices = @transform_3, window_bounds = array<i64: 512, 16>}, {pipeline_mode = #tpu.pipeline_mode<synchronous>, transform_indices = @transform_4, window_bounds = array<i64: 512, 16>}]} {
    %get3A = arith.constant 0 : index
    %get3A_0 = arith.constant 0 : index
    %get3A_1 = vector.load %arg1[%get3A, %get3A_0] : memref<512x1024xf32, #tpu.memory_space<vmem>>, vector<512x1024xf32>
    %get3A_2 = arith.constant 0 : index
    %get3A_3 = arith.constant 0 : index
    %get3A_4 = vector.load %arg2[%get3A_2, %get3A_3] : memref<256x1024xf32, #tpu.memory_space<vmem>>, vector<256x1024xf32>
    %dot_general3A = arith.constant dense<0.000000e+00> : vector<512x256xf32>
    %dot_general3A_5 = tpu.matmul %get3A_1, %get3A_4, %dot_general3A {dimension_numbers = #tpu.dot_dimension_numbers<[1], [1], [0], [0], [0, 0, 1, 0], [], []>, transpose_lhs_hint = false} : vector<512x1024xf32>, vector<256x1024xf32>, vector<512x256xf32> -> vector<512x256xf32>
    %mul3A = arith.mulf %dot_general3A_5, %dot_general3A_5 : vector<512x256xf32>
    %reduce_sum3A = arith.constant dense<0.000000e+00> : vector<512xf32>
    %reduce_sum3A_6 = vector.multi_reduction <add>, %mul3A, %reduce_sum3A [1] : vector<512x256xf32> to vector<512xf32>
    %broadcast_in_dim3A = vector.shape_cast %reduce_sum3A_6 : vector<512xf32> to vector<512x1xf32>
    %sqrt3A = math.sqrt %broadcast_in_dim3A : vector<512x1xf32>
    %max3A = arith.constant 9.99999996E-13 : f32
    %max3A_7 = vector.broadcast %max3A : f32 to vector<512x1xf32>
    %max3A_8 = arith.maximumf %sqrt3A, %max3A_7 : vector<512x1xf32>
    %div3A = vector.broadcast %max3A_8 : vector<512x1xf32> to vector<512x256xf32>
    %div3A_9 = arith.divf %dot_general3A_5, %div3A : vector<512x256xf32>
    %get3A_10 = arith.constant 0 : index
    %get3A_11 = arith.constant 0 : index
    %get3A_12 = vector.load %arg3[%get3A_10, %get3A_11] : memref<8192x256xf32, #tpu.memory_space<vmem>>, vector<8192x256xf32>
    %mul3A_13 = arith.mulf %get3A_12, %get3A_12 : vector<8192x256xf32>
    %reduce_sum3A_14 = arith.constant dense<0.000000e+00> : vector<8192xf32>
    %reduce_sum3A_15 = vector.multi_reduction <add>, %mul3A_13, %reduce_sum3A_14 [1] : vector<8192x256xf32> to vector<8192xf32>
    %broadcast_in_dim3A_16 = vector.shape_cast %reduce_sum3A_15 : vector<8192xf32> to vector<8192x1xf32>
    %sqrt3A_17 = math.sqrt %broadcast_in_dim3A_16 : vector<8192x1xf32>
    %max3A_18 = arith.constant 9.99999996E-13 : f32
    %max3A_19 = vector.broadcast %max3A_18 : f32 to vector<8192x1xf32>
    %max3A_20 = arith.maximumf %sqrt3A_17, %max3A_19 : vector<8192x1xf32>
    %div3A_21 = vector.broadcast %max3A_20 : vector<8192x1xf32> to vector<8192x256xf32>
    %div3A_22 = arith.divf %get3A_12, %div3A_21 : vector<8192x256xf32>
    %dot_general3A_23 = arith.constant dense<0.000000e+00> : vector<512x8192xf32>
    %dot_general3A_24 = tpu.matmul %div3A_9, %div3A_22, %dot_general3A_23 {dimension_numbers = #tpu.dot_dimension_numbers<[1], [1], [0], [0], [0, 0, 1, 0], [], []>, transpose_lhs_hint = false} : vector<512x256xf32>, vector<8192x256xf32>, vector<512x8192xf32> -> vector<512x8192xf32>
    %iota3A = tpu.iota {dimensions = array<i32: 1>} : vector<512x8192xi32>
    %reduce_max3A = arith.constant dense<0xFF800000> : vector<512xf32>
    %reduce_max3A_25 = vector.multi_reduction <maximumf>, %dot_general3A_24, %reduce_max3A [1] : vector<512x8192xf32> to vector<512xf32>
    %broadcast_in_dim3A_26 = vector.shape_cast %reduce_max3A_25 : vector<512xf32> to vector<512x1xf32>
    %eq3A = vector.broadcast %broadcast_in_dim3A_26 : vector<512x1xf32> to vector<512x8192xf32>
    %eq3A_27 = arith.cmpf oeq, %dot_general3A_24, %eq3A : vector<512x8192xf32>
    %jit3A = arith.constant 8192 : i32
    %broadcast_in_dim3A_28 = vector.broadcast %jit3A : i32 to vector<512x8192xi32>
    %select_n3A = arith.select %eq3A_27, %iota3A, %broadcast_in_dim3A_28 : vector<512x8192xi1>, vector<512x8192xi32>
    %reduce_min3A = arith.constant dense<2147483647> : vector<512xi32>
    %reduce_min3A_29 = vector.multi_reduction <minsi>, %select_n3A, %reduce_min3A [1] : vector<512x8192xi32> to vector<512xi32>
    %broadcast_in_dim3A_30 = vector.shape_cast %reduce_min3A_29 : vector<512xi32> to vector<512x1xi32>
    %eq3A_31 = vector.broadcast %broadcast_in_dim3A_30 : vector<512x1xi32> to vector<512x8192xi32>
    %eq3A_32 = arith.cmpi eq, %iota3A, %eq3A_31 : vector<512x8192xi32>
    %jit3A_33 = arith.constant 0xFF800000 : f32
    %broadcast_in_dim3A_34 = vector.broadcast %jit3A_33 : f32 to vector<512x8192xf32>
    %select_n3A_35 = arith.select %eq3A_32, %broadcast_in_dim3A_34, %dot_general3A_24 : vector<512x8192xi1>, vector<512x8192xf32>
    %reduce_max3A_36 = arith.constant dense<0xFF800000> : vector<512xf32>
    %reduce_max3A_37 = vector.multi_reduction <maximumf>, %select_n3A_35, %reduce_max3A_36 [1] : vector<512x8192xf32> to vector<512xf32>
    %broadcast_in_dim3A_38 = vector.shape_cast %reduce_max3A_37 : vector<512xf32> to vector<512x1xf32>
    %eq3A_39 = vector.broadcast %broadcast_in_dim3A_38 : vector<512x1xf32> to vector<512x8192xf32>
    %eq3A_40 = arith.cmpf oeq, %select_n3A_35, %eq3A_39 : vector<512x8192xf32>
    %jit3A_41 = arith.constant 8192 : i32
    %broadcast_in_dim3A_42 = vector.broadcast %jit3A_41 : i32 to vector<512x8192xi32>
    %select_n3A_43 = arith.select %eq3A_40, %iota3A, %broadcast_in_dim3A_42 : vector<512x8192xi1>, vector<512x8192xi32>
    %reduce_min3A_44 = arith.constant dense<2147483647> : vector<512xi32>
    %reduce_min3A_45 = vector.multi_reduction <minsi>, %select_n3A_43, %reduce_min3A_44 [1] : vector<512x8192xi32> to vector<512xi32>
    %broadcast_in_dim3A_46 = vector.shape_cast %reduce_min3A_45 : vector<512xi32> to vector<512x1xi32>
    %eq3A_47 = vector.broadcast %broadcast_in_dim3A_46 : vector<512x1xi32> to vector<512x8192xi32>
    %eq3A_48 = arith.cmpi eq, %iota3A, %eq3A_47 : vector<512x8192xi32>
    %jit3A_49 = arith.constant 0xFF800000 : f32
    %broadcast_in_dim3A_50 = vector.broadcast %jit3A_49 : f32 to vector<512x8192xf32>
    %select_n3A_51 = arith.select %eq3A_48, %broadcast_in_dim3A_50, %select_n3A_35 : vector<512x8192xi1>, vector<512x8192xf32>
    %reduce_max3A_52 = arith.constant dense<0xFF800000> : vector<512xf32>
    %reduce_max3A_53 = vector.multi_reduction <maximumf>, %select_n3A_51, %reduce_max3A_52 [1] : vector<512x8192xf32> to vector<512xf32>
    %broadcast_in_dim3A_54 = vector.shape_cast %reduce_max3A_53 : vector<512xf32> to vector<512x1xf32>
    %eq3A_55 = vector.broadcast %broadcast_in_dim3A_54 : vector<512x1xf32> to vector<512x8192xf32>
    %eq3A_56 = arith.cmpf oeq, %select_n3A_51, %eq3A_55 : vector<512x8192xf32>
    %jit3A_57 = arith.constant 8192 : i32
    %broadcast_in_dim3A_58 = vector.broadcast %jit3A_57 : i32 to vector<512x8192xi32>
    %select_n3A_59 = arith.select %eq3A_56, %iota3A, %broadcast_in_dim3A_58 : vector<512x8192xi1>, vector<512x8192xi32>
    %reduce_min3A_60 = arith.constant dense<2147483647> : vector<512xi32>
    %reduce_min3A_61 = vector.multi_reduction <minsi>, %select_n3A_59, %reduce_min3A_60 [1] : vector<512x8192xi32> to vector<512xi32>
    %broadcast_in_dim3A_62 = vector.shape_cast %reduce_min3A_61 : vector<512xi32> to vector<512x1xi32>
    %eq3A_63 = vector.broadcast %broadcast_in_dim3A_62 : vector<512x1xi32> to vector<512x8192xi32>
    %eq3A_64 = arith.cmpi eq, %iota3A, %eq3A_63 : vector<512x8192xi32>
    %jit3A_65 = arith.constant 0xFF800000 : f32
    %broadcast_in_dim3A_66 = vector.broadcast %jit3A_65 : f32 to vector<512x8192xf32>
    %select_n3A_67 = arith.select %eq3A_64, %broadcast_in_dim3A_66, %select_n3A_51 : vector<512x8192xi1>, vector<512x8192xf32>
    %reduce_max3A_68 = arith.constant dense<0xFF800000> : vector<512xf32>
    %reduce_max3A_69 = vector.multi_reduction <maximumf>, %select_n3A_67, %reduce_max3A_68 [1] : vector<512x8192xf32> to vector<512xf32>
    %broadcast_in_dim3A_70 = vector.shape_cast %reduce_max3A_69 : vector<512xf32> to vector<512x1xf32>
    %eq3A_71 = vector.broadcast %broadcast_in_dim3A_70 : vector<512x1xf32> to vector<512x8192xf32>
    %eq3A_72 = arith.cmpf oeq, %select_n3A_67, %eq3A_71 : vector<512x8192xf32>
    %jit3A_73 = arith.constant 8192 : i32
    %broadcast_in_dim3A_74 = vector.broadcast %jit3A_73 : i32 to vector<512x8192xi32>
    %select_n3A_75 = arith.select %eq3A_72, %iota3A, %broadcast_in_dim3A_74 : vector<512x8192xi1>, vector<512x8192xi32>
    %reduce_min3A_76 = arith.constant dense<2147483647> : vector<512xi32>
    %reduce_min3A_77 = vector.multi_reduction <minsi>, %select_n3A_75, %reduce_min3A_76 [1] : vector<512x8192xi32> to vector<512xi32>
    %broadcast_in_dim3A_78 = vector.shape_cast %reduce_min3A_77 : vector<512xi32> to vector<512x1xi32>
    %eq3A_79 = vector.broadcast %broadcast_in_dim3A_78 : vector<512x1xi32> to vector<512x8192xi32>
    %eq3A_80 = arith.cmpi eq, %iota3A, %eq3A_79 : vector<512x8192xi32>
    %jit3A_81 = arith.constant 0xFF800000 : f32
    %broadcast_in_dim3A_82 = vector.broadcast %jit3A_81 : f32 to vector<512x8192xf32>
    %select_n3A_83 = arith.select %eq3A_80, %broadcast_in_dim3A_82, %select_n3A_67 : vector<512x8192xi1>, vector<512x8192xf32>
    %reduce_max3A_84 = arith.constant dense<0xFF800000> : vector<512xf32>
    %reduce_max3A_85 = vector.multi_reduction <maximumf>, %select_n3A_83, %reduce_max3A_84 [1] : vector<512x8192xf32> to vector<512xf32>
    %broadcast_in_dim3A_86 = vector.shape_cast %reduce_max3A_85 : vector<512xf32> to vector<512x1xf32>
    %eq3A_87 = vector.broadcast %broadcast_in_dim3A_86 : vector<512x1xf32> to vector<512x8192xf32>
    %eq3A_88 = arith.cmpf oeq, %select_n3A_83, %eq3A_87 : vector<512x8192xf32>
    %jit3A_89 = arith.constant 8192 : i32
    %broadcast_in_dim3A_90 = vector.broadcast %jit3A_89 : i32 to vector<512x8192xi32>
    %select_n3A_91 = arith.select %eq3A_88, %iota3A, %broadcast_in_dim3A_90 : vector<512x8192xi1>, vector<512x8192xi32>
    %reduce_min3A_92 = arith.constant dense<2147483647> : vector<512xi32>
    %reduce_min3A_93 = vector.multi_reduction <minsi>, %select_n3A_91, %reduce_min3A_92 [1] : vector<512x8192xi32> to vector<512xi32>
    %broadcast_in_dim3A_94 = vector.shape_cast %reduce_min3A_93 : vector<512xi32> to vector<512x1xi32>
    %eq3A_95 = vector.broadcast %broadcast_in_dim3A_94 : vector<512x1xi32> to vector<512x8192xi32>
    %eq3A_96 = arith.cmpi eq, %iota3A, %eq3A_95 : vector<512x8192xi32>
    %jit3A_97 = arith.constant 0xFF800000 : f32
    %broadcast_in_dim3A_98 = vector.broadcast %jit3A_97 : f32 to vector<512x8192xf32>
    %select_n3A_99 = arith.select %eq3A_96, %broadcast_in_dim3A_98, %select_n3A_83 : vector<512x8192xi1>, vector<512x8192xf32>
    %reduce_max3A_100 = arith.constant dense<0xFF800000> : vector<512xf32>
    %reduce_max3A_101 = vector.multi_reduction <maximumf>, %select_n3A_99, %reduce_max3A_100 [1] : vector<512x8192xf32> to vector<512xf32>
    %broadcast_in_dim3A_102 = vector.shape_cast %reduce_max3A_101 : vector<512xf32> to vector<512x1xf32>
    %eq3A_103 = vector.broadcast %broadcast_in_dim3A_102 : vector<512x1xf32> to vector<512x8192xf32>
    %eq3A_104 = arith.cmpf oeq, %select_n3A_99, %eq3A_103 : vector<512x8192xf32>
    %jit3A_105 = arith.constant 8192 : i32
    %broadcast_in_dim3A_106 = vector.broadcast %jit3A_105 : i32 to vector<512x8192xi32>
    %select_n3A_107 = arith.select %eq3A_104, %iota3A, %broadcast_in_dim3A_106 : vector<512x8192xi1>, vector<512x8192xi32>
    %reduce_min3A_108 = arith.constant dense<2147483647> : vector<512xi32>
    %reduce_min3A_109 = vector.multi_reduction <minsi>, %select_n3A_107, %reduce_min3A_108 [1] : vector<512x8192xi32> to vector<512xi32>
    %broadcast_in_dim3A_110 = vector.shape_cast %reduce_min3A_109 : vector<512xi32> to vector<512x1xi32>
    %eq3A_111 = vector.broadcast %broadcast_in_dim3A_110 : vector<512x1xi32> to vector<512x8192xi32>
    %eq3A_112 = arith.cmpi eq, %iota3A, %eq3A_111 : vector<512x8192xi32>
    %jit3A_113 = arith.constant 0xFF800000 : f32
    %broadcast_in_dim3A_114 = vector.broadcast %jit3A_113 : f32 to vector<512x8192xf32>
    %select_n3A_115 = arith.select %eq3A_112, %broadcast_in_dim3A_114, %select_n3A_99 : vector<512x8192xi1>, vector<512x8192xf32>
    %reduce_max3A_116 = arith.constant dense<0xFF800000> : vector<512xf32>
    %reduce_max3A_117 = vector.multi_reduction <maximumf>, %select_n3A_115, %reduce_max3A_116 [1] : vector<512x8192xf32> to vector<512xf32>
    %broadcast_in_dim3A_118 = vector.shape_cast %reduce_max3A_117 : vector<512xf32> to vector<512x1xf32>
    %eq3A_119 = vector.broadcast %broadcast_in_dim3A_118 : vector<512x1xf32> to vector<512x8192xf32>
    %eq3A_120 = arith.cmpf oeq, %select_n3A_115, %eq3A_119 : vector<512x8192xf32>
    %jit3A_121 = arith.constant 8192 : i32
    %broadcast_in_dim3A_122 = vector.broadcast %jit3A_121 : i32 to vector<512x8192xi32>
    %select_n3A_123 = arith.select %eq3A_120, %iota3A, %broadcast_in_dim3A_122 : vector<512x8192xi1>, vector<512x8192xi32>
    %reduce_min3A_124 = arith.constant dense<2147483647> : vector<512xi32>
    %reduce_min3A_125 = vector.multi_reduction <minsi>, %select_n3A_123, %reduce_min3A_124 [1] : vector<512x8192xi32> to vector<512xi32>
    %broadcast_in_dim3A_126 = vector.shape_cast %reduce_min3A_125 : vector<512xi32> to vector<512x1xi32>
    %eq3A_127 = vector.broadcast %broadcast_in_dim3A_126 : vector<512x1xi32> to vector<512x8192xi32>
    %eq3A_128 = arith.cmpi eq, %iota3A, %eq3A_127 : vector<512x8192xi32>
    %jit3A_129 = arith.constant 0xFF800000 : f32
    %broadcast_in_dim3A_130 = vector.broadcast %jit3A_129 : f32 to vector<512x8192xf32>
    %select_n3A_131 = arith.select %eq3A_128, %broadcast_in_dim3A_130, %select_n3A_115 : vector<512x8192xi1>, vector<512x8192xf32>
    %reduce_max3A_132 = arith.constant dense<0xFF800000> : vector<512xf32>
    %reduce_max3A_133 = vector.multi_reduction <maximumf>, %select_n3A_131, %reduce_max3A_132 [1] : vector<512x8192xf32> to vector<512xf32>
    %broadcast_in_dim3A_134 = vector.shape_cast %reduce_max3A_133 : vector<512xf32> to vector<512x1xf32>
    %eq3A_135 = vector.broadcast %broadcast_in_dim3A_134 : vector<512x1xf32> to vector<512x8192xf32>
    %eq3A_136 = arith.cmpf oeq, %select_n3A_131, %eq3A_135 : vector<512x8192xf32>
    %jit3A_137 = arith.constant 8192 : i32
    %broadcast_in_dim3A_138 = vector.broadcast %jit3A_137 : i32 to vector<512x8192xi32>
    %select_n3A_139 = arith.select %eq3A_136, %iota3A, %broadcast_in_dim3A_138 : vector<512x8192xi1>, vector<512x8192xi32>
    %reduce_min3A_140 = arith.constant dense<2147483647> : vector<512xi32>
    %reduce_min3A_141 = vector.multi_reduction <minsi>, %select_n3A_139, %reduce_min3A_140 [1] : vector<512x8192xi32> to vector<512xi32>
    %broadcast_in_dim3A_142 = vector.shape_cast %reduce_min3A_141 : vector<512xi32> to vector<512x1xi32>
    %concatenate3A = tpu.concatenate %broadcast_in_dim3A_26, %broadcast_in_dim3A_38, %broadcast_in_dim3A_54, %broadcast_in_dim3A_70, %broadcast_in_dim3A_86, %broadcast_in_dim3A_102, %broadcast_in_dim3A_118, %broadcast_in_dim3A_134 in 1 : vector<512x1xf32>, vector<512x1xf32>, vector<512x1xf32>, vector<512x1xf32>, vector<512x1xf32>, vector<512x1xf32>, vector<512x1xf32>, vector<512x1xf32> -> vector<512x8xf32>
    %concatenate3A_143 = tpu.concatenate %broadcast_in_dim3A_30, %broadcast_in_dim3A_46, %broadcast_in_dim3A_62, %broadcast_in_dim3A_78, %broadcast_in_dim3A_94, %broadcast_in_dim3A_110, %broadcast_in_dim3A_126, %broadcast_in_dim3A_142 in 1 : vector<512x1xi32>, vector<512x1xi32>, vector<512x1xi32>, vector<512x1xi32>, vector<512x1xi32>, vector<512x1xi32>, vector<512x1xi32>, vector<512x1xi32> -> vector<512x8xi32>
    %slice3A = vector.extract_strided_slice %concatenate3A {offsets = [0, 0], sizes = [512, 1], strides = [1, 1]} : vector<512x8xf32> to vector<512x1xf32>
    %sub3A = vector.broadcast %slice3A : vector<512x1xf32> to vector<512x8xf32>
    %sub3A_144 = arith.subf %concatenate3A, %sub3A : vector<512x8xf32>
    %exp3A = math.exp %sub3A_144 : vector<512x8xf32>
    %reduce_sum3A_145 = arith.constant dense<0.000000e+00> : vector<512xf32>
    %reduce_sum3A_146 = vector.multi_reduction <add>, %exp3A, %reduce_sum3A_145 [1] : vector<512x8xf32> to vector<512xf32>
    %broadcast_in_dim3A_147 = vector.shape_cast %reduce_sum3A_146 : vector<512xf32> to vector<512x1xf32>
    %div3A_148 = vector.broadcast %broadcast_in_dim3A_147 : vector<512x1xf32> to vector<512x8xf32>
    %div3A_149 = arith.divf %exp3A, %div3A_148 : vector<512x8xf32>
    %broadcast_in_dim3A_150 = arith.constant 0 : i32
    %broadcast_in_dim3A_151 = vector.broadcast %broadcast_in_dim3A_150 : i32 to vector<512x4xi32>
    %slice3A_152 = vector.extract_strided_slice %concatenate3A_143 {offsets = [0, 0], sizes = [512, 4], strides = [1, 1]} : vector<512x8xi32> to vector<512x4xi32>
    %slice3A_153 = vector.extract_strided_slice %concatenate3A_143 {offsets = [0, 4], sizes = [512, 4], strides = [1, 1]} : vector<512x8xi32> to vector<512x4xi32>
    %concatenate3A_154 = tpu.concatenate %slice3A_152, %broadcast_in_dim3A_151, %slice3A_153, %broadcast_in_dim3A_151 in 1 : vector<512x4xi32>, vector<512x4xi32>, vector<512x4xi32>, vector<512x4xi32> -> vector<512x16xi32>
    %swap3A = arith.constant 0 : index
    %swap3A_155 = arith.constant 0 : index
    %swap3A_156 = vector.load %arg4[%swap3A, %swap3A_155] : memref<512x16xi32, #tpu.memory_space<vmem>>, vector<512x16xi32>
    tpu.vector_store %arg4[%swap3A, %swap3A_155], %concatenate3A_154 {strides = array<i32>} : memref<512x16xi32, #tpu.memory_space<vmem>>, vector<512x16xi32>,
    %jit3A_157 = arith.constant 0 : i32
    %convert_element_type3A = arith.sitofp %jit3A_157 : i32 to f32
    %pad3A = vector.broadcast %convert_element_type3A : f32 to vector<512x8xf32>
    %pad3A_158 = tpu.concatenate %div3A_149, %pad3A in 1 : vector<512x8xf32>, vector<512x8xf32> -> vector<512x16xf32>
    %swap3A_159 = arith.constant 0 : index
    %swap3A_160 = arith.constant 0 : index
    %swap3A_161 = vector.load %arg5[%swap3A_159, %swap3A_160] : memref<512x16xf32, #tpu.memory_space<vmem>>, vector<512x16xf32>
    tpu.vector_store %arg5[%swap3A_159, %swap3A_160], %pad3A_158 {strides = array<i32>} : memref<512x16xf32, #tpu.memory_space<vmem>>, vector<512x16xf32>,
    return
  }
  func.func @transform_0(%arg0: i32) -> (i32, i32) {
    %c0_i32 = arith.constant 0 : i32
    %c0_i32_0 = arith.constant 0 : i32
    %c0_i32_1 = arith.constant 0 : i32
    return %c0_i32, %c0_i32_0 : i32, i32
  }
  func.func @transform_1(%arg0: i32) -> (i32, i32) {
    %c0_i32 = arith.constant 0 : i32
    %c0_i32_0 = arith.constant 0 : i32
    %c0_i32_1 = arith.constant 0 : i32
    return %c0_i32, %c0_i32_0 : i32, i32
  }
  func.func @transform_2(%arg0: i32) -> (i32, i32) {
    %c0_i32 = arith.constant 0 : i32
    %c0_i32_0 = arith.constant 0 : i32
    %c0_i32_1 = arith.constant 0 : i32
    return %c0_i32, %c0_i32_0 : i32, i32
  }
  func.func @transform_3(%arg0: i32) -> (i32, i32) {
    %c0_i32 = arith.constant 0 : i32
    %c0_i32_0 = arith.constant 0 : i32
    %c0_i32_1 = arith.constant 0 : i32
    return %c0_i32, %c0_i32_0 : i32, i32
  }
  func.func @transform_4(%arg0: i32) -> (i32, i32) {
    %c0_i32 = arith.constant 0 : i32
    %c0_i32_0 = arith.constant 0 : i32
    %c0_i32_1 = arith.constant 0 : i32
    return %c0_i32, %c0_i32_0 : i32, i32
  }
}

</mosaic_0001>

<sc_bundles>
// kernel: kernel.6.cloned.1.call-start
scs
__scs_entry_jumppad:
0x0: {  	(pc) =	sbr.rel $0x88, $3  }
0x1: {  	(tag) =	ssettag $0x0;
	lr =	simm.s32 $0x1  }
0x2: {  	[smem:$0x3F9D] =	sst lr;
	_ =	strace $0xD0000000  }
0x3: {  	_ = 	snop  }
0x4: {  	_ = 	snop  }
0x5: {  	_ = 	snop  }
0x6: {  	_ = 	snop  }
0x7: {  	_ = 	snop  }
__scs_overlays_trampoline_lowered:
0x8: {  	[smem:$0x3FAC] =	sst s0  }
0x9: {  	[smem:$0x3FAD] =	sst s1  }
0xa: {  	[smem:$0x3FAE] =	sst s2  }
0xb: {  	[smem:$0x3FAF] =	sst s3  }
0xc: {  	[smem:$0x3FB0] =	sst s4  }
0xd: {  	[smem:$0x3FB1] =	sst s5  }
0xe: {  	[smem:$0x3FB2] =	sst s6  }
0xf: {  	[smem:$0x3FB3] =	sst s7  }
0x10: {  	[smem:$0x3FB4] =	sst s8  }
0x11: {  	[smem:$0x3FB5] =	sst s9;
	s0 =	simm.s32 @!p0 $0x0  }
0x12: {  	s1 =	sld [smem:$0x3F9B];
	s0 =	simm.s32 @p0 $0x1  }
0x13: {  	[smem:$0x3FB6] =	sst s0;
	s0 =	simm.s32 @!p1 $0x0  }
0x14: {  	s2 =	sld [smem:$0x3F9A];
	s0 =	simm.s32 @p1 $0x1  }
0x15: {  	[smem:$0x3FB7] =	sst s0;
	s0 =	simm.s32 @!p2 $0x0  }
0x16: {  	s3 =	sld [smem:$0x3FDB];
	s0 =	simm.s32 @p2 $0x1  }
0x17: {  	s4 =	simm.s32 $0x1BF5;
	[smem:$0x3FB9] =	sst s0  }
0x18: {  	s0 =	sld [smem:$0x3F9C];
	_ =	swait.ge [sflag:s4], $0x0  }
0x19: {  	s7 =	sld [smem:$0x3F9D]  }
0x1a: {  	s8 =	sadd.s32 $0xFFFFE003, lr  }
0x1b: {  	s9 =	sadd.s32 $0xFFFFFEF7, lr;
	s5 =	simm.s32 $0xFFFFFFFF;
	p2 =	slt.u32 s8, $0xFFFFF086  }
0x1c: {  	p1 =	slt.u32 s9, $0xF7A;
	s5 =	simm.s32 @!p2 $0x0  }
0x1d: {  	s5 =	simm.s32 @p1 $0x1;
	p0 =	seq.s32 s7, s2  }
0x1e: {  	s7 =	smul.u32 @!p0 $0xF7A, s2;
	p2 =	seq.s32 @!p0 s5, $0x0  }
0x1f: {  	s9 =	smul.u32 $0xF7A, s1;
	s8 =	simm.s32 @!p0 $0x1BF5;
	p2 =	por !p2, p0  }
0x20: {  	[sflag:s8] =	ssyncset.s32 @!p0 $0xFFFFF086;
	s6 =	sadd.s32 @!p0 s3, s7;
	s7 =	simm.s32 @!p0 $0x108  }
0x21: {  	s3 =	sadd.s32 s3, s9;
	s6 =	sadd.s32 @!p0 $0x88, s6;
	s7 =	simm.s32 @p2 $0x1082  }
0x22: {  	[simem:s7], [sflag:s8] =	dma.local @!p0 [hbm:s6], $0xF7A  }
0x23: {  	s9 =	sor.u32 $0xD0000000, s2;
	s6 =	simm.s32 $0x108;
	_ =	swait.ge @!p0 [sflag:s8], $0x0  }
0x24: {  	s3 =	sadd.s32 $0x88, s3;
	s6 =	simm.s32 @!p1 $0x1082;
	[sflag:s4] =	ssyncset.s32 $0xFFFFF086  }
0x25: {  	[simem:s6], [sflag:s4] =	dma.local [hbm:s3], $0xF7A  }
0x26: {  	[smem:$0x3F9D] =	sst s1;
	(tag) =	ssettag s2;
	_ =	strace s9  }
0x27: {  	s1 =	sld [smem:$0x3FAD]  }
0x28: {  	s2 =	sld [smem:$0x3FAE]  }
0x29: {  	s4 =	sld [smem:$0x3FB0]  }
0x2a: {  	p0 =	seq.s32 s5, $0x0;
	s5 =	sld [smem:$0x3FB1]  }
0x2b: {  	s6 =	sld [smem:$0x3FB2]  }
0x2c: {  	s7 =	sld [smem:$0x3FB3]  }
0x2d: {  	s3 =	simm.s32 $0x108;
	s8 =	sld [smem:$0x3FB4]  }
0x2e: {  	s3 =	simm.s32 @!p0 $0x1082;
	s9 =	sld [smem:$0x3FB5]  }
0x2f: {  	lr =	sadd.s32 s0, s3;
	s0 =	sld [smem:$0x3FAC]  }
0x30: {  	s3 =	sld [smem:$0x3FAF]  }
0x31: {  	[smem:$0x3FB8] =	sst s10  }
0x32: {  	s10 =	sld [smem:$0x3FB6];
	_ =	sdelay $0x3  }
0x33: {  	p0 =	seq.s32 s10, $0x1;
	s10 =	sld [smem:$0x3FB8];
	_ =	sdelay $0x3  }
0x34: {  	[smem:$0x3FB8] =	sst s10  }
0x35: {  	s10 =	sld [smem:$0x3FB7];
	_ =	sdelay $0x3  }
0x36: {  	p1 =	seq.s32 s10, $0x1;
	s10 =	sld [smem:$0x3FB8];
	_ =	sdelay $0x3  }
0x37: {  	[smem:$0x3FB8] =	sst s10  }
0x38: {  	s10 =	sld [smem:$0x3FB9]  }
0x39: {  	_ = 	snop;
	(pc) =	sbr.ind lr, $3  }
0x3a: {  	_ = 	snop  }
0x3b: {  	_ = 	snop  }
0x3c: {  	p2 =	seq.s32 s10, $0x1;
	s10 =	sld [smem:$0x3FB8]  }
0x3d: {  	_ =	shalt  }
0x3e: {  	_ =	shalt  }
0x3f: {  	_ =	shalt  }
0x40: {  	_ =	shalt  }
0x41: {  	_ =	shalt  }
0x42: {  	_ =	shalt  }
0x43: {  	_ =	shalt  }
0x44: {  	_ =	shalt  }
0x45: {  	_ =	shalt  }
0x46: {  	_ =	shalt  }
0x47: {  	_ =	shalt  }
0x48: {  	_ =	shalt  }
0x49: {  	_ =	shalt  }
0x4a: {  	_ =	shalt  }
0x4b: {  	_ =	shalt  }
0x4c: {  	_ =	shalt  }
0x4d: {  	_ =	shalt  }
0x4e: {  	_ =	shalt  }
0x4f: {  	_ =	shalt  }
0x50: {  	_ =	shalt  }
0x51: {  	_ =	shalt  }
0x52: {  	_ =	shalt  }
0x53: {  	_ =	shalt  }
0x54: {  	_ =	shalt  }
0x55: {  	_ =	shalt  }
0x56: {  	_ =	shalt  }
0x57: {  	_ =	shalt  }
0x58: {  	_ =	shalt  }
0x59: {  	_ =	shalt  }
0x5a: {  	_ =	shalt  }
0x5b: {  	_ =	shalt  }
0x5c: {  	_ =	shalt  }
0x5d: {  	_ =	shalt  }
0x5e: {  	_ =	shalt  }
0x5f: {  	_ =	shalt  }
0x60: {  	_ =	shalt  }
0x61: {  	_ =	shalt  }
0x62: {  	_ =	shalt  }
0x63: {  	_ =	shalt  }
0x64: {  	_ =	shalt  }
0x65: {  	_ =	shalt  }
0x66: {  	_ =	shalt  }
0x67: {  	_ =	shalt  }
0x68: {  	_ =	shalt  }
0x69: {  	_ =	shalt  }
0x6a: {  	_ =	shalt  }
0x6b: {  	_ =	shalt  }
0x6c: {  	_ =	shalt  }
0x6d: {  	_ =	shalt  }
0x6e: {  	_ =	shalt  }
0x6f: {  	_ =	shalt  }
0x70: {  	_ =	shalt  }
0x71: {  	_ =	shalt  }
0x72: {  	_ =	shalt  }
0x73: {  	_ =	shalt  }
0x74: {  	_ =	shalt  }
0x75: {  	_ =	shalt  }
0x76: {  	_ =	shalt  }
0x77: {  	_ =	shalt  }
0x78: {  	_ =	shalt  }
0x79: {  	_ =	shalt  }
0x7a: {  	_ =	shalt  }
0x7b: {  	_ =	shalt  }
0x7c: {  	_ =	shalt  }
0x7d: {  	_ =	shalt  }
0x7e: {  	_ =	shalt  }
0x7f: {  	_ =	shalt  }
0x80: {  	_ =	shalt  }
0x81: {  	_ =	shalt  }
0x82: {  	_ =	shalt  }
0x83: {  	_ =	shalt  }
0x84: {  	_ =	shalt  }
0x85: {  	_ =	shalt  }
0x86: {  	_ =	shalt  }
0x87: {  	_ =	shalt  }
.Lfunc_end0:
.L_simem_size_0:
called_computation_lowered:
.L_overlay_start_0:
0x88: {  	s2 =	sld [smem:$0x3FD9]  }
0x89: {  	s3 =	sld [smem:$0x3FFE];
	_ =	sdelay $0x1  }
0x8a: {  	s1 =	srdreg.scid  }
0x8b: {  	s0 =	sand.u32 $0x1, s1  }
0x8c: {  	s17 =	sshll.u32 s0, $0xA;
	s2 =	sadd.s32 s3, s2  }
0x8d: {  	s2 =	sadd.s32 s2, s17  }
0x8e: {  	[smem:$0x3FC4] =	sst s2  }
0x8f: {  	_ = 	snop  }
0x90: {  	s2 =	sld [smem:$0x3FC7];
	(tm) =	ssettm $0x1  }
0x91: {  	s18 =	sld [smem:$0x3FFB];
	_ =	sdelay $0x3  }
0x92: {  	_ =	strace s18  }
0x93: {  	s3 =	sld [smem:$0x3FFC];
	_ =	sdelay $0x3  }
0x94: {  	_ =	strace s3  }
0x95: {  	s3 =	sld [smem:$0x3FFD];
	_ =	sdelay $0x3  }
0x96: {  	_ =	strace s3  }
0x97: {  	_ =	strace $0x8FFFFFFF  }
0x98: {  	s19 =	sld [smem:$0x3FDB];
	_ =	sdelay $0x1  }
0x99: {  	s4 =	simm.s32 $_scs_section_size  }
0x9a: {  	s5 =	simm.s32 $_size__tile_overlayer_lowered;
	s6 =	simm.s32 $_tile_overlayer_lowered  }
0x9b: {  	s22 =	simm.s32 $0x1BFF;
	s21 =	sshll.u32 s6, $0x1;
	s3 =	sadd.s32 s4, s19  }
0x9c: {  	s7 =	simm.s32 $0x0;
	s20 =	sshll.u32 s5, $0x1;
	s5 =	sadd.s32 s21, s3  }
0x9d: {  	[timem:s7], [sflag:s22] =	dma.local [hbm:s5], s20  }
0x9e: {  	_ =	swait.ge [sflag:s22], s20  }
0x9f: {  	s4 =	ssub.s32 $0x0, s20;
	[sflag:s22] =	ssyncset.done $0x0  }
0xa0: {  	[sflag:s22] =	ssyncadd.s32 s4;
	_ =	sdelay $0x1  }
0xa1: {  	s23 =	simm.s32 $0x1B8B  }
0xa2: {  	_ =	swait.ge [sflag:s23], $0x1  }
0xa3: {  	[sflag:s23] =	ssyncset.done $0x0  }
0xa4: {  	s25 =	simm.s32 $0x1B8E;
	s24 =	sld [smem:$0x3FFE];
	[sflag:s23] =	ssyncadd.s32 $0xFFFFFFFF  }
0xa5: {  	s26 =	simm.s32 $execute0_lowered;
	[smem:$0x3FD2] =	sst s25  }
0xa6: {  	s5 =	sshll.u32 s26, $0x1;
	_ =	strace $0x80000046;
	[dreg:$0x1] =	wrdreg $0xFFFFFFFF  }
0xa7: {  	s28 =	simm.s32 $_size_execute0_lowered;
	s3 =	sadd.s32 s3, s5;
	[dreg:$0x0] =	wrdreg $0x0  }
0xa8: {  	s5 =	sshll.u32 s28, $0x1;
	[dreg:$0x2] =	wrdreg s3  }
0xa9: {  	[dreg:$0x3] =	wrdreg s5  }
0xaa: {  	[dreg:$0x4] =	wrdreg $0xC0  }
0xab: {  	_ =	task [dreg:s7], $0x5FFFF  }
0xac: {  	[dreg:$0x1] =	wrdreg $0xFFFFFFFF  }
0xad: {  	[dreg:$0x0] =	wrdreg $0x60  }
0xae: {  	[dreg:$0x2] =	wrdreg s2  }
0xaf: {  	[dreg:$0x3] =	wrdreg s24  }
0xb0: {  	[dreg:$0x4] =	wrdreg $0x9  }
0xb1: {  	_ =	task.clear_ibuf [dreg:s7], $0x5FFFF;
	_ =	strace $0x90000046  }
0xb2: {  	s29 =	simm.s32 $0x9;
	_ =	strace $0x80000048  }
0xb3: {  	_ =	swait.ge [sflag:s29], $0x1  }
0xb4: {  	[sflag:s29] =	ssyncadd.s32 $0xFFFFFFFF  }
0xb5: {  	_ =	strace $0x90000048  }
0xb6: {  	_ =	sfence  }
0xb7: {  	s30 =	sld [smem:$0x0];
	_ =	sdelay $0x2  }
0xb8: {  	s31 =	sshll.u32 s1, $0xD;
	s1 =	sshrl.u32 s1, $0x2  }
0xb9: {  	s3 =	sand.u32 $0x4000, s31;
	s1 =	sadd.s32 s1, s30  }
0xba: {  	s0 =	sor.u32 s3, s0;
	s1 =	sshll.u32 s1, $0x11  }
0xbb: {  	s0 =	sor.u32 s1, s0  }
0xbc: {  	s0 =	sadd.s32 $0x8F2B, s0  }
0xbd: {  	[sflag:s0] =	ssyncadd.remote.s32 $0x1  }
0xbe: {  	_ =	sfence.sel $0xFFFF  }
0xbf: {  	[dreg:$0x0] =	wrdreg $0xFFFFFFFF;
	(pc) =	sbr.abs _section_cstart, $3  }
0xc0: {  	[dreg:$0x1] =	wrdreg $0xFFFFFFFF  }
0xc1: {  	_ =	task.clear_ibuf [dreg:s7], $0x2FFFF;
	_ =	strace $0x9FFFFFFF  }
0xc2: {  	(tm) =	ssettm $0x7FFFFFFF  }
0xc3: {  	_ =	shalt  }
tec
execute0_lowered:
.L_overlay_start_1:
0x0: {  	(tag) =	ssettag $0x1  }
0x1: {  	s1 =	srdreg.scid  }
0x2: {  	s2 =	rddreg [dreg:$0x0];
	s0 =	stileid.u32  }
0x3: {  	s6 =	rddreg [dreg:$0x1];
	s3 =	simm.s32 $0x0;
	s10 =	simm.s32 $0x5  }
0x4: {  	s11 =	simm.s32 $0x800;
	s12 =	simm.s32 $0x11000;
	s13 =	simm.s32 $0x13000  }
0x5: {  	s14 =	simm.s32 $0x1000;
	s15 =	simm.s32 $0x9000;
	s16 =	simm.s32 $0x3  }
0x6: {  	s17 =	simm.s32 $0x1;
	s18 =	simm.s32 $0x2;
	s19 =	simm.s32 $0x4  }
0x7: {  	s20 =	simm.s32 $0x0;
	s5 =	sand.u32 $0x1, s1;
	s4 =	sshll.u32 s0, $0x5  }
0x8: {  	[smem:$0x7FF] =	sst s3;
	s7 =	sshll.u32 s5, $0x4;
	s8 =	ssub.s32 $0x2, s5  }
0x9: {  	vm0 =	vmmov $0xf;
	_ =	strace $0x80000047;
	s5 =	sadd.s32 $0x6000, s6;
	s4 =	sor.u32 s7, s4  }
0xa: {  	v0 =	vlaneseq.u32;
	v1 =	vimm.s32 $0x0;
	v2 =	vimm.s32 $0x1;
	s9 =	sshrl.u32 s8, $0x1;
	s7 =	sshll.u32 s4, $0x4;
	s31 =	sshll.u32 s4, $0xA  }
0xb: {  	v3 =	vimm.s32 $0x2;
	v4 =	vimm.s32 $0x3;
	v5 =	vimm.s32 $0x4;
	s9 =	ssub.s32 s8, s9;
	s7 =	sadd.s32 s7, s6;
	s8 =	sadd.s32 s5, s31  }
0xc: {  	v6 =	vimm.s32 $0x5;
	v7 =	vimm.s32 $0x6;
	v8 =	vimm.s32 $0x7;
	s9 =	smax.u32 s9, $0x1;
	s6 =	sadd.s32 $0x2000, s7;
	s7 =	sadd.s32 $0x4000, s7  }
.LBB2_1:
0xd: {  	[tilespmem:s3], [sflag:$0x5] =	stream.linear.gather [hbm4b:s6+s3], $0x800, $0x38;
	[tilespmem:$0x15000] =	vst v63  }
0xe: {  	_ =	swait.ge [sflag:s10], $0x800  }
0xf: {  	[sflag:s10] =	ssyncset.done $0x0  }
0x10: {  	[sflag:s10] =	ssyncadd.s32 $0xFFFFF800  }
0x11: {  	[tilespmem:s11], [sflag:$0x5] =	stream.linear.gather [hbm4b:s7+s3], $0x800, $0x38;
	[tilespmem:$0x15000] =	vst v63  }
0x12: {  	_ =	swait.ge [sflag:s10], $0x800  }
0x13: {  	[sflag:s10] =	ssyncset.done $0x0  }
0x14: {  	[sflag:s10] =	ssyncadd.s32 $0xFFFFF800  }
0x15: {  	[tilespmem:s12], [sflag:$0x3] =	stream.linear.gather [hbm4b:s8+s3], $0x2000, $0x38;
	[tilespmem:$0x15000] =	vst v63  }
0x16: {  	_ = 	snop  }
0x17: {  	[tilespmem:s13], [sflag:$0x4] =	stream.linear.gather [hbm4b:s8+s3], $0x2000, $0x38;
	[tilespmem:$0x15000] =	vst v63  }
0x18: {  	v9 =	vld.msk [tilespmem:$0x0], $0xf;
	_ =	sdelay $0x4  }
0x19: {  	v9 =	vshll.u32 v9, $0xD  }
0x1a: {  	v9 =	vperm.xlane v9, v0;
	_ =	sdelay $0x5  }
0x1b: {  	[tilespmem:s14], [sflag:$0x1] =	stream.indirect_vreg.gather [hbm4b:s2+s3], $0x2000, v9, vm0, $0x38;
	[tilespmem:$0x15000] =	vst v63  }
0x1c: {  	v9 =	vld.msk [tilespmem:$0x8], $0xf;
	_ =	sdelay $0x4  }
0x1d: {  	v9 =	vshll.u32 v9, $0xD  }
0x1e: {  	v9 =	vperm.xlane v9, v0;
	_ =	sdelay $0x4  }
0x1f: {  	s21 =	simm.s32 $0x0  }
0x20: {  	[tilespmem:s15], [sflag:$0x2] =	stream.indirect_vreg.gather [hbm4b:s2+s3], $0x2000, v9, vm0, $0x38;
	[tilespmem:$0x15000] =	vst v63  }
.LBB2_2:
0x21: {  	s22 =	sshll.u32 s21, $0x8  }
0x22: {  	s22 =	sand.u32 $0x3FFFFF00, s22  }
0x23: {  	v9 =	vld [tilespmem:s22+$0x800];
	_ =	swait.ge [sflag:s16], $0x2000  }
0x24: {  	[sflag:s16] =	ssyncset.done $0x0  }
0x25: {  	[sflag:s16] =	ssyncadd.s32 $0xFFFFE000  }
0x26: {  	s22 =	simm.s32 $0x0;
	_ =	swait.ge [sflag:s17], $0x8000  }
0x27: {  	s23 =	sand.u32 $0x70, s22;
	s24 =	sand.u32 $0x1C00, s22;
	[sflag:s17] =	ssyncset.done $0x0  }
0x28: {  	s23 =	sor.u32 s23, s24;
	[sflag:s17] =	ssyncadd.s32 $0xFFFF8000  }
0x29: {  	v21 =	vld [tilespmem:s23+$0x7000]  }
0x2a: {  	v22 =	vld [tilespmem:s23+$0x7080]  }
0x2b: {  	v25 =	vld [tilespmem:s23+$0x7100]  }
0x2c: {  	v30 =	vld [tilespmem:s23+$0x7180]  }
0x2d: {  	v17 =	vld [tilespmem:s23+$0x7200]  }
0x2e: {  	v26 =	vld [tilespmem:s23+$0x5000]  }
0x2f: {  	v36 =	vld [tilespmem:s23+$0x5080]  }
0x30: {  	v20 =	vld [tilespmem:s23+$0x5100]  }
0x31: {  	v19 =	vld [tilespmem:s23+$0x5180]  }
0x32: {  	v18 =	vld [tilespmem:s23+$0x5200]  }
0x33: {  	v28 =	vld [tilespmem:s23+$0x1000]  }
0x34: {  	v29 =	vld [tilespmem:s23+$0x3000]  }
0x35: {  	v14 =	vperm.xlane v9, v1;
	v15 =	vperm.xlane v9, v2;
	v32 =	vld [tilespmem:s23+$0x1080]  }
0x36: {  	v16 =	vperm.xlane v9, v3;
	v13 =	vperm.xlane v9, v4;
	v33 =	vld [tilespmem:s23+$0x3080]  }
0x37: {  	v12 =	vperm.xlane v9, v5;
	v10 =	vperm.xlane v9, v6;
	v34 =	vld [tilespmem:s23+$0x1100]  }
0x38: {  	v11 =	vperm.xlane v9, v7;
	v9 =	vperm.xlane v9, v8;
	v35 =	vld [tilespmem:s23+$0x3100]  }
0x39: {  	v24 =	vld [tilespmem:s23+$0x1180];
	v27 =	vmul.f32 v21, v13;
	v23 =	vmul.f32 v22, v13  }
0x3a: {  	v31 =	vmul.f32 v26, v16;
	v22 =	vmul.f32 v25, v13;
	v25 =	vld [tilespmem:s23+$0x3180]  }
0x3b: {  	v21 =	vmul.f32 v28, v14;
	v29 =	vmul.f32 v29, v15;
	v26 =	vld [tilespmem:s23+$0x1200]  }
0x3c: {  	v37 =	vmul.f32 v32, v14;
	v38 =	vmul.f32 v33, v15;
	v28 =	vld [tilespmem:s23+$0x3200]  }
0x3d: {  	v33 =	vmul.f32 v34, v14;
	v35 =	vmul.f32 v35, v15;
	v32 =	vadd.f32 v29, v21;
	v29 =	vld [tilespmem:s23+$0x1280]  }
0x3e: {  	s25 =	simm.s32 $0x10;
	s24 =	simm.s32 $0x0;
	v36 =	vmul.f32 v36, v16;
	v34 =	vadd.f32 v38, v37;
	v21 =	vmul.f32 v30, v13;
	v30 =	vld [tilespmem:s23+$0x3280]  }
.LBB2_3:
0x3f: {  	p0 =	sne.s32 s25, $0x3F0;
	v31 =	vadd.f32 v31, v32;
	v32 =	vadd.f32 v35, v33;
	v20 =	vmul.f32 v20, v16;
	v33 =	vld [tilespmem:s23+$0x1300]  }
0x40: {  	v19 =	vmul.f32 v19, v16;
	v17 =	vmul.f32 v17, v13;
	v34 =	vadd.f32 v36, v34;
	v35 =	vld [tilespmem:s23+$0x3300]  }
0x41: {  	v18 =	vmul.f32 v18, v16;
	v27 =	vadd.f32 v27, v31;
	v20 =	vadd.f32 v20, v32;
	v31 =	vld [tilespmem:s23+$0x5280]  }
0x42: {  	v24 =	vmul.f32 v24, v14;
	v25 =	vmul.f32 v25, v15;
	v23 =	vadd.f32 v23, v34;
	v32 =	vld [tilespmem:s23+$0x5300]  }
0x43: {  	v20 =	vadd.f32 v22, v20;
	v22 =	vmul.f32 v26, v14;
	v26 =	vmul.f32 v28, v15;
	v28 =	vld [tilespmem:s23+$0x7280]  }
0x44: {  	v24 =	vadd.f32 v25, v24;
	v25 =	vmul.f32 v29, v14;
	v29 =	vmul.f32 v30, v15;
	v30 =	vld [tilespmem:s23+$0x7300]  }
0x45: {  	v22 =	vadd.f32 v26, v22;
	v26 =	vmul.f32 v33, v14;
	v33 =	vmul.f32 v35, v15  }
0x46: {  	v19 =	vadd.f32 v19, v24;
	v24 =	vadd.f32 v29, v25;
	v25 =	vmul.f32 v31, v16  }
0x47: {  	[tilespmem:s23+$0x11000] =	vst v27;
	v18 =	vadd.f32 v18, v22;
	v22 =	vadd.f32 v33, v26;
	v26 =	vmul.f32 v32, v16  }
0x48: {  	v19 =	vadd.f32 v21, v19;
	[tilespmem:s23+$0x11080] =	vst v23;
	v21 =	vadd.f32 v25, v24;
	v23 =	vmul.f32 v28, v13  }
0x49: {  	[tilespmem:s23+$0x11100] =	vst v20;
	v17 =	vadd.f32 v17, v18;
	v18 =	vadd.f32 v26, v22;
	v20 =	vmul.f32 v30, v13  }
0x4a: {  	[tilespmem:s23+$0x11180] =	vst v19;
	v19 =	vadd.f32 v23, v21  }
0x4b: {  	[tilespmem:s23+$0x11200] =	vst v17;
	v17 =	vadd.f32 v20, v18  }
0x4c: {  	s26 =	sor.u32 s24, s22;
	s22 =	smov.u32 s25;
	[tilespmem:s23+$0x11280] =	vst v19  }
0x4d: {  	s26 =	sor.u32 $0x380, s26;
	[tilespmem:s23+$0x11300] =	vst v17;
	v17 =	vld [tilespmem:s23+$0x3380]  }
0x4e: {  	v18 =	vld [tilespmem:s26+$0x1000];
	_ =	sdelay $0x1  }
0x4f: {  	v19 =	vld [tilespmem:s23+$0x5380];
	_ =	sdelay $0x1  }
0x50: {  	v20 =	vld [tilespmem:s23+$0x7380]  }
0x51: {  	v17 =	vmul.f32 v17, v15;
	v18 =	vmul.f32 v18, v14;
	_ =	sdelay $0x1  }
0x52: {  	v17 =	vadd.f32 v17, v18;
	v18 =	vmul.f32 v19, v16;
	_ =	sdelay $0x1  }
0x53: {  	v17 =	vadd.f32 v18, v17;
	v18 =	vmul.f32 v20, v13;
	_ =	sdelay $0x1  }
0x54: {  	s24 =	sadd.s32 $0x80, s24;
	v17 =	vadd.f32 v18, v17  }
0x55: {  	s28 =	sand.u32 $0x1C00, s24;
	s23 =	sand.u32 $0x70, s25  }
0x56: {  	s23 =	sor.u32 s23, s28;
	[tilespmem:s26+$0x11000] =	vst v17  }
0x57: {  	v21 =	vld [tilespmem:s23+$0x7000]  }
0x58: {  	v22 =	vld [tilespmem:s23+$0x7080]  }
0x59: {  	v25 =	vld [tilespmem:s23+$0x7100]  }
0x5a: {  	v30 =	vld [tilespmem:s23+$0x7180]  }
0x5b: {  	v17 =	vld [tilespmem:s23+$0x7200]  }
0x5c: {  	v26 =	vld [tilespmem:s23+$0x5000]  }
0x5d: {  	v36 =	vld [tilespmem:s23+$0x5080]  }
0x5e: {  	v20 =	vld [tilespmem:s23+$0x5100]  }
0x5f: {  	v19 =	vld [tilespmem:s23+$0x5180]  }
0x60: {  	v18 =	vld [tilespmem:s23+$0x5200]  }
0x61: {  	v28 =	vld [tilespmem:s23+$0x1000]  }
0x62: {  	v29 =	vld [tilespmem:s23+$0x3000]  }
0x63: {  	v32 =	vld [tilespmem:s23+$0x1080]  }
0x64: {  	v33 =	vld [tilespmem:s23+$0x3080]  }
0x65: {  	v34 =	vld [tilespmem:s23+$0x1100]  }
0x66: {  	v35 =	vld [tilespmem:s23+$0x3100]  }
0x67: {  	v27 =	vmul.f32 v21, v13;
	v23 =	vmul.f32 v22, v13;
	v24 =	vld [tilespmem:s23+$0x1180]  }
.Ltmp0:
0x68: {  	v22 =	vmul.f32 v25, v13;
	v31 =	vmul.f32 v26, v16;
	v25 =	vld [tilespmem:s23+$0x3180];
	(pc) =	sbr.rel @p0 .LBB2_3-.Ltmp0, $4  }
0x69: {  	v21 =	vmul.f32 v28, v14;
	v29 =	vmul.f32 v29, v15;
	v26 =	vld [tilespmem:s23+$0x1200]  }
0x6a: {  	v37 =	vmul.f32 v32, v14;
	v38 =	vmul.f32 v33, v15;
	v28 =	vld [tilespmem:s23+$0x3200]  }
0x6b: {  	v32 =	vadd.f32 v29, v21;
	v33 =	vmul.f32 v34, v14;
	v35 =	vmul.f32 v35, v15;
	v29 =	vld [tilespmem:s23+$0x1280]  }
0x6c: {  	s25 =	sadd.s32 $0x10, s25;
	v36 =	vmul.f32 v36, v16;
	v21 =	vmul.f32 v30, v13;
	v34 =	vadd.f32 v38, v37;
	v30 =	vld [tilespmem:s23+$0x3280]  }
0x6d: {  	v31 =	vadd.f32 v31, v32  }
0x6e: {  	v56 =	vadd.f32 v35, v33;
	v20 =	vmul.f32 v20, v16;
	v57 =	vld [tilespmem:s23+$0x1300];
	v19 =	vmul.f32 v19, v16  }
0x6f: {  	v58 =	vld [tilespmem:s23+$0x3300];
	v24 =	vmul.f32 v24, v14;
	v25 =	vmul.f32 v25, v15  }
0x70: {  	v17 =	vmul.f32 v17, v13;
	v27 =	vadd.f32 v27, v31;
	v20 =	vadd.f32 v20, v56;
	v31 =	vld [tilespmem:s23+$0x5280]  }
0x71: {  	v18 =	vmul.f32 v18, v16;
	v59 =	vld [tilespmem:s23+$0x5300];
	v34 =	vadd.f32 v36, v34;
	v24 =	vadd.f32 v25, v24  }
0x72: {  	v20 =	vadd.f32 v22, v20;
	v22 =	vmul.f32 v26, v14;
	v26 =	vmul.f32 v28, v15;
	v28 =	vld [tilespmem:s23+$0x7280]  }
0x73: {  	v23 =	vadd.f32 v23, v34;
	v25 =	vmul.f32 v29, v14;
	v29 =	vmul.f32 v30, v15;
	v30 =	vld [tilespmem:s23+$0x7300]  }
0x74: {  	v60 =	vmul.f32 v58, v15;
	v22 =	vadd.f32 v26, v22;
	v26 =	vmul.f32 v57, v14  }
0x75: {  	v19 =	vadd.f32 v19, v24;
	v24 =	vadd.f32 v29, v25;
	v25 =	vmul.f32 v31, v16  }
0x76: {  	[tilespmem:s23+$0x11000] =	vst v27;
	v18 =	vadd.f32 v18, v22;
	v22 =	vadd.f32 v60, v26;
	v26 =	vmul.f32 v59, v16  }
0x77: {  	[tilespmem:s23+$0x11080] =	vst v23;
	v19 =	vadd.f32 v21, v19;
	v21 =	vadd.f32 v25, v24;
	v23 =	vmul.f32 v28, v13  }
0x78: {  	[tilespmem:s23+$0x11100] =	vst v20;
	v20 =	vmul.f32 v30, v13;
	v17 =	vadd.f32 v17, v18;
	v18 =	vadd.f32 v26, v22  }
0x79: {  	[tilespmem:s23+$0x11180] =	vst v19;
	v19 =	vadd.f32 v23, v21  }
0x7a: {  	[tilespmem:s23+$0x11200] =	vst v17;
	v17 =	vadd.f32 v20, v18  }
0x7b: {  	s22 =	sor.u32 s24, s22;
	[tilespmem:s23+$0x11280] =	vst v19  }
0x7c: {  	s24 =	sor.u32 $0x380, s22;
	[tilespmem:s23+$0x11300] =	vst v17;
	v17 =	vld [tilespmem:s23+$0x3380]  }
0x7d: {  	v18 =	vld [tilespmem:s24+$0x1000];
	_ =	sdelay $0x1  }
0x7e: {  	v19 =	vld [tilespmem:s23+$0x5380];
	_ =	sdelay $0x1  }
0x7f: {  	v20 =	vld [tilespmem:s23+$0x7380]  }
0x80: {  	v15 =	vmul.f32 v17, v15;
	v14 =	vmul.f32 v18, v14;
	_ =	sdelay $0x1  }
0x81: {  	v14 =	vadd.f32 v15, v14;
	v15 =	vmul.f32 v19, v16;
	_ =	sdelay $0x1  }
0x82: {  	v13 =	vmul.f32 v20, v13;
	v14 =	vadd.f32 v15, v14;
	_ =	sdelay $0x1  }
0x83: {  	v13 =	vadd.f32 v13, v14  }
0x84: {  	s22 =	sshllo.u32 s21, $0x1  }
0x85: {  	[tilespmem:s24+$0x11000] =	vst v13;
	s24 =	sshll.u32 s22, $0x7  }
0x86: {  	v13 =	vld.msk [tilespmem:s24+$0x0], $0xf;
	_ =	sdelay $0x4  }
0x87: {  	v13 =	vshll.u32 v13, $0xD  }
0x88: {  	v13 =	vperm.xlane v13, v0;
	_ =	sdelay $0x4  }
0x89: {  	s28 =	simm.s32 $0x0  }
0x8a: {  	[tilespmem:s14], [sflag:$0x1] =	stream.indirect_vreg.gather [hbm4b:s2+s28], $0x2000, v13, vm0, $0x38;
	[tilespmem:$0x15000] =	vst v63  }
0x8b: {  	_ =	swait.ge [sflag:s18], $0x8000  }
0x8c: {  	s31 =	sand.u32 $0x70, s28;
	s25 =	sand.u32 $0x1C00, s28;
	[sflag:s18] =	ssyncset.done $0x0  }
0x8d: {  	s25 =	sor.u32 s31, s25;
	[sflag:s18] =	ssyncadd.s32 $0xFFFF8000  }
0x8e: {  	v20 =	vld [tilespmem:s25+$0xF300]  }
0x8f: {  	v17 =	vld [tilespmem:s25+$0x11180]  }
0x90: {  	v28 =	vld [tilespmem:s25+$0xD300]  }
0x91: {  	v13 =	vld [tilespmem:s25+$0xD280]  }
0x92: {  	v19 =	vld [tilespmem:s25+$0xD180]  }
0x93: {  	v15 =	vld [tilespmem:s25+$0xB300]  }
0x94: {  	v22 =	vld [tilespmem:s25+$0xD000]  }
0x95: {  	v61 =	vld [tilespmem:s25+$0x11300]  }
0x96: {  	v16 =	vld [tilespmem:s25+$0xD080]  }
0x97: {  	v14 =	vld [tilespmem:s25+$0x11280]  }
0x98: {  	v26 =	vld [tilespmem:s25+$0x9300]  }
0x99: {  	v23 =	vld [tilespmem:s25+$0xB080]  }
0x9a: {  	v21 =	vld [tilespmem:s25+$0xB180]  }
0x9b: {  	v62 =	vld [tilespmem:s25+$0xB100]  }
0x9c: {  	v24 =	vld [tilespmem:s25+$0x11200]  }
0x9d: {  	v18 =	vld [tilespmem:s25+$0xD200]  }
0x9e: {  	v25 =	vld [tilespmem:s25+$0xB280]  }
0x9f: {  	v30 =	vld [tilespmem:s25+$0x9200]  }
0xa0: {  	v27 =	vld [tilespmem:s25+$0x9100]  }
0xa1: {  	v33 =	vld [tilespmem:s25+$0x9180];
	v29 =	vmul.f32 v15, v10;
	v23 =	vmul.f32 v23, v10  }
0xa2: {  	v31 =	vld [tilespmem:s25+$0x9080];
	v63 =	vmul.f32 v26, v12;
	v16 =	vmul.f32 v16, v11  }
0xa3: {  	v32 =	vld [tilespmem:s25+$0x11080];
	v15 =	vmul.f32 v62, v10;
	v19 =	vmul.f32 v19, v11  }
0xa4: {  	s29 =	simm.s32 $0x10;
	s26 =	sor.u32 s28, s28;
	s23 =	sshll.u32 s21, $0x1;
	v26 =	vld [tilespmem:s25+$0x9280];
	v13 =	vmul.f32 v13, v11;
	v28 =	vmul.f32 v28, v11;
	v34 =	vadd.f32 v63, v61  }
.LBB2_5:
0xa5: {  	p0 =	sne.s32 s29, $0x3F0  }
0xa6: {  	v35 =	vld [tilespmem:s25+$0x9000];
	v20 =	vmul.f32 v20, v9;
	s28 =	sadd.s32 $0x80, s28;
	s30 =	smov.u32 s29;
	s29 =	sadd.s32 $0x10, s29  }
0xa7: {  	v30 =	vmul.f32 v30, v12;
	s31 =	sor.u32 s28, s30;
	v36 =	vld [tilespmem:s25+$0xB000];
	v33 =	vmul.f32 v33, v12;
	v29 =	vadd.f32 v29, v34  }
0xa8: {  	v22 =	vmul.f32 v22, v11;
	v31 =	vmul.f32 v31, v12;
	v34 =	vld [tilespmem:s25+$0x11100]  }
0xa9: {  	v27 =	vmul.f32 v27, v12;
	v25 =	vmul.f32 v25, v10;
	v17 =	vadd.f32 v33, v17;
	v33 =	vld [tilespmem:s25+$0xB200]  }
0xaa: {  	v21 =	vmul.f32 v21, v10;
	v24 =	vadd.f32 v30, v24;
	v37 =	vld [tilespmem:s25+$0x11000];
	v31 =	vadd.f32 v31, v32  }
0xab: {  	v26 =	vmul.f32 v26, v12;
	v30 =	vmul.f32 v35, v12;
	v32 =	vld [tilespmem:s25+$0xF180]  }
0xac: {  	v28 =	vadd.f32 v28, v29;
	v35 =	vld [tilespmem:s25+$0xD100]  }
0xad: {  	v18 =	vmul.f32 v18, v11;
	v23 =	vadd.f32 v23, v31;
	v27 =	vadd.f32 v27, v34;
	v29 =	vld [tilespmem:s25+$0xF200]  }
0xae: {  	v17 =	vadd.f32 v21, v17;
	v20 =	vadd.f32 v20, v28;
	v31 =	vld [tilespmem:s25+$0xF080];
	v21 =	vmul.f32 v33, v10  }
0xaf: {  	v14 =	vadd.f32 v26, v14;
	v28 =	vadd.f32 v30, v37;
	v30 =	vmul.f32 v36, v10;
	v33 =	vld [tilespmem:s25+$0xF000]  }
0xb0: {  	v17 =	vadd.f32 v19, v17;
	v26 =	vld [tilespmem:s25+$0xF100];
	v19 =	vmul.f32 v32, v9;
	v21 =	vadd.f32 v21, v24  }
0xb1: {  	v14 =	vadd.f32 v25, v14;
	v24 =	vadd.f32 v30, v28;
	v28 =	vmul.f32 v35, v11;
	v25 =	vld [tilespmem:s25+$0xF280]  }
0xb2: {  	v17 =	vadd.f32 v19, v17;
	v18 =	vadd.f32 v18, v21;
	v19 =	vmul.f32 v29, v9;
	[tilespmem:s25+$0x11300] =	vst v20  }
0xb3: {  	v16 =	vadd.f32 v16, v23;
	v15 =	vadd.f32 v15, v27;
	v20 =	vmul.f32 v31, v9  }
0xb4: {  	v21 =	vadd.f32 v22, v24;
	v22 =	vmul.f32 v33, v9;
	v18 =	vadd.f32 v19, v18  }
0xb5: {  	v15 =	vadd.f32 v28, v15;
	v16 =	vadd.f32 v20, v16;
	v19 =	vmul.f32 v26, v9;
	[tilespmem:s25+$0x11180] =	vst v17  }
0xb6: {  	v13 =	vadd.f32 v13, v14;
	v17 =	vadd.f32 v22, v21;
	[tilespmem:s25+$0x11200] =	vst v18;
	v14 =	vmul.f32 v25, v9  }
0xb7: {  	[tilespmem:s25+$0x11080] =	vst v16;
	v15 =	vadd.f32 v19, v15  }
0xb8: {  	[tilespmem:s25+$0x11000] =	vst v17;
	v13 =	vadd.f32 v14, v13  }
0xb9: {  	[tilespmem:s25+$0x11100] =	vst v15  }
0xba: {  	s1 =	sor.u32 $0x380, s26;
	s26 =	smov.u32 s31;
	[tilespmem:s25+$0x11280] =	vst v13  }
0xbb: {  	v13 =	vld [tilespmem:s1+$0x9000]  }
0xbc: {  	v14 =	vld [tilespmem:s1+$0x11000]  }
0xbd: {  	v15 =	vld [tilespmem:s25+$0xB380];
	_ =	sdelay $0x1  }
0xbe: {  	v16 =	vld [tilespmem:s25+$0xD380]  }
0xbf: {  	v13 =	vmul.f32 v13, v12  }
0xc0: {  	s30 =	sand.u32 $0x70, s30;
	s31 =	sand.u32 $0x1C00, s28;
	v17 =	vld [tilespmem:s25+$0xF380]  }
0xc1: {  	s25 =	sor.u32 s30, s31;
	v13 =	vadd.f32 v13, v14;
	v14 =	vmul.f32 v15, v10;
	_ =	sdelay $0x1  }
0xc2: {  	v13 =	vadd.f32 v14, v13;
	v14 =	vmul.f32 v16, v11;
	_ =	sdelay $0x1  }
0xc3: {  	v13 =	vadd.f32 v14, v13;
	v14 =	vmul.f32 v17, v9;
	_ =	sdelay $0x1  }
0xc4: {  	v13 =	vadd.f32 v14, v13;
	_ =	sdelay $0x1  }
0xc5: {  	[tilespmem:s1+$0x11000] =	vst v13  }
0xc6: {  	v20 =	vld [tilespmem:s25+$0xF300]  }
0xc7: {  	v17 =	vld [tilespmem:s25+$0x11180]  }
0xc8: {  	v28 =	vld [tilespmem:s25+$0xD300]  }
0xc9: {  	v13 =	vld [tilespmem:s25+$0xD280]  }
0xca: {  	v19 =	vld [tilespmem:s25+$0xD180]  }
0xcb: {  	v15 =	vld [tilespmem:s25+$0xB300]  }
0xcc: {  	v22 =	vld [tilespmem:s25+$0xD000]  }
0xcd: {  	v34 =	vld [tilespmem:s25+$0x11300]  }
0xce: {  	v16 =	vld [tilespmem:s25+$0xD080]  }
0xcf: {  	v14 =	vld [tilespmem:s25+$0x11280]  }
0xd0: {  	v26 =	vld [tilespmem:s25+$0x9300]  }
0xd1: {  	v23 =	vld [tilespmem:s25+$0xB080]  }
0xd2: {  	v21 =	vld [tilespmem:s25+$0xB180]  }
0xd3: {  	v32 =	vld [tilespmem:s25+$0xB100]  }
0xd4: {  	v24 =	vld [tilespmem:s25+$0x11200]  }
0xd5: {  	v18 =	vld [tilespmem:s25+$0xD200]  }
0xd6: {  	v29 =	vmul.f32 v15, v10;
	v25 =	vld [tilespmem:s25+$0xB280]  }
0xd7: {  	v23 =	vmul.f32 v23, v10;
	v30 =	vld [tilespmem:s25+$0x9200]  }
.Ltmp1:
0xd8: {  	v27 =	vld [tilespmem:s25+$0x9100];
	(pc) =	sbr.rel @p0 .LBB2_5-.Ltmp1, $4  }
0xd9: {  	v35 =	vmul.f32 v26, v12;
	v33 =	vld [tilespmem:s25+$0x9180]  }
0xda: {  	v16 =	vmul.f32 v16, v11;
	v15 =	vmul.f32 v32, v10;
	v31 =	vld [tilespmem:s25+$0x9080]  }
0xdb: {  	v19 =	vmul.f32 v19, v11;
	v26 =	vld [tilespmem:s25+$0x9280]  }
0xdc: {  	v28 =	vmul.f32 v28, v11;
	v13 =	vmul.f32 v13, v11;
	v34 =	vadd.f32 v35, v34;
	v32 =	vld [tilespmem:s25+$0x11080]  }
0xdd: {  	v35 =	vld [tilespmem:s25+$0x9000]  }
0xde: {  	v20 =	vmul.f32 v20, v9;
	v37 =	vld [tilespmem:s25+$0x11100]  }
0xdf: {  	v36 =	vld [tilespmem:s25+$0xB000];
	v30 =	vmul.f32 v30, v12;
	v27 =	vmul.f32 v27, v12  }
0xe0: {  	v52 =	vld [tilespmem:s25+$0xB200];
	v25 =	vmul.f32 v25, v10;
	v33 =	vmul.f32 v33, v12;
	v29 =	vadd.f32 v29, v34  }
0xe1: {  	v53 =	vld [tilespmem:s25+$0x11000];
	v21 =	vmul.f32 v21, v10;
	v31 =	vmul.f32 v31, v12;
	v24 =	vadd.f32 v30, v24  }
0xe2: {  	v18 =	vmul.f32 v18, v11;
	v30 =	vld [tilespmem:s25+$0xF180];
	v17 =	vadd.f32 v33, v17;
	v28 =	vadd.f32 v28, v29  }
0xe3: {  	v55 =	vld [tilespmem:s25+$0xD100];
	v26 =	vmul.f32 v26, v12;
	v31 =	vadd.f32 v31, v32;
	v27 =	vadd.f32 v27, v37  }
0xe4: {  	v29 =	vld [tilespmem:s25+$0xF200];
	v54 =	vmul.f32 v35, v12;
	v17 =	vadd.f32 v21, v17;
	v20 =	vadd.f32 v20, v28  }
0xe5: {  	v21 =	vmul.f32 v52, v10;
	v14 =	vadd.f32 v26, v14;
	v23 =	vadd.f32 v23, v31;
	v31 =	vld [tilespmem:s25+$0xF080]  }
0xe6: {  	v57 =	vld [tilespmem:s25+$0xF000];
	v56 =	vmul.f32 v36, v10;
	v28 =	vadd.f32 v54, v53;
	v17 =	vadd.f32 v19, v17  }
0xe7: {  	v26 =	vld [tilespmem:s25+$0xF100];
	v19 =	vmul.f32 v30, v9;
	v21 =	vadd.f32 v21, v24;
	v14 =	vadd.f32 v25, v14  }
0xe8: {  	v22 =	vmul.f32 v22, v11;
	v25 =	vld [tilespmem:s25+$0xF280];
	v15 =	vadd.f32 v15, v27;
	v24 =	vadd.f32 v56, v28  }
0xe9: {  	v17 =	vadd.f32 v19, v17;
	v18 =	vadd.f32 v18, v21;
	v19 =	vmul.f32 v29, v9  }
0xea: {  	v16 =	vadd.f32 v16, v23;
	v28 =	vmul.f32 v55, v11;
	v21 =	vmul.f32 v31, v9  }
0xeb: {  	[tilespmem:s25+$0x11300] =	vst v20;
	v20 =	vadd.f32 v22, v24;
	v22 =	vmul.f32 v57, v9;
	v18 =	vadd.f32 v19, v18  }
0xec: {  	v15 =	vadd.f32 v28, v15;
	v19 =	vmul.f32 v26, v9;
	[tilespmem:s25+$0x11180] =	vst v17;
	v16 =	vadd.f32 v21, v16  }
0xed: {  	v13 =	vadd.f32 v13, v14;
	v14 =	vmul.f32 v25, v9;
	v17 =	vadd.f32 v22, v20;
	[tilespmem:s25+$0x11200] =	vst v18  }
0xee: {  	v15 =	vadd.f32 v19, v15;
	[tilespmem:s25+$0x11080] =	vst v16  }
0xef: {  	v13 =	vadd.f32 v14, v13;
	[tilespmem:s25+$0x11000] =	vst v17  }
0xf0: {  	[tilespmem:s25+$0x11100] =	vst v15  }
0xf1: {  	s1 =	sor.u32 $0x380, s26;
	[tilespmem:s25+$0x11280] =	vst v13  }
0xf2: {  	v13 =	vld [tilespmem:s1+$0x9000]  }
0xf3: {  	v15 =	vld [tilespmem:s25+$0xB380]  }
0xf4: {  	v14 =	vld [tilespmem:s1+$0x11000];
	_ =	sdelay $0x1  }
0xf5: {  	v16 =	vld [tilespmem:s25+$0xD380]  }
0xf6: {  	v12 =	vmul.f32 v13, v12  }
0xf7: {  	v13 =	vld [tilespmem:s25+$0xF380]  }
0xf8: {  	v10 =	vmul.f32 v15, v10;
	v12 =	vadd.f32 v12, v14;
	_ =	sdelay $0x1  }
0xf9: {  	v11 =	vmul.f32 v16, v11;
	v10 =	vadd.f32 v10, v12;
	_ =	sdelay $0x1  }
0xfa: {  	v9 =	vmul.f32 v13, v9;
	v10 =	vadd.f32 v11, v10;
	_ =	sdelay $0x1  }
0xfb: {  	v9 =	vadd.f32 v9, v10;
	_ =	sdelay $0x1  }
0xfc: {  	[tilespmem:s1+$0x11000] =	vst v9  }
0xfd: {  	v9 =	vld.msk [tilespmem:s24+$0x8], $0xf;
	_ =	sdelay $0x4  }
0xfe: {  	v9 =	vshll.u32 v9, $0xD  }
0xff: {  	v9 =	vperm.xlane v9, v0;
	_ =	sdelay $0x3  }
0x100: {  	s29 =	sadd.s32 s4, s23  }
0x101: {  	s25 =	simm.s32 $0x0;
	s1 =	sshll.u32 s29, $0xA  }
0x102: {  	[tilespmem:s15], [sflag:$0x2] =	stream.indirect_vreg.gather [hbm4b:s2+s25], $0x2000, v9, vm0, $0x38;
	[tilespmem:$0x15000] =	vst v63  }
0x103: {  	s1 =	sadd.s32 s5, s1  }
0x104: {  	[hbm4b:s1+s25] =	stream.linear.scatter [tilespmem:s12], [sflag:$0x3], $0x2000, $0x38;
	[tilespmem:$0x15000] =	vst v63  }
0x105: {  	v9 =	vld [tilespmem:s24+$0x800];
	_ =	swait.ge [sflag:s19], $0x2000  }
0x106: {  	[sflag:s19] =	ssyncset.done $0x0  }
0x107: {  	[sflag:s19] =	ssyncadd.s32 $0xFFFFE000  }
0x108: {  	_ =	swait.ge [sflag:s17], $0x8000  }
0x109: {  	s30 =	sand.u32 $0x70, s25;
	s31 =	sand.u32 $0x1C00, s25;
	[sflag:s17] =	ssyncset.done $0x0  }
0x10a: {  	s24 =	sor.u32 s30, s31;
	[sflag:s17] =	ssyncadd.s32 $0xFFFF8000  }
0x10b: {  	v21 =	vld [tilespmem:s24+$0x7000]  }
0x10c: {  	v22 =	vld [tilespmem:s24+$0x7080]  }
0x10d: {  	v25 =	vld [tilespmem:s24+$0x7100]  }
0x10e: {  	v30 =	vld [tilespmem:s24+$0x7180]  }
0x10f: {  	v17 =	vld [tilespmem:s24+$0x7200]  }
0x110: {  	v26 =	vld [tilespmem:s24+$0x5000]  }
0x111: {  	v58 =	vld [tilespmem:s24+$0x5080]  }
0x112: {  	v20 =	vld [tilespmem:s24+$0x5100]  }
0x113: {  	v19 =	vld [tilespmem:s24+$0x5180]  }
0x114: {  	v18 =	vld [tilespmem:s24+$0x5200]  }
0x115: {  	v28 =	vld [tilespmem:s24+$0x1000]  }
0x116: {  	v29 =	vld [tilespmem:s24+$0x3000]  }
0x117: {  	v14 =	vperm.xlane v9, v1;
	v15 =	vperm.xlane v9, v2;
	v59 =	vld [tilespmem:s24+$0x1080]  }
0x118: {  	v16 =	vperm.xlane v9, v3;
	v13 =	vperm.xlane v9, v4;
	v60 =	vld [tilespmem:s24+$0x3080]  }
0x119: {  	v12 =	vperm.xlane v9, v5;
	v10 =	vperm.xlane v9, v6;
	v61 =	vld [tilespmem:s24+$0x1100]  }
0x11a: {  	v11 =	vperm.xlane v9, v7;
	v9 =	vperm.xlane v9, v8;
	v62 =	vld [tilespmem:s24+$0x3100]  }
0x11b: {  	v24 =	vld [tilespmem:s24+$0x1180];
	v27 =	vmul.f32 v21, v13;
	v23 =	vmul.f32 v22, v13  }
0x11c: {  	v31 =	vmul.f32 v26, v16;
	v22 =	vmul.f32 v25, v13;
	v25 =	vld [tilespmem:s24+$0x3180]  }
0x11d: {  	v21 =	vmul.f32 v28, v14;
	v29 =	vmul.f32 v29, v15;
	v26 =	vld [tilespmem:s24+$0x1200]  }
0x11e: {  	v63 =	vmul.f32 v59, v14;
	v38 =	vmul.f32 v60, v15;
	v28 =	vld [tilespmem:s24+$0x3200]  }
0x11f: {  	v33 =	vmul.f32 v61, v14;
	v35 =	vmul.f32 v62, v15;
	v32 =	vadd.f32 v29, v21;
	v29 =	vld [tilespmem:s24+$0x1280]  }
0x120: {  	s28 =	simm.s32 $0x10;
	s26 =	simm.s32 $0x0;
	v36 =	vmul.f32 v58, v16;
	v34 =	vadd.f32 v38, v63;
	v21 =	vmul.f32 v30, v13;
	v30 =	vld [tilespmem:s24+$0x3280]  }
.LBB2_7:
0x121: {  	p0 =	sne.s32 s28, $0x3F0;
	v31 =	vadd.f32 v31, v32;
	v32 =	vadd.f32 v35, v33;
	v20 =	vmul.f32 v20, v16;
	v33 =	vld [tilespmem:s24+$0x1300]  }
0x122: {  	v19 =	vmul.f32 v19, v16;
	v17 =	vmul.f32 v17, v13;
	v34 =	vadd.f32 v36, v34;
	v35 =	vld [tilespmem:s24+$0x3300]  }
0x123: {  	v18 =	vmul.f32 v18, v16;
	v27 =	vadd.f32 v27, v31;
	v20 =	vadd.f32 v20, v32;
	v31 =	vld [tilespmem:s24+$0x5280]  }
0x124: {  	v24 =	vmul.f32 v24, v14;
	v25 =	vmul.f32 v25, v15;
	v23 =	vadd.f32 v23, v34;
	v32 =	vld [tilespmem:s24+$0x5300]  }
0x125: {  	v20 =	vadd.f32 v22, v20;
	v22 =	vmul.f32 v26, v14;
	v26 =	vmul.f32 v28, v15;
	v28 =	vld [tilespmem:s24+$0x7280]  }
0x126: {  	v24 =	vadd.f32 v25, v24;
	v25 =	vmul.f32 v29, v14;
	v29 =	vmul.f32 v30, v15;
	v30 =	vld [tilespmem:s24+$0x7300]  }
0x127: {  	v22 =	vadd.f32 v26, v22;
	v26 =	vmul.f32 v33, v14;
	v33 =	vmul.f32 v35, v15  }
0x128: {  	v19 =	vadd.f32 v19, v24;
	v24 =	vadd.f32 v29, v25;
	v25 =	vmul.f32 v31, v16  }
0x129: {  	[tilespmem:s24+$0x13000] =	vst v27;
	v18 =	vadd.f32 v18, v22;
	v22 =	vadd.f32 v33, v26;
	v26 =	vmul.f32 v32, v16  }
0x12a: {  	v19 =	vadd.f32 v21, v19;
	[tilespmem:s24+$0x13080] =	vst v23;
	v21 =	vadd.f32 v25, v24;
	v23 =	vmul.f32 v28, v13  }
0x12b: {  	[tilespmem:s24+$0x13100] =	vst v20;
	v17 =	vadd.f32 v17, v18;
	v18 =	vadd.f32 v26, v22;
	v20 =	vmul.f32 v30, v13  }
0x12c: {  	[tilespmem:s24+$0x13180] =	vst v19;
	v19 =	vadd.f32 v23, v21  }
0x12d: {  	[tilespmem:s24+$0x13200] =	vst v17;
	v17 =	vadd.f32 v20, v18  }
0x12e: {  	s1 =	sor.u32 s26, s25;
	s25 =	smov.u32 s28;
	[tilespmem:s24+$0x13280] =	vst v19  }
0x12f: {  	s1 =	sor.u32 $0x380, s1;
	[tilespmem:s24+$0x13300] =	vst v17;
	v17 =	vld [tilespmem:s24+$0x3380]  }
0x130: {  	v18 =	vld [tilespmem:s1+$0x1000];
	_ =	sdelay $0x1  }
0x131: {  	v19 =	vld [tilespmem:s24+$0x5380];
	_ =	sdelay $0x1  }
0x132: {  	v20 =	vld [tilespmem:s24+$0x7380]  }
0x133: {  	v17 =	vmul.f32 v17, v15;
	v18 =	vmul.f32 v18, v14;
	_ =	sdelay $0x1  }
0x134: {  	v17 =	vadd.f32 v17, v18;
	v18 =	vmul.f32 v19, v16;
	_ =	sdelay $0x1  }
0x135: {  	v17 =	vadd.f32 v18, v17;
	v18 =	vmul.f32 v20, v13;
	_ =	sdelay $0x1  }
0x136: {  	s26 =	sadd.s32 $0x80, s26;
	v17 =	vadd.f32 v18, v17  }
0x137: {  	s29 =	sand.u32 $0x1C00, s26;
	s24 =	sand.u32 $0x70, s28  }
0x138: {  	s24 =	sor.u32 s24, s29;
	[tilespmem:s1+$0x13000] =	vst v17  }
0x139: {  	v21 =	vld [tilespmem:s24+$0x7000]  }
0x13a: {  	v22 =	vld [tilespmem:s24+$0x7080]  }
0x13b: {  	v25 =	vld [tilespmem:s24+$0x7100]  }
0x13c: {  	v30 =	vld [tilespmem:s24+$0x7180]  }
0x13d: {  	v17 =	vld [tilespmem:s24+$0x7200]  }
0x13e: {  	v26 =	vld [tilespmem:s24+$0x5000]  }
0x13f: {  	v36 =	vld [tilespmem:s24+$0x5080]  }
0x140: {  	v20 =	vld [tilespmem:s24+$0x5100]  }
0x141: {  	v19 =	vld [tilespmem:s24+$0x5180]  }
0x142: {  	v18 =	vld [tilespmem:s24+$0x5200]  }
0x143: {  	v28 =	vld [tilespmem:s24+$0x1000]  }
0x144: {  	v29 =	vld [tilespmem:s24+$0x3000]  }
0x145: {  	v32 =	vld [tilespmem:s24+$0x1080]  }
0x146: {  	v33 =	vld [tilespmem:s24+$0x3080]  }
0x147: {  	v34 =	vld [tilespmem:s24+$0x1100]  }
0x148: {  	v35 =	vld [tilespmem:s24+$0x3100]  }
0x149: {  	v27 =	vmul.f32 v21, v13;
	v23 =	vmul.f32 v22, v13;
	v24 =	vld [tilespmem:s24+$0x1180]  }
.Ltmp2:
0x14a: {  	v22 =	vmul.f32 v25, v13;
	v31 =	vmul.f32 v26, v16;
	v25 =	vld [tilespmem:s24+$0x3180];
	(pc) =	sbr.rel @p0 .LBB2_7-.Ltmp2, $4  }
0x14b: {  	v21 =	vmul.f32 v28, v14;
	v29 =	vmul.f32 v29, v15;
	v26 =	vld [tilespmem:s24+$0x1200]  }
0x14c: {  	v37 =	vmul.f32 v32, v14;
	v38 =	vmul.f32 v33, v15;
	v28 =	vld [tilespmem:s24+$0x3200]  }
0x14d: {  	v32 =	vadd.f32 v29, v21;
	v33 =	vmul.f32 v34, v14;
	v35 =	vmul.f32 v35, v15;
	v29 =	vld [tilespmem:s24+$0x1280]  }
0x14e: {  	s28 =	sadd.s32 $0x10, s28;
	v36 =	vmul.f32 v36, v16;
	v21 =	vmul.f32 v30, v13;
	v34 =	vadd.f32 v38, v37;
	v30 =	vld [tilespmem:s24+$0x3280]  }
0x14f: {  	v31 =	vadd.f32 v31, v32  }
0x150: {  	v57 =	vadd.f32 v35, v33;
	v20 =	vmul.f32 v20, v16;
	v58 =	vld [tilespmem:s24+$0x1300];
	v19 =	vmul.f32 v19, v16  }
0x151: {  	v59 =	vld [tilespmem:s24+$0x3300];
	v24 =	vmul.f32 v24, v14;
	v25 =	vmul.f32 v25, v15  }
0x152: {  	v17 =	vmul.f32 v17, v13;
	v27 =	vadd.f32 v27, v31;
	v20 =	vadd.f32 v20, v57;
	v31 =	vld [tilespmem:s24+$0x5280]  }
0x153: {  	v18 =	vmul.f32 v18, v16;
	v60 =	vld [tilespmem:s24+$0x5300];
	v34 =	vadd.f32 v36, v34;
	v24 =	vadd.f32 v25, v24  }
0x154: {  	v20 =	vadd.f32 v22, v20;
	v22 =	vmul.f32 v26, v14;
	v26 =	vmul.f32 v28, v15;
	v28 =	vld [tilespmem:s24+$0x7280]  }
0x155: {  	v23 =	vadd.f32 v23, v34;
	v25 =	vmul.f32 v29, v14;
	v29 =	vmul.f32 v30, v15;
	v30 =	vld [tilespmem:s24+$0x7300]  }
0x156: {  	v61 =	vmul.f32 v59, v15;
	v22 =	vadd.f32 v26, v22;
	v26 =	vmul.f32 v58, v14  }
0x157: {  	v19 =	vadd.f32 v19, v24;
	v24 =	vadd.f32 v29, v25;
	v25 =	vmul.f32 v31, v16  }
0x158: {  	[tilespmem:s24+$0x13000] =	vst v27;
	v18 =	vadd.f32 v18, v22;
	v22 =	vadd.f32 v61, v26;
	v26 =	vmul.f32 v60, v16  }
0x159: {  	[tilespmem:s24+$0x13080] =	vst v23;
	v19 =	vadd.f32 v21, v19;
	v21 =	vadd.f32 v25, v24;
	v23 =	vmul.f32 v28, v13  }
0x15a: {  	[tilespmem:s24+$0x13100] =	vst v20;
	v20 =	vmul.f32 v30, v13;
	v17 =	vadd.f32 v17, v18;
	v18 =	vadd.f32 v26, v22  }
0x15b: {  	[tilespmem:s24+$0x13180] =	vst v19;
	v19 =	vadd.f32 v23, v21  }
0x15c: {  	[tilespmem:s24+$0x13200] =	vst v17;
	v17 =	vadd.f32 v20, v18  }
0x15d: {  	s1 =	sor.u32 s26, s25;
	[tilespmem:s24+$0x13280] =	vst v19  }
0x15e: {  	s1 =	sor.u32 $0x380, s1;
	[tilespmem:s24+$0x13300] =	vst v17;
	v17 =	vld [tilespmem:s24+$0x3380]  }
0x15f: {  	v18 =	vld [tilespmem:s1+$0x1000];
	_ =	sdelay $0x1  }
0x160: {  	v19 =	vld [tilespmem:s24+$0x5380];
	_ =	sdelay $0x1  }
0x161: {  	v20 =	vld [tilespmem:s24+$0x7380]  }
0x162: {  	v15 =	vmul.f32 v17, v15;
	v14 =	vmul.f32 v18, v14;
	_ =	sdelay $0x1  }
0x163: {  	v14 =	vadd.f32 v15, v14;
	v15 =	vmul.f32 v19, v16;
	_ =	sdelay $0x1  }
0x164: {  	v13 =	vmul.f32 v20, v13;
	v14 =	vadd.f32 v15, v14;
	_ =	sdelay $0x1  }
0x165: {  	v13 =	vadd.f32 v13, v14  }
0x166: {  	s23 =	smin.u32 s23, $0xD  }
0x167: {  	s23 =	sshll.u32 s23, $0x7;
	[tilespmem:s1+$0x13000] =	vst v13  }
0x168: {  	v13 =	vld.msk [tilespmem:s23+$0x100], $0xf;
	_ =	sdelay $0x4  }
0x169: {  	v13 =	vshll.u32 v13, $0xD  }
0x16a: {  	v13 =	vperm.xlane v13, v0;
	_ =	sdelay $0x4  }
0x16b: {  	s26 =	simm.s32 $0x0  }
0x16c: {  	[tilespmem:s14], [sflag:$0x1] =	stream.indirect_vreg.gather [hbm4b:s2+s26], $0x2000, v13, vm0, $0x38;
	[tilespmem:$0x15000] =	vst v63  }
0x16d: {  	_ =	swait.ge [sflag:s18], $0x8000  }
0x16e: {  	s30 =	sand.u32 $0x70, s26;
	s31 =	sand.u32 $0x1C00, s26;
	[sflag:s18] =	ssyncset.done $0x0  }
0x16f: {  	s24 =	sor.u32 s30, s31;
	[sflag:s18] =	ssyncadd.s32 $0xFFFF8000  }
0x170: {  	v20 =	vld [tilespmem:s24+$0xF300]  }
0x171: {  	v17 =	vld [tilespmem:s24+$0x13180]  }
0x172: {  	v28 =	vld [tilespmem:s24+$0xD300]  }
0x173: {  	v13 =	vld [tilespmem:s24+$0xD280]  }
0x174: {  	v19 =	vld [tilespmem:s24+$0xD180]  }
0x175: {  	v15 =	vld [tilespmem:s24+$0xB300]  }
0x176: {  	v22 =	vld [tilespmem:s24+$0xD000]  }
0x177: {  	v62 =	vld [tilespmem:s24+$0x13300]  }
0x178: {  	v16 =	vld [tilespmem:s24+$0xD080]  }
0x179: {  	v14 =	vld [tilespmem:s24+$0x13280]  }
0x17a: {  	v26 =	vld [tilespmem:s24+$0x9300]  }
0x17b: {  	v23 =	vld [tilespmem:s24+$0xB080]  }
0x17c: {  	v21 =	vld [tilespmem:s24+$0xB180]  }
0x17d: {  	v31 =	vld [tilespmem:s24+$0xB100]  }
0x17e: {  	v24 =	vld [tilespmem:s24+$0x13200]  }
0x17f: {  	v18 =	vld [tilespmem:s24+$0xD200]  }
0x180: {  	v25 =	vld [tilespmem:s24+$0xB280]  }
0x181: {  	v30 =	vld [tilespmem:s24+$0x9200]  }
0x182: {  	v27 =	vld [tilespmem:s24+$0x9100]  }
0x183: {  	v33 =	vld [tilespmem:s24+$0x9180];
	v29 =	vmul.f32 v15, v10;
	v23 =	vmul.f32 v23, v10  }
0x184: {  	v32 =	vld [tilespmem:s24+$0x9080];
	v63 =	vmul.f32 v26, v12;
	v16 =	vmul.f32 v16, v11  }
0x185: {  	v15 =	vmul.f32 v31, v10;
	v19 =	vmul.f32 v19, v11;
	v26 =	vld [tilespmem:s24+$0x9280]  }
0x186: {  	s28 =	simm.s32 $0x10;
	s25 =	sor.u32 s26, s26;
	v31 =	vld [tilespmem:s24+$0x13080];
	v13 =	vmul.f32 v13, v11;
	v28 =	vmul.f32 v28, v11;
	v34 =	vadd.f32 v63, v62  }
.LBB2_9:
0x187: {  	p0 =	sne.s32 s28, $0x3F0  }
0x188: {  	v35 =	vld [tilespmem:s24+$0x9000];
	v20 =	vmul.f32 v20, v9;
	s26 =	sadd.s32 $0x80, s26;
	s29 =	smov.u32 s28;
	s28 =	sadd.s32 $0x10, s28  }
0x189: {  	v30 =	vmul.f32 v30, v12;
	s30 =	sor.u32 s26, s29;
	v36 =	vld [tilespmem:s24+$0xB000];
	v33 =	vmul.f32 v33, v12;
	v29 =	vadd.f32 v29, v34  }
0x18a: {  	v22 =	vmul.f32 v22, v11;
	v32 =	vmul.f32 v32, v12;
	v34 =	vld [tilespmem:s24+$0x13100]  }
0x18b: {  	v27 =	vmul.f32 v27, v12;
	v25 =	vmul.f32 v25, v10;
	v17 =	vadd.f32 v33, v17;
	v33 =	vld [tilespmem:s24+$0xB200]  }
0x18c: {  	v21 =	vmul.f32 v21, v10;
	v24 =	vadd.f32 v30, v24;
	v37 =	vld [tilespmem:s24+$0x13000];
	v31 =	vadd.f32 v32, v31  }
0x18d: {  	v26 =	vmul.f32 v26, v12;
	v30 =	vmul.f32 v35, v12;
	v32 =	vld [tilespmem:s24+$0xF180]  }
0x18e: {  	v28 =	vadd.f32 v28, v29;
	v35 =	vld [tilespmem:s24+$0xD100]  }
0x18f: {  	v18 =	vmul.f32 v18, v11;
	v23 =	vadd.f32 v23, v31;
	v27 =	vadd.f32 v27, v34;
	v29 =	vld [tilespmem:s24+$0xF200]  }
0x190: {  	v17 =	vadd.f32 v21, v17;
	v20 =	vadd.f32 v20, v28;
	v31 =	vld [tilespmem:s24+$0xF080];
	v21 =	vmul.f32 v33, v10  }
0x191: {  	v14 =	vadd.f32 v26, v14;
	v28 =	vadd.f32 v30, v37;
	v30 =	vmul.f32 v36, v10;
	v33 =	vld [tilespmem:s24+$0xF000]  }
0x192: {  	v17 =	vadd.f32 v19, v17;
	v26 =	vld [tilespmem:s24+$0xF100];
	v19 =	vmul.f32 v32, v9;
	v21 =	vadd.f32 v21, v24  }
0x193: {  	v14 =	vadd.f32 v25, v14;
	v24 =	vadd.f32 v30, v28;
	v28 =	vmul.f32 v35, v11;
	v25 =	vld [tilespmem:s24+$0xF280]  }
0x194: {  	v17 =	vadd.f32 v19, v17;
	v18 =	vadd.f32 v18, v21;
	v19 =	vmul.f32 v29, v9;
	[tilespmem:s24+$0x13300] =	vst v20  }
0x195: {  	v16 =	vadd.f32 v16, v23;
	v15 =	vadd.f32 v15, v27;
	v20 =	vmul.f32 v31, v9  }
0x196: {  	v21 =	vadd.f32 v22, v24;
	v22 =	vmul.f32 v33, v9;
	v18 =	vadd.f32 v19, v18  }
0x197: {  	v15 =	vadd.f32 v28, v15;
	v16 =	vadd.f32 v20, v16;
	v19 =	vmul.f32 v26, v9;
	[tilespmem:s24+$0x13180] =	vst v17  }
0x198: {  	v13 =	vadd.f32 v13, v14;
	v17 =	vadd.f32 v22, v21;
	[tilespmem:s24+$0x13200] =	vst v18;
	v14 =	vmul.f32 v25, v9  }
0x199: {  	[tilespmem:s24+$0x13080] =	vst v16;
	v15 =	vadd.f32 v19, v15  }
0x19a: {  	[tilespmem:s24+$0x13000] =	vst v17;
	v13 =	vadd.f32 v14, v13  }
0x19b: {  	[tilespmem:s24+$0x13100] =	vst v15  }
0x19c: {  	s1 =	sor.u32 $0x380, s25;
	s25 =	smov.u32 s30;
	[tilespmem:s24+$0x13280] =	vst v13  }
0x19d: {  	v13 =	vld [tilespmem:s1+$0x9000]  }
0x19e: {  	v14 =	vld [tilespmem:s1+$0x13000]  }
0x19f: {  	v15 =	vld [tilespmem:s24+$0xB380];
	_ =	sdelay $0x1  }
0x1a0: {  	v16 =	vld [tilespmem:s24+$0xD380]  }
0x1a1: {  	v13 =	vmul.f32 v13, v12  }
0x1a2: {  	s29 =	sand.u32 $0x70, s29;
	s30 =	sand.u32 $0x1C00, s26;
	v17 =	vld [tilespmem:s24+$0xF380]  }
0x1a3: {  	s24 =	sor.u32 s29, s30;
	v13 =	vadd.f32 v13, v14;
	v14 =	vmul.f32 v15, v10;
	_ =	sdelay $0x1  }
0x1a4: {  	v13 =	vadd.f32 v14, v13;
	v14 =	vmul.f32 v16, v11;
	_ =	sdelay $0x1  }
0x1a5: {  	v13 =	vadd.f32 v14, v13;
	v14 =	vmul.f32 v17, v9;
	_ =	sdelay $0x1  }
0x1a6: {  	v13 =	vadd.f32 v14, v13;
	_ =	sdelay $0x1  }
0x1a7: {  	[tilespmem:s1+$0x13000] =	vst v13  }
0x1a8: {  	v20 =	vld [tilespmem:s24+$0xF300]  }
0x1a9: {  	v17 =	vld [tilespmem:s24+$0x13180]  }
0x1aa: {  	v28 =	vld [tilespmem:s24+$0xD300]  }
0x1ab: {  	v13 =	vld [tilespmem:s24+$0xD280]  }
0x1ac: {  	v19 =	vld [tilespmem:s24+$0xD180]  }
0x1ad: {  	v15 =	vld [tilespmem:s24+$0xB300]  }
0x1ae: {  	v22 =	vld [tilespmem:s24+$0xD000]  }
0x1af: {  	v34 =	vld [tilespmem:s24+$0x13300]  }
0x1b0: {  	v16 =	vld [tilespmem:s24+$0xD080]  }
0x1b1: {  	v14 =	vld [tilespmem:s24+$0x13280]  }
0x1b2: {  	v26 =	vld [tilespmem:s24+$0x9300]  }
0x1b3: {  	v23 =	vld [tilespmem:s24+$0xB080]  }
0x1b4: {  	v21 =	vld [tilespmem:s24+$0xB180]  }
0x1b5: {  	v31 =	vld [tilespmem:s24+$0xB100]  }
0x1b6: {  	v24 =	vld [tilespmem:s24+$0x13200]  }
0x1b7: {  	v18 =	vld [tilespmem:s24+$0xD200]  }
0x1b8: {  	v29 =	vmul.f32 v15, v10;
	v25 =	vld [tilespmem:s24+$0xB280]  }
0x1b9: {  	v23 =	vmul.f32 v23, v10;
	v30 =	vld [tilespmem:s24+$0x9200]  }
.Ltmp3:
0x1ba: {  	v27 =	vld [tilespmem:s24+$0x9100];
	(pc) =	sbr.rel @p0 .LBB2_9-.Ltmp3, $4  }
0x1bb: {  	v35 =	vmul.f32 v26, v12;
	v33 =	vld [tilespmem:s24+$0x9180]  }
0x1bc: {  	v16 =	vmul.f32 v16, v11;
	v15 =	vmul.f32 v31, v10;
	v32 =	vld [tilespmem:s24+$0x9080]  }
0x1bd: {  	v19 =	vmul.f32 v19, v11;
	v26 =	vld [tilespmem:s24+$0x9280]  }
0x1be: {  	v28 =	vmul.f32 v28, v11;
	v13 =	vmul.f32 v13, v11;
	v34 =	vadd.f32 v35, v34;
	v31 =	vld [tilespmem:s24+$0x13080]  }
0x1bf: {  	v35 =	vld [tilespmem:s24+$0x9000]  }
0x1c0: {  	v20 =	vmul.f32 v20, v9;
	v36 =	vld [tilespmem:s24+$0xB000];
	v30 =	vmul.f32 v30, v12  }
0x1c1: {  	v37 =	vld [tilespmem:s24+$0x13100];
	v22 =	vmul.f32 v22, v11;
	v27 =	vmul.f32 v27, v12  }
0x1c2: {  	v62 =	vld [tilespmem:s24+$0xB200];
	v25 =	vmul.f32 v25, v10;
	v33 =	vmul.f32 v33, v12  }
0x1c3: {  	v63 =	vld [tilespmem:s24+$0x13000];
	v21 =	vmul.f32 v21, v10;
	v29 =	vadd.f32 v29, v34;
	v32 =	vmul.f32 v32, v12  }
0x1c4: {  	v38 =	vld [tilespmem:s24+$0xF180];
	v18 =	vmul.f32 v18, v11;
	v24 =	vadd.f32 v30, v24;
	v17 =	vadd.f32 v33, v17  }
0x1c5: {  	v40 =	vld [tilespmem:s24+$0xD100];
	v26 =	vmul.f32 v26, v12;
	v28 =	vadd.f32 v28, v29;
	v31 =	vadd.f32 v32, v31  }
0x1c6: {  	v42 =	vld [tilespmem:s24+$0xF080];
	v39 =	vmul.f32 v35, v12;
	v27 =	vadd.f32 v27, v37;
	v17 =	vadd.f32 v21, v17  }
0x1c7: {  	v41 =	vld [tilespmem:s24+$0xF200];
	v43 =	vmul.f32 v62, v10;
	v20 =	vadd.f32 v20, v28;
	v14 =	vadd.f32 v26, v14  }
0x1c8: {  	v47 =	vld [tilespmem:s24+$0xF100];
	v45 =	vmul.f32 v36, v10;
	v23 =	vadd.f32 v23, v31;
	v44 =	vadd.f32 v39, v63  }
0x1c9: {  	v51 =	vld [tilespmem:s24+$0xF280];
	v48 =	vmul.f32 v38, v9;
	v17 =	vadd.f32 v19, v17;
	v21 =	vadd.f32 v43, v24  }
0x1ca: {  	v46 =	vld [tilespmem:s24+$0xF000];
	v50 =	vmul.f32 v40, v11;
	v14 =	vadd.f32 v25, v14;
	v15 =	vadd.f32 v15, v27  }
0x1cb: {  	v53 =	vmul.f32 v42, v9;
	v16 =	vadd.f32 v16, v23;
	v49 =	vadd.f32 v45, v44  }
0x1cc: {  	v52 =	vmul.f32 v41, v9;
	v17 =	vadd.f32 v48, v17;
	v18 =	vadd.f32 v18, v21  }
0x1cd: {  	v56 =	vmul.f32 v47, v9;
	[tilespmem:s24+$0x13300] =	vst v20;
	v15 =	vadd.f32 v50, v15;
	v16 =	vadd.f32 v53, v16  }
0x1ce: {  	v58 =	vmul.f32 v51, v9;
	v13 =	vadd.f32 v13, v14;
	v18 =	vadd.f32 v52, v18;
	[tilespmem:s24+$0x13180] =	vst v17  }
0x1cf: {  	v55 =	vmul.f32 v46, v9;
	v54 =	vadd.f32 v22, v49;
	v15 =	vadd.f32 v56, v15;
	[tilespmem:s24+$0x13080] =	vst v16  }
0x1d0: {  	v13 =	vadd.f32 v58, v13;
	[tilespmem:s24+$0x13200] =	vst v18  }
0x1d1: {  	v57 =	vadd.f32 v55, v54;
	[tilespmem:s24+$0x13100] =	vst v15  }
0x1d2: {  	[tilespmem:s24+$0x13280] =	vst v13  }
0x1d3: {  	s1 =	sor.u32 $0x380, s25;
	[tilespmem:s24+$0x13000] =	vst v57  }
0x1d4: {  	v13 =	vld [tilespmem:s1+$0x9000]  }
0x1d5: {  	v60 =	vld [tilespmem:s24+$0xB380]  }
0x1d6: {  	v59 =	vld [tilespmem:s1+$0x13000];
	_ =	sdelay $0x1  }
0x1d7: {  	v61 =	vld [tilespmem:s24+$0xD380]  }
0x1d8: {  	v62 =	vmul.f32 v13, v12  }
0x1d9: {  	v63 =	vld [tilespmem:s24+$0xF380]  }
0x1da: {  	v10 =	vmul.f32 v60, v10;
	v12 =	vadd.f32 v62, v59;
	_ =	sdelay $0x1  }
0x1db: {  	v11 =	vmul.f32 v61, v11;
	v10 =	vadd.f32 v10, v12;
	_ =	sdelay $0x1  }
0x1dc: {  	v9 =	vmul.f32 v63, v9;
	v10 =	vadd.f32 v11, v10;
	_ =	sdelay $0x1  }
0x1dd: {  	v9 =	vadd.f32 v9, v10;
	_ =	sdelay $0x1  }
0x1de: {  	[tilespmem:s1+$0x13000] =	vst v9  }
0x1df: {  	v9 =	vld.msk [tilespmem:s23+$0x108], $0xf;
	_ =	sdelay $0x4  }
0x1e0: {  	v9 =	vshll.u32 v9, $0xD  }
0x1e1: {  	v9 =	vperm.xlane v9, v0;
	_ =	sdelay $0x1  }
0x1e2: {  	s21 =	sadd.s32 $0x1, s21  }
0x1e3: {  	p0 =	sne.s32 s21, $0x8  }
.Ltmp4:
0x1e4: {  	s31 =	sadd.s32 s4, s22;
	(pc) =	sbr.rel @p0 .LBB2_2-.Ltmp4, $4  }
0x1e5: {  	s1 =	sshll.u32 s31, $0xA  }
0x1e6: {  	[tilespmem:s15], [sflag:$0x2] =	stream.indirect_vreg.gather [hbm4b:s2+s3], $0x2000, v9, vm0, $0x38;
	[tilespmem:$0x15000] =	vst v63  }
0x1e7: {  	s1 =	sadd.s32 s5, s1  }
0x1e8: {  	[hbm4b:s1+s3] =	stream.linear.scatter [tilespmem:s13], [sflag:$0x4], $0x2000, $0x38;
	[tilespmem:$0x15000] =	vst v63  }
0x1e9: {  	_ =	swait.ge [sflag:s17], $0x8000  }
0x1ea: {  	[sflag:s17] =	ssyncset.done $0x0  }
0x1eb: {  	[sflag:s17] =	ssyncadd.s32 $0xFFFF8000  }
0x1ec: {  	_ =	swait.ge [sflag:s18], $0x8000  }
0x1ed: {  	[sflag:s18] =	ssyncset.done $0x0  }
0x1ee: {  	s20 =	sadd.s32 $0x1, s20;
	[sflag:s18] =	ssyncadd.s32 $0xFFFF8000  }
0x1ef: {  	p0 =	sne.s32 s20, s9;
	_ =	swait.ge [sflag:s16], $0x2000  }
.Ltmp5:
0x1f0: {  	[sflag:s16] =	ssyncset.done $0x0;
	(pc) =	sbr.rel @p0 .LBB2_1-.Ltmp5, $4  }
0x1f1: {  	[sflag:s16] =	ssyncadd.s32 $0xFFFFE000  }
0x1f2: {  	_ =	swait.ge [sflag:s19], $0x2000  }
0x1f3: {  	[sflag:s19] =	ssyncset.done $0x0  }
0x1f4: {  	[sflag:s19] =	ssyncadd.s32 $0xFFFFE000  }
0x1f5: {  	_ =	sfence.sel $0x180000  }
0x1f6: {  	[bflag:$0x0] =	sbarrier.arrive $0xFFFF  }
0x1f7: {  	_ =	strace $0x90000047  }
0x1f8: {  	[bflag:$0x2] =	sbarrier.arrive $0xFFFF  }
0x1f9: {  	p0 =	sne.s32 s0, $0x0;
	s0 =	rddreg [dreg:$0x2]  }
0x1fa: {  	s0 =	sadd.s32 @!p0 $0x100000, s0  }
0x1fb: {  	[sflag:s0] =	ssyncadd.tile.s32 @!p0 $0x1;
	_ =	shalt  }
.Lfunc_end2:
_tile_overlayer_lowered:
.L_overlay_start_2:
0x1fc: {  	(tag) =	ssettag $0x2  }
0x1fd: {  	s0 =	rddreg [dreg:$0x0];
	s2 =	stileid.u32  }
0x1fe: {  	s1 =	rddreg [dreg:$0x1];
	p0 =	sne.s32 s2, $0x0  }
0x1ff: {  	s3 =	rddreg [dreg:$0x2];
	[bflag:$0x3] =	sbarrier.arrive $0xFFFF;
	s2 =	simm.s32 @!p0 $0x1C05  }
0x200: {  	[timem:s3], [sflag:s2] =	dma.local @!p0 [hbm:s0], s1  }
0x201: {  	s0 =	simm.s32 @!p0 $0x5  }
0x202: {  	_ =	swait.ge @!p0 [sflag:s0], s1  }
0x203: {  	s1 =	ssub.s32 @!p0 $0x0, s1;
	[sflag:s0] =	ssyncset.done @!p0 $0x0  }
0x204: {  	[sflag:s0] =	ssyncadd.s32 @!p0 s1  }
0x205: {  	[bflag:$0x3] =	sbarrier.arrive $0xFFFF  }
0x206: {  	_ =	shalt  }

// kernel: kernel.9.cloned.1.call-start
scs
__scs_entry_jumppad:
0x0: {  	(pc) =	sbr.rel $0x88, $3  }
0x1: {  	(tag) =	ssettag $0x0;
	lr =	simm.s32 $0x1  }
0x2: {  	[smem:$0x3F9D] =	sst lr;
	_ =	strace $0xD0000000  }
0x3: {  	_ = 	snop  }
0x4: {  	_ = 	snop  }
0x5: {  	_ = 	snop  }
0x6: {  	_ = 	snop  }
0x7: {  	_ = 	snop  }
__scs_overlays_trampoline_lowered:
0x8: {  	[smem:$0x3FAC] =	sst s0  }
0x9: {  	[smem:$0x3FAD] =	sst s1  }
0xa: {  	[smem:$0x3FAE] =	sst s2  }
0xb: {  	[smem:$0x3FAF] =	sst s3  }
0xc: {  	[smem:$0x3FB0] =	sst s4  }
0xd: {  	[smem:$0x3FB1] =	sst s5  }
0xe: {  	[smem:$0x3FB2] =	sst s6  }
0xf: {  	[smem:$0x3FB3] =	sst s7  }
0x10: {  	[smem:$0x3FB4] =	sst s8  }
0x11: {  	[smem:$0x3FB5] =	sst s9;
	s0 =	simm.s32 @!p0 $0x0  }
0x12: {  	s1 =	sld [smem:$0x3F9B];
	s0 =	simm.s32 @p0 $0x1  }
0x13: {  	[smem:$0x3FB6] =	sst s0;
	s0 =	simm.s32 @!p1 $0x0  }
0x14: {  	s2 =	sld [smem:$0x3F9A];
	s0 =	simm.s32 @p1 $0x1  }
0x15: {  	[smem:$0x3FB7] =	sst s0;
	s0 =	simm.s32 @!p2 $0x0  }
0x16: {  	s3 =	sld [smem:$0x3FDB];
	s0 =	simm.s32 @p2 $0x1  }
0x17: {  	s4 =	simm.s32 $0x1BF5;
	[smem:$0x3FB9] =	sst s0  }
0x18: {  	s0 =	sld [smem:$0x3F9C];
	_ =	swait.ge [sflag:s4], $0x0  }
0x19: {  	s7 =	sld [smem:$0x3F9D]  }
0x1a: {  	s8 =	sadd.s32 $0xFFFFE003, lr  }
0x1b: {  	s9 =	sadd.s32 $0xFFFFFEF7, lr;
	s5 =	simm.s32 $0xFFFFFFFF;
	p2 =	slt.u32 s8, $0xFFFFF086  }
0x1c: {  	p1 =	slt.u32 s9, $0xF7A;
	s5 =	simm.s32 @!p2 $0x0  }
0x1d: {  	s5 =	simm.s32 @p1 $0x1;
	p0 =	seq.s32 s7, s2  }
0x1e: {  	s7 =	smul.u32 @!p0 $0xF7A, s2;
	p2 =	seq.s32 @!p0 s5, $0x0  }
0x1f: {  	s9 =	smul.u32 $0xF7A, s1;
	s8 =	simm.s32 @!p0 $0x1BF5;
	p2 =	por !p2, p0  }
0x20: {  	[sflag:s8] =	ssyncset.s32 @!p0 $0xFFFFF086;
	s6 =	sadd.s32 @!p0 s3, s7;
	s7 =	simm.s32 @!p0 $0x108  }
0x21: {  	s3 =	sadd.s32 s3, s9;
	s6 =	sadd.s32 @!p0 $0x88, s6;
	s7 =	simm.s32 @p2 $0x1082  }
0x22: {  	[simem:s7], [sflag:s8] =	dma.local @!p0 [hbm:s6], $0xF7A  }
0x23: {  	s9 =	sor.u32 $0xD0000000, s2;
	s6 =	simm.s32 $0x108;
	_ =	swait.ge @!p0 [sflag:s8], $0x0  }
0x24: {  	s3 =	sadd.s32 $0x88, s3;
	s6 =	simm.s32 @!p1 $0x1082;
	[sflag:s4] =	ssyncset.s32 $0xFFFFF086  }
0x25: {  	[simem:s6], [sflag:s4] =	dma.local [hbm:s3], $0xF7A  }
0x26: {  	[smem:$0x3F9D] =	sst s1;
	(tag) =	ssettag s2;
	_ =	strace s9  }
0x27: {  	s1 =	sld [smem:$0x3FAD]  }
0x28: {  	s2 =	sld [smem:$0x3FAE]  }
0x29: {  	s4 =	sld [smem:$0x3FB0]  }
0x2a: {  	p0 =	seq.s32 s5, $0x0;
	s5 =	sld [smem:$0x3FB1]  }
0x2b: {  	s6 =	sld [smem:$0x3FB2]  }
0x2c: {  	s7 =	sld [smem:$0x3FB3]  }
0x2d: {  	s3 =	simm.s32 $0x108;
	s8 =	sld [smem:$0x3FB4]  }
0x2e: {  	s3 =	simm.s32 @!p0 $0x1082;
	s9 =	sld [smem:$0x3FB5]  }
0x2f: {  	lr =	sadd.s32 s0, s3;
	s0 =	sld [smem:$0x3FAC]  }
0x30: {  	s3 =	sld [smem:$0x3FAF]  }
0x31: {  	[smem:$0x3FB8] =	sst s10  }
0x32: {  	s10 =	sld [smem:$0x3FB6];
	_ =	sdelay $0x3  }
0x33: {  	p0 =	seq.s32 s10, $0x1;
	s10 =	sld [smem:$0x3FB8];
	_ =	sdelay $0x3  }
0x34: {  	[smem:$0x3FB8] =	sst s10  }
0x35: {  	s10 =	sld [smem:$0x3FB7];
	_ =	sdelay $0x3  }
0x36: {  	p1 =	seq.s32 s10, $0x1;
	s10 =	sld [smem:$0x3FB8];
	_ =	sdelay $0x3  }
0x37: {  	[smem:$0x3FB8] =	sst s10  }
0x38: {  	s10 =	sld [smem:$0x3FB9]  }
0x39: {  	_ = 	snop;
	(pc) =	sbr.ind lr, $3  }
0x3a: {  	_ = 	snop  }
0x3b: {  	_ = 	snop  }
0x3c: {  	p2 =	seq.s32 s10, $0x1;
	s10 =	sld [smem:$0x3FB8]  }
0x3d: {  	_ =	shalt  }
0x3e: {  	_ =	shalt  }
0x3f: {  	_ =	shalt  }
0x40: {  	_ =	shalt  }
0x41: {  	_ =	shalt  }
0x42: {  	_ =	shalt  }
0x43: {  	_ =	shalt  }
0x44: {  	_ =	shalt  }
0x45: {  	_ =	shalt  }
0x46: {  	_ =	shalt  }
0x47: {  	_ =	shalt  }
0x48: {  	_ =	shalt  }
0x49: {  	_ =	shalt  }
0x4a: {  	_ =	shalt  }
0x4b: {  	_ =	shalt  }
0x4c: {  	_ =	shalt  }
0x4d: {  	_ =	shalt  }
0x4e: {  	_ =	shalt  }
0x4f: {  	_ =	shalt  }
0x50: {  	_ =	shalt  }
0x51: {  	_ =	shalt  }
0x52: {  	_ =	shalt  }
0x53: {  	_ =	shalt  }
0x54: {  	_ =	shalt  }
0x55: {  	_ =	shalt  }
0x56: {  	_ =	shalt  }
0x57: {  	_ =	shalt  }
0x58: {  	_ =	shalt  }
0x59: {  	_ =	shalt  }
0x5a: {  	_ =	shalt  }
0x5b: {  	_ =	shalt  }
0x5c: {  	_ =	shalt  }
0x5d: {  	_ =	shalt  }
0x5e: {  	_ =	shalt  }
0x5f: {  	_ =	shalt  }
0x60: {  	_ =	shalt  }
0x61: {  	_ =	shalt  }
0x62: {  	_ =	shalt  }
0x63: {  	_ =	shalt  }
0x64: {  	_ =	shalt  }
0x65: {  	_ =	shalt  }
0x66: {  	_ =	shalt  }
0x67: {  	_ =	shalt  }
0x68: {  	_ =	shalt  }
0x69: {  	_ =	shalt  }
0x6a: {  	_ =	shalt  }
0x6b: {  	_ =	shalt  }
0x6c: {  	_ =	shalt  }
0x6d: {  	_ =	shalt  }
0x6e: {  	_ =	shalt  }
0x6f: {  	_ =	shalt  }
0x70: {  	_ =	shalt  }
0x71: {  	_ =	shalt  }
0x72: {  	_ =	shalt  }
0x73: {  	_ =	shalt  }
0x74: {  	_ =	shalt  }
0x75: {  	_ =	shalt  }
0x76: {  	_ =	shalt  }
0x77: {  	_ =	shalt  }
0x78: {  	_ =	shalt  }
0x79: {  	_ =	shalt  }
0x7a: {  	_ =	shalt  }
0x7b: {  	_ =	shalt  }
0x7c: {  	_ =	shalt  }
0x7d: {  	_ =	shalt  }
0x7e: {  	_ =	shalt  }
0x7f: {  	_ =	shalt  }
0x80: {  	_ =	shalt  }
0x81: {  	_ =	shalt  }
0x82: {  	_ =	shalt  }
0x83: {  	_ =	shalt  }
0x84: {  	_ =	shalt  }
0x85: {  	_ =	shalt  }
0x86: {  	_ =	shalt  }
0x87: {  	_ =	shalt  }
.Lfunc_end0:
.L_simem_size_0:
called_computation.1_lowered:
.L_overlay_start_0:
0x88: {  	s2 =	sld [smem:$0x3FD9]  }
0x89: {  	s3 =	sld [smem:$0x3FFE];
	_ =	sdelay $0x1  }
0x8a: {  	s1 =	srdreg.scid  }
0x8b: {  	s0 =	sand.u32 $0x1, s1  }
0x8c: {  	s17 =	sshll.u32 s0, $0xA;
	s2 =	sadd.s32 s3, s2  }
0x8d: {  	s2 =	sadd.s32 s2, s17  }
0x8e: {  	[smem:$0x3FC4] =	sst s2  }
0x8f: {  	_ = 	snop  }
0x90: {  	s18 =	sld [smem:$0x3FC7];
	(tm) =	ssettm $0x1  }
0x91: {  	s19 =	sld [smem:$0x3FFB];
	_ =	sdelay $0x3  }
0x92: {  	_ =	strace s19  }
0x93: {  	s2 =	sld [smem:$0x3FFC];
	_ =	sdelay $0x3  }
0x94: {  	_ =	strace s2  }
0x95: {  	s2 =	sld [smem:$0x3FFD];
	_ =	sdelay $0x3  }
0x96: {  	_ =	strace s2  }
0x97: {  	_ =	strace $0x8FFFFFFF  }
0x98: {  	s20 =	sld [smem:$0x3FDB];
	_ =	sdelay $0x1  }
0x99: {  	s4 =	simm.s32 $_scs_section_size  }
0x9a: {  	s5 =	simm.s32 $_size__tile_overlayer_lowered;
	s6 =	simm.s32 $_tile_overlayer_lowered  }
0x9b: {  	s7 =	simm.s32 $0x1BFF;
	s21 =	sshll.u32 s6, $0x1;
	s4 =	sadd.s32 s4, s20  }
0x9c: {  	s22 =	simm.s32 $0x0;
	s5 =	sshll.u32 s5, $0x1;
	s6 =	sadd.s32 s21, s4  }
0x9d: {  	[timem:s22], [sflag:s7] =	dma.local [hbm:s6], s5  }
0x9e: {  	_ =	swait.ge [sflag:s7], s5  }
0x9f: {  	s5 =	ssub.s32 $0x0, s5;
	[sflag:s7] =	ssyncset.done $0x0  }
0xa0: {  	[sflag:s7] =	ssyncadd.s32 s5;
	_ =	sdelay $0x1  }
0xa1: {  	s23 =	simm.s32 $0x1B8B  }
0xa2: {  	_ =	swait.ge [sflag:s23], $0x1  }
0xa3: {  	[sflag:s23] =	ssyncset.done $0x0  }
0xa4: {  	[sflag:s23] =	ssyncadd.s32 $0xFFFFFFFF  }
0xa5: {  	s5 =	sld [smem:$0x0]  }
0xa6: {  	s6 =	sand.u32 $0xFFFFFFFE, s1  }
0xa7: {  	p0 =	sne.s32 s1, s6  }
0xa8: {  	s6 =	sshll.u32 @p0 s6, $0xE  }
0xa9: {  	s6 =	sadd.s32 @p0 $0x11B8D, s6;
	s7 =	sshll.u32 @p0 s5, $0x11  }
0xaa: {  	s6 =	sor.u32 @p0 s7, s6  }
0xab: {  	[sflag:s6] =	ssyncadd.remote.s32 @p0 $0x1;
	_ =	sdelay $0x1  }
0xac: {  	s6 =	simm.s32 @p0 $0x1B8D  }
0xad: {  	_ =	swait.eq @p0 [sflag:s6], $0x1  }
0xae: {  	[sflag:s6] =	ssyncadd.s32 @p0 $0xFFFFFFFF  }
0xaf: {  	s7 =	sshll.u32 @!p0 s1, $0xE  }
0xb0: {  	s7 =	sor.u32 @!p0 $0x4000, s7;
	s6 =	simm.s32 @!p0 $0x1B8D  }
0xb1: {  	s5 =	sshll.u32 @!p0 s5, $0x11;
	s7 =	sadd.s32 @!p0 $0x11B8D, s7;
	_ =	swait.eq @!p0 [sflag:s6], $0x1  }
0xb2: {  	s5 =	sor.u32 @!p0 s5, s7;
	[sflag:s6] =	ssyncadd.s32 @!p0 $0xFFFFFFFF  }
0xb3: {  	s25 =	simm.s32 $0x1B8E;
	s24 =	sld [smem:$0x3FFE];
	[sflag:s5] =	ssyncadd.remote.s32 @!p0 $0x1  }
0xb4: {  	s26 =	simm.s32 $execute0_lowered;
	[smem:$0x3FD2] =	sst s25  }
0xb5: {  	s6 =	sshll.u32 s26, $0x1;
	_ =	strace $0x80000049;
	[dreg:$0x1] =	wrdreg $0xFFFFFFFF  }
0xb6: {  	s28 =	simm.s32 $_size_execute0_lowered;
	s4 =	sadd.s32 s4, s6;
	[dreg:$0x0] =	wrdreg $0x0  }
0xb7: {  	s6 =	sshll.u32 s28, $0x1;
	[dreg:$0x2] =	wrdreg s4  }
0xb8: {  	[dreg:$0x3] =	wrdreg s6  }
0xb9: {  	[dreg:$0x4] =	wrdreg $0xC0  }
0xba: {  	_ =	task [dreg:s22], $0x5FFFF  }
0xbb: {  	[dreg:$0x1] =	wrdreg $0xFFFFFFFF  }
0xbc: {  	[dreg:$0x0] =	wrdreg $0x60  }
0xbd: {  	[dreg:$0x2] =	wrdreg s18  }
0xbe: {  	[dreg:$0x3] =	wrdreg s24  }
0xbf: {  	[dreg:$0x4] =	wrdreg $0xA  }
0xc0: {  	_ =	task.clear_ibuf [dreg:s22], $0x5FFFF;
	_ =	strace $0x90000049  }
0xc1: {  	s29 =	simm.s32 $0xA;
	_ =	strace $0x8000004B  }
0xc2: {  	_ =	swait.ge [sflag:s29], $0x1  }
0xc3: {  	[sflag:s29] =	ssyncadd.s32 $0xFFFFFFFF  }
0xc4: {  	_ =	strace $0x9000004B  }
0xc5: {  	_ =	sfence  }
0xc6: {  	s30 =	sld [smem:$0x0];
	_ =	sdelay $0x2  }
0xc7: {  	s31 =	sshll.u32 s1, $0xD;
	s1 =	sshrl.u32 s1, $0x2  }
0xc8: {  	s4 =	sand.u32 $0x4000, s31;
	s1 =	sadd.s32 s1, s30  }
0xc9: {  	s0 =	sor.u32 s4, s0;
	s1 =	sshll.u32 s1, $0x11  }
0xca: {  	s0 =	sor.u32 s1, s0  }
0xcb: {  	s0 =	sadd.s32 $0x8F2B, s0  }
0xcc: {  	[sflag:s0] =	ssyncadd.remote.s32 $0x1  }
0xcd: {  	_ =	sfence.sel $0xFFFF  }
0xce: {  	[dreg:$0x0] =	wrdreg $0xFFFFFFFF;
	(pc) =	sbr.abs _section_cstart, $3  }
0xcf: {  	[dreg:$0x1] =	wrdreg $0xFFFFFFFF  }
0xd0: {  	_ =	task.clear_ibuf [dreg:s22], $0x2FFFF;
	_ =	strace $0x9FFFFFFF  }
0xd1: {  	(tm) =	ssettm $0x7FFFFFFF  }
tec
execute0_lowered:
.L_overlay_start_1:
0x0: {  	(tag) =	ssettag $0x1  }
0x1: {  	s1 =	srdreg.scid  }
0x2: {  	s2 =	rddreg [dreg:$0x0];
	s0 =	stileid.u32  }
0x3: {  	s6 =	rddreg [dreg:$0x1];
	s3 =	simm.s32 $0x0;
	s10 =	simm.s32 $0x5  }
0x4: {  	s11 =	simm.s32 $0x800;
	s12 =	simm.s32 $0x11000;
	s13 =	simm.s32 $0x13000  }
0x5: {  	s14 =	simm.s32 $0x1000;
	s15 =	simm.s32 $0x9000;
	s16 =	simm.s32 $0x3  }
0x6: {  	s17 =	simm.s32 $0x1;
	s18 =	simm.s32 $0x2;
	s19 =	simm.s32 $0x4  }
0x7: {  	s20 =	simm.s32 $0x0;
	s5 =	sand.u32 $0x1, s1;
	s4 =	sshll.u32 s0, $0x5  }
0x8: {  	[smem:$0x7FF] =	sst s3;
	s7 =	sshll.u32 s5, $0x4;
	s8 =	ssub.s32 $0x2, s5  }
0x9: {  	vm0 =	vmmov $0xf;
	_ =	strace $0x8000004A;
	s5 =	sadd.s32 $0x8A000, s6;
	s4 =	sor.u32 s7, s4  }
0xa: {  	v0 =	vlaneseq.u32;
	v1 =	vimm.s32 $0x0;
	v2 =	vimm.s32 $0x1;
	s9 =	sshrl.u32 s8, $0x1;
	s7 =	sshll.u32 s4, $0x4;
	s31 =	sshll.u32 s4, $0xA  }
0xb: {  	v3 =	vimm.s32 $0x2;
	v4 =	vimm.s32 $0x3;
	v5 =	vimm.s32 $0x4;
	s9 =	ssub.s32 s8, s9;
	s7 =	sadd.s32 s7, s6;
	s8 =	sadd.s32 s5, s31  }
0xc: {  	v6 =	vimm.s32 $0x5;
	v7 =	vimm.s32 $0x6;
	v8 =	vimm.s32 $0x7;
	s9 =	smax.u32 s9, $0x1;
	s6 =	sadd.s32 $0x86000, s7;
	s7 =	sadd.s32 $0x88000, s7  }
.LBB2_1:
0xd: {  	[tilespmem:s3], [sflag:$0x5] =	stream.linear.gather [hbm4b:s6+s3], $0x800, $0x38;
	[tilespmem:$0x15000] =	vst v63  }
0xe: {  	_ =	swait.ge [sflag:s10], $0x800  }
0xf: {  	[sflag:s10] =	ssyncset.done $0x0  }
0x10: {  	[sflag:s10] =	ssyncadd.s32 $0xFFFFF800  }
0x11: {  	[tilespmem:s11], [sflag:$0x5] =	stream.linear.gather [hbm4b:s7+s3], $0x800, $0x38;
	[tilespmem:$0x15000] =	vst v63  }
0x12: {  	_ =	swait.ge [sflag:s10], $0x800  }
0x13: {  	[sflag:s10] =	ssyncset.done $0x0  }
0x14: {  	[sflag:s10] =	ssyncadd.s32 $0xFFFFF800  }
0x15: {  	[tilespmem:s12], [sflag:$0x3] =	stream.linear.gather [hbm4b:s8+s3], $0x2000, $0x38;
	[tilespmem:$0x15000] =	vst v63  }
0x16: {  	_ = 	snop  }
0x17: {  	[tilespmem:s13], [sflag:$0x4] =	stream.linear.gather [hbm4b:s8+s3], $0x2000, $0x38;
	[tilespmem:$0x15000] =	vst v63  }
0x18: {  	v9 =	vld.msk [tilespmem:$0x0], $0xf;
	_ =	sdelay $0x4  }
0x19: {  	v9 =	vshll.u32 v9, $0xD  }
0x1a: {  	v9 =	vperm.xlane v9, v0;
	_ =	sdelay $0x5  }
0x1b: {  	[tilespmem:s14], [sflag:$0x1] =	stream.indirect_vreg.gather [hbm4b:s2+s3], $0x2000, v9, vm0, $0x38;
	[tilespmem:$0x15000] =	vst v63  }
0x1c: {  	v9 =	vld.msk [tilespmem:$0x8], $0xf;
	_ =	sdelay $0x4  }
0x1d: {  	v9 =	vshll.u32 v9, $0xD  }
0x1e: {  	v9 =	vperm.xlane v9, v0;
	_ =	sdelay $0x4  }
0x1f: {  	s21 =	simm.s32 $0x0  }
0x20: {  	[tilespmem:s15], [sflag:$0x2] =	stream.indirect_vreg.gather [hbm4b:s2+s3], $0x2000, v9, vm0, $0x38;
	[tilespmem:$0x15000] =	vst v63  }
.LBB2_2:
0x21: {  	s22 =	sshll.u32 s21, $0x8  }
0x22: {  	s22 =	sand.u32 $0x3FFFFF00, s22  }
0x23: {  	v9 =	vld [tilespmem:s22+$0x800];
	_ =	swait.ge [sflag:s16], $0x2000  }
0x24: {  	[sflag:s16] =	ssyncset.done $0x0  }
0x25: {  	[sflag:s16] =	ssyncadd.s32 $0xFFFFE000  }
0x26: {  	s22 =	simm.s32 $0x0;
	_ =	swait.ge [sflag:s17], $0x8000  }
0x27: {  	s23 =	sand.u32 $0x70, s22;
	s24 =	sand.u32 $0x1C00, s22;
	[sflag:s17] =	ssyncset.done $0x0  }
0x28: {  	s23 =	sor.u32 s23, s24;
	[sflag:s17] =	ssyncadd.s32 $0xFFFF8000  }
0x29: {  	v21 =	vld [tilespmem:s23+$0x7000]  }
0x2a: {  	v22 =	vld [tilespmem:s23+$0x7080]  }
0x2b: {  	v25 =	vld [tilespmem:s23+$0x7100]  }
0x2c: {  	v30 =	vld [tilespmem:s23+$0x7180]  }
0x2d: {  	v17 =	vld [tilespmem:s23+$0x7200]  }
0x2e: {  	v26 =	vld [tilespmem:s23+$0x5000]  }
0x2f: {  	v36 =	vld [tilespmem:s23+$0x5080]  }
0x30: {  	v20 =	vld [tilespmem:s23+$0x5100]  }
0x31: {  	v19 =	vld [tilespmem:s23+$0x5180]  }
0x32: {  	v18 =	vld [tilespmem:s23+$0x5200]  }
0x33: {  	v28 =	vld [tilespmem:s23+$0x1000]  }
0x34: {  	v29 =	vld [tilespmem:s23+$0x3000]  }
0x35: {  	v14 =	vperm.xlane v9, v1;
	v15 =	vperm.xlane v9, v2;
	v32 =	vld [tilespmem:s23+$0x1080]  }
0x36: {  	v16 =	vperm.xlane v9, v3;
	v13 =	vperm.xlane v9, v4;
	v33 =	vld [tilespmem:s23+$0x3080]  }
0x37: {  	v12 =	vperm.xlane v9, v5;
	v10 =	vperm.xlane v9, v6;
	v34 =	vld [tilespmem:s23+$0x1100]  }
0x38: {  	v11 =	vperm.xlane v9, v7;
	v9 =	vperm.xlane v9, v8;
	v35 =	vld [tilespmem:s23+$0x3100]  }
0x39: {  	v24 =	vld [tilespmem:s23+$0x1180];
	v27 =	vmul.f32 v21, v13;
	v23 =	vmul.f32 v22, v13  }
0x3a: {  	v31 =	vmul.f32 v26, v16;
	v22 =	vmul.f32 v25, v13;
	v25 =	vld [tilespmem:s23+$0x3180]  }
0x3b: {  	v21 =	vmul.f32 v28, v14;
	v29 =	vmul.f32 v29, v15;
	v26 =	vld [tilespmem:s23+$0x1200]  }
0x3c: {  	v37 =	vmul.f32 v32, v14;
	v38 =	vmul.f32 v33, v15;
	v28 =	vld [tilespmem:s23+$0x3200]  }
0x3d: {  	v33 =	vmul.f32 v34, v14;
	v35 =	vmul.f32 v35, v15;
	v32 =	vadd.f32 v29, v21;
	v29 =	vld [tilespmem:s23+$0x1280]  }
0x3e: {  	s25 =	simm.s32 $0x10;
	s24 =	simm.s32 $0x0;
	v36 =	vmul.f32 v36, v16;
	v34 =	vadd.f32 v38, v37;
	v21 =	vmul.f32 v30, v13;
	v30 =	vld [tilespmem:s23+$0x3280]  }
.LBB2_3:
0x3f: {  	p0 =	sne.s32 s25, $0x3F0;
	v31 =	vadd.f32 v31, v32;
	v32 =	vadd.f32 v35, v33;
	v20 =	vmul.f32 v20, v16;
	v33 =	vld [tilespmem:s23+$0x1300]  }
0x40: {  	v19 =	vmul.f32 v19, v16;
	v17 =	vmul.f32 v17, v13;
	v34 =	vadd.f32 v36, v34;
	v35 =	vld [tilespmem:s23+$0x3300]  }
0x41: {  	v18 =	vmul.f32 v18, v16;
	v27 =	vadd.f32 v27, v31;
	v20 =	vadd.f32 v20, v32;
	v31 =	vld [tilespmem:s23+$0x5280]  }
0x42: {  	v24 =	vmul.f32 v24, v14;
	v25 =	vmul.f32 v25, v15;
	v23 =	vadd.f32 v23, v34;
	v32 =	vld [tilespmem:s23+$0x5300]  }
0x43: {  	v20 =	vadd.f32 v22, v20;
	v22 =	vmul.f32 v26, v14;
	v26 =	vmul.f32 v28, v15;
	v28 =	vld [tilespmem:s23+$0x7280]  }
0x44: {  	v24 =	vadd.f32 v25, v24;
	v25 =	vmul.f32 v29, v14;
	v29 =	vmul.f32 v30, v15;
	v30 =	vld [tilespmem:s23+$0x7300]  }
0x45: {  	v22 =	vadd.f32 v26, v22;
	v26 =	vmul.f32 v33, v14;
	v33 =	vmul.f32 v35, v15  }
0x46: {  	v19 =	vadd.f32 v19, v24;
	v24 =	vadd.f32 v29, v25;
	v25 =	vmul.f32 v31, v16  }
0x47: {  	[tilespmem:s23+$0x11000] =	vst v27;
	v18 =	vadd.f32 v18, v22;
	v22 =	vadd.f32 v33, v26;
	v26 =	vmul.f32 v32, v16  }
0x48: {  	v19 =	vadd.f32 v21, v19;
	[tilespmem:s23+$0x11080] =	vst v23;
	v21 =	vadd.f32 v25, v24;
	v23 =	vmul.f32 v28, v13  }
0x49: {  	[tilespmem:s23+$0x11100] =	vst v20;
	v17 =	vadd.f32 v17, v18;
	v18 =	vadd.f32 v26, v22;
	v20 =	vmul.f32 v30, v13  }
0x4a: {  	[tilespmem:s23+$0x11180] =	vst v19;
	v19 =	vadd.f32 v23, v21  }
0x4b: {  	[tilespmem:s23+$0x11200] =	vst v17;
	v17 =	vadd.f32 v20, v18  }
0x4c: {  	s26 =	sor.u32 s24, s22;
	s22 =	smov.u32 s25;
	[tilespmem:s23+$0x11280] =	vst v19  }
0x4d: {  	s26 =	sor.u32 $0x380, s26;
	[tilespmem:s23+$0x11300] =	vst v17;
	v17 =	vld [tilespmem:s23+$0x3380]  }
0x4e: {  	v18 =	vld [tilespmem:s26+$0x1000];
	_ =	sdelay $0x1  }
0x4f: {  	v19 =	vld [tilespmem:s23+$0x5380];
	_ =	sdelay $0x1  }
0x50: {  	v20 =	vld [tilespmem:s23+$0x7380]  }
0x51: {  	v17 =	vmul.f32 v17, v15;
	v18 =	vmul.f32 v18, v14;
	_ =	sdelay $0x1  }
0x52: {  	v17 =	vadd.f32 v17, v18;
	v18 =	vmul.f32 v19, v16;
	_ =	sdelay $0x1  }
0x53: {  	v17 =	vadd.f32 v18, v17;
	v18 =	vmul.f32 v20, v13;
	_ =	sdelay $0x1  }
0x54: {  	s24 =	sadd.s32 $0x80, s24;
	v17 =	vadd.f32 v18, v17  }
0x55: {  	s28 =	sand.u32 $0x1C00, s24;
	s23 =	sand.u32 $0x70, s25  }
0x56: {  	s23 =	sor.u32 s23, s28;
	[tilespmem:s26+$0x11000] =	vst v17  }
0x57: {  	v21 =	vld [tilespmem:s23+$0x7000]  }
0x58: {  	v22 =	vld [tilespmem:s23+$0x7080]  }
0x59: {  	v25 =	vld [tilespmem:s23+$0x7100]  }
0x5a: {  	v30 =	vld [tilespmem:s23+$0x7180]  }
0x5b: {  	v17 =	vld [tilespmem:s23+$0x7200]  }
0x5c: {  	v26 =	vld [tilespmem:s23+$0x5000]  }
0x5d: {  	v36 =	vld [tilespmem:s23+$0x5080]  }
0x5e: {  	v20 =	vld [tilespmem:s23+$0x5100]  }
0x5f: {  	v19 =	vld [tilespmem:s23+$0x5180]  }
0x60: {  	v18 =	vld [tilespmem:s23+$0x5200]  }
0x61: {  	v28 =	vld [tilespmem:s23+$0x1000]  }
0x62: {  	v29 =	vld [tilespmem:s23+$0x3000]  }
0x63: {  	v32 =	vld [tilespmem:s23+$0x1080]  }
0x64: {  	v33 =	vld [tilespmem:s23+$0x3080]  }
0x65: {  	v34 =	vld [tilespmem:s23+$0x1100]  }
0x66: {  	v35 =	vld [tilespmem:s23+$0x3100]  }
0x67: {  	v27 =	vmul.f32 v21, v13;
	v23 =	vmul.f32 v22, v13;
	v24 =	vld [tilespmem:s23+$0x1180]  }
.Ltmp0:
0x68: {  	v22 =	vmul.f32 v25, v13;
	v31 =	vmul.f32 v26, v16;
	v25 =	vld [tilespmem:s23+$0x3180];
	(pc) =	sbr.rel @p0 .LBB2_3-.Ltmp0, $4  }
0x69: {  	v21 =	vmul.f32 v28, v14;
	v29 =	vmul.f32 v29, v15;
	v26 =	vld [tilespmem:s23+$0x1200]  }
0x6a: {  	v37 =	vmul.f32 v32, v14;
	v38 =	vmul.f32 v33, v15;
	v28 =	vld [tilespmem:s23+$0x3200]  }
0x6b: {  	v32 =	vadd.f32 v29, v21;
	v33 =	vmul.f32 v34, v14;
	v35 =	vmul.f32 v35, v15;
	v29 =	vld [tilespmem:s23+$0x1280]  }
0x6c: {  	s25 =	sadd.s32 $0x10, s25;
	v36 =	vmul.f32 v36, v16;
	v21 =	vmul.f32 v30, v13;
	v34 =	vadd.f32 v38, v37;
	v30 =	vld [tilespmem:s23+$0x3280]  }
0x6d: {  	v31 =	vadd.f32 v31, v32  }
0x6e: {  	v56 =	vadd.f32 v35, v33;
	v20 =	vmul.f32 v20, v16;
	v57 =	vld [tilespmem:s23+$0x1300];
	v19 =	vmul.f32 v19, v16  }
0x6f: {  	v58 =	vld [tilespmem:s23+$0x3300];
	v24 =	vmul.f32 v24, v14;
	v25 =	vmul.f32 v25, v15  }
0x70: {  	v17 =	vmul.f32 v17, v13;
	v27 =	vadd.f32 v27, v31;
	v20 =	vadd.f32 v20, v56;
	v31 =	vld [tilespmem:s23+$0x5280]  }
0x71: {  	v18 =	vmul.f32 v18, v16;
	v59 =	vld [tilespmem:s23+$0x5300];
	v34 =	vadd.f32 v36, v34;
	v24 =	vadd.f32 v25, v24  }
0x72: {  	v20 =	vadd.f32 v22, v20;
	v22 =	vmul.f32 v26, v14;
	v26 =	vmul.f32 v28, v15;
	v28 =	vld [tilespmem:s23+$0x7280]  }
0x73: {  	v23 =	vadd.f32 v23, v34;
	v25 =	vmul.f32 v29, v14;
	v29 =	vmul.f32 v30, v15;
	v30 =	vld [tilespmem:s23+$0x7300]  }
0x74: {  	v60 =	vmul.f32 v58, v15;
	v22 =	vadd.f32 v26, v22;
	v26 =	vmul.f32 v57, v14  }
0x75: {  	v19 =	vadd.f32 v19, v24;
	v24 =	vadd.f32 v29, v25;
	v25 =	vmul.f32 v31, v16  }
0x76: {  	[tilespmem:s23+$0x11000] =	vst v27;
	v18 =	vadd.f32 v18, v22;
	v22 =	vadd.f32 v60, v26;
	v26 =	vmul.f32 v59, v16  }
0x77: {  	[tilespmem:s23+$0x11080] =	vst v23;
	v19 =	vadd.f32 v21, v19;
	v21 =	vadd.f32 v25, v24;
	v23 =	vmul.f32 v28, v13  }
0x78: {  	[tilespmem:s23+$0x11100] =	vst v20;
	v20 =	vmul.f32 v30, v13;
	v17 =	vadd.f32 v17, v18;
	v18 =	vadd.f32 v26, v22  }
0x79: {  	[tilespmem:s23+$0x11180] =	vst v19;
	v19 =	vadd.f32 v23, v21  }
0x7a: {  	[tilespmem:s23+$0x11200] =	vst v17;
	v17 =	vadd.f32 v20, v18  }
0x7b: {  	s22 =	sor.u32 s24, s22;
	[tilespmem:s23+$0x11280] =	vst v19  }
0x7c: {  	s24 =	sor.u32 $0x380, s22;
	[tilespmem:s23+$0x11300] =	vst v17;
	v17 =	vld [tilespmem:s23+$0x3380]  }
0x7d: {  	v18 =	vld [tilespmem:s24+$0x1000];
	_ =	sdelay $0x1  }
0x7e: {  	v19 =	vld [tilespmem:s23+$0x5380];
	_ =	sdelay $0x1  }
0x7f: {  	v20 =	vld [tilespmem:s23+$0x7380]  }
0x80: {  	v15 =	vmul.f32 v17, v15;
	v14 =	vmul.f32 v18, v14;
	_ =	sdelay $0x1  }
0x81: {  	v14 =	vadd.f32 v15, v14;
	v15 =	vmul.f32 v19, v16;
	_ =	sdelay $0x1  }
0x82: {  	v13 =	vmul.f32 v20, v13;
	v14 =	vadd.f32 v15, v14;
	_ =	sdelay $0x1  }
0x83: {  	v13 =	vadd.f32 v13, v14  }
0x84: {  	s22 =	sshllo.u32 s21, $0x1  }
0x85: {  	[tilespmem:s24+$0x11000] =	vst v13;
	s24 =	sshll.u32 s22, $0x7  }
0x86: {  	v13 =	vld.msk [tilespmem:s24+$0x0], $0xf;
	_ =	sdelay $0x4  }
0x87: {  	v13 =	vshll.u32 v13, $0xD  }
0x88: {  	v13 =	vperm.xlane v13, v0;
	_ =	sdelay $0x4  }
0x89: {  	s28 =	simm.s32 $0x0  }
0x8a: {  	[tilespmem:s14], [sflag:$0x1] =	stream.indirect_vreg.gather [hbm4b:s2+s28], $0x2000, v13, vm0, $0x38;
	[tilespmem:$0x15000] =	vst v63  }
0x8b: {  	_ =	swait.ge [sflag:s18], $0x8000  }
0x8c: {  	s31 =	sand.u32 $0x70, s28;
	s25 =	sand.u32 $0x1C00, s28;
	[sflag:s18] =	ssyncset.done $0x0  }
0x8d: {  	s25 =	sor.u32 s31, s25;
	[sflag:s18] =	ssyncadd.s32 $0xFFFF8000  }
0x8e: {  	v20 =	vld [tilespmem:s25+$0xF300]  }
0x8f: {  	v17 =	vld [tilespmem:s25+$0x11180]  }
0x90: {  	v28 =	vld [tilespmem:s25+$0xD300]  }
0x91: {  	v13 =	vld [tilespmem:s25+$0xD280]  }
0x92: {  	v19 =	vld [tilespmem:s25+$0xD180]  }
0x93: {  	v15 =	vld [tilespmem:s25+$0xB300]  }
0x94: {  	v22 =	vld [tilespmem:s25+$0xD000]  }
0x95: {  	v61 =	vld [tilespmem:s25+$0x11300]  }
0x96: {  	v16 =	vld [tilespmem:s25+$0xD080]  }
0x97: {  	v14 =	vld [tilespmem:s25+$0x11280]  }
0x98: {  	v26 =	vld [tilespmem:s25+$0x9300]  }
0x99: {  	v23 =	vld [tilespmem:s25+$0xB080]  }
0x9a: {  	v21 =	vld [tilespmem:s25+$0xB180]  }
0x9b: {  	v62 =	vld [tilespmem:s25+$0xB100]  }
0x9c: {  	v24 =	vld [tilespmem:s25+$0x11200]  }
0x9d: {  	v18 =	vld [tilespmem:s25+$0xD200]  }
0x9e: {  	v25 =	vld [tilespmem:s25+$0xB280]  }
0x9f: {  	v30 =	vld [tilespmem:s25+$0x9200]  }
0xa0: {  	v27 =	vld [tilespmem:s25+$0x9100]  }
0xa1: {  	v33 =	vld [tilespmem:s25+$0x9180];
	v29 =	vmul.f32 v15, v10;
	v23 =	vmul.f32 v23, v10  }
0xa2: {  	v31 =	vld [tilespmem:s25+$0x9080];
	v63 =	vmul.f32 v26, v12;
	v16 =	vmul.f32 v16, v11  }
0xa3: {  	v32 =	vld [tilespmem:s25+$0x11080];
	v15 =	vmul.f32 v62, v10;
	v19 =	vmul.f32 v19, v11  }
0xa4: {  	s29 =	simm.s32 $0x10;
	s26 =	sor.u32 s28, s28;
	s23 =	sshll.u32 s21, $0x1;
	v26 =	vld [tilespmem:s25+$0x9280];
	v13 =	vmul.f32 v13, v11;
	v28 =	vmul.f32 v28, v11;
	v34 =	vadd.f32 v63, v61  }
.LBB2_5:
0xa5: {  	p0 =	sne.s32 s29, $0x3F0  }
0xa6: {  	v35 =	vld [tilespmem:s25+$0x9000];
	v20 =	vmul.f32 v20, v9;
	s28 =	sadd.s32 $0x80, s28;
	s30 =	smov.u32 s29;
	s29 =	sadd.s32 $0x10, s29  }
0xa7: {  	v30 =	vmul.f32 v30, v12;
	s31 =	sor.u32 s28, s30;
	v36 =	vld [tilespmem:s25+$0xB000];
	v33 =	vmul.f32 v33, v12;
	v29 =	vadd.f32 v29, v34  }
0xa8: {  	v22 =	vmul.f32 v22, v11;
	v31 =	vmul.f32 v31, v12;
	v34 =	vld [tilespmem:s25+$0x11100]  }
0xa9: {  	v27 =	vmul.f32 v27, v12;
	v25 =	vmul.f32 v25, v10;
	v17 =	vadd.f32 v33, v17;
	v33 =	vld [tilespmem:s25+$0xB200]  }
0xaa: {  	v21 =	vmul.f32 v21, v10;
	v24 =	vadd.f32 v30, v24;
	v37 =	vld [tilespmem:s25+$0x11000];
	v31 =	vadd.f32 v31, v32  }
0xab: {  	v26 =	vmul.f32 v26, v12;
	v30 =	vmul.f32 v35, v12;
	v32 =	vld [tilespmem:s25+$0xF180]  }
0xac: {  	v28 =	vadd.f32 v28, v29;
	v35 =	vld [tilespmem:s25+$0xD100]  }
0xad: {  	v18 =	vmul.f32 v18, v11;
	v23 =	vadd.f32 v23, v31;
	v27 =	vadd.f32 v27, v34;
	v29 =	vld [tilespmem:s25+$0xF200]  }
0xae: {  	v17 =	vadd.f32 v21, v17;
	v20 =	vadd.f32 v20, v28;
	v31 =	vld [tilespmem:s25+$0xF080];
	v21 =	vmul.f32 v33, v10  }
0xaf: {  	v14 =	vadd.f32 v26, v14;
	v28 =	vadd.f32 v30, v37;
	v30 =	vmul.f32 v36, v10;
	v33 =	vld [tilespmem:s25+$0xF000]  }
0xb0: {  	v17 =	vadd.f32 v19, v17;
	v26 =	vld [tilespmem:s25+$0xF100];
	v19 =	vmul.f32 v32, v9;
	v21 =	vadd.f32 v21, v24  }
0xb1: {  	v14 =	vadd.f32 v25, v14;
	v24 =	vadd.f32 v30, v28;
	v28 =	vmul.f32 v35, v11;
	v25 =	vld [tilespmem:s25+$0xF280]  }
0xb2: {  	v17 =	vadd.f32 v19, v17;
	v18 =	vadd.f32 v18, v21;
	v19 =	vmul.f32 v29, v9;
	[tilespmem:s25+$0x11300] =	vst v20  }
0xb3: {  	v16 =	vadd.f32 v16, v23;
	v15 =	vadd.f32 v15, v27;
	v20 =	vmul.f32 v31, v9  }
0xb4: {  	v21 =	vadd.f32 v22, v24;
	v22 =	vmul.f32 v33, v9;
	v18 =	vadd.f32 v19, v18  }
0xb5: {  	v15 =	vadd.f32 v28, v15;
	v16 =	vadd.f32 v20, v16;
	v19 =	vmul.f32 v26, v9;
	[tilespmem:s25+$0x11180] =	vst v17  }
0xb6: {  	v13 =	vadd.f32 v13, v14;
	v17 =	vadd.f32 v22, v21;
	[tilespmem:s25+$0x11200] =	vst v18;
	v14 =	vmul.f32 v25, v9  }
0xb7: {  	[tilespmem:s25+$0x11080] =	vst v16;
	v15 =	vadd.f32 v19, v15  }
0xb8: {  	[tilespmem:s25+$0x11000] =	vst v17;
	v13 =	vadd.f32 v14, v13  }
0xb9: {  	[tilespmem:s25+$0x11100] =	vst v15  }
0xba: {  	s1 =	sor.u32 $0x380, s26;
	s26 =	smov.u32 s31;
	[tilespmem:s25+$0x11280] =	vst v13  }
0xbb: {  	v13 =	vld [tilespmem:s1+$0x9000]  }
0xbc: {  	v14 =	vld [tilespmem:s1+$0x11000]  }
0xbd: {  	v15 =	vld [tilespmem:s25+$0xB380];
	_ =	sdelay $0x1  }
0xbe: {  	v16 =	vld [tilespmem:s25+$0xD380]  }
0xbf: {  	v13 =	vmul.f32 v13, v12  }
0xc0: {  	s30 =	sand.u32 $0x70, s30;
	s31 =	sand.u32 $0x1C00, s28;
	v17 =	vld [tilespmem:s25+$0xF380]  }
0xc1: {  	s25 =	sor.u32 s30, s31;
	v13 =	vadd.f32 v13, v14;
	v14 =	vmul.f32 v15, v10;
	_ =	sdelay $0x1  }
0xc2: {  	v13 =	vadd.f32 v14, v13;
	v14 =	vmul.f32 v16, v11;
	_ =	sdelay $0x1  }
0xc3: {  	v13 =	vadd.f32 v14, v13;
	v14 =	vmul.f32 v17, v9;
	_ =	sdelay $0x1  }
0xc4: {  	v13 =	vadd.f32 v14, v13;
	_ =	sdelay $0x1  }
0xc5: {  	[tilespmem:s1+$0x11000] =	vst v13  }
0xc6: {  	v20 =	vld [tilespmem:s25+$0xF300]  }
0xc7: {  	v17 =	vld [tilespmem:s25+$0x11180]  }
0xc8: {  	v28 =	vld [tilespmem:s25+$0xD300]  }
0xc9: {  	v13 =	vld [tilespmem:s25+$0xD280]  }
0xca: {  	v19 =	vld [tilespmem:s25+$0xD180]  }
0xcb: {  	v15 =	vld [tilespmem:s25+$0xB300]  }
0xcc: {  	v22 =	vld [tilespmem:s25+$0xD000]  }
0xcd: {  	v34 =	vld [tilespmem:s25+$0x11300]  }
0xce: {  	v16 =	vld [tilespmem:s25+$0xD080]  }
0xcf: {  	v14 =	vld [tilespmem:s25+$0x11280]  }
0xd0: {  	v26 =	vld [tilespmem:s25+$0x9300]  }
0xd1: {  	v23 =	vld [tilespmem:s25+$0xB080]  }
0xd2: {  	v21 =	vld [tilespmem:s25+$0xB180]  }
0xd3: {  	v32 =	vld [tilespmem:s25+$0xB100]  }
0xd4: {  	v24 =	vld [tilespmem:s25+$0x11200]  }
0xd5: {  	v18 =	vld [tilespmem:s25+$0xD200]  }
0xd6: {  	v29 =	vmul.f32 v15, v10;
	v25 =	vld [tilespmem:s25+$0xB280]  }
0xd7: {  	v23 =	vmul.f32 v23, v10;
	v30 =	vld [tilespmem:s25+$0x9200]  }
.Ltmp1:
0xd8: {  	v27 =	vld [tilespmem:s25+$0x9100];
	(pc) =	sbr.rel @p0 .LBB2_5-.Ltmp1, $4  }
0xd9: {  	v35 =	vmul.f32 v26, v12;
	v33 =	vld [tilespmem:s25+$0x9180]  }
0xda: {  	v16 =	vmul.f32 v16, v11;
	v15 =	vmul.f32 v32, v10;
	v31 =	vld [tilespmem:s25+$0x9080]  }
0xdb: {  	v19 =	vmul.f32 v19, v11;
	v26 =	vld [tilespmem:s25+$0x9280]  }
0xdc: {  	v28 =	vmul.f32 v28, v11;
	v13 =	vmul.f32 v13, v11;
	v34 =	vadd.f32 v35, v34;
	v32 =	vld [tilespmem:s25+$0x11080]  }
0xdd: {  	v35 =	vld [tilespmem:s25+$0x9000]  }
0xde: {  	v20 =	vmul.f32 v20, v9;
	v37 =	vld [tilespmem:s25+$0x11100]  }
0xdf: {  	v36 =	vld [tilespmem:s25+$0xB000];
	v30 =	vmul.f32 v30, v12;
	v27 =	vmul.f32 v27, v12  }
0xe0: {  	v52 =	vld [tilespmem:s25+$0xB200];
	v25 =	vmul.f32 v25, v10;
	v33 =	vmul.f32 v33, v12;
	v29 =	vadd.f32 v29, v34  }
0xe1: {  	v53 =	vld [tilespmem:s25+$0x11000];
	v21 =	vmul.f32 v21, v10;
	v31 =	vmul.f32 v31, v12;
	v24 =	vadd.f32 v30, v24  }
0xe2: {  	v18 =	vmul.f32 v18, v11;
	v30 =	vld [tilespmem:s25+$0xF180];
	v17 =	vadd.f32 v33, v17;
	v28 =	vadd.f32 v28, v29  }
0xe3: {  	v55 =	vld [tilespmem:s25+$0xD100];
	v26 =	vmul.f32 v26, v12;
	v31 =	vadd.f32 v31, v32;
	v27 =	vadd.f32 v27, v37  }
0xe4: {  	v29 =	vld [tilespmem:s25+$0xF200];
	v54 =	vmul.f32 v35, v12;
	v17 =	vadd.f32 v21, v17;
	v20 =	vadd.f32 v20, v28  }
0xe5: {  	v21 =	vmul.f32 v52, v10;
	v14 =	vadd.f32 v26, v14;
	v23 =	vadd.f32 v23, v31;
	v31 =	vld [tilespmem:s25+$0xF080]  }
0xe6: {  	v57 =	vld [tilespmem:s25+$0xF000];
	v56 =	vmul.f32 v36, v10;
	v28 =	vadd.f32 v54, v53;
	v17 =	vadd.f32 v19, v17  }
0xe7: {  	v26 =	vld [tilespmem:s25+$0xF100];
	v19 =	vmul.f32 v30, v9;
	v21 =	vadd.f32 v21, v24;
	v14 =	vadd.f32 v25, v14  }
0xe8: {  	v22 =	vmul.f32 v22, v11;
	v25 =	vld [tilespmem:s25+$0xF280];
	v15 =	vadd.f32 v15, v27;
	v24 =	vadd.f32 v56, v28  }
0xe9: {  	v17 =	vadd.f32 v19, v17;
	v18 =	vadd.f32 v18, v21;
	v19 =	vmul.f32 v29, v9  }
0xea: {  	v16 =	vadd.f32 v16, v23;
	v28 =	vmul.f32 v55, v11;
	v21 =	vmul.f32 v31, v9  }
0xeb: {  	[tilespmem:s25+$0x11300] =	vst v20;
	v20 =	vadd.f32 v22, v24;
	v22 =	vmul.f32 v57, v9;
	v18 =	vadd.f32 v19, v18  }
0xec: {  	v15 =	vadd.f32 v28, v15;
	v19 =	vmul.f32 v26, v9;
	[tilespmem:s25+$0x11180] =	vst v17;
	v16 =	vadd.f32 v21, v16  }
0xed: {  	v13 =	vadd.f32 v13, v14;
	v14 =	vmul.f32 v25, v9;
	v17 =	vadd.f32 v22, v20;
	[tilespmem:s25+$0x11200] =	vst v18  }
0xee: {  	v15 =	vadd.f32 v19, v15;
	[tilespmem:s25+$0x11080] =	vst v16  }
0xef: {  	v13 =	vadd.f32 v14, v13;
	[tilespmem:s25+$0x11000] =	vst v17  }
0xf0: {  	[tilespmem:s25+$0x11100] =	vst v15  }
0xf1: {  	s1 =	sor.u32 $0x380, s26;
	[tilespmem:s25+$0x11280] =	vst v13  }
0xf2: {  	v13 =	vld [tilespmem:s1+$0x9000]  }
0xf3: {  	v15 =	vld [tilespmem:s25+$0xB380]  }
0xf4: {  	v14 =	vld [tilespmem:s1+$0x11000];
	_ =	sdelay $0x1  }
0xf5: {  	v16 =	vld [tilespmem:s25+$0xD380]  }
0xf6: {  	v12 =	vmul.f32 v13, v12  }
0xf7: {  	v13 =	vld [tilespmem:s25+$0xF380]  }
0xf8: {  	v10 =	vmul.f32 v15, v10;
	v12 =	vadd.f32 v12, v14;
	_ =	sdelay $0x1  }
0xf9: {  	v11 =	vmul.f32 v16, v11;
	v10 =	vadd.f32 v10, v12;
	_ =	sdelay $0x1  }
0xfa: {  	v9 =	vmul.f32 v13, v9;
	v10 =	vadd.f32 v11, v10;
	_ =	sdelay $0x1  }
0xfb: {  	v9 =	vadd.f32 v9, v10;
	_ =	sdelay $0x1  }
0xfc: {  	[tilespmem:s1+$0x11000] =	vst v9  }
0xfd: {  	v9 =	vld.msk [tilespmem:s24+$0x8], $0xf;
	_ =	sdelay $0x4  }
0xfe: {  	v9 =	vshll.u32 v9, $0xD  }
0xff: {  	v9 =	vperm.xlane v9, v0;
	_ =	sdelay $0x3  }
0x100: {  	s29 =	sadd.s32 s4, s23  }
0x101: {  	s25 =	simm.s32 $0x0;
	s1 =	sshll.u32 s29, $0xA  }
0x102: {  	[tilespmem:s15], [sflag:$0x2] =	stream.indirect_vreg.gather [hbm4b:s2+s25], $0x2000, v9, vm0, $0x38;
	[tilespmem:$0x15000] =	vst v63  }
0x103: {  	s1 =	sadd.s32 s5, s1  }
0x104: {  	[hbm4b:s1+s25] =	stream.linear.scatter [tilespmem:s12], [sflag:$0x3], $0x2000, $0x38;
	[tilespmem:$0x15000] =	vst v63  }
0x105: {  	v9 =	vld [tilespmem:s24+$0x800];
	_ =	swait.ge [sflag:s19], $0x2000  }
0x106: {  	[sflag:s19] =	ssyncset.done $0x0  }
0x107: {  	[sflag:s19] =	ssyncadd.s32 $0xFFFFE000  }
0x108: {  	_ =	swait.ge [sflag:s17], $0x8000  }
0x109: {  	s30 =	sand.u32 $0x70, s25;
	s31 =	sand.u32 $0x1C00, s25;
	[sflag:s17] =	ssyncset.done $0x0  }
0x10a: {  	s24 =	sor.u32 s30, s31;
	[sflag:s17] =	ssyncadd.s32 $0xFFFF8000  }
0x10b: {  	v21 =	vld [tilespmem:s24+$0x7000]  }
0x10c: {  	v22 =	vld [tilespmem:s24+$0x7080]  }
0x10d: {  	v25 =	vld [tilespmem:s24+$0x7100]  }
0x10e: {  	v30 =	vld [tilespmem:s24+$0x7180]  }
0x10f: {  	v17 =	vld [tilespmem:s24+$0x7200]  }
0x110: {  	v26 =	vld [tilespmem:s24+$0x5000]  }
0x111: {  	v58 =	vld [tilespmem:s24+$0x5080]  }
0x112: {  	v20 =	vld [tilespmem:s24+$0x5100]  }
0x113: {  	v19 =	vld [tilespmem:s24+$0x5180]  }
0x114: {  	v18 =	vld [tilespmem:s24+$0x5200]  }
0x115: {  	v28 =	vld [tilespmem:s24+$0x1000]  }
0x116: {  	v29 =	vld [tilespmem:s24+$0x3000]  }
0x117: {  	v14 =	vperm.xlane v9, v1;
	v15 =	vperm.xlane v9, v2;
	v59 =	vld [tilespmem:s24+$0x1080]  }
0x118: {  	v16 =	vperm.xlane v9, v3;
	v13 =	vperm.xlane v9, v4;
	v60 =	vld [tilespmem:s24+$0x3080]  }
0x119: {  	v12 =	vperm.xlane v9, v5;
	v10 =	vperm.xlane v9, v6;
	v61 =	vld [tilespmem:s24+$0x1100]  }
0x11a: {  	v11 =	vperm.xlane v9, v7;
	v9 =	vperm.xlane v9, v8;
	v62 =	vld [tilespmem:s24+$0x3100]  }
0x11b: {  	v24 =	vld [tilespmem:s24+$0x1180];
	v27 =	vmul.f32 v21, v13;
	v23 =	vmul.f32 v22, v13  }
0x11c: {  	v31 =	vmul.f32 v26, v16;
	v22 =	vmul.f32 v25, v13;
	v25 =	vld [tilespmem:s24+$0x3180]  }
0x11d: {  	v21 =	vmul.f32 v28, v14;
	v29 =	vmul.f32 v29, v15;
	v26 =	vld [tilespmem:s24+$0x1200]  }
0x11e: {  	v63 =	vmul.f32 v59, v14;
	v38 =	vmul.f32 v60, v15;
	v28 =	vld [tilespmem:s24+$0x3200]  }
0x11f: {  	v33 =	vmul.f32 v61, v14;
	v35 =	vmul.f32 v62, v15;
	v32 =	vadd.f32 v29, v21;
	v29 =	vld [tilespmem:s24+$0x1280]  }
0x120: {  	s28 =	simm.s32 $0x10;
	s26 =	simm.s32 $0x0;
	v36 =	vmul.f32 v58, v16;
	v34 =	vadd.f32 v38, v63;
	v21 =	vmul.f32 v30, v13;
	v30 =	vld [tilespmem:s24+$0x3280]  }
.LBB2_7:
0x121: {  	p0 =	sne.s32 s28, $0x3F0;
	v31 =	vadd.f32 v31, v32;
	v32 =	vadd.f32 v35, v33;
	v20 =	vmul.f32 v20, v16;
	v33 =	vld [tilespmem:s24+$0x1300]  }
0x122: {  	v19 =	vmul.f32 v19, v16;
	v17 =	vmul.f32 v17, v13;
	v34 =	vadd.f32 v36, v34;
	v35 =	vld [tilespmem:s24+$0x3300]  }
0x123: {  	v18 =	vmul.f32 v18, v16;
	v27 =	vadd.f32 v27, v31;
	v20 =	vadd.f32 v20, v32;
	v31 =	vld [tilespmem:s24+$0x5280]  }
0x124: {  	v24 =	vmul.f32 v24, v14;
	v25 =	vmul.f32 v25, v15;
	v23 =	vadd.f32 v23, v34;
	v32 =	vld [tilespmem:s24+$0x5300]  }
0x125: {  	v20 =	vadd.f32 v22, v20;
	v22 =	vmul.f32 v26, v14;
	v26 =	vmul.f32 v28, v15;
	v28 =	vld [tilespmem:s24+$0x7280]  }
0x126: {  	v24 =	vadd.f32 v25, v24;
	v25 =	vmul.f32 v29, v14;
	v29 =	vmul.f32 v30, v15;
	v30 =	vld [tilespmem:s24+$0x7300]  }
0x127: {  	v22 =	vadd.f32 v26, v22;
	v26 =	vmul.f32 v33, v14;
	v33 =	vmul.f32 v35, v15  }
0x128: {  	v19 =	vadd.f32 v19, v24;
	v24 =	vadd.f32 v29, v25;
	v25 =	vmul.f32 v31, v16  }
0x129: {  	[tilespmem:s24+$0x13000] =	vst v27;
	v18 =	vadd.f32 v18, v22;
	v22 =	vadd.f32 v33, v26;
	v26 =	vmul.f32 v32, v16  }
0x12a: {  	v19 =	vadd.f32 v21, v19;
	[tilespmem:s24+$0x13080] =	vst v23;
	v21 =	vadd.f32 v25, v24;
	v23 =	vmul.f32 v28, v13  }
0x12b: {  	[tilespmem:s24+$0x13100] =	vst v20;
	v17 =	vadd.f32 v17, v18;
	v18 =	vadd.f32 v26, v22;
	v20 =	vmul.f32 v30, v13  }
0x12c: {  	[tilespmem:s24+$0x13180] =	vst v19;
	v19 =	vadd.f32 v23, v21  }
0x12d: {  	[tilespmem:s24+$0x13200] =	vst v17;
	v17 =	vadd.f32 v20, v18  }
0x12e: {  	s1 =	sor.u32 s26, s25;
	s25 =	smov.u32 s28;
	[tilespmem:s24+$0x13280] =	vst v19  }
0x12f: {  	s1 =	sor.u32 $0x380, s1;
	[tilespmem:s24+$0x13300] =	vst v17;
	v17 =	vld [tilespmem:s24+$0x3380]  }
0x130: {  	v18 =	vld [tilespmem:s1+$0x1000];
	_ =	sdelay $0x1  }
0x131: {  	v19 =	vld [tilespmem:s24+$0x5380];
	_ =	sdelay $0x1  }
0x132: {  	v20 =	vld [tilespmem:s24+$0x7380]  }
0x133: {  	v17 =	vmul.f32 v17, v15;
	v18 =	vmul.f32 v18, v14;
	_ =	sdelay $0x1  }
0x134: {  	v17 =	vadd.f32 v17, v18;
	v18 =	vmul.f32 v19, v16;
	_ =	sdelay $0x1  }
0x135: {  	v17 =	vadd.f32 v18, v17;
	v18 =	vmul.f32 v20, v13;
	_ =	sdelay $0x1  }
0x136: {  	s26 =	sadd.s32 $0x80, s26;
	v17 =	vadd.f32 v18, v17  }
0x137: {  	s29 =	sand.u32 $0x1C00, s26;
	s24 =	sand.u32 $0x70, s28  }
0x138: {  	s24 =	sor.u32 s24, s29;
	[tilespmem:s1+$0x13000] =	vst v17  }
0x139: {  	v21 =	vld [tilespmem:s24+$0x7000]  }
0x13a: {  	v22 =	vld [tilespmem:s24+$0x7080]  }
0x13b: {  	v25 =	vld [tilespmem:s24+$0x7100]  }
0x13c: {  	v30 =	vld [tilespmem:s24+$0x7180]  }
0x13d: {  	v17 =	vld [tilespmem:s24+$0x7200]  }
0x13e: {  	v26 =	vld [tilespmem:s24+$0x5000]  }
0x13f: {  	v36 =	vld [tilespmem:s24+$0x5080]  }
0x140: {  	v20 =	vld [tilespmem:s24+$0x5100]  }
0x141: {  	v19 =	vld [tilespmem:s24+$0x5180]  }
0x142: {  	v18 =	vld [tilespmem:s24+$0x5200]  }
0x143: {  	v28 =	vld [tilespmem:s24+$0x1000]  }
0x144: {  	v29 =	vld [tilespmem:s24+$0x3000]  }
0x145: {  	v32 =	vld [tilespmem:s24+$0x1080]  }
0x146: {  	v33 =	vld [tilespmem:s24+$0x3080]  }
0x147: {  	v34 =	vld [tilespmem:s24+$0x1100]  }
0x148: {  	v35 =	vld [tilespmem:s24+$0x3100]  }
0x149: {  	v27 =	vmul.f32 v21, v13;
	v23 =	vmul.f32 v22, v13;
	v24 =	vld [tilespmem:s24+$0x1180]  }
.Ltmp2:
0x14a: {  	v22 =	vmul.f32 v25, v13;
	v31 =	vmul.f32 v26, v16;
	v25 =	vld [tilespmem:s24+$0x3180];
	(pc) =	sbr.rel @p0 .LBB2_7-.Ltmp2, $4  }
0x14b: {  	v21 =	vmul.f32 v28, v14;
	v29 =	vmul.f32 v29, v15;
	v26 =	vld [tilespmem:s24+$0x1200]  }
0x14c: {  	v37 =	vmul.f32 v32, v14;
	v38 =	vmul.f32 v33, v15;
	v28 =	vld [tilespmem:s24+$0x3200]  }
0x14d: {  	v32 =	vadd.f32 v29, v21;
	v33 =	vmul.f32 v34, v14;
	v35 =	vmul.f32 v35, v15;
	v29 =	vld [tilespmem:s24+$0x1280]  }
0x14e: {  	s28 =	sadd.s32 $0x10, s28;
	v36 =	vmul.f32 v36, v16;
	v21 =	vmul.f32 v30, v13;
	v34 =	vadd.f32 v38, v37;
	v30 =	vld [tilespmem:s24+$0x3280]  }
0x14f: {  	v31 =	vadd.f32 v31, v32  }
0x150: {  	v57 =	vadd.f32 v35, v33;
	v20 =	vmul.f32 v20, v16;
	v58 =	vld [tilespmem:s24+$0x1300];
	v19 =	vmul.f32 v19, v16  }
0x151: {  	v59 =	vld [tilespmem:s24+$0x3300];
	v24 =	vmul.f32 v24, v14;
	v25 =	vmul.f32 v25, v15  }
0x152: {  	v17 =	vmul.f32 v17, v13;
	v27 =	vadd.f32 v27, v31;
	v20 =	vadd.f32 v20, v57;
	v31 =	vld [tilespmem:s24+$0x5280]  }
0x153: {  	v18 =	vmul.f32 v18, v16;
	v60 =	vld [tilespmem:s24+$0x5300];
	v34 =	vadd.f32 v36, v34;
	v24 =	vadd.f32 v25, v24  }
0x154: {  	v20 =	vadd.f32 v22, v20;
	v22 =	vmul.f32 v26, v14;
	v26 =	vmul.f32 v28, v15;
	v28 =	vld [tilespmem:s24+$0x7280]  }
0x155: {  	v23 =	vadd.f32 v23, v34;
	v25 =	vmul.f32 v29, v14;
	v29 =	vmul.f32 v30, v15;
	v30 =	vld [tilespmem:s24+$0x7300]  }
0x156: {  	v61 =	vmul.f32 v59, v15;
	v22 =	vadd.f32 v26, v22;
	v26 =	vmul.f32 v58, v14  }
0x157: {  	v19 =	vadd.f32 v19, v24;
	v24 =	vadd.f32 v29, v25;
	v25 =	vmul.f32 v31, v16  }
0x158: {  	[tilespmem:s24+$0x13000] =	vst v27;
	v18 =	vadd.f32 v18, v22;
	v22 =	vadd.f32 v61, v26;
	v26 =	vmul.f32 v60, v16  }
0x159: {  	[tilespmem:s24+$0x13080] =	vst v23;
	v19 =	vadd.f32 v21, v19;
	v21 =	vadd.f32 v25, v24;
	v23 =	vmul.f32 v28, v13  }
0x15a: {  	[tilespmem:s24+$0x13100] =	vst v20;
	v20 =	vmul.f32 v30, v13;
	v17 =	vadd.f32 v17, v18;
	v18 =	vadd.f32 v26, v22  }
0x15b: {  	[tilespmem:s24+$0x13180] =	vst v19;
	v19 =	vadd.f32 v23, v21  }
0x15c: {  	[tilespmem:s24+$0x13200] =	vst v17;
	v17 =	vadd.f32 v20, v18  }
0x15d: {  	s1 =	sor.u32 s26, s25;
	[tilespmem:s24+$0x13280] =	vst v19  }
0x15e: {  	s1 =	sor.u32 $0x380, s1;
	[tilespmem:s24+$0x13300] =	vst v17;
	v17 =	vld [tilespmem:s24+$0x3380]  }
0x15f: {  	v18 =	vld [tilespmem:s1+$0x1000];
	_ =	sdelay $0x1  }
0x160: {  	v19 =	vld [tilespmem:s24+$0x5380];
	_ =	sdelay $0x1  }
0x161: {  	v20 =	vld [tilespmem:s24+$0x7380]  }
0x162: {  	v15 =	vmul.f32 v17, v15;
	v14 =	vmul.f32 v18, v14;
	_ =	sdelay $0x1  }
0x163: {  	v14 =	vadd.f32 v15, v14;
	v15 =	vmul.f32 v19, v16;
	_ =	sdelay $0x1  }
0x164: {  	v13 =	vmul.f32 v20, v13;
	v14 =	vadd.f32 v15, v14;
	_ =	sdelay $0x1  }
0x165: {  	v13 =	vadd.f32 v13, v14  }
0x166: {  	s23 =	smin.u32 s23, $0xD  }
0x167: {  	s23 =	sshll.u32 s23, $0x7;
	[tilespmem:s1+$0x13000] =	vst v13  }
0x168: {  	v13 =	vld.msk [tilespmem:s23+$0x100], $0xf;
	_ =	sdelay $0x4  }
0x169: {  	v13 =	vshll.u32 v13, $0xD  }
0x16a: {  	v13 =	vperm.xlane v13, v0;
	_ =	sdelay $0x4  }
0x16b: {  	s26 =	simm.s32 $0x0  }
0x16c: {  	[tilespmem:s14], [sflag:$0x1] =	stream.indirect_vreg.gather [hbm4b:s2+s26], $0x2000, v13, vm0, $0x38;
	[tilespmem:$0x15000] =	vst v63  }
0x16d: {  	_ =	swait.ge [sflag:s18], $0x8000  }
0x16e: {  	s30 =	sand.u32 $0x70, s26;
	s31 =	sand.u32 $0x1C00, s26;
	[sflag:s18] =	ssyncset.done $0x0  }
0x16f: {  	s24 =	sor.u32 s30, s31;
	[sflag:s18] =	ssyncadd.s32 $0xFFFF8000  }
0x170: {  	v20 =	vld [tilespmem:s24+$0xF300]  }
0x171: {  	v17 =	vld [tilespmem:s24+$0x13180]  }
0x172: {  	v28 =	vld [tilespmem:s24+$0xD300]  }
0x173: {  	v13 =	vld [tilespmem:s24+$0xD280]  }
0x174: {  	v19 =	vld [tilespmem:s24+$0xD180]  }
0x175: {  	v15 =	vld [tilespmem:s24+$0xB300]  }
0x176: {  	v22 =	vld [tilespmem:s24+$0xD000]  }
0x177: {  	v62 =	vld [tilespmem:s24+$0x13300]  }
0x178: {  	v16 =	vld [tilespmem:s24+$0xD080]  }
0x179: {  	v14 =	vld [tilespmem:s24+$0x13280]  }
0x17a: {  	v26 =	vld [tilespmem:s24+$0x9300]  }
0x17b: {  	v23 =	vld [tilespmem:s24+$0xB080]  }
0x17c: {  	v21 =	vld [tilespmem:s24+$0xB180]  }
0x17d: {  	v31 =	vld [tilespmem:s24+$0xB100]  }
0x17e: {  	v24 =	vld [tilespmem:s24+$0x13200]  }
0x17f: {  	v18 =	vld [tilespmem:s24+$0xD200]  }
0x180: {  	v25 =	vld [tilespmem:s24+$0xB280]  }
0x181: {  	v30 =	vld [tilespmem:s24+$0x9200]  }
0x182: {  	v27 =	vld [tilespmem:s24+$0x9100]  }
0x183: {  	v33 =	vld [tilespmem:s24+$0x9180];
	v29 =	vmul.f32 v15, v10;
	v23 =	vmul.f32 v23, v10  }
0x184: {  	v32 =	vld [tilespmem:s24+$0x9080];
	v63 =	vmul.f32 v26, v12;
	v16 =	vmul.f32 v16, v11  }
0x185: {  	v15 =	vmul.f32 v31, v10;
	v19 =	vmul.f32 v19, v11;
	v26 =	vld [tilespmem:s24+$0x9280]  }
0x186: {  	s28 =	simm.s32 $0x10;
	s25 =	sor.u32 s26, s26;
	v31 =	vld [tilespmem:s24+$0x13080];
	v13 =	vmul.f32 v13, v11;
	v28 =	vmul.f32 v28, v11;
	v34 =	vadd.f32 v63, v62  }
.LBB2_9:
0x187: {  	p0 =	sne.s32 s28, $0x3F0  }
0x188: {  	v35 =	vld [tilespmem:s24+$0x9000];
	v20 =	vmul.f32 v20, v9;
	s26 =	sadd.s32 $0x80, s26;
	s29 =	smov.u32 s28;
	s28 =	sadd.s32 $0x10, s28  }
0x189: {  	v30 =	vmul.f32 v30, v12;
	s30 =	sor.u32 s26, s29;
	v36 =	vld [tilespmem:s24+$0xB000];
	v33 =	vmul.f32 v33, v12;
	v29 =	vadd.f32 v29, v34  }
0x18a: {  	v22 =	vmul.f32 v22, v11;
	v32 =	vmul.f32 v32, v12;
	v34 =	vld [tilespmem:s24+$0x13100]  }
0x18b: {  	v27 =	vmul.f32 v27, v12;
	v25 =	vmul.f32 v25, v10;
	v17 =	vadd.f32 v33, v17;
	v33 =	vld [tilespmem:s24+$0xB200]  }
0x18c: {  	v21 =	vmul.f32 v21, v10;
	v24 =	vadd.f32 v30, v24;
	v37 =	vld [tilespmem:s24+$0x13000];
	v31 =	vadd.f32 v32, v31  }
0x18d: {  	v26 =	vmul.f32 v26, v12;
	v30 =	vmul.f32 v35, v12;
	v32 =	vld [tilespmem:s24+$0xF180]  }
0x18e: {  	v28 =	vadd.f32 v28, v29;
	v35 =	vld [tilespmem:s24+$0xD100]  }
0x18f: {  	v18 =	vmul.f32 v18, v11;
	v23 =	vadd.f32 v23, v31;
	v27 =	vadd.f32 v27, v34;
	v29 =	vld [tilespmem:s24+$0xF200]  }
0x190: {  	v17 =	vadd.f32 v21, v17;
	v20 =	vadd.f32 v20, v28;
	v31 =	vld [tilespmem:s24+$0xF080];
	v21 =	vmul.f32 v33, v10  }
0x191: {  	v14 =	vadd.f32 v26, v14;
	v28 =	vadd.f32 v30, v37;
	v30 =	vmul.f32 v36, v10;
	v33 =	vld [tilespmem:s24+$0xF000]  }
0x192: {  	v17 =	vadd.f32 v19, v17;
	v26 =	vld [tilespmem:s24+$0xF100];
	v19 =	vmul.f32 v32, v9;
	v21 =	vadd.f32 v21, v24  }
0x193: {  	v14 =	vadd.f32 v25, v14;
	v24 =	vadd.f32 v30, v28;
	v28 =	vmul.f32 v35, v11;
	v25 =	vld [tilespmem:s24+$0xF280]  }
0x194: {  	v17 =	vadd.f32 v19, v17;
	v18 =	vadd.f32 v18, v21;
	v19 =	vmul.f32 v29, v9;
	[tilespmem:s24+$0x13300] =	vst v20  }
0x195: {  	v16 =	vadd.f32 v16, v23;
	v15 =	vadd.f32 v15, v27;
	v20 =	vmul.f32 v31, v9  }
0x196: {  	v21 =	vadd.f32 v22, v24;
	v22 =	vmul.f32 v33, v9;
	v18 =	vadd.f32 v19, v18  }
0x197: {  	v15 =	vadd.f32 v28, v15;
	v16 =	vadd.f32 v20, v16;
	v19 =	vmul.f32 v26, v9;
	[tilespmem:s24+$0x13180] =	vst v17  }
0x198: {  	v13 =	vadd.f32 v13, v14;
	v17 =	vadd.f32 v22, v21;
	[tilespmem:s24+$0x13200] =	vst v18;
	v14 =	vmul.f32 v25, v9  }
0x199: {  	[tilespmem:s24+$0x13080] =	vst v16;
	v15 =	vadd.f32 v19, v15  }
0x19a: {  	[tilespmem:s24+$0x13000] =	vst v17;
	v13 =	vadd.f32 v14, v13  }
0x19b: {  	[tilespmem:s24+$0x13100] =	vst v15  }
0x19c: {  	s1 =	sor.u32 $0x380, s25;
	s25 =	smov.u32 s30;
	[tilespmem:s24+$0x13280] =	vst v13  }
0x19d: {  	v13 =	vld [tilespmem:s1+$0x9000]  }
0x19e: {  	v14 =	vld [tilespmem:s1+$0x13000]  }
0x19f: {  	v15 =	vld [tilespmem:s24+$0xB380];
	_ =	sdelay $0x1  }
0x1a0: {  	v16 =	vld [tilespmem:s24+$0xD380]  }
0x1a1: {  	v13 =	vmul.f32 v13, v12  }
0x1a2: {  	s29 =	sand.u32 $0x70, s29;
	s30 =	sand.u32 $0x1C00, s26;
	v17 =	vld [tilespmem:s24+$0xF380]  }
0x1a3: {  	s24 =	sor.u32 s29, s30;
	v13 =	vadd.f32 v13, v14;
	v14 =	vmul.f32 v15, v10;
	_ =	sdelay $0x1  }
0x1a4: {  	v13 =	vadd.f32 v14, v13;
	v14 =	vmul.f32 v16, v11;
	_ =	sdelay $0x1  }
0x1a5: {  	v13 =	vadd.f32 v14, v13;
	v14 =	vmul.f32 v17, v9;
	_ =	sdelay $0x1  }
0x1a6: {  	v13 =	vadd.f32 v14, v13;
	_ =	sdelay $0x1  }
0x1a7: {  	[tilespmem:s1+$0x13000] =	vst v13  }
0x1a8: {  	v20 =	vld [tilespmem:s24+$0xF300]  }
0x1a9: {  	v17 =	vld [tilespmem:s24+$0x13180]  }
0x1aa: {  	v28 =	vld [tilespmem:s24+$0xD300]  }
0x1ab: {  	v13 =	vld [tilespmem:s24+$0xD280]  }
0x1ac: {  	v19 =	vld [tilespmem:s24+$0xD180]  }
0x1ad: {  	v15 =	vld [tilespmem:s24+$0xB300]  }
0x1ae: {  	v22 =	vld [tilespmem:s24+$0xD000]  }
0x1af: {  	v34 =	vld [tilespmem:s24+$0x13300]  }
0x1b0: {  	v16 =	vld [tilespmem:s24+$0xD080]  }
0x1b1: {  	v14 =	vld [tilespmem:s24+$0x13280]  }
0x1b2: {  	v26 =	vld [tilespmem:s24+$0x9300]  }
0x1b3: {  	v23 =	vld [tilespmem:s24+$0xB080]  }
0x1b4: {  	v21 =	vld [tilespmem:s24+$0xB180]  }
0x1b5: {  	v31 =	vld [tilespmem:s24+$0xB100]  }
0x1b6: {  	v24 =	vld [tilespmem:s24+$0x13200]  }
0x1b7: {  	v18 =	vld [tilespmem:s24+$0xD200]  }
0x1b8: {  	v29 =	vmul.f32 v15, v10;
	v25 =	vld [tilespmem:s24+$0xB280]  }
0x1b9: {  	v23 =	vmul.f32 v23, v10;
	v30 =	vld [tilespmem:s24+$0x9200]  }
.Ltmp3:
0x1ba: {  	v27 =	vld [tilespmem:s24+$0x9100];
	(pc) =	sbr.rel @p0 .LBB2_9-.Ltmp3, $4  }
0x1bb: {  	v35 =	vmul.f32 v26, v12;
	v33 =	vld [tilespmem:s24+$0x9180]  }
0x1bc: {  	v16 =	vmul.f32 v16, v11;
	v15 =	vmul.f32 v31, v10;
	v32 =	vld [tilespmem:s24+$0x9080]  }
0x1bd: {  	v19 =	vmul.f32 v19, v11;
	v26 =	vld [tilespmem:s24+$0x9280]  }
0x1be: {  	v28 =	vmul.f32 v28, v11;
	v13 =	vmul.f32 v13, v11;
	v34 =	vadd.f32 v35, v34;
	v31 =	vld [tilespmem:s24+$0x13080]  }
0x1bf: {  	v35 =	vld [tilespmem:s24+$0x9000]  }
0x1c0: {  	v20 =	vmul.f32 v20, v9;
	v36 =	vld [tilespmem:s24+$0xB000];
	v30 =	vmul.f32 v30, v12  }
0x1c1: {  	v37 =	vld [tilespmem:s24+$0x13100];
	v22 =	vmul.f32 v22, v11;
	v27 =	vmul.f32 v27, v12  }
0x1c2: {  	v62 =	vld [tilespmem:s24+$0xB200];
	v25 =	vmul.f32 v25, v10;
	v33 =	vmul.f32 v33, v12  }
0x1c3: {  	v63 =	vld [tilespmem:s24+$0x13000];
	v21 =	vmul.f32 v21, v10;
	v29 =	vadd.f32 v29, v34;
	v32 =	vmul.f32 v32, v12  }
0x1c4: {  	v38 =	vld [tilespmem:s24+$0xF180];
	v18 =	vmul.f32 v18, v11;
	v24 =	vadd.f32 v30, v24;
	v17 =	vadd.f32 v33, v17  }
0x1c5: {  	v40 =	vld [tilespmem:s24+$0xD100];
	v26 =	vmul.f32 v26, v12;
	v28 =	vadd.f32 v28, v29;
	v31 =	vadd.f32 v32, v31  }
0x1c6: {  	v42 =	vld [tilespmem:s24+$0xF080];
	v39 =	vmul.f32 v35, v12;
	v27 =	vadd.f32 v27, v37;
	v17 =	vadd.f32 v21, v17  }
0x1c7: {  	v41 =	vld [tilespmem:s24+$0xF200];
	v43 =	vmul.f32 v62, v10;
	v20 =	vadd.f32 v20, v28;
	v14 =	vadd.f32 v26, v14  }
0x1c8: {  	v47 =	vld [tilespmem:s24+$0xF100];
	v45 =	vmul.f32 v36, v10;
	v23 =	vadd.f32 v23, v31;
	v44 =	vadd.f32 v39, v63  }
0x1c9: {  	v51 =	vld [tilespmem:s24+$0xF280];
	v48 =	vmul.f32 v38, v9;
	v17 =	vadd.f32 v19, v17;
	v21 =	vadd.f32 v43, v24  }
0x1ca: {  	v46 =	vld [tilespmem:s24+$0xF000];
	v50 =	vmul.f32 v40, v11;
	v14 =	vadd.f32 v25, v14;
	v15 =	vadd.f32 v15, v27  }
0x1cb: {  	v53 =	vmul.f32 v42, v9;
	v16 =	vadd.f32 v16, v23;
	v49 =	vadd.f32 v45, v44  }
0x1cc: {  	v52 =	vmul.f32 v41, v9;
	v17 =	vadd.f32 v48, v17;
	v18 =	vadd.f32 v18, v21  }
0x1cd: {  	v56 =	vmul.f32 v47, v9;
	[tilespmem:s24+$0x13300] =	vst v20;
	v15 =	vadd.f32 v50, v15;
	v16 =	vadd.f32 v53, v16  }
0x1ce: {  	v58 =	vmul.f32 v51, v9;
	v13 =	vadd.f32 v13, v14;
	v18 =	vadd.f32 v52, v18;
	[tilespmem:s24+$0x13180] =	vst v17  }
0x1cf: {  	v55 =	vmul.f32 v46, v9;
	v54 =	vadd.f32 v22, v49;
	v15 =	vadd.f32 v56, v15;
	[tilespmem:s24+$0x13080] =	vst v16  }
0x1d0: {  	v13 =	vadd.f32 v58, v13;
	[tilespmem:s24+$0x13200] =	vst v18  }
0x1d1: {  	v57 =	vadd.f32 v55, v54;
	[tilespmem:s24+$0x13100] =	vst v15  }
0x1d2: {  	[tilespmem:s24+$0x13280] =	vst v13  }
0x1d3: {  	s1 =	sor.u32 $0x380, s25;
	[tilespmem:s24+$0x13000] =	vst v57  }
0x1d4: {  	v13 =	vld [tilespmem:s1+$0x9000]  }
0x1d5: {  	v60 =	vld [tilespmem:s24+$0xB380]  }
0x1d6: {  	v59 =	vld [tilespmem:s1+$0x13000];
	_ =	sdelay $0x1  }
0x1d7: {  	v61 =	vld [tilespmem:s24+$0xD380]  }
0x1d8: {  	v62 =	vmul.f32 v13, v12  }
0x1d9: {  	v63 =	vld [tilespmem:s24+$0xF380]  }
0x1da: {  	v10 =	vmul.f32 v60, v10;
	v12 =	vadd.f32 v62, v59;
	_ =	sdelay $0x1  }
0x1db: {  	v11 =	vmul.f32 v61, v11;
	v10 =	vadd.f32 v10, v12;
	_ =	sdelay $0x1  }
0x1dc: {  	v9 =	vmul.f32 v63, v9;
	v10 =	vadd.f32 v11, v10;
	_ =	sdelay $0x1  }
0x1dd: {  	v9 =	vadd.f32 v9, v10;
	_ =	sdelay $0x1  }
0x1de: {  	[tilespmem:s1+$0x13000] =	vst v9  }
0x1df: {  	v9 =	vld.msk [tilespmem:s23+$0x108], $0xf;
	_ =	sdelay $0x4  }
0x1e0: {  	v9 =	vshll.u32 v9, $0xD  }
0x1e1: {  	v9 =	vperm.xlane v9, v0;
	_ =	sdelay $0x1  }
0x1e2: {  	s21 =	sadd.s32 $0x1, s21  }
0x1e3: {  	p0 =	sne.s32 s21, $0x8  }
.Ltmp4:
0x1e4: {  	s31 =	sadd.s32 s4, s22;
	(pc) =	sbr.rel @p0 .LBB2_2-.Ltmp4, $4  }
0x1e5: {  	s1 =	sshll.u32 s31, $0xA  }
0x1e6: {  	[tilespmem:s15], [sflag:$0x2] =	stream.indirect_vreg.gather [hbm4b:s2+s3], $0x2000, v9, vm0, $0x38;
	[tilespmem:$0x15000] =	vst v63  }
0x1e7: {  	s1 =	sadd.s32 s5, s1  }
0x1e8: {  	[hbm4b:s1+s3] =	stream.linear.scatter [tilespmem:s13], [sflag:$0x4], $0x2000, $0x38;
	[tilespmem:$0x15000] =	vst v63  }
0x1e9: {  	_ =	swait.ge [sflag:s17], $0x8000  }
0x1ea: {  	[sflag:s17] =	ssyncset.done $0x0  }
0x1eb: {  	[sflag:s17] =	ssyncadd.s32 $0xFFFF8000  }
0x1ec: {  	_ =	swait.ge [sflag:s18], $0x8000  }
0x1ed: {  	[sflag:s18] =	ssyncset.done $0x0  }
0x1ee: {  	s20 =	sadd.s32 $0x1, s20;
	[sflag:s18] =	ssyncadd.s32 $0xFFFF8000  }
0x1ef: {  	p0 =	sne.s32 s20, s9;
	_ =	swait.ge [sflag:s16], $0x2000  }
.Ltmp5:
0x1f0: {  	[sflag:s16] =	ssyncset.done $0x0;
	(pc) =	sbr.rel @p0 .LBB2_1-.Ltmp5, $4  }
0x1f1: {  	[sflag:s16] =	ssyncadd.s32 $0xFFFFE000  }
0x1f2: {  	_ =	swait.ge [sflag:s19], $0x2000  }
0x1f3: {  	[sflag:s19] =	ssyncset.done $0x0  }
0x1f4: {  	[sflag:s19] =	ssyncadd.s32 $0xFFFFE000  }
0x1f5: {  	_ =	sfence.sel $0x180000  }
0x1f6: {  	[bflag:$0x0] =	sbarrier.arrive $0xFFFF  }
0x1f7: {  	_ =	strace $0x9000004A  }
0x1f8: {  	[bflag:$0x2] =	sbarrier.arrive $0xFFFF  }
0x1f9: {  	p0 =	sne.s32 s0, $0x0;
	s0 =	rddreg [dreg:$0x2]  }
0x1fa: {  	s0 =	sadd.s32 @!p0 $0x100000, s0  }
0x1fb: {  	[sflag:s0] =	ssyncadd.tile.s32 @!p0 $0x1;
	_ =	shalt  }
.Lfunc_end2:
_tile_overlayer_lowered:
.L_overlay_start_2:
0x1fc: {  	(tag) =	ssettag $0x2  }
0x1fd: {  	s0 =	rddreg [dreg:$0x0];
	s2 =	stileid.u32  }
0x1fe: {  	s1 =	rddreg [dreg:$0x1];
	p0 =	sne.s32 s2, $0x0  }
0x1ff: {  	s3 =	rddreg [dreg:$0x2];
	[bflag:$0x3] =	sbarrier.arrive $0xFFFF;
	s2 =	simm.s32 @!p0 $0x1C05  }
0x200: {  	[timem:s3], [sflag:s2] =	dma.local @!p0 [hbm:s0], s1  }
0x201: {  	s0 =	simm.s32 @!p0 $0x5  }
0x202: {  	_ =	swait.ge @!p0 [sflag:s0], s1  }
0x203: {  	s1 =	ssub.s32 @!p0 $0x0, s1;
	[sflag:s0] =	ssyncset.done @!p0 $0x0  }
0x204: {  	[sflag:s0] =	ssyncadd.s32 @!p0 s1  }
0x205: {  	[bflag:$0x3] =	sbarrier.arrive $0xFFFF  }
0x206: {  	_ =	shalt  }

</sc_bundles>
